<compile_context>
chip_gen: v7x
topology: tpu7x:2x2x1
jax: 0.10.2.dev20260603
libtpu: 0.0.44.dev20260713+nightly
codegen_flags: <defaults>
</compile_context>

<pallas_src>
import functools

import jax
import jax.numpy as jnp
from jax import lax
from jax.experimental import pallas as pl
from jax.experimental.pallas import tpu as pltpu
from jax.experimental.pallas import tpu_sc as plsc

N_NODES = 10000
N_EDGES = 320000
D_FEAT = 128
TIME_WINDOW = 500

_B = 128
_K = 2
_TILES = 32
_NSLOT = 40
_EROWS = (_NSLOT + 1) * _TILES * _K
_NROWS = 10240
_ZROWS = _NROWS // 16


def _sc_body(x_hbm, src_hbm, dst_hbm, et_hbm, st_hbm, p_out, c_out,
             acc, accc, srcv, dstv, etv, stv, srcv1, dstv1, etv1, stv1,
             deff, rows, onesv, zb2, zb1,
             s_idx, s_st, s_idx1, s_st1, s_rows):
    cid = lax.axis_index("c")
    sid = lax.axis_index("s")
    wid = sid * 2 + cid

    z16 = jnp.zeros((16,), jnp.float32)
    for i in range(16):
        for j in range(8):
            zb2[i, pl.ds(j * 16, 16)] = z16
    for k in range(_ZROWS // 16):
        zb1[pl.ds(k * 16, 16)] = z16
    for j in range(8):
        onesv[pl.ds(j * 16, 16)] = jnp.ones((16,), jnp.float32)

    def zfire(k, carry):
        pltpu.make_async_copy(zb2, acc.at[pl.ds(sid * _ZROWS + k * 16, 16)],
                              s_idx).start()
        return carry

    def zwait(k, carry):
        pltpu.make_async_copy(zb2, acc.at[pl.ds(sid * _ZROWS + k * 16, 16)],
                              s_idx).wait()
        return carry

    lax.fori_loop(0, _ZROWS // 16, zfire, None)
    pltpu.sync_copy(zb1, accc.at[pl.ds(sid * _ZROWS, _ZROWS)])
    lax.fori_loop(0, _ZROWS // 16, zwait, None)

    plsc.subcore_barrier()

    iota16 = lax.iota(jnp.int32, 16)
    c240 = jnp.full((16,), 240, jnp.int32)

    def dummy_rows(k, j):
        rot = iota16 + jnp.full((16,), 16 * (8 * k + j), jnp.int32) + sid
        return N_NODES + lax.rem(rot, c240)

    bufs = [(srcv, dstv, etv, stv, s_idx, s_st),
            (srcv1, dstv1, etv1, stv1, s_idx1, s_st1)]

    def fire_idx(g, b):
        sv, dv, ev, _, si, _ = bufs[b]
        row0 = (g * _TILES + wid) * _K
        pltpu.make_async_copy(src_hbm.at[pl.ds(row0, _K)], sv, si).start()
        pltpu.make_async_copy(dst_hbm.at[pl.ds(row0, _K)], dv, si).start()
        pltpu.make_async_copy(et_hbm.at[pl.ds(row0, _K)], ev, si).start()

    def wait_idx(g, b):
        sv, dv, ev, _, si, _ = bufs[b]
        row0 = (g * _TILES + wid) * _K
        pltpu.make_async_copy(src_hbm.at[pl.ds(row0, _K)], sv, si).wait()
        pltpu.make_async_copy(dst_hbm.at[pl.ds(row0, _K)], dv, si).wait()
        pltpu.make_async_copy(et_hbm.at[pl.ds(row0, _K)], ev, si).wait()

    def fire_st(b):
        _, dv, _, tv, _, ss = bufs[b]
        for k in range(_K):
            pltpu.make_async_copy(st_hbm.at[dv.at[k]], tv.at[k], ss).start()

    def wait_st(b):
        _, dv, _, tv, _, ss = bufs[b]
        for k in range(_K):
            pltpu.make_async_copy(st_hbm.at[dv.at[k]], tv.at[k], ss).wait()

    def fire_rows(b, k):
        sv = bufs[b][0]
        pltpu.make_async_copy(x_hbm.at[sv.at[k]],
                              rows.at[pl.ds(k * _B, _B)], s_rows).start()

    def wait_rows(b, k):
        sv = bufs[b][0]
        pltpu.make_async_copy(x_hbm.at[sv.at[k]],
                              rows.at[pl.ds(k * _B, _B)], s_rows).wait()

    def do_slot(g, b):
        dv, ev, tv = bufs[b][1], bufs[b][2], bufs[b][3]
        fire_idx(g + 1, b ^ 1)
        wait_st(b)
        for k in range(_K):
            for j in range(_B // 16):
                sl = pl.ds(j * 16, 16)
                et = ev[k, sl]
                st = tv[k, sl]
                m = (et <= st) & (et > st - TIME_WINDOW)
                deff[k, sl] = jnp.where(m, dv[k, sl], dummy_rows(k, j))
        for k in range(_K):
            pltpu.sync_copy(onesv, accc.at[deff.at[k]], add=True)
        wait_idx(g + 1, b ^ 1)
        fire_st(b ^ 1)
        for k in range(_K):
            wait_rows(b, k)
            pltpu.sync_copy(rows.at[pl.ds(k * _B, _B)], acc.at[deff.at[k]],
                            add=True)
            fire_rows(b ^ 1, k)

    def pair(p, carry):
        do_slot(2 * p, 0)
        do_slot(2 * p + 1, 1)
        return carry

    fire_idx(0, 0)
    wait_idx(0, 0)
    fire_st(0)
    for k in range(_K):
        fire_rows(0, k)
    lax.fori_loop(0, _NSLOT // 2, pair, None)
    wait_st(0)
    for k in range(_K):
        wait_rows(0, k)

    plsc.subcore_barrier()

    pltpu.sync_copy(acc.at[pl.ds(sid * _ZROWS, _ZROWS)],
                    p_out.at[pl.ds(cid * _NROWS + sid * _ZROWS, _ZROWS)])
    pltpu.sync_copy(accc.at[pl.ds(sid * _ZROWS, _ZROWS)],
                    c_out.at[pl.ds(cid * _NROWS + sid * _ZROWS, _ZROWS)])


_sc_call = functools.partial(
    pl.kernel,
    out_type=[
        jax.ShapeDtypeStruct((2 * _NROWS, D_FEAT), jnp.float32),
        jax.ShapeDtypeStruct((2 * _NROWS,), jnp.float32),
    ],
    mesh=plsc.VectorSubcoreMesh(core_axis_name="c", subcore_axis_name="s"),
    scratch_types=[
        pltpu.VMEM_SHARED((_NROWS, D_FEAT), jnp.float32),
        pltpu.VMEM_SHARED((_NROWS,), jnp.float32),
        pltpu.VMEM((_K, _B), jnp.int32),
        pltpu.VMEM((_K, _B), jnp.int32),
        pltpu.VMEM((_K, _B), jnp.int32),
        pltpu.VMEM((_K, _B), jnp.int32),
        pltpu.VMEM((_K, _B), jnp.int32),
        pltpu.VMEM((_K, _B), jnp.int32),
        pltpu.VMEM((_K, _B), jnp.int32),
        pltpu.VMEM((_K, _B), jnp.int32),
        pltpu.VMEM((_K, _B), jnp.int32),
        pltpu.VMEM((_K * _B, D_FEAT), jnp.float32),
        pltpu.VMEM((_B,), jnp.float32),
        pltpu.VMEM((16, D_FEAT), jnp.float32),
        pltpu.VMEM((_ZROWS,), jnp.float32),
        pltpu.SemaphoreType.DMA,
        pltpu.SemaphoreType.DMA,
        pltpu.SemaphoreType.DMA,
        pltpu.SemaphoreType.DMA,
        pltpu.SemaphoreType.DMA,
    ],
)(_sc_body)


def _combine_body(x_ref, p0_ref, p1_ref, c0_ref, c1_ref, o_ref):
    cnt = c0_ref[0, 0, :] + c1_ref[0, 0, :]
    s = p0_ref[...] + p1_ref[...]
    o_ref[...] = x_ref[...] + s / jnp.clip(cnt, 1.0, None)[:, None]


_R = 1000


def _combine(x, p0, p1, c0, c1):
    return pl.pallas_call(
        _combine_body,
        grid=(N_NODES // _R,),
        in_specs=[
            pl.BlockSpec((_R, D_FEAT), lambda i: (i, 0)),
            pl.BlockSpec((_R, D_FEAT), lambda i: (i, 0)),
            pl.BlockSpec((_R, D_FEAT), lambda i: (i, 0)),
            pl.BlockSpec((1, 1, _R), lambda i: (i, 0, 0)),
            pl.BlockSpec((1, 1, _R), lambda i: (i, 0, 0)),
        ],
        out_specs=pl.BlockSpec((_R, D_FEAT), lambda i: (i, 0)),
        out_shape=jax.ShapeDtypeStruct((N_NODES, D_FEAT), jnp.float32),
    )(x, p0, p1, c0, c1)


@jax.jit
def kernel(x, edge_index, edge_time, seed_time):
    pad = _EROWS * _B - N_EDGES
    spread = jnp.arange(pad, dtype=jnp.int32) % N_NODES
    src = jnp.concatenate([edge_index[0], spread]).reshape(_EROWS, _B)
    dst = jnp.concatenate([edge_index[1], spread]).reshape(_EROWS, _B)
    et = jnp.concatenate(
        [edge_time, jnp.full((pad,), 2 ** 30, jnp.int32)]).reshape(_EROWS, _B)
    pr, cr = _sc_call(x, src, dst, et, seed_time)
    p0 = pr[:N_NODES]
    p1 = pr[_NROWS:_NROWS + N_NODES]
    c0 = cr[:N_NODES].reshape(N_NODES // _R, 1, _R)
    c1 = cr[_NROWS:_NROWS + N_NODES].reshape(N_NODES // _R, 1, _R)
    return _combine(x, p0, p1, c0, c1)

# --- scband reference (transcript-rebuilt; emitter-appended) ---
"""Pipeline reference for scband-node-encoder-28613072126470 (READ-ONLY COPY).

The authoritative reference and input builder live on the scoring server;
editing this copy changes nothing except your own understanding.
"""

import jax, jax.numpy as jnp
import numpy as np

TIME_WINDOW = 500
N_NODES = 10000
N_EDGES = 320000
D_FEAT = 128
T_MAX = 1000


def setup_inputs(seed: int = 0) -> dict:
    key = jax.random.key(seed)
    k1, k2, k3, k4 = jax.random.split(key, 4)
    x = jax.random.normal(k1, (N_NODES, D_FEAT), dtype=jnp.float32)
    edge_index = jax.random.randint(k2, (2, N_EDGES), 0, N_NODES, dtype=jnp.int32)
    edge_time = jax.random.randint(k3, (N_EDGES,), 0, T_MAX, dtype=jnp.int32)
    seed_time = jax.random.randint(k4, (N_NODES,), 0, T_MAX, dtype=jnp.int32)
    return {"x": x, "edge_index": edge_index, "edge_time": edge_time, "seed_time": seed_time}


def reference(x, edge_index, edge_time, seed_time):
    src = edge_index[0]
    dst = edge_index[1]
    st_dst = seed_time[dst]
    mask = (edge_time <= st_dst) & (edge_time > st_dst - TIME_WINDOW)
    w = mask.astype(x.dtype)
    # scatter-mean over temporal 1-hop neighborhood (masked edges contribute 0)
    msgs = x[src] * w[:, None]
    summed = jax.ops.segment_sum(msgs, dst, num_segments=x.shape[0])
    cnt = jax.ops.segment_sum(w, dst, num_segments=x.shape[0])
    mean = summed / jnp.clip(cnt, 1.0, None)[:, None]
    return x + mean

if __name__ == "__main__":
    import jax
    _d = setup_inputs()
    print(jax.jit(kernel)(*tuple(_d.values())))

</pallas_src>

<mosaic_0001>
#map = affine_map<(d0, d1) -> (0, 0)>
#map1 = affine_map<(d0, d1) -> (0)>
module attributes {stable_mosaic.version = 14 : i64} {
  func.func @_sc_body(%arg0: i32, %arg1: i32, %arg2: memref<10000x128xf32, #tpu.memory_space<hbm>>, %arg3: memref<2624x128xi32, #tpu.memory_space<hbm>>, %arg4: memref<2624x128xi32, #tpu.memory_space<hbm>>, %arg5: memref<2624x128xi32, #tpu.memory_space<hbm>>, %arg6: memref<10000xi32, #tpu.memory_space<hbm>>, %arg7: memref<20480x128xf32, #tpu.memory_space<hbm>>, %arg8: memref<20480xf32, #tpu.memory_space<hbm>>, %arg9: memref<10240x128xf32, #tpu.memory_space<vmem_shared>>, %arg10: memref<10240xf32, #tpu.memory_space<vmem_shared>>, %arg11: memref<2x128xi32, #tpu.memory_space<vmem>>, %arg12: memref<2x128xi32, #tpu.memory_space<vmem>>, %arg13: memref<2x128xi32, #tpu.memory_space<vmem>>, %arg14: memref<2x128xi32, #tpu.memory_space<vmem>>, %arg15: memref<2x128xi32, #tpu.memory_space<vmem>>, %arg16: memref<2x128xi32, #tpu.memory_space<vmem>>, %arg17: memref<2x128xi32, #tpu.memory_space<vmem>>, %arg18: memref<2x128xi32, #tpu.memory_space<vmem>>, %arg19: memref<2x128xi32, #tpu.memory_space<vmem>>, %arg20: memref<256x128xf32, #tpu.memory_space<vmem>>, %arg21: memref<128xf32, #tpu.memory_space<vmem>>, %arg22: memref<16x128xf32, #tpu.memory_space<vmem>>, %arg23: memref<640xf32, #tpu.memory_space<vmem>>, %arg24: memref<!tpu.dma_semaphore, #tpu.memory_space<semaphore_mem>>, %arg25: memref<!tpu.dma_semaphore, #tpu.memory_space<semaphore_mem>>, %arg26: memref<!tpu.dma_semaphore, #tpu.memory_space<semaphore_mem>>, %arg27: memref<!tpu.dma_semaphore, #tpu.memory_space<semaphore_mem>>, %arg28: memref<!tpu.dma_semaphore, #tpu.memory_space<semaphore_mem>>) attributes {dimension_semantics = [#tpu.dimension_semantics<core_parallel>, #tpu.dimension_semantics<subcore_parallel>], iteration_bounds = array<i64: 2, 16>, scalar_prefetch = 0 : i64, scratch_operands = 20 : i64, tpu.core_type = #tpu.core_type<sc_vector_subcore>, window_params = [{transform_indices = #map}, {transform_indices = #map}, {transform_indices = #map}, {transform_indices = #map}, {transform_indices = #map1}, {transform_indices = #map}, {transform_indices = #map1}]} {
    %mul3A = arith.constant 2 : i32
    %mul3A_0 = arith.muli %arg1, %mul3A : i32
    %add3A = arith.addi %mul3A_0, %arg0 : i32
    %broadcast_in_dim3A = arith.constant 0.000000e+00 : f32
    %broadcast_in_dim3A_1 = vector.broadcast %broadcast_in_dim3A : f32 to vector<16xf32>
    %swap3A = arith.constant 0 : i32
    %swap3A_2 = arith.index_cast %swap3A : i32 to index
    %swap3A_3 = arith.constant 0 : index
    %swap3A_4 = tpu.vector_load %arg22[%swap3A_2, %swap3A_3] {strides = array<i32>} : memref<16x128xf32, #tpu.memory_space<vmem>>, vector<1x16xf32>,
    %swap3A_5 = vector.shape_cast %swap3A_4 : vector<1x16xf32> to vector<16xf32>
    %swap3A_6 = vector.shape_cast %broadcast_in_dim3A_1 : vector<16xf32> to vector<1x16xf32>
    tpu.vector_store %arg22[%swap3A_2, %swap3A_3], %swap3A_6 {strides = array<i32>} : memref<16x128xf32, #tpu.memory_space<vmem>>, vector<1x16xf32>,
    %swap3A_7 = arith.constant 0 : i32
    %swap3A_8 = arith.index_cast %swap3A_7 : i32 to index
    %swap3A_9 = arith.constant 16 : index
    %swap3A_10 = tpu.vector_load %arg22[%swap3A_8, %swap3A_9] {strides = array<i32>} : memref<16x128xf32, #tpu.memory_space<vmem>>, vector<1x16xf32>,
    %swap3A_11 = vector.shape_cast %swap3A_10 : vector<1x16xf32> to vector<16xf32>
    %swap3A_12 = vector.shape_cast %broadcast_in_dim3A_1 : vector<16xf32> to vector<1x16xf32>
    tpu.vector_store %arg22[%swap3A_8, %swap3A_9], %swap3A_12 {strides = array<i32>} : memref<16x128xf32, #tpu.memory_space<vmem>>, vector<1x16xf32>,
    %swap3A_13 = arith.constant 0 : i32
    %swap3A_14 = arith.index_cast %swap3A_13 : i32 to index
    %swap3A_15 = arith.constant 32 : index
    %swap3A_16 = tpu.vector_load %arg22[%swap3A_14, %swap3A_15] {strides = array<i32>} : memref<16x128xf32, #tpu.memory_space<vmem>>, vector<1x16xf32>,
    %swap3A_17 = vector.shape_cast %swap3A_16 : vector<1x16xf32> to vector<16xf32>
    %swap3A_18 = vector.shape_cast %broadcast_in_dim3A_1 : vector<16xf32> to vector<1x16xf32>
    tpu.vector_store %arg22[%swap3A_14, %swap3A_15], %swap3A_18 {strides = array<i32>} : memref<16x128xf32, #tpu.memory_space<vmem>>, vector<1x16xf32>,
    %swap3A_19 = arith.constant 0 : i32
    %swap3A_20 = arith.index_cast %swap3A_19 : i32 to index
    %swap3A_21 = arith.constant 48 : index
    %swap3A_22 = tpu.vector_load %arg22[%swap3A_20, %swap3A_21] {strides = array<i32>} : memref<16x128xf32, #tpu.memory_space<vmem>>, vector<1x16xf32>,
    %swap3A_23 = vector.shape_cast %swap3A_22 : vector<1x16xf32> to vector<16xf32>
    %swap3A_24 = vector.shape_cast %broadcast_in_dim3A_1 : vector<16xf32> to vector<1x16xf32>
    tpu.vector_store %arg22[%swap3A_20, %swap3A_21], %swap3A_24 {strides = array<i32>} : memref<16x128xf32, #tpu.memory_space<vmem>>, vector<1x16xf32>,
    %swap3A_25 = arith.constant 0 : i32
    %swap3A_26 = arith.index_cast %swap3A_25 : i32 to index
    %swap3A_27 = arith.constant 64 : index
    %swap3A_28 = tpu.vector_load %arg22[%swap3A_26, %swap3A_27] {strides = array<i32>} : memref<16x128xf32, #tpu.memory_space<vmem>>, vector<1x16xf32>,
    %swap3A_29 = vector.shape_cast %swap3A_28 : vector<1x16xf32> to vector<16xf32>
    %swap3A_30 = vector.shape_cast %broadcast_in_dim3A_1 : vector<16xf32> to vector<1x16xf32>
    tpu.vector_store %arg22[%swap3A_26, %swap3A_27], %swap3A_30 {strides = array<i32>} : memref<16x128xf32, #tpu.memory_space<vmem>>, vector<1x16xf32>,
    %swap3A_31 = arith.constant 0 : i32
    %swap3A_32 = arith.index_cast %swap3A_31 : i32 to index
    %swap3A_33 = arith.constant 80 : index
    %swap3A_34 = tpu.vector_load %arg22[%swap3A_32, %swap3A_33] {strides = array<i32>} : memref<16x128xf32, #tpu.memory_space<vmem>>, vector<1x16xf32>,
    %swap3A_35 = vector.shape_cast %swap3A_34 : vector<1x16xf32> to vector<16xf32>
    %swap3A_36 = vector.shape_cast %broadcast_in_dim3A_1 : vector<16xf32> to vector<1x16xf32>
    tpu.vector_store %arg22[%swap3A_32, %swap3A_33], %swap3A_36 {strides = array<i32>} : memref<16x128xf32, #tpu.memory_space<vmem>>, vector<1x16xf32>,
    %swap3A_37 = arith.constant 0 : i32
    %swap3A_38 = arith.index_cast %swap3A_37 : i32 to index
    %swap3A_39 = arith.constant 96 : index
    %swap3A_40 = tpu.vector_load %arg22[%swap3A_38, %swap3A_39] {strides = array<i32>} : memref<16x128xf32, #tpu.memory_space<vmem>>, vector<1x16xf32>,
    %swap3A_41 = vector.shape_cast %swap3A_40 : vector<1x16xf32> to vector<16xf32>
    %swap3A_42 = vector.shape_cast %broadcast_in_dim3A_1 : vector<16xf32> to vector<1x16xf32>
    tpu.vector_store %arg22[%swap3A_38, %swap3A_39], %swap3A_42 {strides = array<i32>} : memref<16x128xf32, #tpu.memory_space<vmem>>, vector<1x16xf32>,
    %swap3A_43 = arith.constant 0 : i32
    %swap3A_44 = arith.index_cast %swap3A_43 : i32 to index
    %swap3A_45 = arith.constant 112 : index
    %swap3A_46 = tpu.vector_load %arg22[%swap3A_44, %swap3A_45] {strides = array<i32>} : memref<16x128xf32, #tpu.memory_space<vmem>>, vector<1x16xf32>,
    %swap3A_47 = vector.shape_cast %swap3A_46 : vector<1x16xf32> to vector<16xf32>
    %swap3A_48 = vector.shape_cast %broadcast_in_dim3A_1 : vector<16xf32> to vector<1x16xf32>
    tpu.vector_store %arg22[%swap3A_44, %swap3A_45], %swap3A_48 {strides = array<i32>} : memref<16x128xf32, #tpu.memory_space<vmem>>, vector<1x16xf32>,
    %swap3A_49 = arith.constant 1 : i32
    %swap3A_50 = arith.index_cast %swap3A_49 : i32 to index
    %swap3A_51 = arith.constant 0 : index
    %swap3A_52 = tpu.vector_load %arg22[%swap3A_50, %swap3A_51] {strides = array<i32>} : memref<16x128xf32, #tpu.memory_space<vmem>>, vector<1x16xf32>,
    %swap3A_53 = vector.shape_cast %swap3A_52 : vector<1x16xf32> to vector<16xf32>
    %swap3A_54 = vector.shape_cast %broadcast_in_dim3A_1 : vector<16xf32> to vector<1x16xf32>
    tpu.vector_store %arg22[%swap3A_50, %swap3A_51], %swap3A_54 {strides = array<i32>} : memref<16x128xf32, #tpu.memory_space<vmem>>, vector<1x16xf32>,
    %swap3A_55 = arith.constant 1 : i32
    %swap3A_56 = arith.index_cast %swap3A_55 : i32 to index
    %swap3A_57 = arith.constant 16 : index
    %swap3A_58 = tpu.vector_load %arg22[%swap3A_56, %swap3A_57] {strides = array<i32>} : memref<16x128xf32, #tpu.memory_space<vmem>>, vector<1x16xf32>,
    %swap3A_59 = vector.shape_cast %swap3A_58 : vector<1x16xf32> to vector<16xf32>
    %swap3A_60 = vector.shape_cast %broadcast_in_dim3A_1 : vector<16xf32> to vector<1x16xf32>
    tpu.vector_store %arg22[%swap3A_56, %swap3A_57], %swap3A_60 {strides = array<i32>} : memref<16x128xf32, #tpu.memory_space<vmem>>, vector<1x16xf32>,
    %swap3A_61 = arith.constant 1 : i32
    %swap3A_62 = arith.index_cast %swap3A_61 : i32 to index
    %swap3A_63 = arith.constant 32 : index
    %swap3A_64 = tpu.vector_load %arg22[%swap3A_62, %swap3A_63] {strides = array<i32>} : memref<16x128xf32, #tpu.memory_space<vmem>>, vector<1x16xf32>,
    %swap3A_65 = vector.shape_cast %swap3A_64 : vector<1x16xf32> to vector<16xf32>
    %swap3A_66 = vector.shape_cast %broadcast_in_dim3A_1 : vector<16xf32> to vector<1x16xf32>
    tpu.vector_store %arg22[%swap3A_62, %swap3A_63], %swap3A_66 {strides = array<i32>} : memref<16x128xf32, #tpu.memory_space<vmem>>, vector<1x16xf32>,
    %swap3A_67 = arith.constant 1 : i32
    %swap3A_68 = arith.index_cast %swap3A_67 : i32 to index
    %swap3A_69 = arith.constant 48 : index
    %swap3A_70 = tpu.vector_load %arg22[%swap3A_68, %swap3A_69] {strides = array<i32>} : memref<16x128xf32, #tpu.memory_space<vmem>>, vector<1x16xf32>,
    %swap3A_71 = vector.shape_cast %swap3A_70 : vector<1x16xf32> to vector<16xf32>
    %swap3A_72 = vector.shape_cast %broadcast_in_dim3A_1 : vector<16xf32> to vector<1x16xf32>
    tpu.vector_store %arg22[%swap3A_68, %swap3A_69], %swap3A_72 {strides = array<i32>} : memref<16x128xf32, #tpu.memory_space<vmem>>, vector<1x16xf32>,
    %swap3A_73 = arith.constant 1 : i32
    %swap3A_74 = arith.index_cast %swap3A_73 : i32 to index
    %swap3A_75 = arith.constant 64 : index
    %swap3A_76 = tpu.vector_load %arg22[%swap3A_74, %swap3A_75] {strides = array<i32>} : memref<16x128xf32, #tpu.memory_space<vmem>>, vector<1x16xf32>,
    %swap3A_77 = vector.shape_cast %swap3A_76 : vector<1x16xf32> to vector<16xf32>
    %swap3A_78 = vector.shape_cast %broadcast_in_dim3A_1 : vector<16xf32> to vector<1x16xf32>
    tpu.vector_store %arg22[%swap3A_74, %swap3A_75], %swap3A_78 {strides = array<i32>} : memref<16x128xf32, #tpu.memory_space<vmem>>, vector<1x16xf32>,
    %swap3A_79 = arith.constant 1 : i32
    %swap3A_80 = arith.index_cast %swap3A_79 : i32 to index
    %swap3A_81 = arith.constant 80 : index
    %swap3A_82 = tpu.vector_load %arg22[%swap3A_80, %swap3A_81] {strides = array<i32>} : memref<16x128xf32, #tpu.memory_space<vmem>>, vector<1x16xf32>,
    %swap3A_83 = vector.shape_cast %swap3A_82 : vector<1x16xf32> to vector<16xf32>
    %swap3A_84 = vector.shape_cast %broadcast_in_dim3A_1 : vector<16xf32> to vector<1x16xf32>
    tpu.vector_store %arg22[%swap3A_80, %swap3A_81], %swap3A_84 {strides = array<i32>} : memref<16x128xf32, #tpu.memory_space<vmem>>, vector<1x16xf32>,
    %swap3A_85 = arith.constant 1 : i32
    %swap3A_86 = arith.index_cast %swap3A_85 : i32 to index
    %swap3A_87 = arith.constant 96 : index
    %swap3A_88 = tpu.vector_load %arg22[%swap3A_86, %swap3A_87] {strides = array<i32>} : memref<16x128xf32, #tpu.memory_space<vmem>>, vector<1x16xf32>,
    %swap3A_89 = vector.shape_cast %swap3A_88 : vector<1x16xf32> to vector<16xf32>
    %swap3A_90 = vector.shape_cast %broadcast_in_dim3A_1 : vector<16xf32> to vector<1x16xf32>
    tpu.vector_store %arg22[%swap3A_86, %swap3A_87], %swap3A_90 {strides = array<i32>} : memref<16x128xf32, #tpu.memory_space<vmem>>, vector<1x16xf32>,
    %swap3A_91 = arith.constant 1 : i32
    %swap3A_92 = arith.index_cast %swap3A_91 : i32 to index
    %swap3A_93 = arith.constant 112 : index
    %swap3A_94 = tpu.vector_load %arg22[%swap3A_92, %swap3A_93] {strides = array<i32>} : memref<16x128xf32, #tpu.memory_space<vmem>>, vector<1x16xf32>,
    %swap3A_95 = vector.shape_cast %swap3A_94 : vector<1x16xf32> to vector<16xf32>
    %swap3A_96 = vector.shape_cast %broadcast_in_dim3A_1 : vector<16xf32> to vector<1x16xf32>
    tpu.vector_store %arg22[%swap3A_92, %swap3A_93], %swap3A_96 {strides = array<i32>} : memref<16x128xf32, #tpu.memory_space<vmem>>, vector<1x16xf32>,
    %swap3A_97 = arith.constant 2 : i32
    %swap3A_98 = arith.index_cast %swap3A_97 : i32 to index
    %swap3A_99 = arith.constant 0 : index
    %swap3A_100 = tpu.vector_load %arg22[%swap3A_98, %swap3A_99] {strides = array<i32>} : memref<16x128xf32, #tpu.memory_space<vmem>>, vector<1x16xf32>,
    %swap3A_101 = vector.shape_cast %swap3A_100 : vector<1x16xf32> to vector<16xf32>
    %swap3A_102 = vector.shape_cast %broadcast_in_dim3A_1 : vector<16xf32> to vector<1x16xf32>
    tpu.vector_store %arg22[%swap3A_98, %swap3A_99], %swap3A_102 {strides = array<i32>} : memref<16x128xf32, #tpu.memory_space<vmem>>, vector<1x16xf32>,
    %swap3A_103 = arith.constant 2 : i32
    %swap3A_104 = arith.index_cast %swap3A_103 : i32 to index
    %swap3A_105 = arith.constant 16 : index
    %swap3A_106 = tpu.vector_load %arg22[%swap3A_104, %swap3A_105] {strides = array<i32>} : memref<16x128xf32, #tpu.memory_space<vmem>>, vector<1x16xf32>,
    %swap3A_107 = vector.shape_cast %swap3A_106 : vector<1x16xf32> to vector<16xf32>
    %swap3A_108 = vector.shape_cast %broadcast_in_dim3A_1 : vector<16xf32> to vector<1x16xf32>
    tpu.vector_store %arg22[%swap3A_104, %swap3A_105], %swap3A_108 {strides = array<i32>} : memref<16x128xf32, #tpu.memory_space<vmem>>, vector<1x16xf32>,
    %swap3A_109 = arith.constant 2 : i32
    %swap3A_110 = arith.index_cast %swap3A_109 : i32 to index
    %swap3A_111 = arith.constant 32 : index
    %swap3A_112 = tpu.vector_load %arg22[%swap3A_110, %swap3A_111] {strides = array<i32>} : memref<16x128xf32, #tpu.memory_space<vmem>>, vector<1x16xf32>,
    %swap3A_113 = vector.shape_cast %swap3A_112 : vector<1x16xf32> to vector<16xf32>
    %swap3A_114 = vector.shape_cast %broadcast_in_dim3A_1 : vector<16xf32> to vector<1x16xf32>
    tpu.vector_store %arg22[%swap3A_110, %swap3A_111], %swap3A_114 {strides = array<i32>} : memref<16x128xf32, #tpu.memory_space<vmem>>, vector<1x16xf32>,
    %swap3A_115 = arith.constant 2 : i32
    %swap3A_116 = arith.index_cast %swap3A_115 : i32 to index
    %swap3A_117 = arith.constant 48 : index
    %swap3A_118 = tpu.vector_load %arg22[%swap3A_116, %swap3A_117] {strides = array<i32>} : memref<16x128xf32, #tpu.memory_space<vmem>>, vector<1x16xf32>,
    %swap3A_119 = vector.shape_cast %swap3A_118 : vector<1x16xf32> to vector<16xf32>
    %swap3A_120 = vector.shape_cast %broadcast_in_dim3A_1 : vector<16xf32> to vector<1x16xf32>
    tpu.vector_store %arg22[%swap3A_116, %swap3A_117], %swap3A_120 {strides = array<i32>} : memref<16x128xf32, #tpu.memory_space<vmem>>, vector<1x16xf32>,
    %swap3A_121 = arith.constant 2 : i32
    %swap3A_122 = arith.index_cast %swap3A_121 : i32 to index
    %swap3A_123 = arith.constant 64 : index
    %swap3A_124 = tpu.vector_load %arg22[%swap3A_122, %swap3A_123] {strides = array<i32>} : memref<16x128xf32, #tpu.memory_space<vmem>>, vector<1x16xf32>,
    %swap3A_125 = vector.shape_cast %swap3A_124 : vector<1x16xf32> to vector<16xf32>
    %swap3A_126 = vector.shape_cast %broadcast_in_dim3A_1 : vector<16xf32> to vector<1x16xf32>
    tpu.vector_store %arg22[%swap3A_122, %swap3A_123], %swap3A_126 {strides = array<i32>} : memref<16x128xf32, #tpu.memory_space<vmem>>, vector<1x16xf32>,
    %swap3A_127 = arith.constant 2 : i32
    %swap3A_128 = arith.index_cast %swap3A_127 : i32 to index
    %swap3A_129 = arith.constant 80 : index
    %swap3A_130 = tpu.vector_load %arg22[%swap3A_128, %swap3A_129] {strides = array<i32>} : memref<16x128xf32, #tpu.memory_space<vmem>>, vector<1x16xf32>,
    %swap3A_131 = vector.shape_cast %swap3A_130 : vector<1x16xf32> to vector<16xf32>
    %swap3A_132 = vector.shape_cast %broadcast_in_dim3A_1 : vector<16xf32> to vector<1x16xf32>
    tpu.vector_store %arg22[%swap3A_128, %swap3A_129], %swap3A_132 {strides = array<i32>} : memref<16x128xf32, #tpu.memory_space<vmem>>, vector<1x16xf32>,
    %swap3A_133 = arith.constant 2 : i32
    %swap3A_134 = arith.index_cast %swap3A_133 : i32 to index
    %swap3A_135 = arith.constant 96 : index
    %swap3A_136 = tpu.vector_load %arg22[%swap3A_134, %swap3A_135] {strides = array<i32>} : memref<16x128xf32, #tpu.memory_space<vmem>>, vector<1x16xf32>,
    %swap3A_137 = vector.shape_cast %swap3A_136 : vector<1x16xf32> to vector<16xf32>
    %swap3A_138 = vector.shape_cast %broadcast_in_dim3A_1 : vector<16xf32> to vector<1x16xf32>
    tpu.vector_store %arg22[%swap3A_134, %swap3A_135], %swap3A_138 {strides = array<i32>} : memref<16x128xf32, #tpu.memory_space<vmem>>, vector<1x16xf32>,
    %swap3A_139 = arith.constant 2 : i32
    %swap3A_140 = arith.index_cast %swap3A_139 : i32 to index
    %swap3A_141 = arith.constant 112 : index
    %swap3A_142 = tpu.vector_load %arg22[%swap3A_140, %swap3A_141] {strides = array<i32>} : memref<16x128xf32, #tpu.memory_space<vmem>>, vector<1x16xf32>,
    %swap3A_143 = vector.shape_cast %swap3A_142 : vector<1x16xf32> to vector<16xf32>
    %swap3A_144 = vector.shape_cast %broadcast_in_dim3A_1 : vector<16xf32> to vector<1x16xf32>
    tpu.vector_store %arg22[%swap3A_140, %swap3A_141], %swap3A_144 {strides = array<i32>} : memref<16x128xf32, #tpu.memory_space<vmem>>, vector<1x16xf32>,
    %swap3A_145 = arith.constant 3 : i32
    %swap3A_146 = arith.index_cast %swap3A_145 : i32 to index
    %swap3A_147 = arith.constant 0 : index
    %swap3A_148 = tpu.vector_load %arg22[%swap3A_146, %swap3A_147] {strides = array<i32>} : memref<16x128xf32, #tpu.memory_space<vmem>>, vector<1x16xf32>,
    %swap3A_149 = vector.shape_cast %swap3A_148 : vector<1x16xf32> to vector<16xf32>
    %swap3A_150 = vector.shape_cast %broadcast_in_dim3A_1 : vector<16xf32> to vector<1x16xf32>
    tpu.vector_store %arg22[%swap3A_146, %swap3A_147], %swap3A_150 {strides = array<i32>} : memref<16x128xf32, #tpu.memory_space<vmem>>, vector<1x16xf32>,
    %swap3A_151 = arith.constant 3 : i32
    %swap3A_152 = arith.index_cast %swap3A_151 : i32 to index
    %swap3A_153 = arith.constant 16 : index
    %swap3A_154 = tpu.vector_load %arg22[%swap3A_152, %swap3A_153] {strides = array<i32>} : memref<16x128xf32, #tpu.memory_space<vmem>>, vector<1x16xf32>,
    %swap3A_155 = vector.shape_cast %swap3A_154 : vector<1x16xf32> to vector<16xf32>
    %swap3A_156 = vector.shape_cast %broadcast_in_dim3A_1 : vector<16xf32> to vector<1x16xf32>
    tpu.vector_store %arg22[%swap3A_152, %swap3A_153], %swap3A_156 {strides = array<i32>} : memref<16x128xf32, #tpu.memory_space<vmem>>, vector<1x16xf32>,
    %swap3A_157 = arith.constant 3 : i32
    %swap3A_158 = arith.index_cast %swap3A_157 : i32 to index
    %swap3A_159 = arith.constant 32 : index
    %swap3A_160 = tpu.vector_load %arg22[%swap3A_158, %swap3A_159] {strides = array<i32>} : memref<16x128xf32, #tpu.memory_space<vmem>>, vector<1x16xf32>,
    %swap3A_161 = vector.shape_cast %swap3A_160 : vector<1x16xf32> to vector<16xf32>
    %swap3A_162 = vector.shape_cast %broadcast_in_dim3A_1 : vector<16xf32> to vector<1x16xf32>
    tpu.vector_store %arg22[%swap3A_158, %swap3A_159], %swap3A_162 {strides = array<i32>} : memref<16x128xf32, #tpu.memory_space<vmem>>, vector<1x16xf32>,
    %swap3A_163 = arith.constant 3 : i32
    %swap3A_164 = arith.index_cast %swap3A_163 : i32 to index
    %swap3A_165 = arith.constant 48 : index
    %swap3A_166 = tpu.vector_load %arg22[%swap3A_164, %swap3A_165] {strides = array<i32>} : memref<16x128xf32, #tpu.memory_space<vmem>>, vector<1x16xf32>,
    %swap3A_167 = vector.shape_cast %swap3A_166 : vector<1x16xf32> to vector<16xf32>
    %swap3A_168 = vector.shape_cast %broadcast_in_dim3A_1 : vector<16xf32> to vector<1x16xf32>
    tpu.vector_store %arg22[%swap3A_164, %swap3A_165], %swap3A_168 {strides = array<i32>} : memref<16x128xf32, #tpu.memory_space<vmem>>, vector<1x16xf32>,
    %swap3A_169 = arith.constant 3 : i32
    %swap3A_170 = arith.index_cast %swap3A_169 : i32 to index
    %swap3A_171 = arith.constant 64 : index
    %swap3A_172 = tpu.vector_load %arg22[%swap3A_170, %swap3A_171] {strides = array<i32>} : memref<16x128xf32, #tpu.memory_space<vmem>>, vector<1x16xf32>,
    %swap3A_173 = vector.shape_cast %swap3A_172 : vector<1x16xf32> to vector<16xf32>
    %swap3A_174 = vector.shape_cast %broadcast_in_dim3A_1 : vector<16xf32> to vector<1x16xf32>
    tpu.vector_store %arg22[%swap3A_170, %swap3A_171], %swap3A_174 {strides = array<i32>} : memref<16x128xf32, #tpu.memory_space<vmem>>, vector<1x16xf32>,
    %swap3A_175 = arith.constant 3 : i32
    %swap3A_176 = arith.index_cast %swap3A_175 : i32 to index
    %swap3A_177 = arith.constant 80 : index
    %swap3A_178 = tpu.vector_load %arg22[%swap3A_176, %swap3A_177] {strides = array<i32>} : memref<16x128xf32, #tpu.memory_space<vmem>>, vector<1x16xf32>,
    %swap3A_179 = vector.shape_cast %swap3A_178 : vector<1x16xf32> to vector<16xf32>
    %swap3A_180 = vector.shape_cast %broadcast_in_dim3A_1 : vector<16xf32> to vector<1x16xf32>
    tpu.vector_store %arg22[%swap3A_176, %swap3A_177], %swap3A_180 {strides = array<i32>} : memref<16x128xf32, #tpu.memory_space<vmem>>, vector<1x16xf32>,
    %swap3A_181 = arith.constant 3 : i32
    %swap3A_182 = arith.index_cast %swap3A_181 : i32 to index
    %swap3A_183 = arith.constant 96 : index
    %swap3A_184 = tpu.vector_load %arg22[%swap3A_182, %swap3A_183] {strides = array<i32>} : memref<16x128xf32, #tpu.memory_space<vmem>>, vector<1x16xf32>,
    %swap3A_185 = vector.shape_cast %swap3A_184 : vector<1x16xf32> to vector<16xf32>
    %swap3A_186 = vector.shape_cast %broadcast_in_dim3A_1 : vector<16xf32> to vector<1x16xf32>
    tpu.vector_store %arg22[%swap3A_182, %swap3A_183], %swap3A_186 {strides = array<i32>} : memref<16x128xf32, #tpu.memory_space<vmem>>, vector<1x16xf32>,
    %swap3A_187 = arith.constant 3 : i32
    %swap3A_188 = arith.index_cast %swap3A_187 : i32 to index
    %swap3A_189 = arith.constant 112 : index
    %swap3A_190 = tpu.vector_load %arg22[%swap3A_188, %swap3A_189] {strides = array<i32>} : memref<16x128xf32, #tpu.memory_space<vmem>>, vector<1x16xf32>,
    %swap3A_191 = vector.shape_cast %swap3A_190 : vector<1x16xf32> to vector<16xf32>
    %swap3A_192 = vector.shape_cast %broadcast_in_dim3A_1 : vector<16xf32> to vector<1x16xf32>
    tpu.vector_store %arg22[%swap3A_188, %swap3A_189], %swap3A_192 {strides = array<i32>} : memref<16x128xf32, #tpu.memory_space<vmem>>, vector<1x16xf32>,
    %swap3A_193 = arith.constant 4 : i32
    %swap3A_194 = arith.index_cast %swap3A_193 : i32 to index
    %swap3A_195 = arith.constant 0 : index
    %swap3A_196 = tpu.vector_load %arg22[%swap3A_194, %swap3A_195] {strides = array<i32>} : memref<16x128xf32, #tpu.memory_space<vmem>>, vector<1x16xf32>,
    %swap3A_197 = vector.shape_cast %swap3A_196 : vector<1x16xf32> to vector<16xf32>
    %swap3A_198 = vector.shape_cast %broadcast_in_dim3A_1 : vector<16xf32> to vector<1x16xf32>
    tpu.vector_store %arg22[%swap3A_194, %swap3A_195], %swap3A_198 {strides = array<i32>} : memref<16x128xf32, #tpu.memory_space<vmem>>, vector<1x16xf32>,
    %swap3A_199 = arith.constant 4 : i32
    %swap3A_200 = arith.index_cast %swap3A_199 : i32 to index
    %swap3A_201 = arith.constant 16 : index
    %swap3A_202 = tpu.vector_load %arg22[%swap3A_200, %swap3A_201] {strides = array<i32>} : memref<16x128xf32, #tpu.memory_space<vmem>>, vector<1x16xf32>,
    %swap3A_203 = vector.shape_cast %swap3A_202 : vector<1x16xf32> to vector<16xf32>
    %swap3A_204 = vector.shape_cast %broadcast_in_dim3A_1 : vector<16xf32> to vector<1x16xf32>
    tpu.vector_store %arg22[%swap3A_200, %swap3A_201], %swap3A_204 {strides = array<i32>} : memref<16x128xf32, #tpu.memory_space<vmem>>, vector<1x16xf32>,
    %swap3A_205 = arith.constant 4 : i32
    %swap3A_206 = arith.index_cast %swap3A_205 : i32 to index
    %swap3A_207 = arith.constant 32 : index
    %swap3A_208 = tpu.vector_load %arg22[%swap3A_206, %swap3A_207] {strides = array<i32>} : memref<16x128xf32, #tpu.memory_space<vmem>>, vector<1x16xf32>,
    %swap3A_209 = vector.shape_cast %swap3A_208 : vector<1x16xf32> to vector<16xf32>
    %swap3A_210 = vector.shape_cast %broadcast_in_dim3A_1 : vector<16xf32> to vector<1x16xf32>
    tpu.vector_store %arg22[%swap3A_206, %swap3A_207], %swap3A_210 {strides = array<i32>} : memref<16x128xf32, #tpu.memory_space<vmem>>, vector<1x16xf32>,
    %swap3A_211 = arith.constant 4 : i32
    %swap3A_212 = arith.index_cast %swap3A_211 : i32 to index
    %swap3A_213 = arith.constant 48 : index
    %swap3A_214 = tpu.vector_load %arg22[%swap3A_212, %swap3A_213] {strides = array<i32>} : memref<16x128xf32, #tpu.memory_space<vmem>>, vector<1x16xf32>,
    %swap3A_215 = vector.shape_cast %swap3A_214 : vector<1x16xf32> to vector<16xf32>
    %swap3A_216 = vector.shape_cast %broadcast_in_dim3A_1 : vector<16xf32> to vector<1x16xf32>
    tpu.vector_store %arg22[%swap3A_212, %swap3A_213], %swap3A_216 {strides = array<i32>} : memref<16x128xf32, #tpu.memory_space<vmem>>, vector<1x16xf32>,
    %swap3A_217 = arith.constant 4 : i32
    %swap3A_218 = arith.index_cast %swap3A_217 : i32 to index
    %swap3A_219 = arith.constant 64 : index
    %swap3A_220 = tpu.vector_load %arg22[%swap3A_218, %swap3A_219] {strides = array<i32>} : memref<16x128xf32, #tpu.memory_space<vmem>>, vector<1x16xf32>,
    %swap3A_221 = vector.shape_cast %swap3A_220 : vector<1x16xf32> to vector<16xf32>
    %swap3A_222 = vector.shape_cast %broadcast_in_dim3A_1 : vector<16xf32> to vector<1x16xf32>
    tpu.vector_store %arg22[%swap3A_218, %swap3A_219], %swap3A_222 {strides = array<i32>} : memref<16x128xf32, #tpu.memory_space<vmem>>, vector<1x16xf32>,
    %swap3A_223 = arith.constant 4 : i32
    %swap3A_224 = arith.index_cast %swap3A_223 : i32 to index
    %swap3A_225 = arith.constant 80 : index
    %swap3A_226 = tpu.vector_load %arg22[%swap3A_224, %swap3A_225] {strides = array<i32>} : memref<16x128xf32, #tpu.memory_space<vmem>>, vector<1x16xf32>,
    %swap3A_227 = vector.shape_cast %swap3A_226 : vector<1x16xf32> to vector<16xf32>
    %swap3A_228 = vector.shape_cast %broadcast_in_dim3A_1 : vector<16xf32> to vector<1x16xf32>
    tpu.vector_store %arg22[%swap3A_224, %swap3A_225], %swap3A_228 {strides = array<i32>} : memref<16x128xf32, #tpu.memory_space<vmem>>, vector<1x16xf32>,
    %swap3A_229 = arith.constant 4 : i32
    %swap3A_230 = arith.index_cast %swap3A_229 : i32 to index
    %swap3A_231 = arith.constant 96 : index
    %swap3A_232 = tpu.vector_load %arg22[%swap3A_230, %swap3A_231] {strides = array<i32>} : memref<16x128xf32, #tpu.memory_space<vmem>>, vector<1x16xf32>,
    %swap3A_233 = vector.shape_cast %swap3A_232 : vector<1x16xf32> to vector<16xf32>
    %swap3A_234 = vector.shape_cast %broadcast_in_dim3A_1 : vector<16xf32> to vector<1x16xf32>
    tpu.vector_store %arg22[%swap3A_230, %swap3A_231], %swap3A_234 {strides = array<i32>} : memref<16x128xf32, #tpu.memory_space<vmem>>, vector<1x16xf32>,
    %swap3A_235 = arith.constant 4 : i32
    %swap3A_236 = arith.index_cast %swap3A_235 : i32 to index
    %swap3A_237 = arith.constant 112 : index
    %swap3A_238 = tpu.vector_load %arg22[%swap3A_236, %swap3A_237] {strides = array<i32>} : memref<16x128xf32, #tpu.memory_space<vmem>>, vector<1x16xf32>,
    %swap3A_239 = vector.shape_cast %swap3A_238 : vector<1x16xf32> to vector<16xf32>
    %swap3A_240 = vector.shape_cast %broadcast_in_dim3A_1 : vector<16xf32> to vector<1x16xf32>
    tpu.vector_store %arg22[%swap3A_236, %swap3A_237], %swap3A_240 {strides = array<i32>} : memref<16x128xf32, #tpu.memory_space<vmem>>, vector<1x16xf32>,
    %swap3A_241 = arith.constant 5 : i32
    %swap3A_242 = arith.index_cast %swap3A_241 : i32 to index
    %swap3A_243 = arith.constant 0 : index
    %swap3A_244 = tpu.vector_load %arg22[%swap3A_242, %swap3A_243] {strides = array<i32>} : memref<16x128xf32, #tpu.memory_space<vmem>>, vector<1x16xf32>,
    %swap3A_245 = vector.shape_cast %swap3A_244 : vector<1x16xf32> to vector<16xf32>
    %swap3A_246 = vector.shape_cast %broadcast_in_dim3A_1 : vector<16xf32> to vector<1x16xf32>
    tpu.vector_store %arg22[%swap3A_242, %swap3A_243], %swap3A_246 {strides = array<i32>} : memref<16x128xf32, #tpu.memory_space<vmem>>, vector<1x16xf32>,
    %swap3A_247 = arith.constant 5 : i32
    %swap3A_248 = arith.index_cast %swap3A_247 : i32 to index
    %swap3A_249 = arith.constant 16 : index
    %swap3A_250 = tpu.vector_load %arg22[%swap3A_248, %swap3A_249] {strides = array<i32>} : memref<16x128xf32, #tpu.memory_space<vmem>>, vector<1x16xf32>,
    %swap3A_251 = vector.shape_cast %swap3A_250 : vector<1x16xf32> to vector<16xf32>
    %swap3A_252 = vector.shape_cast %broadcast_in_dim3A_1 : vector<16xf32> to vector<1x16xf32>
    tpu.vector_store %arg22[%swap3A_248, %swap3A_249], %swap3A_252 {strides = array<i32>} : memref<16x128xf32, #tpu.memory_space<vmem>>, vector<1x16xf32>,
    %swap3A_253 = arith.constant 5 : i32
    %swap3A_254 = arith.index_cast %swap3A_253 : i32 to index
    %swap3A_255 = arith.constant 32 : index
    %swap3A_256 = tpu.vector_load %arg22[%swap3A_254, %swap3A_255] {strides = array<i32>} : memref<16x128xf32, #tpu.memory_space<vmem>>, vector<1x16xf32>,
    %swap3A_257 = vector.shape_cast %swap3A_256 : vector<1x16xf32> to vector<16xf32>
    %swap3A_258 = vector.shape_cast %broadcast_in_dim3A_1 : vector<16xf32> to vector<1x16xf32>
    tpu.vector_store %arg22[%swap3A_254, %swap3A_255], %swap3A_258 {strides = array<i32>} : memref<16x128xf32, #tpu.memory_space<vmem>>, vector<1x16xf32>,
    %swap3A_259 = arith.constant 5 : i32
    %swap3A_260 = arith.index_cast %swap3A_259 : i32 to index
    %swap3A_261 = arith.constant 48 : index
    %swap3A_262 = tpu.vector_load %arg22[%swap3A_260, %swap3A_261] {strides = array<i32>} : memref<16x128xf32, #tpu.memory_space<vmem>>, vector<1x16xf32>,
    %swap3A_263 = vector.shape_cast %swap3A_262 : vector<1x16xf32> to vector<16xf32>
    %swap3A_264 = vector.shape_cast %broadcast_in_dim3A_1 : vector<16xf32> to vector<1x16xf32>
    tpu.vector_store %arg22[%swap3A_260, %swap3A_261], %swap3A_264 {strides = array<i32>} : memref<16x128xf32, #tpu.memory_space<vmem>>, vector<1x16xf32>,
    %swap3A_265 = arith.constant 5 : i32
    %swap3A_266 = arith.index_cast %swap3A_265 : i32 to index
    %swap3A_267 = arith.constant 64 : index
    %swap3A_268 = tpu.vector_load %arg22[%swap3A_266, %swap3A_267] {strides = array<i32>} : memref<16x128xf32, #tpu.memory_space<vmem>>, vector<1x16xf32>,
    %swap3A_269 = vector.shape_cast %swap3A_268 : vector<1x16xf32> to vector<16xf32>
    %swap3A_270 = vector.shape_cast %broadcast_in_dim3A_1 : vector<16xf32> to vector<1x16xf32>
    tpu.vector_store %arg22[%swap3A_266, %swap3A_267], %swap3A_270 {strides = array<i32>} : memref<16x128xf32, #tpu.memory_space<vmem>>, vector<1x16xf32>,
    %swap3A_271 = arith.constant 5 : i32
    %swap3A_272 = arith.index_cast %swap3A_271 : i32 to index
    %swap3A_273 = arith.constant 80 : index
    %swap3A_274 = tpu.vector_load %arg22[%swap3A_272, %swap3A_273] {strides = array<i32>} : memref<16x128xf32, #tpu.memory_space<vmem>>, vector<1x16xf32>,
    %swap3A_275 = vector.shape_cast %swap3A_274 : vector<1x16xf32> to vector<16xf32>
    %swap3A_276 = vector.shape_cast %broadcast_in_dim3A_1 : vector<16xf32> to vector<1x16xf32>
    tpu.vector_store %arg22[%swap3A_272, %swap3A_273], %swap3A_276 {strides = array<i32>} : memref<16x128xf32, #tpu.memory_space<vmem>>, vector<1x16xf32>,
    %swap3A_277 = arith.constant 5 : i32
    %swap3A_278 = arith.index_cast %swap3A_277 : i32 to index
    %swap3A_279 = arith.constant 96 : index
    %swap3A_280 = tpu.vector_load %arg22[%swap3A_278, %swap3A_279] {strides = array<i32>} : memref<16x128xf32, #tpu.memory_space<vmem>>, vector<1x16xf32>,
    %swap3A_281 = vector.shape_cast %swap3A_280 : vector<1x16xf32> to vector<16xf32>
    %swap3A_282 = vector.shape_cast %broadcast_in_dim3A_1 : vector<16xf32> to vector<1x16xf32>
    tpu.vector_store %arg22[%swap3A_278, %swap3A_279], %swap3A_282 {strides = array<i32>} : memref<16x128xf32, #tpu.memory_space<vmem>>, vector<1x16xf32>,
    %swap3A_283 = arith.constant 5 : i32
    %swap3A_284 = arith.index_cast %swap3A_283 : i32 to index
    %swap3A_285 = arith.constant 112 : index
    %swap3A_286 = tpu.vector_load %arg22[%swap3A_284, %swap3A_285] {strides = array<i32>} : memref<16x128xf32, #tpu.memory_space<vmem>>, vector<1x16xf32>,
    %swap3A_287 = vector.shape_cast %swap3A_286 : vector<1x16xf32> to vector<16xf32>
    %swap3A_288 = vector.shape_cast %broadcast_in_dim3A_1 : vector<16xf32> to vector<1x16xf32>
    tpu.vector_store %arg22[%swap3A_284, %swap3A_285], %swap3A_288 {strides = array<i32>} : memref<16x128xf32, #tpu.memory_space<vmem>>, vector<1x16xf32>,
    %swap3A_289 = arith.constant 6 : i32
    %swap3A_290 = arith.index_cast %swap3A_289 : i32 to index
    %swap3A_291 = arith.constant 0 : index
    %swap3A_292 = tpu.vector_load %arg22[%swap3A_290, %swap3A_291] {strides = array<i32>} : memref<16x128xf32, #tpu.memory_space<vmem>>, vector<1x16xf32>,
    %swap3A_293 = vector.shape_cast %swap3A_292 : vector<1x16xf32> to vector<16xf32>
    %swap3A_294 = vector.shape_cast %broadcast_in_dim3A_1 : vector<16xf32> to vector<1x16xf32>
    tpu.vector_store %arg22[%swap3A_290, %swap3A_291], %swap3A_294 {strides = array<i32>} : memref<16x128xf32, #tpu.memory_space<vmem>>, vector<1x16xf32>,
    %swap3A_295 = arith.constant 6 : i32
    %swap3A_296 = arith.index_cast %swap3A_295 : i32 to index
    %swap3A_297 = arith.constant 16 : index
    %swap3A_298 = tpu.vector_load %arg22[%swap3A_296, %swap3A_297] {strides = array<i32>} : memref<16x128xf32, #tpu.memory_space<vmem>>, vector<1x16xf32>,
    %swap3A_299 = vector.shape_cast %swap3A_298 : vector<1x16xf32> to vector<16xf32>
    %swap3A_300 = vector.shape_cast %broadcast_in_dim3A_1 : vector<16xf32> to vector<1x16xf32>
    tpu.vector_store %arg22[%swap3A_296, %swap3A_297], %swap3A_300 {strides = array<i32>} : memref<16x128xf32, #tpu.memory_space<vmem>>, vector<1x16xf32>,
    %swap3A_301 = arith.constant 6 : i32
    %swap3A_302 = arith.index_cast %swap3A_301 : i32 to index
    %swap3A_303 = arith.constant 32 : index
    %swap3A_304 = tpu.vector_load %arg22[%swap3A_302, %swap3A_303] {strides = array<i32>} : memref<16x128xf32, #tpu.memory_space<vmem>>, vector<1x16xf32>,
    %swap3A_305 = vector.shape_cast %swap3A_304 : vector<1x16xf32> to vector<16xf32>
    %swap3A_306 = vector.shape_cast %broadcast_in_dim3A_1 : vector<16xf32> to vector<1x16xf32>
    tpu.vector_store %arg22[%swap3A_302, %swap3A_303], %swap3A_306 {strides = array<i32>} : memref<16x128xf32, #tpu.memory_space<vmem>>, vector<1x16xf32>,
    %swap3A_307 = arith.constant 6 : i32
    %swap3A_308 = arith.index_cast %swap3A_307 : i32 to index
    %swap3A_309 = arith.constant 48 : index
    %swap3A_310 = tpu.vector_load %arg22[%swap3A_308, %swap3A_309] {strides = array<i32>} : memref<16x128xf32, #tpu.memory_space<vmem>>, vector<1x16xf32>,
    %swap3A_311 = vector.shape_cast %swap3A_310 : vector<1x16xf32> to vector<16xf32>
    %swap3A_312 = vector.shape_cast %broadcast_in_dim3A_1 : vector<16xf32> to vector<1x16xf32>
    tpu.vector_store %arg22[%swap3A_308, %swap3A_309], %swap3A_312 {strides = array<i32>} : memref<16x128xf32, #tpu.memory_space<vmem>>, vector<1x16xf32>,
    %swap3A_313 = arith.constant 6 : i32
    %swap3A_314 = arith.index_cast %swap3A_313 : i32 to index
    %swap3A_315 = arith.constant 64 : index
    %swap3A_316 = tpu.vector_load %arg22[%swap3A_314, %swap3A_315] {strides = array<i32>} : memref<16x128xf32, #tpu.memory_space<vmem>>, vector<1x16xf32>,
    %swap3A_317 = vector.shape_cast %swap3A_316 : vector<1x16xf32> to vector<16xf32>
    %swap3A_318 = vector.shape_cast %broadcast_in_dim3A_1 : vector<16xf32> to vector<1x16xf32>
    tpu.vector_store %arg22[%swap3A_314, %swap3A_315], %swap3A_318 {strides = array<i32>} : memref<16x128xf32, #tpu.memory_space<vmem>>, vector<1x16xf32>,
    %swap3A_319 = arith.constant 6 : i32
    %swap3A_320 = arith.index_cast %swap3A_319 : i32 to index
    %swap3A_321 = arith.constant 80 : index
    %swap3A_322 = tpu.vector_load %arg22[%swap3A_320, %swap3A_321] {strides = array<i32>} : memref<16x128xf32, #tpu.memory_space<vmem>>, vector<1x16xf32>,
    %swap3A_323 = vector.shape_cast %swap3A_322 : vector<1x16xf32> to vector<16xf32>
    %swap3A_324 = vector.shape_cast %broadcast_in_dim3A_1 : vector<16xf32> to vector<1x16xf32>
    tpu.vector_store %arg22[%swap3A_320, %swap3A_321], %swap3A_324 {strides = array<i32>} : memref<16x128xf32, #tpu.memory_space<vmem>>, vector<1x16xf32>,
    %swap3A_325 = arith.constant 6 : i32
    %swap3A_326 = arith.index_cast %swap3A_325 : i32 to index
    %swap3A_327 = arith.constant 96 : index
    %swap3A_328 = tpu.vector_load %arg22[%swap3A_326, %swap3A_327] {strides = array<i32>} : memref<16x128xf32, #tpu.memory_space<vmem>>, vector<1x16xf32>,
    %swap3A_329 = vector.shape_cast %swap3A_328 : vector<1x16xf32> to vector<16xf32>
    %swap3A_330 = vector.shape_cast %broadcast_in_dim3A_1 : vector<16xf32> to vector<1x16xf32>
    tpu.vector_store %arg22[%swap3A_326, %swap3A_327], %swap3A_330 {strides = array<i32>} : memref<16x128xf32, #tpu.memory_space<vmem>>, vector<1x16xf32>,
    %swap3A_331 = arith.constant 6 : i32
    %swap3A_332 = arith.index_cast %swap3A_331 : i32 to index
    %swap3A_333 = arith.constant 112 : index
    %swap3A_334 = tpu.vector_load %arg22[%swap3A_332, %swap3A_333] {strides = array<i32>} : memref<16x128xf32, #tpu.memory_space<vmem>>, vector<1x16xf32>,
    %swap3A_335 = vector.shape_cast %swap3A_334 : vector<1x16xf32> to vector<16xf32>
    %swap3A_336 = vector.shape_cast %broadcast_in_dim3A_1 : vector<16xf32> to vector<1x16xf32>
    tpu.vector_store %arg22[%swap3A_332, %swap3A_333], %swap3A_336 {strides = array<i32>} : memref<16x128xf32, #tpu.memory_space<vmem>>, vector<1x16xf32>,
    %swap3A_337 = arith.constant 7 : i32
    %swap3A_338 = arith.index_cast %swap3A_337 : i32 to index
    %swap3A_339 = arith.constant 0 : index
    %swap3A_340 = tpu.vector_load %arg22[%swap3A_338, %swap3A_339] {strides = array<i32>} : memref<16x128xf32, #tpu.memory_space<vmem>>, vector<1x16xf32>,
    %swap3A_341 = vector.shape_cast %swap3A_340 : vector<1x16xf32> to vector<16xf32>
    %swap3A_342 = vector.shape_cast %broadcast_in_dim3A_1 : vector<16xf32> to vector<1x16xf32>
    tpu.vector_store %arg22[%swap3A_338, %swap3A_339], %swap3A_342 {strides = array<i32>} : memref<16x128xf32, #tpu.memory_space<vmem>>, vector<1x16xf32>,
    %swap3A_343 = arith.constant 7 : i32
    %swap3A_344 = arith.index_cast %swap3A_343 : i32 to index
    %swap3A_345 = arith.constant 16 : index
    %swap3A_346 = tpu.vector_load %arg22[%swap3A_344, %swap3A_345] {strides = array<i32>} : memref<16x128xf32, #tpu.memory_space<vmem>>, vector<1x16xf32>,
    %swap3A_347 = vector.shape_cast %swap3A_346 : vector<1x16xf32> to vector<16xf32>
    %swap3A_348 = vector.shape_cast %broadcast_in_dim3A_1 : vector<16xf32> to vector<1x16xf32>
    tpu.vector_store %arg22[%swap3A_344, %swap3A_345], %swap3A_348 {strides = array<i32>} : memref<16x128xf32, #tpu.memory_space<vmem>>, vector<1x16xf32>,
    %swap3A_349 = arith.constant 7 : i32
    %swap3A_350 = arith.index_cast %swap3A_349 : i32 to index
    %swap3A_351 = arith.constant 32 : index
    %swap3A_352 = tpu.vector_load %arg22[%swap3A_350, %swap3A_351] {strides = array<i32>} : memref<16x128xf32, #tpu.memory_space<vmem>>, vector<1x16xf32>,
    %swap3A_353 = vector.shape_cast %swap3A_352 : vector<1x16xf32> to vector<16xf32>
    %swap3A_354 = vector.shape_cast %broadcast_in_dim3A_1 : vector<16xf32> to vector<1x16xf32>
    tpu.vector_store %arg22[%swap3A_350, %swap3A_351], %swap3A_354 {strides = array<i32>} : memref<16x128xf32, #tpu.memory_space<vmem>>, vector<1x16xf32>,
    %swap3A_355 = arith.constant 7 : i32
    %swap3A_356 = arith.index_cast %swap3A_355 : i32 to index
    %swap3A_357 = arith.constant 48 : index
    %swap3A_358 = tpu.vector_load %arg22[%swap3A_356, %swap3A_357] {strides = array<i32>} : memref<16x128xf32, #tpu.memory_space<vmem>>, vector<1x16xf32>,
    %swap3A_359 = vector.shape_cast %swap3A_358 : vector<1x16xf32> to vector<16xf32>
    %swap3A_360 = vector.shape_cast %broadcast_in_dim3A_1 : vector<16xf32> to vector<1x16xf32>
    tpu.vector_store %arg22[%swap3A_356, %swap3A_357], %swap3A_360 {strides = array<i32>} : memref<16x128xf32, #tpu.memory_space<vmem>>, vector<1x16xf32>,
    %swap3A_361 = arith.constant 7 : i32
    %swap3A_362 = arith.index_cast %swap3A_361 : i32 to index
    %swap3A_363 = arith.constant 64 : index
    %swap3A_364 = tpu.vector_load %arg22[%swap3A_362, %swap3A_363] {strides = array<i32>} : memref<16x128xf32, #tpu.memory_space<vmem>>, vector<1x16xf32>,
    %swap3A_365 = vector.shape_cast %swap3A_364 : vector<1x16xf32> to vector<16xf32>
    %swap3A_366 = vector.shape_cast %broadcast_in_dim3A_1 : vector<16xf32> to vector<1x16xf32>
    tpu.vector_store %arg22[%swap3A_362, %swap3A_363], %swap3A_366 {strides = array<i32>} : memref<16x128xf32, #tpu.memory_space<vmem>>, vector<1x16xf32>,
    %swap3A_367 = arith.constant 7 : i32
    %swap3A_368 = arith.index_cast %swap3A_367 : i32 to index
    %swap3A_369 = arith.constant 80 : index
    %swap3A_370 = tpu.vector_load %arg22[%swap3A_368, %swap3A_369] {strides = array<i32>} : memref<16x128xf32, #tpu.memory_space<vmem>>, vector<1x16xf32>,
    %swap3A_371 = vector.shape_cast %swap3A_370 : vector<1x16xf32> to vector<16xf32>
    %swap3A_372 = vector.shape_cast %broadcast_in_dim3A_1 : vector<16xf32> to vector<1x16xf32>
    tpu.vector_store %arg22[%swap3A_368, %swap3A_369], %swap3A_372 {strides = array<i32>} : memref<16x128xf32, #tpu.memory_space<vmem>>, vector<1x16xf32>,
    %swap3A_373 = arith.constant 7 : i32
    %swap3A_374 = arith.index_cast %swap3A_373 : i32 to index
    %swap3A_375 = arith.constant 96 : index
    %swap3A_376 = tpu.vector_load %arg22[%swap3A_374, %swap3A_375] {strides = array<i32>} : memref<16x128xf32, #tpu.memory_space<vmem>>, vector<1x16xf32>,
    %swap3A_377 = vector.shape_cast %swap3A_376 : vector<1x16xf32> to vector<16xf32>
    %swap3A_378 = vector.shape_cast %broadcast_in_dim3A_1 : vector<16xf32> to vector<1x16xf32>
    tpu.vector_store %arg22[%swap3A_374, %swap3A_375], %swap3A_378 {strides = array<i32>} : memref<16x128xf32, #tpu.memory_space<vmem>>, vector<1x16xf32>,
    %swap3A_379 = arith.constant 7 : i32
    %swap3A_380 = arith.index_cast %swap3A_379 : i32 to index
    %swap3A_381 = arith.constant 112 : index
    %swap3A_382 = tpu.vector_load %arg22[%swap3A_380, %swap3A_381] {strides = array<i32>} : memref<16x128xf32, #tpu.memory_space<vmem>>, vector<1x16xf32>,
    %swap3A_383 = vector.shape_cast %swap3A_382 : vector<1x16xf32> to vector<16xf32>
    %swap3A_384 = vector.shape_cast %broadcast_in_dim3A_1 : vector<16xf32> to vector<1x16xf32>
    tpu.vector_store %arg22[%swap3A_380, %swap3A_381], %swap3A_384 {strides = array<i32>} : memref<16x128xf32, #tpu.memory_space<vmem>>, vector<1x16xf32>,
    %swap3A_385 = arith.constant 8 : i32
    %swap3A_386 = arith.index_cast %swap3A_385 : i32 to index
    %swap3A_387 = arith.constant 0 : index
    %swap3A_388 = tpu.vector_load %arg22[%swap3A_386, %swap3A_387] {strides = array<i32>} : memref<16x128xf32, #tpu.memory_space<vmem>>, vector<1x16xf32>,
    %swap3A_389 = vector.shape_cast %swap3A_388 : vector<1x16xf32> to vector<16xf32>
    %swap3A_390 = vector.shape_cast %broadcast_in_dim3A_1 : vector<16xf32> to vector<1x16xf32>
    tpu.vector_store %arg22[%swap3A_386, %swap3A_387], %swap3A_390 {strides = array<i32>} : memref<16x128xf32, #tpu.memory_space<vmem>>, vector<1x16xf32>,
    %swap3A_391 = arith.constant 8 : i32
    %swap3A_392 = arith.index_cast %swap3A_391 : i32 to index
    %swap3A_393 = arith.constant 16 : index
    %swap3A_394 = tpu.vector_load %arg22[%swap3A_392, %swap3A_393] {strides = array<i32>} : memref<16x128xf32, #tpu.memory_space<vmem>>, vector<1x16xf32>,
    %swap3A_395 = vector.shape_cast %swap3A_394 : vector<1x16xf32> to vector<16xf32>
    %swap3A_396 = vector.shape_cast %broadcast_in_dim3A_1 : vector<16xf32> to vector<1x16xf32>
    tpu.vector_store %arg22[%swap3A_392, %swap3A_393], %swap3A_396 {strides = array<i32>} : memref<16x128xf32, #tpu.memory_space<vmem>>, vector<1x16xf32>,
    %swap3A_397 = arith.constant 8 : i32
    %swap3A_398 = arith.index_cast %swap3A_397 : i32 to index
    %swap3A_399 = arith.constant 32 : index
    %swap3A_400 = tpu.vector_load %arg22[%swap3A_398, %swap3A_399] {strides = array<i32>} : memref<16x128xf32, #tpu.memory_space<vmem>>, vector<1x16xf32>,
    %swap3A_401 = vector.shape_cast %swap3A_400 : vector<1x16xf32> to vector<16xf32>
    %swap3A_402 = vector.shape_cast %broadcast_in_dim3A_1 : vector<16xf32> to vector<1x16xf32>
    tpu.vector_store %arg22[%swap3A_398, %swap3A_399], %swap3A_402 {strides = array<i32>} : memref<16x128xf32, #tpu.memory_space<vmem>>, vector<1x16xf32>,
    %swap3A_403 = arith.constant 8 : i32
    %swap3A_404 = arith.index_cast %swap3A_403 : i32 to index
    %swap3A_405 = arith.constant 48 : index
    %swap3A_406 = tpu.vector_load %arg22[%swap3A_404, %swap3A_405] {strides = array<i32>} : memref<16x128xf32, #tpu.memory_space<vmem>>, vector<1x16xf32>,
    %swap3A_407 = vector.shape_cast %swap3A_406 : vector<1x16xf32> to vector<16xf32>
    %swap3A_408 = vector.shape_cast %broadcast_in_dim3A_1 : vector<16xf32> to vector<1x16xf32>
    tpu.vector_store %arg22[%swap3A_404, %swap3A_405], %swap3A_408 {strides = array<i32>} : memref<16x128xf32, #tpu.memory_space<vmem>>, vector<1x16xf32>,
    %swap3A_409 = arith.constant 8 : i32
    %swap3A_410 = arith.index_cast %swap3A_409 : i32 to index
    %swap3A_411 = arith.constant 64 : index
    %swap3A_412 = tpu.vector_load %arg22[%swap3A_410, %swap3A_411] {strides = array<i32>} : memref<16x128xf32, #tpu.memory_space<vmem>>, vector<1x16xf32>,
    %swap3A_413 = vector.shape_cast %swap3A_412 : vector<1x16xf32> to vector<16xf32>
    %swap3A_414 = vector.shape_cast %broadcast_in_dim3A_1 : vector<16xf32> to vector<1x16xf32>
    tpu.vector_store %arg22[%swap3A_410, %swap3A_411], %swap3A_414 {strides = array<i32>} : memref<16x128xf32, #tpu.memory_space<vmem>>, vector<1x16xf32>,
    %swap3A_415 = arith.constant 8 : i32
    %swap3A_416 = arith.index_cast %swap3A_415 : i32 to index
    %swap3A_417 = arith.constant 80 : index
    %swap3A_418 = tpu.vector_load %arg22[%swap3A_416, %swap3A_417] {strides = array<i32>} : memref<16x128xf32, #tpu.memory_space<vmem>>, vector<1x16xf32>,
    %swap3A_419 = vector.shape_cast %swap3A_418 : vector<1x16xf32> to vector<16xf32>
    %swap3A_420 = vector.shape_cast %broadcast_in_dim3A_1 : vector<16xf32> to vector<1x16xf32>
    tpu.vector_store %arg22[%swap3A_416, %swap3A_417], %swap3A_420 {strides = array<i32>} : memref<16x128xf32, #tpu.memory_space<vmem>>, vector<1x16xf32>,
    %swap3A_421 = arith.constant 8 : i32
    %swap3A_422 = arith.index_cast %swap3A_421 : i32 to index
    %swap3A_423 = arith.constant 96 : index
    %swap3A_424 = tpu.vector_load %arg22[%swap3A_422, %swap3A_423] {strides = array<i32>} : memref<16x128xf32, #tpu.memory_space<vmem>>, vector<1x16xf32>,
    %swap3A_425 = vector.shape_cast %swap3A_424 : vector<1x16xf32> to vector<16xf32>
    %swap3A_426 = vector.shape_cast %broadcast_in_dim3A_1 : vector<16xf32> to vector<1x16xf32>
    tpu.vector_store %arg22[%swap3A_422, %swap3A_423], %swap3A_426 {strides = array<i32>} : memref<16x128xf32, #tpu.memory_space<vmem>>, vector<1x16xf32>,
    %swap3A_427 = arith.constant 8 : i32
    %swap3A_428 = arith.index_cast %swap3A_427 : i32 to index
    %swap3A_429 = arith.constant 112 : index
    %swap3A_430 = tpu.vector_load %arg22[%swap3A_428, %swap3A_429] {strides = array<i32>} : memref<16x128xf32, #tpu.memory_space<vmem>>, vector<1x16xf32>,
    %swap3A_431 = vector.shape_cast %swap3A_430 : vector<1x16xf32> to vector<16xf32>
    %swap3A_432 = vector.shape_cast %broadcast_in_dim3A_1 : vector<16xf32> to vector<1x16xf32>
    tpu.vector_store %arg22[%swap3A_428, %swap3A_429], %swap3A_432 {strides = array<i32>} : memref<16x128xf32, #tpu.memory_space<vmem>>, vector<1x16xf32>,
    %swap3A_433 = arith.constant 9 : i32
    %swap3A_434 = arith.index_cast %swap3A_433 : i32 to index
    %swap3A_435 = arith.constant 0 : index
    %swap3A_436 = tpu.vector_load %arg22[%swap3A_434, %swap3A_435] {strides = array<i32>} : memref<16x128xf32, #tpu.memory_space<vmem>>, vector<1x16xf32>,
    %swap3A_437 = vector.shape_cast %swap3A_436 : vector<1x16xf32> to vector<16xf32>
    %swap3A_438 = vector.shape_cast %broadcast_in_dim3A_1 : vector<16xf32> to vector<1x16xf32>
    tpu.vector_store %arg22[%swap3A_434, %swap3A_435], %swap3A_438 {strides = array<i32>} : memref<16x128xf32, #tpu.memory_space<vmem>>, vector<1x16xf32>,
    %swap3A_439 = arith.constant 9 : i32
    %swap3A_440 = arith.index_cast %swap3A_439 : i32 to index
    %swap3A_441 = arith.constant 16 : index
    %swap3A_442 = tpu.vector_load %arg22[%swap3A_440, %swap3A_441] {strides = array<i32>} : memref<16x128xf32, #tpu.memory_space<vmem>>, vector<1x16xf32>,
    %swap3A_443 = vector.shape_cast %swap3A_442 : vector<1x16xf32> to vector<16xf32>
    %swap3A_444 = vector.shape_cast %broadcast_in_dim3A_1 : vector<16xf32> to vector<1x16xf32>
    tpu.vector_store %arg22[%swap3A_440, %swap3A_441], %swap3A_444 {strides = array<i32>} : memref<16x128xf32, #tpu.memory_space<vmem>>, vector<1x16xf32>,
    %swap3A_445 = arith.constant 9 : i32
    %swap3A_446 = arith.index_cast %swap3A_445 : i32 to index
    %swap3A_447 = arith.constant 32 : index
    %swap3A_448 = tpu.vector_load %arg22[%swap3A_446, %swap3A_447] {strides = array<i32>} : memref<16x128xf32, #tpu.memory_space<vmem>>, vector<1x16xf32>,
    %swap3A_449 = vector.shape_cast %swap3A_448 : vector<1x16xf32> to vector<16xf32>
    %swap3A_450 = vector.shape_cast %broadcast_in_dim3A_1 : vector<16xf32> to vector<1x16xf32>
    tpu.vector_store %arg22[%swap3A_446, %swap3A_447], %swap3A_450 {strides = array<i32>} : memref<16x128xf32, #tpu.memory_space<vmem>>, vector<1x16xf32>,
    %swap3A_451 = arith.constant 9 : i32
    %swap3A_452 = arith.index_cast %swap3A_451 : i32 to index
    %swap3A_453 = arith.constant 48 : index
    %swap3A_454 = tpu.vector_load %arg22[%swap3A_452, %swap3A_453] {strides = array<i32>} : memref<16x128xf32, #tpu.memory_space<vmem>>, vector<1x16xf32>,
    %swap3A_455 = vector.shape_cast %swap3A_454 : vector<1x16xf32> to vector<16xf32>
    %swap3A_456 = vector.shape_cast %broadcast_in_dim3A_1 : vector<16xf32> to vector<1x16xf32>
    tpu.vector_store %arg22[%swap3A_452, %swap3A_453], %swap3A_456 {strides = array<i32>} : memref<16x128xf32, #tpu.memory_space<vmem>>, vector<1x16xf32>,
    %swap3A_457 = arith.constant 9 : i32
    %swap3A_458 = arith.index_cast %swap3A_457 : i32 to index
    %swap3A_459 = arith.constant 64 : index
    %swap3A_460 = tpu.vector_load %arg22[%swap3A_458, %swap3A_459] {strides = array<i32>} : memref<16x128xf32, #tpu.memory_space<vmem>>, vector<1x16xf32>,
    %swap3A_461 = vector.shape_cast %swap3A_460 : vector<1x16xf32> to vector<16xf32>
    %swap3A_462 = vector.shape_cast %broadcast_in_dim3A_1 : vector<16xf32> to vector<1x16xf32>
    tpu.vector_store %arg22[%swap3A_458, %swap3A_459], %swap3A_462 {strides = array<i32>} : memref<16x128xf32, #tpu.memory_space<vmem>>, vector<1x16xf32>,
    %swap3A_463 = arith.constant 9 : i32
    %swap3A_464 = arith.index_cast %swap3A_463 : i32 to index
    %swap3A_465 = arith.constant 80 : index
    %swap3A_466 = tpu.vector_load %arg22[%swap3A_464, %swap3A_465] {strides = array<i32>} : memref<16x128xf32, #tpu.memory_space<vmem>>, vector<1x16xf32>,
    %swap3A_467 = vector.shape_cast %swap3A_466 : vector<1x16xf32> to vector<16xf32>
    %swap3A_468 = vector.shape_cast %broadcast_in_dim3A_1 : vector<16xf32> to vector<1x16xf32>
    tpu.vector_store %arg22[%swap3A_464, %swap3A_465], %swap3A_468 {strides = array<i32>} : memref<16x128xf32, #tpu.memory_space<vmem>>, vector<1x16xf32>,
    %swap3A_469 = arith.constant 9 : i32
    %swap3A_470 = arith.index_cast %swap3A_469 : i32 to index
    %swap3A_471 = arith.constant 96 : index
    %swap3A_472 = tpu.vector_load %arg22[%swap3A_470, %swap3A_471] {strides = array<i32>} : memref<16x128xf32, #tpu.memory_space<vmem>>, vector<1x16xf32>,
    %swap3A_473 = vector.shape_cast %swap3A_472 : vector<1x16xf32> to vector<16xf32>
    %swap3A_474 = vector.shape_cast %broadcast_in_dim3A_1 : vector<16xf32> to vector<1x16xf32>
    tpu.vector_store %arg22[%swap3A_470, %swap3A_471], %swap3A_474 {strides = array<i32>} : memref<16x128xf32, #tpu.memory_space<vmem>>, vector<1x16xf32>,
    %swap3A_475 = arith.constant 9 : i32
    %swap3A_476 = arith.index_cast %swap3A_475 : i32 to index
    %swap3A_477 = arith.constant 112 : index
    %swap3A_478 = tpu.vector_load %arg22[%swap3A_476, %swap3A_477] {strides = array<i32>} : memref<16x128xf32, #tpu.memory_space<vmem>>, vector<1x16xf32>,
    %swap3A_479 = vector.shape_cast %swap3A_478 : vector<1x16xf32> to vector<16xf32>
    %swap3A_480 = vector.shape_cast %broadcast_in_dim3A_1 : vector<16xf32> to vector<1x16xf32>
    tpu.vector_store %arg22[%swap3A_476, %swap3A_477], %swap3A_480 {strides = array<i32>} : memref<16x128xf32, #tpu.memory_space<vmem>>, vector<1x16xf32>,
    %swap3A_481 = arith.constant 10 : i32
    %swap3A_482 = arith.index_cast %swap3A_481 : i32 to index
    %swap3A_483 = arith.constant 0 : index
    %swap3A_484 = tpu.vector_load %arg22[%swap3A_482, %swap3A_483] {strides = array<i32>} : memref<16x128xf32, #tpu.memory_space<vmem>>, vector<1x16xf32>,
    %swap3A_485 = vector.shape_cast %swap3A_484 : vector<1x16xf32> to vector<16xf32>
    %swap3A_486 = vector.shape_cast %broadcast_in_dim3A_1 : vector<16xf32> to vector<1x16xf32>
    tpu.vector_store %arg22[%swap3A_482, %swap3A_483], %swap3A_486 {strides = array<i32>} : memref<16x128xf32, #tpu.memory_space<vmem>>, vector<1x16xf32>,
    %swap3A_487 = arith.constant 10 : i32
    %swap3A_488 = arith.index_cast %swap3A_487 : i32 to index
    %swap3A_489 = arith.constant 16 : index
    %swap3A_490 = tpu.vector_load %arg22[%swap3A_488, %swap3A_489] {strides = array<i32>} : memref<16x128xf32, #tpu.memory_space<vmem>>, vector<1x16xf32>,
    %swap3A_491 = vector.shape_cast %swap3A_490 : vector<1x16xf32> to vector<16xf32>
    %swap3A_492 = vector.shape_cast %broadcast_in_dim3A_1 : vector<16xf32> to vector<1x16xf32>
    tpu.vector_store %arg22[%swap3A_488, %swap3A_489], %swap3A_492 {strides = array<i32>} : memref<16x128xf32, #tpu.memory_space<vmem>>, vector<1x16xf32>,
    %swap3A_493 = arith.constant 10 : i32
    %swap3A_494 = arith.index_cast %swap3A_493 : i32 to index
    %swap3A_495 = arith.constant 32 : index
    %swap3A_496 = tpu.vector_load %arg22[%swap3A_494, %swap3A_495] {strides = array<i32>} : memref<16x128xf32, #tpu.memory_space<vmem>>, vector<1x16xf32>,
    %swap3A_497 = vector.shape_cast %swap3A_496 : vector<1x16xf32> to vector<16xf32>
    %swap3A_498 = vector.shape_cast %broadcast_in_dim3A_1 : vector<16xf32> to vector<1x16xf32>
    tpu.vector_store %arg22[%swap3A_494, %swap3A_495], %swap3A_498 {strides = array<i32>} : memref<16x128xf32, #tpu.memory_space<vmem>>, vector<1x16xf32>,
    %swap3A_499 = arith.constant 10 : i32
    %swap3A_500 = arith.index_cast %swap3A_499 : i32 to index
    %swap3A_501 = arith.constant 48 : index
    %swap3A_502 = tpu.vector_load %arg22[%swap3A_500, %swap3A_501] {strides = array<i32>} : memref<16x128xf32, #tpu.memory_space<vmem>>, vector<1x16xf32>,
    %swap3A_503 = vector.shape_cast %swap3A_502 : vector<1x16xf32> to vector<16xf32>
    %swap3A_504 = vector.shape_cast %broadcast_in_dim3A_1 : vector<16xf32> to vector<1x16xf32>
    tpu.vector_store %arg22[%swap3A_500, %swap3A_501], %swap3A_504 {strides = array<i32>} : memref<16x128xf32, #tpu.memory_space<vmem>>, vector<1x16xf32>,
    %swap3A_505 = arith.constant 10 : i32
    %swap3A_506 = arith.index_cast %swap3A_505 : i32 to index
    %swap3A_507 = arith.constant 64 : index
    %swap3A_508 = tpu.vector_load %arg22[%swap3A_506, %swap3A_507] {strides = array<i32>} : memref<16x128xf32, #tpu.memory_space<vmem>>, vector<1x16xf32>,
    %swap3A_509 = vector.shape_cast %swap3A_508 : vector<1x16xf32> to vector<16xf32>
    %swap3A_510 = vector.shape_cast %broadcast_in_dim3A_1 : vector<16xf32> to vector<1x16xf32>
    tpu.vector_store %arg22[%swap3A_506, %swap3A_507], %swap3A_510 {strides = array<i32>} : memref<16x128xf32, #tpu.memory_space<vmem>>, vector<1x16xf32>,
    %swap3A_511 = arith.constant 10 : i32
    %swap3A_512 = arith.index_cast %swap3A_511 : i32 to index
    %swap3A_513 = arith.constant 80 : index
    %swap3A_514 = tpu.vector_load %arg22[%swap3A_512, %swap3A_513] {strides = array<i32>} : memref<16x128xf32, #tpu.memory_space<vmem>>, vector<1x16xf32>,
    %swap3A_515 = vector.shape_cast %swap3A_514 : vector<1x16xf32> to vector<16xf32>
    %swap3A_516 = vector.shape_cast %broadcast_in_dim3A_1 : vector<16xf32> to vector<1x16xf32>
    tpu.vector_store %arg22[%swap3A_512, %swap3A_513], %swap3A_516 {strides = array<i32>} : memref<16x128xf32, #tpu.memory_space<vmem>>, vector<1x16xf32>,
    %swap3A_517 = arith.constant 10 : i32
    %swap3A_518 = arith.index_cast %swap3A_517 : i32 to index
    %swap3A_519 = arith.constant 96 : index
    %swap3A_520 = tpu.vector_load %arg22[%swap3A_518, %swap3A_519] {strides = array<i32>} : memref<16x128xf32, #tpu.memory_space<vmem>>, vector<1x16xf32>,
    %swap3A_521 = vector.shape_cast %swap3A_520 : vector<1x16xf32> to vector<16xf32>
    %swap3A_522 = vector.shape_cast %broadcast_in_dim3A_1 : vector<16xf32> to vector<1x16xf32>
    tpu.vector_store %arg22[%swap3A_518, %swap3A_519], %swap3A_522 {strides = array<i32>} : memref<16x128xf32, #tpu.memory_space<vmem>>, vector<1x16xf32>,
    %swap3A_523 = arith.constant 10 : i32
    %swap3A_524 = arith.index_cast %swap3A_523 : i32 to index
    %swap3A_525 = arith.constant 112 : index
    %swap3A_526 = tpu.vector_load %arg22[%swap3A_524, %swap3A_525] {strides = array<i32>} : memref<16x128xf32, #tpu.memory_space<vmem>>, vector<1x16xf32>,
    %swap3A_527 = vector.shape_cast %swap3A_526 : vector<1x16xf32> to vector<16xf32>
    %swap3A_528 = vector.shape_cast %broadcast_in_dim3A_1 : vector<16xf32> to vector<1x16xf32>
    tpu.vector_store %arg22[%swap3A_524, %swap3A_525], %swap3A_528 {strides = array<i32>} : memref<16x128xf32, #tpu.memory_space<vmem>>, vector<1x16xf32>,
    %swap3A_529 = arith.constant 11 : i32
    %swap3A_530 = arith.index_cast %swap3A_529 : i32 to index
    %swap3A_531 = arith.constant 0 : index
    %swap3A_532 = tpu.vector_load %arg22[%swap3A_530, %swap3A_531] {strides = array<i32>} : memref<16x128xf32, #tpu.memory_space<vmem>>, vector<1x16xf32>,
    %swap3A_533 = vector.shape_cast %swap3A_532 : vector<1x16xf32> to vector<16xf32>
    %swap3A_534 = vector.shape_cast %broadcast_in_dim3A_1 : vector<16xf32> to vector<1x16xf32>
    tpu.vector_store %arg22[%swap3A_530, %swap3A_531], %swap3A_534 {strides = array<i32>} : memref<16x128xf32, #tpu.memory_space<vmem>>, vector<1x16xf32>,
    %swap3A_535 = arith.constant 11 : i32
    %swap3A_536 = arith.index_cast %swap3A_535 : i32 to index
    %swap3A_537 = arith.constant 16 : index
    %swap3A_538 = tpu.vector_load %arg22[%swap3A_536, %swap3A_537] {strides = array<i32>} : memref<16x128xf32, #tpu.memory_space<vmem>>, vector<1x16xf32>,
    %swap3A_539 = vector.shape_cast %swap3A_538 : vector<1x16xf32> to vector<16xf32>
    %swap3A_540 = vector.shape_cast %broadcast_in_dim3A_1 : vector<16xf32> to vector<1x16xf32>
    tpu.vector_store %arg22[%swap3A_536, %swap3A_537], %swap3A_540 {strides = array<i32>} : memref<16x128xf32, #tpu.memory_space<vmem>>, vector<1x16xf32>,
    %swap3A_541 = arith.constant 11 : i32
    %swap3A_542 = arith.index_cast %swap3A_541 : i32 to index
    %swap3A_543 = arith.constant 32 : index
    %swap3A_544 = tpu.vector_load %arg22[%swap3A_542, %swap3A_543] {strides = array<i32>} : memref<16x128xf32, #tpu.memory_space<vmem>>, vector<1x16xf32>,
    %swap3A_545 = vector.shape_cast %swap3A_544 : vector<1x16xf32> to vector<16xf32>
    %swap3A_546 = vector.shape_cast %broadcast_in_dim3A_1 : vector<16xf32> to vector<1x16xf32>
    tpu.vector_store %arg22[%swap3A_542, %swap3A_543], %swap3A_546 {strides = array<i32>} : memref<16x128xf32, #tpu.memory_space<vmem>>, vector<1x16xf32>,
    %swap3A_547 = arith.constant 11 : i32
    %swap3A_548 = arith.index_cast %swap3A_547 : i32 to index
    %swap3A_549 = arith.constant 48 : index
    %swap3A_550 = tpu.vector_load %arg22[%swap3A_548, %swap3A_549] {strides = array<i32>} : memref<16x128xf32, #tpu.memory_space<vmem>>, vector<1x16xf32>,
    %swap3A_551 = vector.shape_cast %swap3A_550 : vector<1x16xf32> to vector<16xf32>
    %swap3A_552 = vector.shape_cast %broadcast_in_dim3A_1 : vector<16xf32> to vector<1x16xf32>
    tpu.vector_store %arg22[%swap3A_548, %swap3A_549], %swap3A_552 {strides = array<i32>} : memref<16x128xf32, #tpu.memory_space<vmem>>, vector<1x16xf32>,
    %swap3A_553 = arith.constant 11 : i32
    %swap3A_554 = arith.index_cast %swap3A_553 : i32 to index
    %swap3A_555 = arith.constant 64 : index
    %swap3A_556 = tpu.vector_load %arg22[%swap3A_554, %swap3A_555] {strides = array<i32>} : memref<16x128xf32, #tpu.memory_space<vmem>>, vector<1x16xf32>,
    %swap3A_557 = vector.shape_cast %swap3A_556 : vector<1x16xf32> to vector<16xf32>
    %swap3A_558 = vector.shape_cast %broadcast_in_dim3A_1 : vector<16xf32> to vector<1x16xf32>
    tpu.vector_store %arg22[%swap3A_554, %swap3A_555], %swap3A_558 {strides = array<i32>} : memref<16x128xf32, #tpu.memory_space<vmem>>, vector<1x16xf32>,
    %swap3A_559 = arith.constant 11 : i32
    %swap3A_560 = arith.index_cast %swap3A_559 : i32 to index
    %swap3A_561 = arith.constant 80 : index
    %swap3A_562 = tpu.vector_load %arg22[%swap3A_560, %swap3A_561] {strides = array<i32>} : memref<16x128xf32, #tpu.memory_space<vmem>>, vector<1x16xf32>,
    %swap3A_563 = vector.shape_cast %swap3A_562 : vector<1x16xf32> to vector<16xf32>
    %swap3A_564 = vector.shape_cast %broadcast_in_dim3A_1 : vector<16xf32> to vector<1x16xf32>
    tpu.vector_store %arg22[%swap3A_560, %swap3A_561], %swap3A_564 {strides = array<i32>} : memref<16x128xf32, #tpu.memory_space<vmem>>, vector<1x16xf32>,
    %swap3A_565 = arith.constant 11 : i32
    %swap3A_566 = arith.index_cast %swap3A_565 : i32 to index
    %swap3A_567 = arith.constant 96 : index
    %swap3A_568 = tpu.vector_load %arg22[%swap3A_566, %swap3A_567] {strides = array<i32>} : memref<16x128xf32, #tpu.memory_space<vmem>>, vector<1x16xf32>,
    %swap3A_569 = vector.shape_cast %swap3A_568 : vector<1x16xf32> to vector<16xf32>
    %swap3A_570 = vector.shape_cast %broadcast_in_dim3A_1 : vector<16xf32> to vector<1x16xf32>
    tpu.vector_store %arg22[%swap3A_566, %swap3A_567], %swap3A_570 {strides = array<i32>} : memref<16x128xf32, #tpu.memory_space<vmem>>, vector<1x16xf32>,
    %swap3A_571 = arith.constant 11 : i32
    %swap3A_572 = arith.index_cast %swap3A_571 : i32 to index
    %swap3A_573 = arith.constant 112 : index
    %swap3A_574 = tpu.vector_load %arg22[%swap3A_572, %swap3A_573] {strides = array<i32>} : memref<16x128xf32, #tpu.memory_space<vmem>>, vector<1x16xf32>,
    %swap3A_575 = vector.shape_cast %swap3A_574 : vector<1x16xf32> to vector<16xf32>
    %swap3A_576 = vector.shape_cast %broadcast_in_dim3A_1 : vector<16xf32> to vector<1x16xf32>
    tpu.vector_store %arg22[%swap3A_572, %swap3A_573], %swap3A_576 {strides = array<i32>} : memref<16x128xf32, #tpu.memory_space<vmem>>, vector<1x16xf32>,
    %swap3A_577 = arith.constant 12 : i32
    %swap3A_578 = arith.index_cast %swap3A_577 : i32 to index
    %swap3A_579 = arith.constant 0 : index
    %swap3A_580 = tpu.vector_load %arg22[%swap3A_578, %swap3A_579] {strides = array<i32>} : memref<16x128xf32, #tpu.memory_space<vmem>>, vector<1x16xf32>,
    %swap3A_581 = vector.shape_cast %swap3A_580 : vector<1x16xf32> to vector<16xf32>
    %swap3A_582 = vector.shape_cast %broadcast_in_dim3A_1 : vector<16xf32> to vector<1x16xf32>
    tpu.vector_store %arg22[%swap3A_578, %swap3A_579], %swap3A_582 {strides = array<i32>} : memref<16x128xf32, #tpu.memory_space<vmem>>, vector<1x16xf32>,
    %swap3A_583 = arith.constant 12 : i32
    %swap3A_584 = arith.index_cast %swap3A_583 : i32 to index
    %swap3A_585 = arith.constant 16 : index
    %swap3A_586 = tpu.vector_load %arg22[%swap3A_584, %swap3A_585] {strides = array<i32>} : memref<16x128xf32, #tpu.memory_space<vmem>>, vector<1x16xf32>,
    %swap3A_587 = vector.shape_cast %swap3A_586 : vector<1x16xf32> to vector<16xf32>
    %swap3A_588 = vector.shape_cast %broadcast_in_dim3A_1 : vector<16xf32> to vector<1x16xf32>
    tpu.vector_store %arg22[%swap3A_584, %swap3A_585], %swap3A_588 {strides = array<i32>} : memref<16x128xf32, #tpu.memory_space<vmem>>, vector<1x16xf32>,
    %swap3A_589 = arith.constant 12 : i32
    %swap3A_590 = arith.index_cast %swap3A_589 : i32 to index
    %swap3A_591 = arith.constant 32 : index
    %swap3A_592 = tpu.vector_load %arg22[%swap3A_590, %swap3A_591] {strides = array<i32>} : memref<16x128xf32, #tpu.memory_space<vmem>>, vector<1x16xf32>,
    %swap3A_593 = vector.shape_cast %swap3A_592 : vector<1x16xf32> to vector<16xf32>
    %swap3A_594 = vector.shape_cast %broadcast_in_dim3A_1 : vector<16xf32> to vector<1x16xf32>
    tpu.vector_store %arg22[%swap3A_590, %swap3A_591], %swap3A_594 {strides = array<i32>} : memref<16x128xf32, #tpu.memory_space<vmem>>, vector<1x16xf32>,
    %swap3A_595 = arith.constant 12 : i32
    %swap3A_596 = arith.index_cast %swap3A_595 : i32 to index
    %swap3A_597 = arith.constant 48 : index
    %swap3A_598 = tpu.vector_load %arg22[%swap3A_596, %swap3A_597] {strides = array<i32>} : memref<16x128xf32, #tpu.memory_space<vmem>>, vector<1x16xf32>,
    %swap3A_599 = vector.shape_cast %swap3A_598 : vector<1x16xf32> to vector<16xf32>
    %swap3A_600 = vector.shape_cast %broadcast_in_dim3A_1 : vector<16xf32> to vector<1x16xf32>
    tpu.vector_store %arg22[%swap3A_596, %swap3A_597], %swap3A_600 {strides = array<i32>} : memref<16x128xf32, #tpu.memory_space<vmem>>, vector<1x16xf32>,
    %swap3A_601 = arith.constant 12 : i32
    %swap3A_602 = arith.index_cast %swap3A_601 : i32 to index
    %swap3A_603 = arith.constant 64 : index
    %swap3A_604 = tpu.vector_load %arg22[%swap3A_602, %swap3A_603] {strides = array<i32>} : memref<16x128xf32, #tpu.memory_space<vmem>>, vector<1x16xf32>,
    %swap3A_605 = vector.shape_cast %swap3A_604 : vector<1x16xf32> to vector<16xf32>
    %swap3A_606 = vector.shape_cast %broadcast_in_dim3A_1 : vector<16xf32> to vector<1x16xf32>
    tpu.vector_store %arg22[%swap3A_602, %swap3A_603], %swap3A_606 {strides = array<i32>} : memref<16x128xf32, #tpu.memory_space<vmem>>, vector<1x16xf32>,
    %swap3A_607 = arith.constant 12 : i32
    %swap3A_608 = arith.index_cast %swap3A_607 : i32 to index
    %swap3A_609 = arith.constant 80 : index
    %swap3A_610 = tpu.vector_load %arg22[%swap3A_608, %swap3A_609] {strides = array<i32>} : memref<16x128xf32, #tpu.memory_space<vmem>>, vector<1x16xf32>,
    %swap3A_611 = vector.shape_cast %swap3A_610 : vector<1x16xf32> to vector<16xf32>
    %swap3A_612 = vector.shape_cast %broadcast_in_dim3A_1 : vector<16xf32> to vector<1x16xf32>
    tpu.vector_store %arg22[%swap3A_608, %swap3A_609], %swap3A_612 {strides = array<i32>} : memref<16x128xf32, #tpu.memory_space<vmem>>, vector<1x16xf32>,
    %swap3A_613 = arith.constant 12 : i32
    %swap3A_614 = arith.index_cast %swap3A_613 : i32 to index
    %swap3A_615 = arith.constant 96 : index
    %swap3A_616 = tpu.vector_load %arg22[%swap3A_614, %swap3A_615] {strides = array<i32>} : memref<16x128xf32, #tpu.memory_space<vmem>>, vector<1x16xf32>,
    %swap3A_617 = vector.shape_cast %swap3A_616 : vector<1x16xf32> to vector<16xf32>
    %swap3A_618 = vector.shape_cast %broadcast_in_dim3A_1 : vector<16xf32> to vector<1x16xf32>
    tpu.vector_store %arg22[%swap3A_614, %swap3A_615], %swap3A_618 {strides = array<i32>} : memref<16x128xf32, #tpu.memory_space<vmem>>, vector<1x16xf32>,
    %swap3A_619 = arith.constant 12 : i32
    %swap3A_620 = arith.index_cast %swap3A_619 : i32 to index
    %swap3A_621 = arith.constant 112 : index
    %swap3A_622 = tpu.vector_load %arg22[%swap3A_620, %swap3A_621] {strides = array<i32>} : memref<16x128xf32, #tpu.memory_space<vmem>>, vector<1x16xf32>,
    %swap3A_623 = vector.shape_cast %swap3A_622 : vector<1x16xf32> to vector<16xf32>
    %swap3A_624 = vector.shape_cast %broadcast_in_dim3A_1 : vector<16xf32> to vector<1x16xf32>
    tpu.vector_store %arg22[%swap3A_620, %swap3A_621], %swap3A_624 {strides = array<i32>} : memref<16x128xf32, #tpu.memory_space<vmem>>, vector<1x16xf32>,
    %swap3A_625 = arith.constant 13 : i32
    %swap3A_626 = arith.index_cast %swap3A_625 : i32 to index
    %swap3A_627 = arith.constant 0 : index
    %swap3A_628 = tpu.vector_load %arg22[%swap3A_626, %swap3A_627] {strides = array<i32>} : memref<16x128xf32, #tpu.memory_space<vmem>>, vector<1x16xf32>,
    %swap3A_629 = vector.shape_cast %swap3A_628 : vector<1x16xf32> to vector<16xf32>
    %swap3A_630 = vector.shape_cast %broadcast_in_dim3A_1 : vector<16xf32> to vector<1x16xf32>
    tpu.vector_store %arg22[%swap3A_626, %swap3A_627], %swap3A_630 {strides = array<i32>} : memref<16x128xf32, #tpu.memory_space<vmem>>, vector<1x16xf32>,
    %swap3A_631 = arith.constant 13 : i32
    %swap3A_632 = arith.index_cast %swap3A_631 : i32 to index
    %swap3A_633 = arith.constant 16 : index
    %swap3A_634 = tpu.vector_load %arg22[%swap3A_632, %swap3A_633] {strides = array<i32>} : memref<16x128xf32, #tpu.memory_space<vmem>>, vector<1x16xf32>,
    %swap3A_635 = vector.shape_cast %swap3A_634 : vector<1x16xf32> to vector<16xf32>
    %swap3A_636 = vector.shape_cast %broadcast_in_dim3A_1 : vector<16xf32> to vector<1x16xf32>
    tpu.vector_store %arg22[%swap3A_632, %swap3A_633], %swap3A_636 {strides = array<i32>} : memref<16x128xf32, #tpu.memory_space<vmem>>, vector<1x16xf32>,
    %swap3A_637 = arith.constant 13 : i32
    %swap3A_638 = arith.index_cast %swap3A_637 : i32 to index
    %swap3A_639 = arith.constant 32 : index
    %swap3A_640 = tpu.vector_load %arg22[%swap3A_638, %swap3A_639] {strides = array<i32>} : memref<16x128xf32, #tpu.memory_space<vmem>>, vector<1x16xf32>,
    %swap3A_641 = vector.shape_cast %swap3A_640 : vector<1x16xf32> to vector<16xf32>
    %swap3A_642 = vector.shape_cast %broadcast_in_dim3A_1 : vector<16xf32> to vector<1x16xf32>
    tpu.vector_store %arg22[%swap3A_638, %swap3A_639], %swap3A_642 {strides = array<i32>} : memref<16x128xf32, #tpu.memory_space<vmem>>, vector<1x16xf32>,
    %swap3A_643 = arith.constant 13 : i32
    %swap3A_644 = arith.index_cast %swap3A_643 : i32 to index
    %swap3A_645 = arith.constant 48 : index
    %swap3A_646 = tpu.vector_load %arg22[%swap3A_644, %swap3A_645] {strides = array<i32>} : memref<16x128xf32, #tpu.memory_space<vmem>>, vector<1x16xf32>,
    %swap3A_647 = vector.shape_cast %swap3A_646 : vector<1x16xf32> to vector<16xf32>
    %swap3A_648 = vector.shape_cast %broadcast_in_dim3A_1 : vector<16xf32> to vector<1x16xf32>
    tpu.vector_store %arg22[%swap3A_644, %swap3A_645], %swap3A_648 {strides = array<i32>} : memref<16x128xf32, #tpu.memory_space<vmem>>, vector<1x16xf32>,
    %swap3A_649 = arith.constant 13 : i32
    %swap3A_650 = arith.index_cast %swap3A_649 : i32 to index
    %swap3A_651 = arith.constant 64 : index
    %swap3A_652 = tpu.vector_load %arg22[%swap3A_650, %swap3A_651] {strides = array<i32>} : memref<16x128xf32, #tpu.memory_space<vmem>>, vector<1x16xf32>,
    %swap3A_653 = vector.shape_cast %swap3A_652 : vector<1x16xf32> to vector<16xf32>
    %swap3A_654 = vector.shape_cast %broadcast_in_dim3A_1 : vector<16xf32> to vector<1x16xf32>
    tpu.vector_store %arg22[%swap3A_650, %swap3A_651], %swap3A_654 {strides = array<i32>} : memref<16x128xf32, #tpu.memory_space<vmem>>, vector<1x16xf32>,
    %swap3A_655 = arith.constant 13 : i32
    %swap3A_656 = arith.index_cast %swap3A_655 : i32 to index
    %swap3A_657 = arith.constant 80 : index
    %swap3A_658 = tpu.vector_load %arg22[%swap3A_656, %swap3A_657] {strides = array<i32>} : memref<16x128xf32, #tpu.memory_space<vmem>>, vector<1x16xf32>,
    %swap3A_659 = vector.shape_cast %swap3A_658 : vector<1x16xf32> to vector<16xf32>
    %swap3A_660 = vector.shape_cast %broadcast_in_dim3A_1 : vector<16xf32> to vector<1x16xf32>
    tpu.vector_store %arg22[%swap3A_656, %swap3A_657], %swap3A_660 {strides = array<i32>} : memref<16x128xf32, #tpu.memory_space<vmem>>, vector<1x16xf32>,
    %swap3A_661 = arith.constant 13 : i32
    %swap3A_662 = arith.index_cast %swap3A_661 : i32 to index
    %swap3A_663 = arith.constant 96 : index
    %swap3A_664 = tpu.vector_load %arg22[%swap3A_662, %swap3A_663] {strides = array<i32>} : memref<16x128xf32, #tpu.memory_space<vmem>>, vector<1x16xf32>,
    %swap3A_665 = vector.shape_cast %swap3A_664 : vector<1x16xf32> to vector<16xf32>
    %swap3A_666 = vector.shape_cast %broadcast_in_dim3A_1 : vector<16xf32> to vector<1x16xf32>
    tpu.vector_store %arg22[%swap3A_662, %swap3A_663], %swap3A_666 {strides = array<i32>} : memref<16x128xf32, #tpu.memory_space<vmem>>, vector<1x16xf32>,
    %swap3A_667 = arith.constant 13 : i32
    %swap3A_668 = arith.index_cast %swap3A_667 : i32 to index
    %swap3A_669 = arith.constant 112 : index
    %swap3A_670 = tpu.vector_load %arg22[%swap3A_668, %swap3A_669] {strides = array<i32>} : memref<16x128xf32, #tpu.memory_space<vmem>>, vector<1x16xf32>,
    %swap3A_671 = vector.shape_cast %swap3A_670 : vector<1x16xf32> to vector<16xf32>
    %swap3A_672 = vector.shape_cast %broadcast_in_dim3A_1 : vector<16xf32> to vector<1x16xf32>
    tpu.vector_store %arg22[%swap3A_668, %swap3A_669], %swap3A_672 {strides = array<i32>} : memref<16x128xf32, #tpu.memory_space<vmem>>, vector<1x16xf32>,
    %swap3A_673 = arith.constant 14 : i32
    %swap3A_674 = arith.index_cast %swap3A_673 : i32 to index
    %swap3A_675 = arith.constant 0 : index
    %swap3A_676 = tpu.vector_load %arg22[%swap3A_674, %swap3A_675] {strides = array<i32>} : memref<16x128xf32, #tpu.memory_space<vmem>>, vector<1x16xf32>,
    %swap3A_677 = vector.shape_cast %swap3A_676 : vector<1x16xf32> to vector<16xf32>
    %swap3A_678 = vector.shape_cast %broadcast_in_dim3A_1 : vector<16xf32> to vector<1x16xf32>
    tpu.vector_store %arg22[%swap3A_674, %swap3A_675], %swap3A_678 {strides = array<i32>} : memref<16x128xf32, #tpu.memory_space<vmem>>, vector<1x16xf32>,
    %swap3A_679 = arith.constant 14 : i32
    %swap3A_680 = arith.index_cast %swap3A_679 : i32 to index
    %swap3A_681 = arith.constant 16 : index
    %swap3A_682 = tpu.vector_load %arg22[%swap3A_680, %swap3A_681] {strides = array<i32>} : memref<16x128xf32, #tpu.memory_space<vmem>>, vector<1x16xf32>,
    %swap3A_683 = vector.shape_cast %swap3A_682 : vector<1x16xf32> to vector<16xf32>
    %swap3A_684 = vector.shape_cast %broadcast_in_dim3A_1 : vector<16xf32> to vector<1x16xf32>
    tpu.vector_store %arg22[%swap3A_680, %swap3A_681], %swap3A_684 {strides = array<i32>} : memref<16x128xf32, #tpu.memory_space<vmem>>, vector<1x16xf32>,
    %swap3A_685 = arith.constant 14 : i32
    %swap3A_686 = arith.index_cast %swap3A_685 : i32 to index
    %swap3A_687 = arith.constant 32 : index
    %swap3A_688 = tpu.vector_load %arg22[%swap3A_686, %swap3A_687] {strides = array<i32>} : memref<16x128xf32, #tpu.memory_space<vmem>>, vector<1x16xf32>,
    %swap3A_689 = vector.shape_cast %swap3A_688 : vector<1x16xf32> to vector<16xf32>
    %swap3A_690 = vector.shape_cast %broadcast_in_dim3A_1 : vector<16xf32> to vector<1x16xf32>
    tpu.vector_store %arg22[%swap3A_686, %swap3A_687], %swap3A_690 {strides = array<i32>} : memref<16x128xf32, #tpu.memory_space<vmem>>, vector<1x16xf32>,
    %swap3A_691 = arith.constant 14 : i32
    %swap3A_692 = arith.index_cast %swap3A_691 : i32 to index
    %swap3A_693 = arith.constant 48 : index
    %swap3A_694 = tpu.vector_load %arg22[%swap3A_692, %swap3A_693] {strides = array<i32>} : memref<16x128xf32, #tpu.memory_space<vmem>>, vector<1x16xf32>,
    %swap3A_695 = vector.shape_cast %swap3A_694 : vector<1x16xf32> to vector<16xf32>
    %swap3A_696 = vector.shape_cast %broadcast_in_dim3A_1 : vector<16xf32> to vector<1x16xf32>
    tpu.vector_store %arg22[%swap3A_692, %swap3A_693], %swap3A_696 {strides = array<i32>} : memref<16x128xf32, #tpu.memory_space<vmem>>, vector<1x16xf32>,
    %swap3A_697 = arith.constant 14 : i32
    %swap3A_698 = arith.index_cast %swap3A_697 : i32 to index
    %swap3A_699 = arith.constant 64 : index
    %swap3A_700 = tpu.vector_load %arg22[%swap3A_698, %swap3A_699] {strides = array<i32>} : memref<16x128xf32, #tpu.memory_space<vmem>>, vector<1x16xf32>,
    %swap3A_701 = vector.shape_cast %swap3A_700 : vector<1x16xf32> to vector<16xf32>
    %swap3A_702 = vector.shape_cast %broadcast_in_dim3A_1 : vector<16xf32> to vector<1x16xf32>
    tpu.vector_store %arg22[%swap3A_698, %swap3A_699], %swap3A_702 {strides = array<i32>} : memref<16x128xf32, #tpu.memory_space<vmem>>, vector<1x16xf32>,
    %swap3A_703 = arith.constant 14 : i32
    %swap3A_704 = arith.index_cast %swap3A_703 : i32 to index
    %swap3A_705 = arith.constant 80 : index
    %swap3A_706 = tpu.vector_load %arg22[%swap3A_704, %swap3A_705] {strides = array<i32>} : memref<16x128xf32, #tpu.memory_space<vmem>>, vector<1x16xf32>,
    %swap3A_707 = vector.shape_cast %swap3A_706 : vector<1x16xf32> to vector<16xf32>
    %swap3A_708 = vector.shape_cast %broadcast_in_dim3A_1 : vector<16xf32> to vector<1x16xf32>
    tpu.vector_store %arg22[%swap3A_704, %swap3A_705], %swap3A_708 {strides = array<i32>} : memref<16x128xf32, #tpu.memory_space<vmem>>, vector<1x16xf32>,
    %swap3A_709 = arith.constant 14 : i32
    %swap3A_710 = arith.index_cast %swap3A_709 : i32 to index
    %swap3A_711 = arith.constant 96 : index
    %swap3A_712 = tpu.vector_load %arg22[%swap3A_710, %swap3A_711] {strides = array<i32>} : memref<16x128xf32, #tpu.memory_space<vmem>>, vector<1x16xf32>,
    %swap3A_713 = vector.shape_cast %swap3A_712 : vector<1x16xf32> to vector<16xf32>
    %swap3A_714 = vector.shape_cast %broadcast_in_dim3A_1 : vector<16xf32> to vector<1x16xf32>
    tpu.vector_store %arg22[%swap3A_710, %swap3A_711], %swap3A_714 {strides = array<i32>} : memref<16x128xf32, #tpu.memory_space<vmem>>, vector<1x16xf32>,
    %swap3A_715 = arith.constant 14 : i32
    %swap3A_716 = arith.index_cast %swap3A_715 : i32 to index
    %swap3A_717 = arith.constant 112 : index
    %swap3A_718 = tpu.vector_load %arg22[%swap3A_716, %swap3A_717] {strides = array<i32>} : memref<16x128xf32, #tpu.memory_space<vmem>>, vector<1x16xf32>,
    %swap3A_719 = vector.shape_cast %swap3A_718 : vector<1x16xf32> to vector<16xf32>
    %swap3A_720 = vector.shape_cast %broadcast_in_dim3A_1 : vector<16xf32> to vector<1x16xf32>
    tpu.vector_store %arg22[%swap3A_716, %swap3A_717], %swap3A_720 {strides = array<i32>} : memref<16x128xf32, #tpu.memory_space<vmem>>, vector<1x16xf32>,
    %swap3A_721 = arith.constant 15 : i32
    %swap3A_722 = arith.index_cast %swap3A_721 : i32 to index
    %swap3A_723 = arith.constant 0 : index
    %swap3A_724 = tpu.vector_load %arg22[%swap3A_722, %swap3A_723] {strides = array<i32>} : memref<16x128xf32, #tpu.memory_space<vmem>>, vector<1x16xf32>,
    %swap3A_725 = vector.shape_cast %swap3A_724 : vector<1x16xf32> to vector<16xf32>
    %swap3A_726 = vector.shape_cast %broadcast_in_dim3A_1 : vector<16xf32> to vector<1x16xf32>
    tpu.vector_store %arg22[%swap3A_722, %swap3A_723], %swap3A_726 {strides = array<i32>} : memref<16x128xf32, #tpu.memory_space<vmem>>, vector<1x16xf32>,
    %swap3A_727 = arith.constant 15 : i32
    %swap3A_728 = arith.index_cast %swap3A_727 : i32 to index
    %swap3A_729 = arith.constant 16 : index
    %swap3A_730 = tpu.vector_load %arg22[%swap3A_728, %swap3A_729] {strides = array<i32>} : memref<16x128xf32, #tpu.memory_space<vmem>>, vector<1x16xf32>,
    %swap3A_731 = vector.shape_cast %swap3A_730 : vector<1x16xf32> to vector<16xf32>
    %swap3A_732 = vector.shape_cast %broadcast_in_dim3A_1 : vector<16xf32> to vector<1x16xf32>
    tpu.vector_store %arg22[%swap3A_728, %swap3A_729], %swap3A_732 {strides = array<i32>} : memref<16x128xf32, #tpu.memory_space<vmem>>, vector<1x16xf32>,
    %swap3A_733 = arith.constant 15 : i32
    %swap3A_734 = arith.index_cast %swap3A_733 : i32 to index
    %swap3A_735 = arith.constant 32 : index
    %swap3A_736 = tpu.vector_load %arg22[%swap3A_734, %swap3A_735] {strides = array<i32>} : memref<16x128xf32, #tpu.memory_space<vmem>>, vector<1x16xf32>,
    %swap3A_737 = vector.shape_cast %swap3A_736 : vector<1x16xf32> to vector<16xf32>
    %swap3A_738 = vector.shape_cast %broadcast_in_dim3A_1 : vector<16xf32> to vector<1x16xf32>
    tpu.vector_store %arg22[%swap3A_734, %swap3A_735], %swap3A_738 {strides = array<i32>} : memref<16x128xf32, #tpu.memory_space<vmem>>, vector<1x16xf32>,
    %swap3A_739 = arith.constant 15 : i32
    %swap3A_740 = arith.index_cast %swap3A_739 : i32 to index
    %swap3A_741 = arith.constant 48 : index
    %swap3A_742 = tpu.vector_load %arg22[%swap3A_740, %swap3A_741] {strides = array<i32>} : memref<16x128xf32, #tpu.memory_space<vmem>>, vector<1x16xf32>,
    %swap3A_743 = vector.shape_cast %swap3A_742 : vector<1x16xf32> to vector<16xf32>
    %swap3A_744 = vector.shape_cast %broadcast_in_dim3A_1 : vector<16xf32> to vector<1x16xf32>
    tpu.vector_store %arg22[%swap3A_740, %swap3A_741], %swap3A_744 {strides = array<i32>} : memref<16x128xf32, #tpu.memory_space<vmem>>, vector<1x16xf32>,
    %swap3A_745 = arith.constant 15 : i32
    %swap3A_746 = arith.index_cast %swap3A_745 : i32 to index
    %swap3A_747 = arith.constant 64 : index
    %swap3A_748 = tpu.vector_load %arg22[%swap3A_746, %swap3A_747] {strides = array<i32>} : memref<16x128xf32, #tpu.memory_space<vmem>>, vector<1x16xf32>,
    %swap3A_749 = vector.shape_cast %swap3A_748 : vector<1x16xf32> to vector<16xf32>
    %swap3A_750 = vector.shape_cast %broadcast_in_dim3A_1 : vector<16xf32> to vector<1x16xf32>
    tpu.vector_store %arg22[%swap3A_746, %swap3A_747], %swap3A_750 {strides = array<i32>} : memref<16x128xf32, #tpu.memory_space<vmem>>, vector<1x16xf32>,
    %swap3A_751 = arith.constant 15 : i32
    %swap3A_752 = arith.index_cast %swap3A_751 : i32 to index
    %swap3A_753 = arith.constant 80 : index
    %swap3A_754 = tpu.vector_load %arg22[%swap3A_752, %swap3A_753] {strides = array<i32>} : memref<16x128xf32, #tpu.memory_space<vmem>>, vector<1x16xf32>,
    %swap3A_755 = vector.shape_cast %swap3A_754 : vector<1x16xf32> to vector<16xf32>
    %swap3A_756 = vector.shape_cast %broadcast_in_dim3A_1 : vector<16xf32> to vector<1x16xf32>
    tpu.vector_store %arg22[%swap3A_752, %swap3A_753], %swap3A_756 {strides = array<i32>} : memref<16x128xf32, #tpu.memory_space<vmem>>, vector<1x16xf32>,
    %swap3A_757 = arith.constant 15 : i32
    %swap3A_758 = arith.index_cast %swap3A_757 : i32 to index
    %swap3A_759 = arith.constant 96 : index
    %swap3A_760 = tpu.vector_load %arg22[%swap3A_758, %swap3A_759] {strides = array<i32>} : memref<16x128xf32, #tpu.memory_space<vmem>>, vector<1x16xf32>,
    %swap3A_761 = vector.shape_cast %swap3A_760 : vector<1x16xf32> to vector<16xf32>
    %swap3A_762 = vector.shape_cast %broadcast_in_dim3A_1 : vector<16xf32> to vector<1x16xf32>
    tpu.vector_store %arg22[%swap3A_758, %swap3A_759], %swap3A_762 {strides = array<i32>} : memref<16x128xf32, #tpu.memory_space<vmem>>, vector<1x16xf32>,
    %swap3A_763 = arith.constant 15 : i32
    %swap3A_764 = arith.index_cast %swap3A_763 : i32 to index
    %swap3A_765 = arith.constant 112 : index
    %swap3A_766 = tpu.vector_load %arg22[%swap3A_764, %swap3A_765] {strides = array<i32>} : memref<16x128xf32, #tpu.memory_space<vmem>>, vector<1x16xf32>,
    %swap3A_767 = vector.shape_cast %swap3A_766 : vector<1x16xf32> to vector<16xf32>
    %swap3A_768 = vector.shape_cast %broadcast_in_dim3A_1 : vector<16xf32> to vector<1x16xf32>
    tpu.vector_store %arg22[%swap3A_764, %swap3A_765], %swap3A_768 {strides = array<i32>} : memref<16x128xf32, #tpu.memory_space<vmem>>, vector<1x16xf32>,
    %swap3A_769 = arith.constant 0 : index
    %swap3A_770 = tpu.vector_load %arg23[%swap3A_769] {strides = array<i32>} : memref<640xf32, #tpu.memory_space<vmem>>, vector<16xf32>,
    %swap3A_771 = vector.shape_cast %swap3A_770 : vector<16xf32> to vector<16xf32>
    %swap3A_772 = vector.shape_cast %broadcast_in_dim3A_1 : vector<16xf32> to vector<16xf32>
    tpu.vector_store %arg23[%swap3A_769], %swap3A_772 {strides = array<i32>} : memref<640xf32, #tpu.memory_space<vmem>>, vector<16xf32>,
    %swap3A_773 = arith.constant 16 : index
    %swap3A_774 = tpu.vector_load %arg23[%swap3A_773] {strides = array<i32>} : memref<640xf32, #tpu.memory_space<vmem>>, vector<16xf32>,
    %swap3A_775 = vector.shape_cast %swap3A_774 : vector<16xf32> to vector<16xf32>
    %swap3A_776 = vector.shape_cast %broadcast_in_dim3A_1 : vector<16xf32> to vector<16xf32>
    tpu.vector_store %arg23[%swap3A_773], %swap3A_776 {strides = array<i32>} : memref<640xf32, #tpu.memory_space<vmem>>, vector<16xf32>,
    %swap3A_777 = arith.constant 32 : index
    %swap3A_778 = tpu.vector_load %arg23[%swap3A_777] {strides = array<i32>} : memref<640xf32, #tpu.memory_space<vmem>>, vector<16xf32>,
    %swap3A_779 = vector.shape_cast %swap3A_778 : vector<16xf32> to vector<16xf32>
    %swap3A_780 = vector.shape_cast %broadcast_in_dim3A_1 : vector<16xf32> to vector<16xf32>
    tpu.vector_store %arg23[%swap3A_777], %swap3A_780 {strides = array<i32>} : memref<640xf32, #tpu.memory_space<vmem>>, vector<16xf32>,
    %swap3A_781 = arith.constant 48 : index
    %swap3A_782 = tpu.vector_load %arg23[%swap3A_781] {strides = array<i32>} : memref<640xf32, #tpu.memory_space<vmem>>, vector<16xf32>,
    %swap3A_783 = vector.shape_cast %swap3A_782 : vector<16xf32> to vector<16xf32>
    %swap3A_784 = vector.shape_cast %broadcast_in_dim3A_1 : vector<16xf32> to vector<16xf32>
    tpu.vector_store %arg23[%swap3A_781], %swap3A_784 {strides = array<i32>} : memref<640xf32, #tpu.memory_space<vmem>>, vector<16xf32>,
    %swap3A_785 = arith.constant 64 : index
    %swap3A_786 = tpu.vector_load %arg23[%swap3A_785] {strides = array<i32>} : memref<640xf32, #tpu.memory_space<vmem>>, vector<16xf32>,
    %swap3A_787 = vector.shape_cast %swap3A_786 : vector<16xf32> to vector<16xf32>
    %swap3A_788 = vector.shape_cast %broadcast_in_dim3A_1 : vector<16xf32> to vector<16xf32>
    tpu.vector_store %arg23[%swap3A_785], %swap3A_788 {strides = array<i32>} : memref<640xf32, #tpu.memory_space<vmem>>, vector<16xf32>,
    %swap3A_789 = arith.constant 80 : index
    %swap3A_790 = tpu.vector_load %arg23[%swap3A_789] {strides = array<i32>} : memref<640xf32, #tpu.memory_space<vmem>>, vector<16xf32>,
    %swap3A_791 = vector.shape_cast %swap3A_790 : vector<16xf32> to vector<16xf32>
    %swap3A_792 = vector.shape_cast %broadcast_in_dim3A_1 : vector<16xf32> to vector<16xf32>
    tpu.vector_store %arg23[%swap3A_789], %swap3A_792 {strides = array<i32>} : memref<640xf32, #tpu.memory_space<vmem>>, vector<16xf32>,
    %swap3A_793 = arith.constant 96 : index
    %swap3A_794 = tpu.vector_load %arg23[%swap3A_793] {strides = array<i32>} : memref<640xf32, #tpu.memory_space<vmem>>, vector<16xf32>,
    %swap3A_795 = vector.shape_cast %swap3A_794 : vector<16xf32> to vector<16xf32>
    %swap3A_796 = vector.shape_cast %broadcast_in_dim3A_1 : vector<16xf32> to vector<16xf32>
    tpu.vector_store %arg23[%swap3A_793], %swap3A_796 {strides = array<i32>} : memref<640xf32, #tpu.memory_space<vmem>>, vector<16xf32>,
    %swap3A_797 = arith.constant 112 : index
    %swap3A_798 = tpu.vector_load %arg23[%swap3A_797] {strides = array<i32>} : memref<640xf32, #tpu.memory_space<vmem>>, vector<16xf32>,
    %swap3A_799 = vector.shape_cast %swap3A_798 : vector<16xf32> to vector<16xf32>
    %swap3A_800 = vector.shape_cast %broadcast_in_dim3A_1 : vector<16xf32> to vector<16xf32>
    tpu.vector_store %arg23[%swap3A_797], %swap3A_800 {strides = array<i32>} : memref<640xf32, #tpu.memory_space<vmem>>, vector<16xf32>,
    %swap3A_801 = arith.constant 128 : index
    %swap3A_802 = tpu.vector_load %arg23[%swap3A_801] {strides = array<i32>} : memref<640xf32, #tpu.memory_space<vmem>>, vector<16xf32>,
    %swap3A_803 = vector.shape_cast %swap3A_802 : vector<16xf32> to vector<16xf32>
    %swap3A_804 = vector.shape_cast %broadcast_in_dim3A_1 : vector<16xf32> to vector<16xf32>
    tpu.vector_store %arg23[%swap3A_801], %swap3A_804 {strides = array<i32>} : memref<640xf32, #tpu.memory_space<vmem>>, vector<16xf32>,
    %swap3A_805 = arith.constant 144 : index
    %swap3A_806 = tpu.vector_load %arg23[%swap3A_805] {strides = array<i32>} : memref<640xf32, #tpu.memory_space<vmem>>, vector<16xf32>,
    %swap3A_807 = vector.shape_cast %swap3A_806 : vector<16xf32> to vector<16xf32>
    %swap3A_808 = vector.shape_cast %broadcast_in_dim3A_1 : vector<16xf32> to vector<16xf32>
    tpu.vector_store %arg23[%swap3A_805], %swap3A_808 {strides = array<i32>} : memref<640xf32, #tpu.memory_space<vmem>>, vector<16xf32>,
    %swap3A_809 = arith.constant 160 : index
    %swap3A_810 = tpu.vector_load %arg23[%swap3A_809] {strides = array<i32>} : memref<640xf32, #tpu.memory_space<vmem>>, vector<16xf32>,
    %swap3A_811 = vector.shape_cast %swap3A_810 : vector<16xf32> to vector<16xf32>
    %swap3A_812 = vector.shape_cast %broadcast_in_dim3A_1 : vector<16xf32> to vector<16xf32>
    tpu.vector_store %arg23[%swap3A_809], %swap3A_812 {strides = array<i32>} : memref<640xf32, #tpu.memory_space<vmem>>, vector<16xf32>,
    %swap3A_813 = arith.constant 176 : index
    %swap3A_814 = tpu.vector_load %arg23[%swap3A_813] {strides = array<i32>} : memref<640xf32, #tpu.memory_space<vmem>>, vector<16xf32>,
    %swap3A_815 = vector.shape_cast %swap3A_814 : vector<16xf32> to vector<16xf32>
    %swap3A_816 = vector.shape_cast %broadcast_in_dim3A_1 : vector<16xf32> to vector<16xf32>
    tpu.vector_store %arg23[%swap3A_813], %swap3A_816 {strides = array<i32>} : memref<640xf32, #tpu.memory_space<vmem>>, vector<16xf32>,
    %swap3A_817 = arith.constant 192 : index
    %swap3A_818 = tpu.vector_load %arg23[%swap3A_817] {strides = array<i32>} : memref<640xf32, #tpu.memory_space<vmem>>, vector<16xf32>,
    %swap3A_819 = vector.shape_cast %swap3A_818 : vector<16xf32> to vector<16xf32>
    %swap3A_820 = vector.shape_cast %broadcast_in_dim3A_1 : vector<16xf32> to vector<16xf32>
    tpu.vector_store %arg23[%swap3A_817], %swap3A_820 {strides = array<i32>} : memref<640xf32, #tpu.memory_space<vmem>>, vector<16xf32>,
    %swap3A_821 = arith.constant 208 : index
    %swap3A_822 = tpu.vector_load %arg23[%swap3A_821] {strides = array<i32>} : memref<640xf32, #tpu.memory_space<vmem>>, vector<16xf32>,
    %swap3A_823 = vector.shape_cast %swap3A_822 : vector<16xf32> to vector<16xf32>
    %swap3A_824 = vector.shape_cast %broadcast_in_dim3A_1 : vector<16xf32> to vector<16xf32>
    tpu.vector_store %arg23[%swap3A_821], %swap3A_824 {strides = array<i32>} : memref<640xf32, #tpu.memory_space<vmem>>, vector<16xf32>,
    %swap3A_825 = arith.constant 224 : index
    %swap3A_826 = tpu.vector_load %arg23[%swap3A_825] {strides = array<i32>} : memref<640xf32, #tpu.memory_space<vmem>>, vector<16xf32>,
    %swap3A_827 = vector.shape_cast %swap3A_826 : vector<16xf32> to vector<16xf32>
    %swap3A_828 = vector.shape_cast %broadcast_in_dim3A_1 : vector<16xf32> to vector<16xf32>
    tpu.vector_store %arg23[%swap3A_825], %swap3A_828 {strides = array<i32>} : memref<640xf32, #tpu.memory_space<vmem>>, vector<16xf32>,
    %swap3A_829 = arith.constant 240 : index
    %swap3A_830 = tpu.vector_load %arg23[%swap3A_829] {strides = array<i32>} : memref<640xf32, #tpu.memory_space<vmem>>, vector<16xf32>,
    %swap3A_831 = vector.shape_cast %swap3A_830 : vector<16xf32> to vector<16xf32>
    %swap3A_832 = vector.shape_cast %broadcast_in_dim3A_1 : vector<16xf32> to vector<16xf32>
    tpu.vector_store %arg23[%swap3A_829], %swap3A_832 {strides = array<i32>} : memref<640xf32, #tpu.memory_space<vmem>>, vector<16xf32>,
    %swap3A_833 = arith.constant 256 : index
    %swap3A_834 = tpu.vector_load %arg23[%swap3A_833] {strides = array<i32>} : memref<640xf32, #tpu.memory_space<vmem>>, vector<16xf32>,
    %swap3A_835 = vector.shape_cast %swap3A_834 : vector<16xf32> to vector<16xf32>
    %swap3A_836 = vector.shape_cast %broadcast_in_dim3A_1 : vector<16xf32> to vector<16xf32>
    tpu.vector_store %arg23[%swap3A_833], %swap3A_836 {strides = array<i32>} : memref<640xf32, #tpu.memory_space<vmem>>, vector<16xf32>,
    %swap3A_837 = arith.constant 272 : index
    %swap3A_838 = tpu.vector_load %arg23[%swap3A_837] {strides = array<i32>} : memref<640xf32, #tpu.memory_space<vmem>>, vector<16xf32>,
    %swap3A_839 = vector.shape_cast %swap3A_838 : vector<16xf32> to vector<16xf32>
    %swap3A_840 = vector.shape_cast %broadcast_in_dim3A_1 : vector<16xf32> to vector<16xf32>
    tpu.vector_store %arg23[%swap3A_837], %swap3A_840 {strides = array<i32>} : memref<640xf32, #tpu.memory_space<vmem>>, vector<16xf32>,
    %swap3A_841 = arith.constant 288 : index
    %swap3A_842 = tpu.vector_load %arg23[%swap3A_841] {strides = array<i32>} : memref<640xf32, #tpu.memory_space<vmem>>, vector<16xf32>,
    %swap3A_843 = vector.shape_cast %swap3A_842 : vector<16xf32> to vector<16xf32>
    %swap3A_844 = vector.shape_cast %broadcast_in_dim3A_1 : vector<16xf32> to vector<16xf32>
    tpu.vector_store %arg23[%swap3A_841], %swap3A_844 {strides = array<i32>} : memref<640xf32, #tpu.memory_space<vmem>>, vector<16xf32>,
    %swap3A_845 = arith.constant 304 : index
    %swap3A_846 = tpu.vector_load %arg23[%swap3A_845] {strides = array<i32>} : memref<640xf32, #tpu.memory_space<vmem>>, vector<16xf32>,
    %swap3A_847 = vector.shape_cast %swap3A_846 : vector<16xf32> to vector<16xf32>
    %swap3A_848 = vector.shape_cast %broadcast_in_dim3A_1 : vector<16xf32> to vector<16xf32>
    tpu.vector_store %arg23[%swap3A_845], %swap3A_848 {strides = array<i32>} : memref<640xf32, #tpu.memory_space<vmem>>, vector<16xf32>,
    %swap3A_849 = arith.constant 320 : index
    %swap3A_850 = tpu.vector_load %arg23[%swap3A_849] {strides = array<i32>} : memref<640xf32, #tpu.memory_space<vmem>>, vector<16xf32>,
    %swap3A_851 = vector.shape_cast %swap3A_850 : vector<16xf32> to vector<16xf32>
    %swap3A_852 = vector.shape_cast %broadcast_in_dim3A_1 : vector<16xf32> to vector<16xf32>
    tpu.vector_store %arg23[%swap3A_849], %swap3A_852 {strides = array<i32>} : memref<640xf32, #tpu.memory_space<vmem>>, vector<16xf32>,
    %swap3A_853 = arith.constant 336 : index
    %swap3A_854 = tpu.vector_load %arg23[%swap3A_853] {strides = array<i32>} : memref<640xf32, #tpu.memory_space<vmem>>, vector<16xf32>,
    %swap3A_855 = vector.shape_cast %swap3A_854 : vector<16xf32> to vector<16xf32>
    %swap3A_856 = vector.shape_cast %broadcast_in_dim3A_1 : vector<16xf32> to vector<16xf32>
    tpu.vector_store %arg23[%swap3A_853], %swap3A_856 {strides = array<i32>} : memref<640xf32, #tpu.memory_space<vmem>>, vector<16xf32>,
    %swap3A_857 = arith.constant 352 : index
    %swap3A_858 = tpu.vector_load %arg23[%swap3A_857] {strides = array<i32>} : memref<640xf32, #tpu.memory_space<vmem>>, vector<16xf32>,
    %swap3A_859 = vector.shape_cast %swap3A_858 : vector<16xf32> to vector<16xf32>
    %swap3A_860 = vector.shape_cast %broadcast_in_dim3A_1 : vector<16xf32> to vector<16xf32>
    tpu.vector_store %arg23[%swap3A_857], %swap3A_860 {strides = array<i32>} : memref<640xf32, #tpu.memory_space<vmem>>, vector<16xf32>,
    %swap3A_861 = arith.constant 368 : index
    %swap3A_862 = tpu.vector_load %arg23[%swap3A_861] {strides = array<i32>} : memref<640xf32, #tpu.memory_space<vmem>>, vector<16xf32>,
    %swap3A_863 = vector.shape_cast %swap3A_862 : vector<16xf32> to vector<16xf32>
    %swap3A_864 = vector.shape_cast %broadcast_in_dim3A_1 : vector<16xf32> to vector<16xf32>
    tpu.vector_store %arg23[%swap3A_861], %swap3A_864 {strides = array<i32>} : memref<640xf32, #tpu.memory_space<vmem>>, vector<16xf32>,
    %swap3A_865 = arith.constant 384 : index
    %swap3A_866 = tpu.vector_load %arg23[%swap3A_865] {strides = array<i32>} : memref<640xf32, #tpu.memory_space<vmem>>, vector<16xf32>,
    %swap3A_867 = vector.shape_cast %swap3A_866 : vector<16xf32> to vector<16xf32>
    %swap3A_868 = vector.shape_cast %broadcast_in_dim3A_1 : vector<16xf32> to vector<16xf32>
    tpu.vector_store %arg23[%swap3A_865], %swap3A_868 {strides = array<i32>} : memref<640xf32, #tpu.memory_space<vmem>>, vector<16xf32>,
    %swap3A_869 = arith.constant 400 : index
    %swap3A_870 = tpu.vector_load %arg23[%swap3A_869] {strides = array<i32>} : memref<640xf32, #tpu.memory_space<vmem>>, vector<16xf32>,
    %swap3A_871 = vector.shape_cast %swap3A_870 : vector<16xf32> to vector<16xf32>
    %swap3A_872 = vector.shape_cast %broadcast_in_dim3A_1 : vector<16xf32> to vector<16xf32>
    tpu.vector_store %arg23[%swap3A_869], %swap3A_872 {strides = array<i32>} : memref<640xf32, #tpu.memory_space<vmem>>, vector<16xf32>,
    %swap3A_873 = arith.constant 416 : index
    %swap3A_874 = tpu.vector_load %arg23[%swap3A_873] {strides = array<i32>} : memref<640xf32, #tpu.memory_space<vmem>>, vector<16xf32>,
    %swap3A_875 = vector.shape_cast %swap3A_874 : vector<16xf32> to vector<16xf32>
    %swap3A_876 = vector.shape_cast %broadcast_in_dim3A_1 : vector<16xf32> to vector<16xf32>
    tpu.vector_store %arg23[%swap3A_873], %swap3A_876 {strides = array<i32>} : memref<640xf32, #tpu.memory_space<vmem>>, vector<16xf32>,
    %swap3A_877 = arith.constant 432 : index
    %swap3A_878 = tpu.vector_load %arg23[%swap3A_877] {strides = array<i32>} : memref<640xf32, #tpu.memory_space<vmem>>, vector<16xf32>,
    %swap3A_879 = vector.shape_cast %swap3A_878 : vector<16xf32> to vector<16xf32>
    %swap3A_880 = vector.shape_cast %broadcast_in_dim3A_1 : vector<16xf32> to vector<16xf32>
    tpu.vector_store %arg23[%swap3A_877], %swap3A_880 {strides = array<i32>} : memref<640xf32, #tpu.memory_space<vmem>>, vector<16xf32>,
    %swap3A_881 = arith.constant 448 : index
    %swap3A_882 = tpu.vector_load %arg23[%swap3A_881] {strides = array<i32>} : memref<640xf32, #tpu.memory_space<vmem>>, vector<16xf32>,
    %swap3A_883 = vector.shape_cast %swap3A_882 : vector<16xf32> to vector<16xf32>
    %swap3A_884 = vector.shape_cast %broadcast_in_dim3A_1 : vector<16xf32> to vector<16xf32>
    tpu.vector_store %arg23[%swap3A_881], %swap3A_884 {strides = array<i32>} : memref<640xf32, #tpu.memory_space<vmem>>, vector<16xf32>,
    %swap3A_885 = arith.constant 464 : index
    %swap3A_886 = tpu.vector_load %arg23[%swap3A_885] {strides = array<i32>} : memref<640xf32, #tpu.memory_space<vmem>>, vector<16xf32>,
    %swap3A_887 = vector.shape_cast %swap3A_886 : vector<16xf32> to vector<16xf32>
    %swap3A_888 = vector.shape_cast %broadcast_in_dim3A_1 : vector<16xf32> to vector<16xf32>
    tpu.vector_store %arg23[%swap3A_885], %swap3A_888 {strides = array<i32>} : memref<640xf32, #tpu.memory_space<vmem>>, vector<16xf32>,
    %swap3A_889 = arith.constant 480 : index
    %swap3A_890 = tpu.vector_load %arg23[%swap3A_889] {strides = array<i32>} : memref<640xf32, #tpu.memory_space<vmem>>, vector<16xf32>,
    %swap3A_891 = vector.shape_cast %swap3A_890 : vector<16xf32> to vector<16xf32>
    %swap3A_892 = vector.shape_cast %broadcast_in_dim3A_1 : vector<16xf32> to vector<16xf32>
    tpu.vector_store %arg23[%swap3A_889], %swap3A_892 {strides = array<i32>} : memref<640xf32, #tpu.memory_space<vmem>>, vector<16xf32>,
    %swap3A_893 = arith.constant 496 : index
    %swap3A_894 = tpu.vector_load %arg23[%swap3A_893] {strides = array<i32>} : memref<640xf32, #tpu.memory_space<vmem>>, vector<16xf32>,
    %swap3A_895 = vector.shape_cast %swap3A_894 : vector<16xf32> to vector<16xf32>
    %swap3A_896 = vector.shape_cast %broadcast_in_dim3A_1 : vector<16xf32> to vector<16xf32>
    tpu.vector_store %arg23[%swap3A_893], %swap3A_896 {strides = array<i32>} : memref<640xf32, #tpu.memory_space<vmem>>, vector<16xf32>,
    %swap3A_897 = arith.constant 512 : index
    %swap3A_898 = tpu.vector_load %arg23[%swap3A_897] {strides = array<i32>} : memref<640xf32, #tpu.memory_space<vmem>>, vector<16xf32>,
    %swap3A_899 = vector.shape_cast %swap3A_898 : vector<16xf32> to vector<16xf32>
    %swap3A_900 = vector.shape_cast %broadcast_in_dim3A_1 : vector<16xf32> to vector<16xf32>
    tpu.vector_store %arg23[%swap3A_897], %swap3A_900 {strides = array<i32>} : memref<640xf32, #tpu.memory_space<vmem>>, vector<16xf32>,
    %swap3A_901 = arith.constant 528 : index
    %swap3A_902 = tpu.vector_load %arg23[%swap3A_901] {strides = array<i32>} : memref<640xf32, #tpu.memory_space<vmem>>, vector<16xf32>,
    %swap3A_903 = vector.shape_cast %swap3A_902 : vector<16xf32> to vector<16xf32>
    %swap3A_904 = vector.shape_cast %broadcast_in_dim3A_1 : vector<16xf32> to vector<16xf32>
    tpu.vector_store %arg23[%swap3A_901], %swap3A_904 {strides = array<i32>} : memref<640xf32, #tpu.memory_space<vmem>>, vector<16xf32>,
    %swap3A_905 = arith.constant 544 : index
    %swap3A_906 = tpu.vector_load %arg23[%swap3A_905] {strides = array<i32>} : memref<640xf32, #tpu.memory_space<vmem>>, vector<16xf32>,
    %swap3A_907 = vector.shape_cast %swap3A_906 : vector<16xf32> to vector<16xf32>
    %swap3A_908 = vector.shape_cast %broadcast_in_dim3A_1 : vector<16xf32> to vector<16xf32>
    tpu.vector_store %arg23[%swap3A_905], %swap3A_908 {strides = array<i32>} : memref<640xf32, #tpu.memory_space<vmem>>, vector<16xf32>,
    %swap3A_909 = arith.constant 560 : index
    %swap3A_910 = tpu.vector_load %arg23[%swap3A_909] {strides = array<i32>} : memref<640xf32, #tpu.memory_space<vmem>>, vector<16xf32>,
    %swap3A_911 = vector.shape_cast %swap3A_910 : vector<16xf32> to vector<16xf32>
    %swap3A_912 = vector.shape_cast %broadcast_in_dim3A_1 : vector<16xf32> to vector<16xf32>
    tpu.vector_store %arg23[%swap3A_909], %swap3A_912 {strides = array<i32>} : memref<640xf32, #tpu.memory_space<vmem>>, vector<16xf32>,
    %swap3A_913 = arith.constant 576 : index
    %swap3A_914 = tpu.vector_load %arg23[%swap3A_913] {strides = array<i32>} : memref<640xf32, #tpu.memory_space<vmem>>, vector<16xf32>,
    %swap3A_915 = vector.shape_cast %swap3A_914 : vector<16xf32> to vector<16xf32>
    %swap3A_916 = vector.shape_cast %broadcast_in_dim3A_1 : vector<16xf32> to vector<16xf32>
    tpu.vector_store %arg23[%swap3A_913], %swap3A_916 {strides = array<i32>} : memref<640xf32, #tpu.memory_space<vmem>>, vector<16xf32>,
    %swap3A_917 = arith.constant 592 : index
    %swap3A_918 = tpu.vector_load %arg23[%swap3A_917] {strides = array<i32>} : memref<640xf32, #tpu.memory_space<vmem>>, vector<16xf32>,
    %swap3A_919 = vector.shape_cast %swap3A_918 : vector<16xf32> to vector<16xf32>
    %swap3A_920 = vector.shape_cast %broadcast_in_dim3A_1 : vector<16xf32> to vector<16xf32>
    tpu.vector_store %arg23[%swap3A_917], %swap3A_920 {strides = array<i32>} : memref<640xf32, #tpu.memory_space<vmem>>, vector<16xf32>,
    %swap3A_921 = arith.constant 608 : index
    %swap3A_922 = tpu.vector_load %arg23[%swap3A_921] {strides = array<i32>} : memref<640xf32, #tpu.memory_space<vmem>>, vector<16xf32>,
    %swap3A_923 = vector.shape_cast %swap3A_922 : vector<16xf32> to vector<16xf32>
    %swap3A_924 = vector.shape_cast %broadcast_in_dim3A_1 : vector<16xf32> to vector<16xf32>
    tpu.vector_store %arg23[%swap3A_921], %swap3A_924 {strides = array<i32>} : memref<640xf32, #tpu.memory_space<vmem>>, vector<16xf32>,
    %swap3A_925 = arith.constant 624 : index
    %swap3A_926 = tpu.vector_load %arg23[%swap3A_925] {strides = array<i32>} : memref<640xf32, #tpu.memory_space<vmem>>, vector<16xf32>,
    %swap3A_927 = vector.shape_cast %swap3A_926 : vector<16xf32> to vector<16xf32>
    %swap3A_928 = vector.shape_cast %broadcast_in_dim3A_1 : vector<16xf32> to vector<16xf32>
    tpu.vector_store %arg23[%swap3A_925], %swap3A_928 {strides = array<i32>} : memref<640xf32, #tpu.memory_space<vmem>>, vector<16xf32>,
    %broadcast_in_dim3A_929 = arith.constant 1.000000e+00 : f32
    %broadcast_in_dim3A_930 = vector.broadcast %broadcast_in_dim3A_929 : f32 to vector<16xf32>
    %swap3A_931 = arith.constant 0 : index
    %swap3A_932 = tpu.vector_load %arg21[%swap3A_931] {strides = array<i32>} : memref<128xf32, #tpu.memory_space<vmem>>, vector<16xf32>,
    %swap3A_933 = vector.shape_cast %swap3A_932 : vector<16xf32> to vector<16xf32>
    %swap3A_934 = vector.shape_cast %broadcast_in_dim3A_930 : vector<16xf32> to vector<16xf32>
    tpu.vector_store %arg21[%swap3A_931], %swap3A_934 {strides = array<i32>} : memref<128xf32, #tpu.memory_space<vmem>>, vector<16xf32>,
    %broadcast_in_dim3A_935 = arith.constant 1.000000e+00 : f32
    %broadcast_in_dim3A_936 = vector.broadcast %broadcast_in_dim3A_935 : f32 to vector<16xf32>
    %swap3A_937 = arith.constant 16 : index
    %swap3A_938 = tpu.vector_load %arg21[%swap3A_937] {strides = array<i32>} : memref<128xf32, #tpu.memory_space<vmem>>, vector<16xf32>,
    %swap3A_939 = vector.shape_cast %swap3A_938 : vector<16xf32> to vector<16xf32>
    %swap3A_940 = vector.shape_cast %broadcast_in_dim3A_936 : vector<16xf32> to vector<16xf32>
    tpu.vector_store %arg21[%swap3A_937], %swap3A_940 {strides = array<i32>} : memref<128xf32, #tpu.memory_space<vmem>>, vector<16xf32>,
    %broadcast_in_dim3A_941 = arith.constant 1.000000e+00 : f32
    %broadcast_in_dim3A_942 = vector.broadcast %broadcast_in_dim3A_941 : f32 to vector<16xf32>
    %swap3A_943 = arith.constant 32 : index
    %swap3A_944 = tpu.vector_load %arg21[%swap3A_943] {strides = array<i32>} : memref<128xf32, #tpu.memory_space<vmem>>, vector<16xf32>,
    %swap3A_945 = vector.shape_cast %swap3A_944 : vector<16xf32> to vector<16xf32>
    %swap3A_946 = vector.shape_cast %broadcast_in_dim3A_942 : vector<16xf32> to vector<16xf32>
    tpu.vector_store %arg21[%swap3A_943], %swap3A_946 {strides = array<i32>} : memref<128xf32, #tpu.memory_space<vmem>>, vector<16xf32>,
    %broadcast_in_dim3A_947 = arith.constant 1.000000e+00 : f32
    %broadcast_in_dim3A_948 = vector.broadcast %broadcast_in_dim3A_947 : f32 to vector<16xf32>
    %swap3A_949 = arith.constant 48 : index
    %swap3A_950 = tpu.vector_load %arg21[%swap3A_949] {strides = array<i32>} : memref<128xf32, #tpu.memory_space<vmem>>, vector<16xf32>,
    %swap3A_951 = vector.shape_cast %swap3A_950 : vector<16xf32> to vector<16xf32>
    %swap3A_952 = vector.shape_cast %broadcast_in_dim3A_948 : vector<16xf32> to vector<16xf32>
    tpu.vector_store %arg21[%swap3A_949], %swap3A_952 {strides = array<i32>} : memref<128xf32, #tpu.memory_space<vmem>>, vector<16xf32>,
    %broadcast_in_dim3A_953 = arith.constant 1.000000e+00 : f32
    %broadcast_in_dim3A_954 = vector.broadcast %broadcast_in_dim3A_953 : f32 to vector<16xf32>
    %swap3A_955 = arith.constant 64 : index
    %swap3A_956 = tpu.vector_load %arg21[%swap3A_955] {strides = array<i32>} : memref<128xf32, #tpu.memory_space<vmem>>, vector<16xf32>,
    %swap3A_957 = vector.shape_cast %swap3A_956 : vector<16xf32> to vector<16xf32>
    %swap3A_958 = vector.shape_cast %broadcast_in_dim3A_954 : vector<16xf32> to vector<16xf32>
    tpu.vector_store %arg21[%swap3A_955], %swap3A_958 {strides = array<i32>} : memref<128xf32, #tpu.memory_space<vmem>>, vector<16xf32>,
    %broadcast_in_dim3A_959 = arith.constant 1.000000e+00 : f32
    %broadcast_in_dim3A_960 = vector.broadcast %broadcast_in_dim3A_959 : f32 to vector<16xf32>
    %swap3A_961 = arith.constant 80 : index
    %swap3A_962 = tpu.vector_load %arg21[%swap3A_961] {strides = array<i32>} : memref<128xf32, #tpu.memory_space<vmem>>, vector<16xf32>,
    %swap3A_963 = vector.shape_cast %swap3A_962 : vector<16xf32> to vector<16xf32>
    %swap3A_964 = vector.shape_cast %broadcast_in_dim3A_960 : vector<16xf32> to vector<16xf32>
    tpu.vector_store %arg21[%swap3A_961], %swap3A_964 {strides = array<i32>} : memref<128xf32, #tpu.memory_space<vmem>>, vector<16xf32>,
    %broadcast_in_dim3A_965 = arith.constant 1.000000e+00 : f32
    %broadcast_in_dim3A_966 = vector.broadcast %broadcast_in_dim3A_965 : f32 to vector<16xf32>
    %swap3A_967 = arith.constant 96 : index
    %swap3A_968 = tpu.vector_load %arg21[%swap3A_967] {strides = array<i32>} : memref<128xf32, #tpu.memory_space<vmem>>, vector<16xf32>,
    %swap3A_969 = vector.shape_cast %swap3A_968 : vector<16xf32> to vector<16xf32>
    %swap3A_970 = vector.shape_cast %broadcast_in_dim3A_966 : vector<16xf32> to vector<16xf32>
    tpu.vector_store %arg21[%swap3A_967], %swap3A_970 {strides = array<i32>} : memref<128xf32, #tpu.memory_space<vmem>>, vector<16xf32>,
    %broadcast_in_dim3A_971 = arith.constant 1.000000e+00 : f32
    %broadcast_in_dim3A_972 = vector.broadcast %broadcast_in_dim3A_971 : f32 to vector<16xf32>
    %swap3A_973 = arith.constant 112 : index
    %swap3A_974 = tpu.vector_load %arg21[%swap3A_973] {strides = array<i32>} : memref<128xf32, #tpu.memory_space<vmem>>, vector<16xf32>,
    %swap3A_975 = vector.shape_cast %swap3A_974 : vector<16xf32> to vector<16xf32>
    %swap3A_976 = vector.shape_cast %broadcast_in_dim3A_972 : vector<16xf32> to vector<16xf32>
    tpu.vector_store %arg21[%swap3A_973], %swap3A_976 {strides = array<i32>} : memref<128xf32, #tpu.memory_space<vmem>>, vector<16xf32>,
    %scan3A = arith.constant 0 : i32
    %scan3A_977 = arith.constant 40 : i32
    %scan3A_978 = arith.addi %scan3A, %scan3A_977 : i32
    %scan3A_979 = arith.constant 1 : i32
    scf.for %scan3A_1120 = %scan3A to %scan3A_978 step %scan3A_979  : i32 {
      %mul3A_1121 = arith.constant 640 : i32
      %mul3A_1122 = arith.muli %arg1, %mul3A_1121 : i32
      %mul3A_1123 = arith.constant 16 : i32
      %mul3A_1124 = arith.muli %scan3A_1120, %mul3A_1123 : i32
      %add3A_1125 = arith.addi %mul3A_1122, %mul3A_1124 : i32
      %dma_start3A_1126 = arith.constant 0 : i32
      %dma_start3A_1127 = tpu.memref_slice %arg9[%add3A_1125, %dma_start3A_1126] : memref<10240x128xf32, #tpu.memory_space<vmem_shared>> -> memref<16x128xf32, #tpu.memory_space<vmem_shared>>
      %dma_start3A_1128 = arith.constant 0 : i32
      %dma_start3A_1129 = tpu.memref_slice %arg9[%add3A_1125, %dma_start3A_1128] : memref<10240x128xf32, #tpu.memory_space<vmem_shared>> -> memref<16x128xf32, #tpu.memory_space<vmem_shared>>
      tpu.enqueue_dma source(%arg22 : memref<16x128xf32, #tpu.memory_space<vmem>>) target(%dma_start3A_1129 : memref<16x128xf32, #tpu.memory_space<vmem_shared>>) target_semaphore(%arg24 : memref<!tpu.dma_semaphore, #tpu.memory_space<semaphore_mem>>)
    }
    %scan3A_980 = arith.constant 40 : i32
    %mul3A_981 = arith.constant 640 : i32
    %mul3A_982 = arith.muli %arg1, %mul3A_981 : i32
    "tpu.region"() ({
      %run_scoped3A = tpu.sem_alloc : memref<!tpu.dma_semaphore, #tpu.memory_space<semaphore_mem>>
      %dma_start3A_1120 = tpu.memref_slice %arg10[%mul3A_982] : memref<10240xf32, #tpu.memory_space<vmem_shared>> -> memref<640xf32, #tpu.memory_space<vmem_shared>>
      %dma_start3A_1121 = tpu.memref_slice %arg10[%mul3A_982] : memref<10240xf32, #tpu.memory_space<vmem_shared>> -> memref<640xf32, #tpu.memory_space<vmem_shared>>
      tpu.enqueue_dma source(%arg23 : memref<640xf32, #tpu.memory_space<vmem>>) target(%dma_start3A_1121 : memref<640xf32, #tpu.memory_space<vmem_shared>>) target_semaphore(%run_scoped3A : memref<!tpu.dma_semaphore, #tpu.memory_space<semaphore_mem>>)
      %dma_wait3A_1122 = tpu.memref_slice %arg10[%mul3A_982] : memref<10240xf32, #tpu.memory_space<vmem_shared>> -> memref<640xf32, #tpu.memory_space<vmem_shared>>
      %dma_wait3A_1123 = tpu.memref_slice %arg10[%mul3A_982] : memref<10240xf32, #tpu.memory_space<vmem_shared>> -> memref<640xf32, #tpu.memory_space<vmem_shared>>
      tpu.wait_dma2 semaphore(%run_scoped3A : memref<!tpu.dma_semaphore, #tpu.memory_space<semaphore_mem>>) src(%arg23 : memref<640xf32, #tpu.memory_space<vmem>>) dst(%dma_wait3A_1123 : memref<640xf32, #tpu.memory_space<vmem_shared>>)
      tpu.yield
    }) : () -> ()
    %scan3A_983 = arith.constant 0 : i32
    %scan3A_984 = arith.constant 40 : i32
    %scan3A_985 = arith.addi %scan3A_983, %scan3A_984 : i32
    %scan3A_986 = arith.constant 1 : i32
    scf.for %scan3A_1120 = %scan3A_983 to %scan3A_985 step %scan3A_986  : i32 {
      %mul3A_1121 = arith.constant 640 : i32
      %mul3A_1122 = arith.muli %arg1, %mul3A_1121 : i32
      %mul3A_1123 = arith.constant 16 : i32
      %mul3A_1124 = arith.muli %scan3A_1120, %mul3A_1123 : i32
      %add3A_1125 = arith.addi %mul3A_1122, %mul3A_1124 : i32
      %dma_wait3A_1126 = arith.constant 0 : i32
      %dma_wait3A_1127 = tpu.memref_slice %arg9[%add3A_1125, %dma_wait3A_1126] : memref<10240x128xf32, #tpu.memory_space<vmem_shared>> -> memref<16x128xf32, #tpu.memory_space<vmem_shared>>
      %dma_wait3A_1128 = arith.constant 0 : i32
      %dma_wait3A_1129 = tpu.memref_slice %arg9[%add3A_1125, %dma_wait3A_1128] : memref<10240x128xf32, #tpu.memory_space<vmem_shared>> -> memref<16x128xf32, #tpu.memory_space<vmem_shared>>
      tpu.wait_dma2 semaphore(%arg24 : memref<!tpu.dma_semaphore, #tpu.memory_space<semaphore_mem>>) src(%arg22 : memref<16x128xf32, #tpu.memory_space<vmem>>) dst(%dma_wait3A_1129 : memref<16x128xf32, #tpu.memory_space<vmem_shared>>)
    }
    %scan3A_987 = arith.constant 40 : i32
    %barrier3A = arith.constant 0 : index
    tpu.barrier barrier_id(%barrier3A)
    %iota3A = tpu.iota {dimensions = array<i32: 0>} : vector<16xi32>
    %broadcast_in_dim3A_988 = arith.constant 240 : i32
    %broadcast_in_dim3A_989 = vector.broadcast %broadcast_in_dim3A_988 : i32 to vector<16xi32>
    %add3A_990 = arith.constant 0 : i32
    %add3A_991 = arith.addi %add3A_990, %add3A : i32
    %mul3A_992 = arith.constant 2 : i32
    %mul3A_993 = arith.muli %add3A_991, %mul3A_992 : i32
    %dma_start3A = arith.constant 0 : i32
    %dma_start3A_994 = tpu.memref_slice %arg3[%mul3A_993, %dma_start3A] : memref<2624x128xi32, #tpu.memory_space<hbm>> -> memref<2x128xi32, #tpu.memory_space<hbm>>
    %dma_start3A_995 = arith.constant 0 : i32
    %dma_start3A_996 = tpu.memref_slice %arg3[%mul3A_993, %dma_start3A_995] : memref<2624x128xi32, #tpu.memory_space<hbm>> -> memref<2x128xi32, #tpu.memory_space<hbm>>
    tpu.enqueue_dma source(%dma_start3A_996 : memref<2x128xi32, #tpu.memory_space<hbm>>) target(%arg11 : memref<2x128xi32, #tpu.memory_space<vmem>>) target_semaphore(%arg24 : memref<!tpu.dma_semaphore, #tpu.memory_space<semaphore_mem>>)
    %dma_start3A_997 = arith.constant 0 : i32
    %dma_start3A_998 = tpu.memref_slice %arg4[%mul3A_993, %dma_start3A_997] : memref<2624x128xi32, #tpu.memory_space<hbm>> -> memref<2x128xi32, #tpu.memory_space<hbm>>
    %dma_start3A_999 = arith.constant 0 : i32
    %dma_start3A_1000 = tpu.memref_slice %arg4[%mul3A_993, %dma_start3A_999] : memref<2624x128xi32, #tpu.memory_space<hbm>> -> memref<2x128xi32, #tpu.memory_space<hbm>>
    tpu.enqueue_dma source(%dma_start3A_1000 : memref<2x128xi32, #tpu.memory_space<hbm>>) target(%arg12 : memref<2x128xi32, #tpu.memory_space<vmem>>) target_semaphore(%arg24 : memref<!tpu.dma_semaphore, #tpu.memory_space<semaphore_mem>>)
    %dma_start3A_1001 = arith.constant 0 : i32
    %dma_start3A_1002 = tpu.memref_slice %arg5[%mul3A_993, %dma_start3A_1001] : memref<2624x128xi32, #tpu.memory_space<hbm>> -> memref<2x128xi32, #tpu.memory_space<hbm>>
    %dma_start3A_1003 = arith.constant 0 : i32
    %dma_start3A_1004 = tpu.memref_slice %arg5[%mul3A_993, %dma_start3A_1003] : memref<2624x128xi32, #tpu.memory_space<hbm>> -> memref<2x128xi32, #tpu.memory_space<hbm>>
    tpu.enqueue_dma source(%dma_start3A_1004 : memref<2x128xi32, #tpu.memory_space<hbm>>) target(%arg13 : memref<2x128xi32, #tpu.memory_space<vmem>>) target_semaphore(%arg24 : memref<!tpu.dma_semaphore, #tpu.memory_space<semaphore_mem>>)
    %add3A_1005 = arith.constant 0 : i32
    %add3A_1006 = arith.addi %add3A_1005, %add3A : i32
    %mul3A_1007 = arith.constant 2 : i32
    %mul3A_1008 = arith.muli %add3A_1006, %mul3A_1007 : i32
    %dma_wait3A = arith.constant 0 : i32
    %dma_wait3A_1009 = tpu.memref_slice %arg3[%mul3A_1008, %dma_wait3A] : memref<2624x128xi32, #tpu.memory_space<hbm>> -> memref<2x128xi32, #tpu.memory_space<hbm>>
    %dma_wait3A_1010 = arith.constant 0 : i32
    %dma_wait3A_1011 = tpu.memref_slice %arg3[%mul3A_1008, %dma_wait3A_1010] : memref<2624x128xi32, #tpu.memory_space<hbm>> -> memref<2x128xi32, #tpu.memory_space<hbm>>
    tpu.wait_dma2 semaphore(%arg24 : memref<!tpu.dma_semaphore, #tpu.memory_space<semaphore_mem>>) src(%dma_wait3A_1011 : memref<2x128xi32, #tpu.memory_space<hbm>>) dst(%arg11 : memref<2x128xi32, #tpu.memory_space<vmem>>)
    %dma_wait3A_1012 = arith.constant 0 : i32
    %dma_wait3A_1013 = tpu.memref_slice %arg4[%mul3A_1008, %dma_wait3A_1012] : memref<2624x128xi32, #tpu.memory_space<hbm>> -> memref<2x128xi32, #tpu.memory_space<hbm>>
    %dma_wait3A_1014 = arith.constant 0 : i32
    %dma_wait3A_1015 = tpu.memref_slice %arg4[%mul3A_1008, %dma_wait3A_1014] : memref<2624x128xi32, #tpu.memory_space<hbm>> -> memref<2x128xi32, #tpu.memory_space<hbm>>
    tpu.wait_dma2 semaphore(%arg24 : memref<!tpu.dma_semaphore, #tpu.memory_space<semaphore_mem>>) src(%dma_wait3A_1015 : memref<2x128xi32, #tpu.memory_space<hbm>>) dst(%arg12 : memref<2x128xi32, #tpu.memory_space<vmem>>)
    %dma_wait3A_1016 = arith.constant 0 : i32
    %dma_wait3A_1017 = tpu.memref_slice %arg5[%mul3A_1008, %dma_wait3A_1016] : memref<2624x128xi32, #tpu.memory_space<hbm>> -> memref<2x128xi32, #tpu.memory_space<hbm>>
    %dma_wait3A_1018 = arith.constant 0 : i32
    %dma_wait3A_1019 = tpu.memref_slice %arg5[%mul3A_1008, %dma_wait3A_1018] : memref<2624x128xi32, #tpu.memory_space<hbm>> -> memref<2x128xi32, #tpu.memory_space<hbm>>
    tpu.wait_dma2 semaphore(%arg24 : memref<!tpu.dma_semaphore, #tpu.memory_space<semaphore_mem>>) src(%dma_wait3A_1019 : memref<2x128xi32, #tpu.memory_space<hbm>>) dst(%arg13 : memref<2x128xi32, #tpu.memory_space<vmem>>)
    %dma_start3A_1020 = arith.constant 0 : i32
    %dma_start3A_1021 = arith.constant 0 : i32
    %dma_start3A_1022 = arith.constant 0 : i32
    %dma_start3A_1023 = tpu.memref_slice %arg14[%dma_start3A_1021, %dma_start3A_1022] : memref<2x128xi32, #tpu.memory_space<vmem>> -> memref<1x128xi32, #tpu.memory_space<vmem>>
    %dma_start3A_1024 = tpu.memref_squeeze %dma_start3A_1023 : memref<1x128xi32, #tpu.memory_space<vmem>> -> memref<128xi32, #tpu.memory_space<vmem>>
    %dma_start3A_1025 = arith.constant 0 : i32
    %dma_start3A_1026 = tpu.memref_slice %arg12[%dma_start3A_1020, %dma_start3A_1025] : memref<2x128xi32, #tpu.memory_space<vmem>> -> memref<1x128xi32, #tpu.memory_space<vmem>>
    %dma_start3A_1027 = tpu.memref_squeeze %dma_start3A_1026 : memref<1x128xi32, #tpu.memory_space<vmem>> -> memref<128xi32, #tpu.memory_space<vmem>>
    %dma_start3A_1028 = arith.constant 0 : i32
    %dma_start3A_1029 = tpu.memref_slice %arg6[%dma_start3A_1028] : memref<10000xi32, #tpu.memory_space<hbm>> -> memref<10000xi32, #tpu.memory_space<hbm>>
    tpu.enqueue_indirect_dma source(%dma_start3A_1029 : memref<10000xi32, #tpu.memory_space<hbm>>) target(%dma_start3A_1024 : memref<128xi32, #tpu.memory_space<vmem>>) offsets(%dma_start3A_1027 : memref<128xi32, #tpu.memory_space<vmem>>) semaphore(%arg25 : memref<!tpu.dma_semaphore, #tpu.memory_space<semaphore_mem>>)
    %dma_start3A_1030 = arith.constant 1 : i32
    %dma_start3A_1031 = arith.constant 1 : i32
    %dma_start3A_1032 = arith.constant 0 : i32
    %dma_start3A_1033 = tpu.memref_slice %arg14[%dma_start3A_1031, %dma_start3A_1032] : memref<2x128xi32, #tpu.memory_space<vmem>> -> memref<1x128xi32, #tpu.memory_space<vmem>>
    %dma_start3A_1034 = tpu.memref_squeeze %dma_start3A_1033 : memref<1x128xi32, #tpu.memory_space<vmem>> -> memref<128xi32, #tpu.memory_space<vmem>>
    %dma_start3A_1035 = arith.constant 0 : i32
    %dma_start3A_1036 = tpu.memref_slice %arg12[%dma_start3A_1030, %dma_start3A_1035] : memref<2x128xi32, #tpu.memory_space<vmem>> -> memref<1x128xi32, #tpu.memory_space<vmem>>
    %dma_start3A_1037 = tpu.memref_squeeze %dma_start3A_1036 : memref<1x128xi32, #tpu.memory_space<vmem>> -> memref<128xi32, #tpu.memory_space<vmem>>
    %dma_start3A_1038 = arith.constant 0 : i32
    %dma_start3A_1039 = tpu.memref_slice %arg6[%dma_start3A_1038] : memref<10000xi32, #tpu.memory_space<hbm>> -> memref<10000xi32, #tpu.memory_space<hbm>>
    tpu.enqueue_indirect_dma source(%dma_start3A_1039 : memref<10000xi32, #tpu.memory_space<hbm>>) target(%dma_start3A_1034 : memref<128xi32, #tpu.memory_space<vmem>>) offsets(%dma_start3A_1037 : memref<128xi32, #tpu.memory_space<vmem>>) semaphore(%arg25 : memref<!tpu.dma_semaphore, #tpu.memory_space<semaphore_mem>>)
    %dma_start3A_1040 = arith.constant 0 : i32
    %dma_start3A_1041 = arith.constant 0 : i32
    %dma_start3A_1042 = arith.constant 0 : i32
    %dma_start3A_1043 = tpu.memref_slice %arg20[%dma_start3A_1041, %dma_start3A_1042] : memref<256x128xf32, #tpu.memory_space<vmem>> -> memref<128x128xf32, #tpu.memory_space<vmem>>
    %dma_start3A_1044 = arith.constant 0 : i32
    %dma_start3A_1045 = tpu.memref_slice %arg11[%dma_start3A_1040, %dma_start3A_1044] : memref<2x128xi32, #tpu.memory_space<vmem>> -> memref<1x128xi32, #tpu.memory_space<vmem>>
    %dma_start3A_1046 = tpu.memref_squeeze %dma_start3A_1045 : memref<1x128xi32, #tpu.memory_space<vmem>> -> memref<128xi32, #tpu.memory_space<vmem>>
    %dma_start3A_1047 = arith.constant 0 : i32
    %dma_start3A_1048 = arith.constant 0 : i32
    %dma_start3A_1049 = tpu.memref_slice %arg2[%dma_start3A_1047, %dma_start3A_1048] : memref<10000x128xf32, #tpu.memory_space<hbm>> -> memref<10000x128xf32, #tpu.memory_space<hbm>>
    tpu.enqueue_indirect_dma source(%dma_start3A_1049 : memref<10000x128xf32, #tpu.memory_space<hbm>>) target(%dma_start3A_1043 : memref<128x128xf32, #tpu.memory_space<vmem>>) offsets(%dma_start3A_1046 : memref<128xi32, #tpu.memory_space<vmem>>) semaphore(%arg28 : memref<!tpu.dma_semaphore, #tpu.memory_space<semaphore_mem>>)
    %dma_start3A_1050 = arith.constant 1 : i32
    %dma_start3A_1051 = arith.constant 128 : i32
    %dma_start3A_1052 = arith.constant 0 : i32
    %dma_start3A_1053 = tpu.memref_slice %arg20[%dma_start3A_1051, %dma_start3A_1052] : memref<256x128xf32, #tpu.memory_space<vmem>> -> memref<128x128xf32, #tpu.memory_space<vmem>>
    %dma_start3A_1054 = arith.constant 0 : i32
    %dma_start3A_1055 = tpu.memref_slice %arg11[%dma_start3A_1050, %dma_start3A_1054] : memref<2x128xi32, #tpu.memory_space<vmem>> -> memref<1x128xi32, #tpu.memory_space<vmem>>
    %dma_start3A_1056 = tpu.memref_squeeze %dma_start3A_1055 : memref<1x128xi32, #tpu.memory_space<vmem>> -> memref<128xi32, #tpu.memory_space<vmem>>
    %dma_start3A_1057 = arith.constant 0 : i32
    %dma_start3A_1058 = arith.constant 0 : i32
    %dma_start3A_1059 = tpu.memref_slice %arg2[%dma_start3A_1057, %dma_start3A_1058] : memref<10000x128xf32, #tpu.memory_space<hbm>> -> memref<10000x128xf32, #tpu.memory_space<hbm>>
    tpu.enqueue_indirect_dma source(%dma_start3A_1059 : memref<10000x128xf32, #tpu.memory_space<hbm>>) target(%dma_start3A_1053 : memref<128x128xf32, #tpu.memory_space<vmem>>) offsets(%dma_start3A_1056 : memref<128xi32, #tpu.memory_space<vmem>>) semaphore(%arg28 : memref<!tpu.dma_semaphore, #tpu.memory_space<semaphore_mem>>)
    %scan3A_1060 = arith.constant 0 : i32
    %scan3A_1061 = arith.constant 20 : i32
    %scan3A_1062 = arith.addi %scan3A_1060, %scan3A_1061 : i32
    %scan3A_1063 = arith.constant 1 : i32
    scf.for %scan3A_1120 = %scan3A_1060 to %scan3A_1062 step %scan3A_1063  : i32 {
      %mul3A_1121 = arith.constant 2 : i32
      %mul3A_1122 = arith.muli %mul3A_1121, %scan3A_1120 : i32
      %add3A_1123 = arith.constant 1 : i32
      %add3A_1124 = arith.addi %mul3A_1122, %add3A_1123 : i32
      %mul3A_1125 = arith.constant 32 : i32
      %mul3A_1126 = arith.muli %add3A_1124, %mul3A_1125 : i32
      %add3A_1127 = arith.addi %mul3A_1126, %add3A : i32
      %mul3A_1128 = arith.constant 2 : i32
      %mul3A_1129 = arith.muli %add3A_1127, %mul3A_1128 : i32
      %dma_start3A_1130 = arith.constant 0 : i32
      %dma_start3A_1131 = tpu.memref_slice %arg3[%mul3A_1129, %dma_start3A_1130] : memref<2624x128xi32, #tpu.memory_space<hbm>> -> memref<2x128xi32, #tpu.memory_space<hbm>>
      %dma_start3A_1132 = arith.constant 0 : i32
      %dma_start3A_1133 = tpu.memref_slice %arg3[%mul3A_1129, %dma_start3A_1132] : memref<2624x128xi32, #tpu.memory_space<hbm>> -> memref<2x128xi32, #tpu.memory_space<hbm>>
      tpu.enqueue_dma source(%dma_start3A_1133 : memref<2x128xi32, #tpu.memory_space<hbm>>) target(%arg15 : memref<2x128xi32, #tpu.memory_space<vmem>>) target_semaphore(%arg26 : memref<!tpu.dma_semaphore, #tpu.memory_space<semaphore_mem>>)
      %dma_start3A_1134 = arith.constant 0 : i32
      %dma_start3A_1135 = tpu.memref_slice %arg4[%mul3A_1129, %dma_start3A_1134] : memref<2624x128xi32, #tpu.memory_space<hbm>> -> memref<2x128xi32, #tpu.memory_space<hbm>>
      %dma_start3A_1136 = arith.constant 0 : i32
      %dma_start3A_1137 = tpu.memref_slice %arg4[%mul3A_1129, %dma_start3A_1136] : memref<2624x128xi32, #tpu.memory_space<hbm>> -> memref<2x128xi32, #tpu.memory_space<hbm>>
      tpu.enqueue_dma source(%dma_start3A_1137 : memref<2x128xi32, #tpu.memory_space<hbm>>) target(%arg16 : memref<2x128xi32, #tpu.memory_space<vmem>>) target_semaphore(%arg26 : memref<!tpu.dma_semaphore, #tpu.memory_space<semaphore_mem>>)
      %dma_start3A_1138 = arith.constant 0 : i32
      %dma_start3A_1139 = tpu.memref_slice %arg5[%mul3A_1129, %dma_start3A_1138] : memref<2624x128xi32, #tpu.memory_space<hbm>> -> memref<2x128xi32, #tpu.memory_space<hbm>>
      %dma_start3A_1140 = arith.constant 0 : i32
      %dma_start3A_1141 = tpu.memref_slice %arg5[%mul3A_1129, %dma_start3A_1140] : memref<2624x128xi32, #tpu.memory_space<hbm>> -> memref<2x128xi32, #tpu.memory_space<hbm>>
      tpu.enqueue_dma source(%dma_start3A_1141 : memref<2x128xi32, #tpu.memory_space<hbm>>) target(%arg17 : memref<2x128xi32, #tpu.memory_space<vmem>>) target_semaphore(%arg26 : memref<!tpu.dma_semaphore, #tpu.memory_space<semaphore_mem>>)
      %dma_wait3A_1142 = arith.constant 0 : i32
      %dma_wait3A_1143 = arith.constant 0 : i32
      %dma_wait3A_1144 = arith.constant 0 : i32
      %dma_wait3A_1145 = tpu.memref_slice %arg14[%dma_wait3A_1143, %dma_wait3A_1144] : memref<2x128xi32, #tpu.memory_space<vmem>> -> memref<1x128xi32, #tpu.memory_space<vmem>>
      %dma_wait3A_1146 = tpu.memref_squeeze %dma_wait3A_1145 : memref<1x128xi32, #tpu.memory_space<vmem>> -> memref<128xi32, #tpu.memory_space<vmem>>
      %dma_wait3A_1147 = arith.constant 0 : i32
      %dma_wait3A_1148 = tpu.memref_slice %arg12[%dma_wait3A_1142, %dma_wait3A_1147] : memref<2x128xi32, #tpu.memory_space<vmem>> -> memref<1x128xi32, #tpu.memory_space<vmem>>
      %dma_wait3A_1149 = tpu.memref_squeeze %dma_wait3A_1148 : memref<1x128xi32, #tpu.memory_space<vmem>> -> memref<128xi32, #tpu.memory_space<vmem>>
      %dma_wait3A_1150 = arith.constant 0 : i32
      %dma_wait3A_1151 = tpu.memref_slice %arg6[%dma_wait3A_1150] : memref<10000xi32, #tpu.memory_space<hbm>> -> memref<10000xi32, #tpu.memory_space<hbm>>
      tpu.wait_indirect_dma semaphore(%arg25 : memref<!tpu.dma_semaphore, #tpu.memory_space<semaphore_mem>>) src(%dma_wait3A_1151 : memref<10000xi32, #tpu.memory_space<hbm>>) dst(%dma_wait3A_1146 : memref<128xi32, #tpu.memory_space<vmem>>)
      %dma_wait3A_1152 = arith.constant 1 : i32
      %dma_wait3A_1153 = arith.constant 1 : i32
      %dma_wait3A_1154 = arith.constant 0 : i32
      %dma_wait3A_1155 = tpu.memref_slice %arg14[%dma_wait3A_1153, %dma_wait3A_1154] : memref<2x128xi32, #tpu.memory_space<vmem>> -> memref<1x128xi32, #tpu.memory_space<vmem>>
      %dma_wait3A_1156 = tpu.memref_squeeze %dma_wait3A_1155 : memref<1x128xi32, #tpu.memory_space<vmem>> -> memref<128xi32, #tpu.memory_space<vmem>>
      %dma_wait3A_1157 = arith.constant 0 : i32
      %dma_wait3A_1158 = tpu.memref_slice %arg12[%dma_wait3A_1152, %dma_wait3A_1157] : memref<2x128xi32, #tpu.memory_space<vmem>> -> memref<1x128xi32, #tpu.memory_space<vmem>>
      %dma_wait3A_1159 = tpu.memref_squeeze %dma_wait3A_1158 : memref<1x128xi32, #tpu.memory_space<vmem>> -> memref<128xi32, #tpu.memory_space<vmem>>
      %dma_wait3A_1160 = arith.constant 0 : i32
      %dma_wait3A_1161 = tpu.memref_slice %arg6[%dma_wait3A_1160] : memref<10000xi32, #tpu.memory_space<hbm>> -> memref<10000xi32, #tpu.memory_space<hbm>>
      tpu.wait_indirect_dma semaphore(%arg25 : memref<!tpu.dma_semaphore, #tpu.memory_space<semaphore_mem>>) src(%dma_wait3A_1161 : memref<10000xi32, #tpu.memory_space<hbm>>) dst(%dma_wait3A_1156 : memref<128xi32, #tpu.memory_space<vmem>>)
      %get3A = arith.constant 0 : i32
      %get3A_1162 = arith.index_cast %get3A : i32 to index
      %get3A_1163 = arith.constant 0 : index
      %get3A_1164 = tpu.vector_load %arg13[%get3A_1162, %get3A_1163] {strides = array<i32>} : memref<2x128xi32, #tpu.memory_space<vmem>>, vector<1x16xi32>,
      %get3A_1165 = vector.shape_cast %get3A_1164 : vector<1x16xi32> to vector<16xi32>
      %get3A_1166 = arith.constant 0 : i32
      %get3A_1167 = arith.index_cast %get3A_1166 : i32 to index
      %get3A_1168 = arith.constant 0 : index
      %get3A_1169 = tpu.vector_load %arg14[%get3A_1167, %get3A_1168] {strides = array<i32>} : memref<2x128xi32, #tpu.memory_space<vmem>>, vector<1x16xi32>,
      %get3A_1170 = vector.shape_cast %get3A_1169 : vector<1x16xi32> to vector<16xi32>
      %le3A = arith.cmpi sle, %get3A_1165, %get3A_1170 : vector<16xi32>
      %sub3A = arith.constant 500 : i32
      %sub3A_1171 = vector.broadcast %sub3A : i32 to vector<16xi32>
      %sub3A_1172 = arith.subi %get3A_1170, %sub3A_1171 : vector<16xi32>
      %gt3A = arith.cmpi sgt, %get3A_1165, %sub3A_1172 : vector<16xi32>
      %and3A = arith.andi %le3A, %gt3A : vector<16xi1>
      %get3A_1173 = arith.constant 0 : i32
      %get3A_1174 = arith.index_cast %get3A_1173 : i32 to index
      %get3A_1175 = arith.constant 0 : index
      %get3A_1176 = tpu.vector_load %arg12[%get3A_1174, %get3A_1175] {strides = array<i32>} : memref<2x128xi32, #tpu.memory_space<vmem>>, vector<1x16xi32>,
      %get3A_1177 = vector.shape_cast %get3A_1176 : vector<1x16xi32> to vector<16xi32>
      %broadcast_in_dim3A_1178 = arith.constant 0 : i32
      %broadcast_in_dim3A_1179 = vector.broadcast %broadcast_in_dim3A_1178 : i32 to vector<16xi32>
      %add3A_1180 = arith.addi %iota3A, %broadcast_in_dim3A_1179 : vector<16xi32>
      %add3A_1181 = vector.broadcast %arg1 : i32 to vector<16xi32>
      %add3A_1182 = arith.addi %add3A_1180, %add3A_1181 : vector<16xi32>
      %rem3A = arith.remsi %add3A_1182, %broadcast_in_dim3A_989 : vector<16xi32>
      %add3A_1183 = arith.constant 10000 : i32
      %add3A_1184 = vector.broadcast %add3A_1183 : i32 to vector<16xi32>
      %add3A_1185 = arith.addi %add3A_1184, %rem3A : vector<16xi32>
      %select_n3A = arith.select %and3A, %get3A_1177, %add3A_1185 : vector<16xi1>, vector<16xi32>
      %swap3A_1186 = arith.constant 0 : i32
      %swap3A_1187 = arith.index_cast %swap3A_1186 : i32 to index
      %swap3A_1188 = arith.constant 0 : index
      %swap3A_1189 = tpu.vector_load %arg19[%swap3A_1187, %swap3A_1188] {strides = array<i32>} : memref<2x128xi32, #tpu.memory_space<vmem>>, vector<1x16xi32>,
      %swap3A_1190 = vector.shape_cast %swap3A_1189 : vector<1x16xi32> to vector<16xi32>
      %swap3A_1191 = vector.shape_cast %select_n3A : vector<16xi32> to vector<1x16xi32>
      tpu.vector_store %arg19[%swap3A_1187, %swap3A_1188], %swap3A_1191 {strides = array<i32>} : memref<2x128xi32, #tpu.memory_space<vmem>>, vector<1x16xi32>,
      %get3A_1192 = arith.constant 0 : i32
      %get3A_1193 = arith.index_cast %get3A_1192 : i32 to index
      %get3A_1194 = arith.constant 16 : index
      %get3A_1195 = tpu.vector_load %arg13[%get3A_1193, %get3A_1194] {strides = array<i32>} : memref<2x128xi32, #tpu.memory_space<vmem>>, vector<1x16xi32>,
      %get3A_1196 = vector.shape_cast %get3A_1195 : vector<1x16xi32> to vector<16xi32>
      %get3A_1197 = arith.constant 0 : i32
      %get3A_1198 = arith.index_cast %get3A_1197 : i32 to index
      %get3A_1199 = arith.constant 16 : index
      %get3A_1200 = tpu.vector_load %arg14[%get3A_1198, %get3A_1199] {strides = array<i32>} : memref<2x128xi32, #tpu.memory_space<vmem>>, vector<1x16xi32>,
      %get3A_1201 = vector.shape_cast %get3A_1200 : vector<1x16xi32> to vector<16xi32>
      %le3A_1202 = arith.cmpi sle, %get3A_1196, %get3A_1201 : vector<16xi32>
      %sub3A_1203 = arith.constant 500 : i32
      %sub3A_1204 = vector.broadcast %sub3A_1203 : i32 to vector<16xi32>
      %sub3A_1205 = arith.subi %get3A_1201, %sub3A_1204 : vector<16xi32>
      %gt3A_1206 = arith.cmpi sgt, %get3A_1196, %sub3A_1205 : vector<16xi32>
      %and3A_1207 = arith.andi %le3A_1202, %gt3A_1206 : vector<16xi1>
      %get3A_1208 = arith.constant 0 : i32
      %get3A_1209 = arith.index_cast %get3A_1208 : i32 to index
      %get3A_1210 = arith.constant 16 : index
      %get3A_1211 = tpu.vector_load %arg12[%get3A_1209, %get3A_1210] {strides = array<i32>} : memref<2x128xi32, #tpu.memory_space<vmem>>, vector<1x16xi32>,
      %get3A_1212 = vector.shape_cast %get3A_1211 : vector<1x16xi32> to vector<16xi32>
      %broadcast_in_dim3A_1213 = arith.constant 16 : i32
      %broadcast_in_dim3A_1214 = vector.broadcast %broadcast_in_dim3A_1213 : i32 to vector<16xi32>
      %add3A_1215 = arith.addi %iota3A, %broadcast_in_dim3A_1214 : vector<16xi32>
      %add3A_1216 = vector.broadcast %arg1 : i32 to vector<16xi32>
      %add3A_1217 = arith.addi %add3A_1215, %add3A_1216 : vector<16xi32>
      %rem3A_1218 = arith.remsi %add3A_1217, %broadcast_in_dim3A_989 : vector<16xi32>
      %add3A_1219 = arith.constant 10000 : i32
      %add3A_1220 = vector.broadcast %add3A_1219 : i32 to vector<16xi32>
      %add3A_1221 = arith.addi %add3A_1220, %rem3A_1218 : vector<16xi32>
      %select_n3A_1222 = arith.select %and3A_1207, %get3A_1212, %add3A_1221 : vector<16xi1>, vector<16xi32>
      %swap3A_1223 = arith.constant 0 : i32
      %swap3A_1224 = arith.index_cast %swap3A_1223 : i32 to index
      %swap3A_1225 = arith.constant 16 : index
      %swap3A_1226 = tpu.vector_load %arg19[%swap3A_1224, %swap3A_1225] {strides = array<i32>} : memref<2x128xi32, #tpu.memory_space<vmem>>, vector<1x16xi32>,
      %swap3A_1227 = vector.shape_cast %swap3A_1226 : vector<1x16xi32> to vector<16xi32>
      %swap3A_1228 = vector.shape_cast %select_n3A_1222 : vector<16xi32> to vector<1x16xi32>
      tpu.vector_store %arg19[%swap3A_1224, %swap3A_1225], %swap3A_1228 {strides = array<i32>} : memref<2x128xi32, #tpu.memory_space<vmem>>, vector<1x16xi32>,
      %get3A_1229 = arith.constant 0 : i32
      %get3A_1230 = arith.index_cast %get3A_1229 : i32 to index
      %get3A_1231 = arith.constant 32 : index
      %get3A_1232 = tpu.vector_load %arg13[%get3A_1230, %get3A_1231] {strides = array<i32>} : memref<2x128xi32, #tpu.memory_space<vmem>>, vector<1x16xi32>,
      %get3A_1233 = vector.shape_cast %get3A_1232 : vector<1x16xi32> to vector<16xi32>
      %get3A_1234 = arith.constant 0 : i32
      %get3A_1235 = arith.index_cast %get3A_1234 : i32 to index
      %get3A_1236 = arith.constant 32 : index
      %get3A_1237 = tpu.vector_load %arg14[%get3A_1235, %get3A_1236] {strides = array<i32>} : memref<2x128xi32, #tpu.memory_space<vmem>>, vector<1x16xi32>,
      %get3A_1238 = vector.shape_cast %get3A_1237 : vector<1x16xi32> to vector<16xi32>
      %le3A_1239 = arith.cmpi sle, %get3A_1233, %get3A_1238 : vector<16xi32>
      %sub3A_1240 = arith.constant 500 : i32
      %sub3A_1241 = vector.broadcast %sub3A_1240 : i32 to vector<16xi32>
      %sub3A_1242 = arith.subi %get3A_1238, %sub3A_1241 : vector<16xi32>
      %gt3A_1243 = arith.cmpi sgt, %get3A_1233, %sub3A_1242 : vector<16xi32>
      %and3A_1244 = arith.andi %le3A_1239, %gt3A_1243 : vector<16xi1>
      %get3A_1245 = arith.constant 0 : i32
      %get3A_1246 = arith.index_cast %get3A_1245 : i32 to index
      %get3A_1247 = arith.constant 32 : index
      %get3A_1248 = tpu.vector_load %arg12[%get3A_1246, %get3A_1247] {strides = array<i32>} : memref<2x128xi32, #tpu.memory_space<vmem>>, vector<1x16xi32>,
      %get3A_1249 = vector.shape_cast %get3A_1248 : vector<1x16xi32> to vector<16xi32>
      %broadcast_in_dim3A_1250 = arith.constant 32 : i32
      %broadcast_in_dim3A_1251 = vector.broadcast %broadcast_in_dim3A_1250 : i32 to vector<16xi32>
      %add3A_1252 = arith.addi %iota3A, %broadcast_in_dim3A_1251 : vector<16xi32>
      %add3A_1253 = vector.broadcast %arg1 : i32 to vector<16xi32>
      %add3A_1254 = arith.addi %add3A_1252, %add3A_1253 : vector<16xi32>
      %rem3A_1255 = arith.remsi %add3A_1254, %broadcast_in_dim3A_989 : vector<16xi32>
      %add3A_1256 = arith.constant 10000 : i32
      %add3A_1257 = vector.broadcast %add3A_1256 : i32 to vector<16xi32>
      %add3A_1258 = arith.addi %add3A_1257, %rem3A_1255 : vector<16xi32>
      %select_n3A_1259 = arith.select %and3A_1244, %get3A_1249, %add3A_1258 : vector<16xi1>, vector<16xi32>
      %swap3A_1260 = arith.constant 0 : i32
      %swap3A_1261 = arith.index_cast %swap3A_1260 : i32 to index
      %swap3A_1262 = arith.constant 32 : index
      %swap3A_1263 = tpu.vector_load %arg19[%swap3A_1261, %swap3A_1262] {strides = array<i32>} : memref<2x128xi32, #tpu.memory_space<vmem>>, vector<1x16xi32>,
      %swap3A_1264 = vector.shape_cast %swap3A_1263 : vector<1x16xi32> to vector<16xi32>
      %swap3A_1265 = vector.shape_cast %select_n3A_1259 : vector<16xi32> to vector<1x16xi32>
      tpu.vector_store %arg19[%swap3A_1261, %swap3A_1262], %swap3A_1265 {strides = array<i32>} : memref<2x128xi32, #tpu.memory_space<vmem>>, vector<1x16xi32>,
      %get3A_1266 = arith.constant 0 : i32
      %get3A_1267 = arith.index_cast %get3A_1266 : i32 to index
      %get3A_1268 = arith.constant 48 : index
      %get3A_1269 = tpu.vector_load %arg13[%get3A_1267, %get3A_1268] {strides = array<i32>} : memref<2x128xi32, #tpu.memory_space<vmem>>, vector<1x16xi32>,
      %get3A_1270 = vector.shape_cast %get3A_1269 : vector<1x16xi32> to vector<16xi32>
      %get3A_1271 = arith.constant 0 : i32
      %get3A_1272 = arith.index_cast %get3A_1271 : i32 to index
      %get3A_1273 = arith.constant 48 : index
      %get3A_1274 = tpu.vector_load %arg14[%get3A_1272, %get3A_1273] {strides = array<i32>} : memref<2x128xi32, #tpu.memory_space<vmem>>, vector<1x16xi32>,
      %get3A_1275 = vector.shape_cast %get3A_1274 : vector<1x16xi32> to vector<16xi32>
      %le3A_1276 = arith.cmpi sle, %get3A_1270, %get3A_1275 : vector<16xi32>
      %sub3A_1277 = arith.constant 500 : i32
      %sub3A_1278 = vector.broadcast %sub3A_1277 : i32 to vector<16xi32>
      %sub3A_1279 = arith.subi %get3A_1275, %sub3A_1278 : vector<16xi32>
      %gt3A_1280 = arith.cmpi sgt, %get3A_1270, %sub3A_1279 : vector<16xi32>
      %and3A_1281 = arith.andi %le3A_1276, %gt3A_1280 : vector<16xi1>
      %get3A_1282 = arith.constant 0 : i32
      %get3A_1283 = arith.index_cast %get3A_1282 : i32 to index
      %get3A_1284 = arith.constant 48 : index
      %get3A_1285 = tpu.vector_load %arg12[%get3A_1283, %get3A_1284] {strides = array<i32>} : memref<2x128xi32, #tpu.memory_space<vmem>>, vector<1x16xi32>,
      %get3A_1286 = vector.shape_cast %get3A_1285 : vector<1x16xi32> to vector<16xi32>
      %broadcast_in_dim3A_1287 = arith.constant 48 : i32
      %broadcast_in_dim3A_1288 = vector.broadcast %broadcast_in_dim3A_1287 : i32 to vector<16xi32>
      %add3A_1289 = arith.addi %iota3A, %broadcast_in_dim3A_1288 : vector<16xi32>
      %add3A_1290 = vector.broadcast %arg1 : i32 to vector<16xi32>
      %add3A_1291 = arith.addi %add3A_1289, %add3A_1290 : vector<16xi32>
      %rem3A_1292 = arith.remsi %add3A_1291, %broadcast_in_dim3A_989 : vector<16xi32>
      %add3A_1293 = arith.constant 10000 : i32
      %add3A_1294 = vector.broadcast %add3A_1293 : i32 to vector<16xi32>
      %add3A_1295 = arith.addi %add3A_1294, %rem3A_1292 : vector<16xi32>
      %select_n3A_1296 = arith.select %and3A_1281, %get3A_1286, %add3A_1295 : vector<16xi1>, vector<16xi32>
      %swap3A_1297 = arith.constant 0 : i32
      %swap3A_1298 = arith.index_cast %swap3A_1297 : i32 to index
      %swap3A_1299 = arith.constant 48 : index
      %swap3A_1300 = tpu.vector_load %arg19[%swap3A_1298, %swap3A_1299] {strides = array<i32>} : memref<2x128xi32, #tpu.memory_space<vmem>>, vector<1x16xi32>,
      %swap3A_1301 = vector.shape_cast %swap3A_1300 : vector<1x16xi32> to vector<16xi32>
      %swap3A_1302 = vector.shape_cast %select_n3A_1296 : vector<16xi32> to vector<1x16xi32>
      tpu.vector_store %arg19[%swap3A_1298, %swap3A_1299], %swap3A_1302 {strides = array<i32>} : memref<2x128xi32, #tpu.memory_space<vmem>>, vector<1x16xi32>,
      %get3A_1303 = arith.constant 0 : i32
      %get3A_1304 = arith.index_cast %get3A_1303 : i32 to index
      %get3A_1305 = arith.constant 64 : index
      %get3A_1306 = tpu.vector_load %arg13[%get3A_1304, %get3A_1305] {strides = array<i32>} : memref<2x128xi32, #tpu.memory_space<vmem>>, vector<1x16xi32>,
      %get3A_1307 = vector.shape_cast %get3A_1306 : vector<1x16xi32> to vector<16xi32>
      %get3A_1308 = arith.constant 0 : i32
      %get3A_1309 = arith.index_cast %get3A_1308 : i32 to index
      %get3A_1310 = arith.constant 64 : index
      %get3A_1311 = tpu.vector_load %arg14[%get3A_1309, %get3A_1310] {strides = array<i32>} : memref<2x128xi32, #tpu.memory_space<vmem>>, vector<1x16xi32>,
      %get3A_1312 = vector.shape_cast %get3A_1311 : vector<1x16xi32> to vector<16xi32>
      %le3A_1313 = arith.cmpi sle, %get3A_1307, %get3A_1312 : vector<16xi32>
      %sub3A_1314 = arith.constant 500 : i32
      %sub3A_1315 = vector.broadcast %sub3A_1314 : i32 to vector<16xi32>
      %sub3A_1316 = arith.subi %get3A_1312, %sub3A_1315 : vector<16xi32>
      %gt3A_1317 = arith.cmpi sgt, %get3A_1307, %sub3A_1316 : vector<16xi32>
      %and3A_1318 = arith.andi %le3A_1313, %gt3A_1317 : vector<16xi1>
      %get3A_1319 = arith.constant 0 : i32
      %get3A_1320 = arith.index_cast %get3A_1319 : i32 to index
      %get3A_1321 = arith.constant 64 : index
      %get3A_1322 = tpu.vector_load %arg12[%get3A_1320, %get3A_1321] {strides = array<i32>} : memref<2x128xi32, #tpu.memory_space<vmem>>, vector<1x16xi32>,
      %get3A_1323 = vector.shape_cast %get3A_1322 : vector<1x16xi32> to vector<16xi32>
      %broadcast_in_dim3A_1324 = arith.constant 64 : i32
      %broadcast_in_dim3A_1325 = vector.broadcast %broadcast_in_dim3A_1324 : i32 to vector<16xi32>
      %add3A_1326 = arith.addi %iota3A, %broadcast_in_dim3A_1325 : vector<16xi32>
      %add3A_1327 = vector.broadcast %arg1 : i32 to vector<16xi32>
      %add3A_1328 = arith.addi %add3A_1326, %add3A_1327 : vector<16xi32>
      %rem3A_1329 = arith.remsi %add3A_1328, %broadcast_in_dim3A_989 : vector<16xi32>
      %add3A_1330 = arith.constant 10000 : i32
      %add3A_1331 = vector.broadcast %add3A_1330 : i32 to vector<16xi32>
      %add3A_1332 = arith.addi %add3A_1331, %rem3A_1329 : vector<16xi32>
      %select_n3A_1333 = arith.select %and3A_1318, %get3A_1323, %add3A_1332 : vector<16xi1>, vector<16xi32>
      %swap3A_1334 = arith.constant 0 : i32
      %swap3A_1335 = arith.index_cast %swap3A_1334 : i32 to index
      %swap3A_1336 = arith.constant 64 : index
      %swap3A_1337 = tpu.vector_load %arg19[%swap3A_1335, %swap3A_1336] {strides = array<i32>} : memref<2x128xi32, #tpu.memory_space<vmem>>, vector<1x16xi32>,
      %swap3A_1338 = vector.shape_cast %swap3A_1337 : vector<1x16xi32> to vector<16xi32>
      %swap3A_1339 = vector.shape_cast %select_n3A_1333 : vector<16xi32> to vector<1x16xi32>
      tpu.vector_store %arg19[%swap3A_1335, %swap3A_1336], %swap3A_1339 {strides = array<i32>} : memref<2x128xi32, #tpu.memory_space<vmem>>, vector<1x16xi32>,
      %get3A_1340 = arith.constant 0 : i32
      %get3A_1341 = arith.index_cast %get3A_1340 : i32 to index
      %get3A_1342 = arith.constant 80 : index
      %get3A_1343 = tpu.vector_load %arg13[%get3A_1341, %get3A_1342] {strides = array<i32>} : memref<2x128xi32, #tpu.memory_space<vmem>>, vector<1x16xi32>,
      %get3A_1344 = vector.shape_cast %get3A_1343 : vector<1x16xi32> to vector<16xi32>
      %get3A_1345 = arith.constant 0 : i32
      %get3A_1346 = arith.index_cast %get3A_1345 : i32 to index
      %get3A_1347 = arith.constant 80 : index
      %get3A_1348 = tpu.vector_load %arg14[%get3A_1346, %get3A_1347] {strides = array<i32>} : memref<2x128xi32, #tpu.memory_space<vmem>>, vector<1x16xi32>,
      %get3A_1349 = vector.shape_cast %get3A_1348 : vector<1x16xi32> to vector<16xi32>
      %le3A_1350 = arith.cmpi sle, %get3A_1344, %get3A_1349 : vector<16xi32>
      %sub3A_1351 = arith.constant 500 : i32
      %sub3A_1352 = vector.broadcast %sub3A_1351 : i32 to vector<16xi32>
      %sub3A_1353 = arith.subi %get3A_1349, %sub3A_1352 : vector<16xi32>
      %gt3A_1354 = arith.cmpi sgt, %get3A_1344, %sub3A_1353 : vector<16xi32>
      %and3A_1355 = arith.andi %le3A_1350, %gt3A_1354 : vector<16xi1>
      %get3A_1356 = arith.constant 0 : i32
      %get3A_1357 = arith.index_cast %get3A_1356 : i32 to index
      %get3A_1358 = arith.constant 80 : index
      %get3A_1359 = tpu.vector_load %arg12[%get3A_1357, %get3A_1358] {strides = array<i32>} : memref<2x128xi32, #tpu.memory_space<vmem>>, vector<1x16xi32>,
      %get3A_1360 = vector.shape_cast %get3A_1359 : vector<1x16xi32> to vector<16xi32>
      %broadcast_in_dim3A_1361 = arith.constant 80 : i32
      %broadcast_in_dim3A_1362 = vector.broadcast %broadcast_in_dim3A_1361 : i32 to vector<16xi32>
      %add3A_1363 = arith.addi %iota3A, %broadcast_in_dim3A_1362 : vector<16xi32>
      %add3A_1364 = vector.broadcast %arg1 : i32 to vector<16xi32>
      %add3A_1365 = arith.addi %add3A_1363, %add3A_1364 : vector<16xi32>
      %rem3A_1366 = arith.remsi %add3A_1365, %broadcast_in_dim3A_989 : vector<16xi32>
      %add3A_1367 = arith.constant 10000 : i32
      %add3A_1368 = vector.broadcast %add3A_1367 : i32 to vector<16xi32>
      %add3A_1369 = arith.addi %add3A_1368, %rem3A_1366 : vector<16xi32>
      %select_n3A_1370 = arith.select %and3A_1355, %get3A_1360, %add3A_1369 : vector<16xi1>, vector<16xi32>
      %swap3A_1371 = arith.constant 0 : i32
      %swap3A_1372 = arith.index_cast %swap3A_1371 : i32 to index
      %swap3A_1373 = arith.constant 80 : index
      %swap3A_1374 = tpu.vector_load %arg19[%swap3A_1372, %swap3A_1373] {strides = array<i32>} : memref<2x128xi32, #tpu.memory_space<vmem>>, vector<1x16xi32>,
      %swap3A_1375 = vector.shape_cast %swap3A_1374 : vector<1x16xi32> to vector<16xi32>
      %swap3A_1376 = vector.shape_cast %select_n3A_1370 : vector<16xi32> to vector<1x16xi32>
      tpu.vector_store %arg19[%swap3A_1372, %swap3A_1373], %swap3A_1376 {strides = array<i32>} : memref<2x128xi32, #tpu.memory_space<vmem>>, vector<1x16xi32>,
      %get3A_1377 = arith.constant 0 : i32
      %get3A_1378 = arith.index_cast %get3A_1377 : i32 to index
      %get3A_1379 = arith.constant 96 : index
      %get3A_1380 = tpu.vector_load %arg13[%get3A_1378, %get3A_1379] {strides = array<i32>} : memref<2x128xi32, #tpu.memory_space<vmem>>, vector<1x16xi32>,
      %get3A_1381 = vector.shape_cast %get3A_1380 : vector<1x16xi32> to vector<16xi32>
      %get3A_1382 = arith.constant 0 : i32
      %get3A_1383 = arith.index_cast %get3A_1382 : i32 to index
      %get3A_1384 = arith.constant 96 : index
      %get3A_1385 = tpu.vector_load %arg14[%get3A_1383, %get3A_1384] {strides = array<i32>} : memref<2x128xi32, #tpu.memory_space<vmem>>, vector<1x16xi32>,
      %get3A_1386 = vector.shape_cast %get3A_1385 : vector<1x16xi32> to vector<16xi32>
      %le3A_1387 = arith.cmpi sle, %get3A_1381, %get3A_1386 : vector<16xi32>
      %sub3A_1388 = arith.constant 500 : i32
      %sub3A_1389 = vector.broadcast %sub3A_1388 : i32 to vector<16xi32>
      %sub3A_1390 = arith.subi %get3A_1386, %sub3A_1389 : vector<16xi32>
      %gt3A_1391 = arith.cmpi sgt, %get3A_1381, %sub3A_1390 : vector<16xi32>
      %and3A_1392 = arith.andi %le3A_1387, %gt3A_1391 : vector<16xi1>
      %get3A_1393 = arith.constant 0 : i32
      %get3A_1394 = arith.index_cast %get3A_1393 : i32 to index
      %get3A_1395 = arith.constant 96 : index
      %get3A_1396 = tpu.vector_load %arg12[%get3A_1394, %get3A_1395] {strides = array<i32>} : memref<2x128xi32, #tpu.memory_space<vmem>>, vector<1x16xi32>,
      %get3A_1397 = vector.shape_cast %get3A_1396 : vector<1x16xi32> to vector<16xi32>
      %broadcast_in_dim3A_1398 = arith.constant 96 : i32
      %broadcast_in_dim3A_1399 = vector.broadcast %broadcast_in_dim3A_1398 : i32 to vector<16xi32>
      %add3A_1400 = arith.addi %iota3A, %broadcast_in_dim3A_1399 : vector<16xi32>
      %add3A_1401 = vector.broadcast %arg1 : i32 to vector<16xi32>
      %add3A_1402 = arith.addi %add3A_1400, %add3A_1401 : vector<16xi32>
      %rem3A_1403 = arith.remsi %add3A_1402, %broadcast_in_dim3A_989 : vector<16xi32>
      %add3A_1404 = arith.constant 10000 : i32
      %add3A_1405 = vector.broadcast %add3A_1404 : i32 to vector<16xi32>
      %add3A_1406 = arith.addi %add3A_1405, %rem3A_1403 : vector<16xi32>
      %select_n3A_1407 = arith.select %and3A_1392, %get3A_1397, %add3A_1406 : vector<16xi1>, vector<16xi32>
      %swap3A_1408 = arith.constant 0 : i32
      %swap3A_1409 = arith.index_cast %swap3A_1408 : i32 to index
      %swap3A_1410 = arith.constant 96 : index
      %swap3A_1411 = tpu.vector_load %arg19[%swap3A_1409, %swap3A_1410] {strides = array<i32>} : memref<2x128xi32, #tpu.memory_space<vmem>>, vector<1x16xi32>,
      %swap3A_1412 = vector.shape_cast %swap3A_1411 : vector<1x16xi32> to vector<16xi32>
      %swap3A_1413 = vector.shape_cast %select_n3A_1407 : vector<16xi32> to vector<1x16xi32>
      tpu.vector_store %arg19[%swap3A_1409, %swap3A_1410], %swap3A_1413 {strides = array<i32>} : memref<2x128xi32, #tpu.memory_space<vmem>>, vector<1x16xi32>,
      %get3A_1414 = arith.constant 0 : i32
      %get3A_1415 = arith.index_cast %get3A_1414 : i32 to index
      %get3A_1416 = arith.constant 112 : index
      %get3A_1417 = tpu.vector_load %arg13[%get3A_1415, %get3A_1416] {strides = array<i32>} : memref<2x128xi32, #tpu.memory_space<vmem>>, vector<1x16xi32>,
      %get3A_1418 = vector.shape_cast %get3A_1417 : vector<1x16xi32> to vector<16xi32>
      %get3A_1419 = arith.constant 0 : i32
      %get3A_1420 = arith.index_cast %get3A_1419 : i32 to index
      %get3A_1421 = arith.constant 112 : index
      %get3A_1422 = tpu.vector_load %arg14[%get3A_1420, %get3A_1421] {strides = array<i32>} : memref<2x128xi32, #tpu.memory_space<vmem>>, vector<1x16xi32>,
      %get3A_1423 = vector.shape_cast %get3A_1422 : vector<1x16xi32> to vector<16xi32>
      %le3A_1424 = arith.cmpi sle, %get3A_1418, %get3A_1423 : vector<16xi32>
      %sub3A_1425 = arith.constant 500 : i32
      %sub3A_1426 = vector.broadcast %sub3A_1425 : i32 to vector<16xi32>
      %sub3A_1427 = arith.subi %get3A_1423, %sub3A_1426 : vector<16xi32>
      %gt3A_1428 = arith.cmpi sgt, %get3A_1418, %sub3A_1427 : vector<16xi32>
      %and3A_1429 = arith.andi %le3A_1424, %gt3A_1428 : vector<16xi1>
      %get3A_1430 = arith.constant 0 : i32
      %get3A_1431 = arith.index_cast %get3A_1430 : i32 to index
      %get3A_1432 = arith.constant 112 : index
      %get3A_1433 = tpu.vector_load %arg12[%get3A_1431, %get3A_1432] {strides = array<i32>} : memref<2x128xi32, #tpu.memory_space<vmem>>, vector<1x16xi32>,
      %get3A_1434 = vector.shape_cast %get3A_1433 : vector<1x16xi32> to vector<16xi32>
      %broadcast_in_dim3A_1435 = arith.constant 112 : i32
      %broadcast_in_dim3A_1436 = vector.broadcast %broadcast_in_dim3A_1435 : i32 to vector<16xi32>
      %add3A_1437 = arith.addi %iota3A, %broadcast_in_dim3A_1436 : vector<16xi32>
      %add3A_1438 = vector.broadcast %arg1 : i32 to vector<16xi32>
      %add3A_1439 = arith.addi %add3A_1437, %add3A_1438 : vector<16xi32>
      %rem3A_1440 = arith.remsi %add3A_1439, %broadcast_in_dim3A_989 : vector<16xi32>
      %add3A_1441 = arith.constant 10000 : i32
      %add3A_1442 = vector.broadcast %add3A_1441 : i32 to vector<16xi32>
      %add3A_1443 = arith.addi %add3A_1442, %rem3A_1440 : vector<16xi32>
      %select_n3A_1444 = arith.select %and3A_1429, %get3A_1434, %add3A_1443 : vector<16xi1>, vector<16xi32>
      %swap3A_1445 = arith.constant 0 : i32
      %swap3A_1446 = arith.index_cast %swap3A_1445 : i32 to index
      %swap3A_1447 = arith.constant 112 : index
      %swap3A_1448 = tpu.vector_load %arg19[%swap3A_1446, %swap3A_1447] {strides = array<i32>} : memref<2x128xi32, #tpu.memory_space<vmem>>, vector<1x16xi32>,
      %swap3A_1449 = vector.shape_cast %swap3A_1448 : vector<1x16xi32> to vector<16xi32>
      %swap3A_1450 = vector.shape_cast %select_n3A_1444 : vector<16xi32> to vector<1x16xi32>
      tpu.vector_store %arg19[%swap3A_1446, %swap3A_1447], %swap3A_1450 {strides = array<i32>} : memref<2x128xi32, #tpu.memory_space<vmem>>, vector<1x16xi32>,
      %get3A_1451 = arith.constant 1 : i32
      %get3A_1452 = arith.index_cast %get3A_1451 : i32 to index
      %get3A_1453 = arith.constant 0 : index
      %get3A_1454 = tpu.vector_load %arg13[%get3A_1452, %get3A_1453] {strides = array<i32>} : memref<2x128xi32, #tpu.memory_space<vmem>>, vector<1x16xi32>,
      %get3A_1455 = vector.shape_cast %get3A_1454 : vector<1x16xi32> to vector<16xi32>
      %get3A_1456 = arith.constant 1 : i32
      %get3A_1457 = arith.index_cast %get3A_1456 : i32 to index
      %get3A_1458 = arith.constant 0 : index
      %get3A_1459 = tpu.vector_load %arg14[%get3A_1457, %get3A_1458] {strides = array<i32>} : memref<2x128xi32, #tpu.memory_space<vmem>>, vector<1x16xi32>,
      %get3A_1460 = vector.shape_cast %get3A_1459 : vector<1x16xi32> to vector<16xi32>
      %le3A_1461 = arith.cmpi sle, %get3A_1455, %get3A_1460 : vector<16xi32>
      %sub3A_1462 = arith.constant 500 : i32
      %sub3A_1463 = vector.broadcast %sub3A_1462 : i32 to vector<16xi32>
      %sub3A_1464 = arith.subi %get3A_1460, %sub3A_1463 : vector<16xi32>
      %gt3A_1465 = arith.cmpi sgt, %get3A_1455, %sub3A_1464 : vector<16xi32>
      %and3A_1466 = arith.andi %le3A_1461, %gt3A_1465 : vector<16xi1>
      %get3A_1467 = arith.constant 1 : i32
      %get3A_1468 = arith.index_cast %get3A_1467 : i32 to index
      %get3A_1469 = arith.constant 0 : index
      %get3A_1470 = tpu.vector_load %arg12[%get3A_1468, %get3A_1469] {strides = array<i32>} : memref<2x128xi32, #tpu.memory_space<vmem>>, vector<1x16xi32>,
      %get3A_1471 = vector.shape_cast %get3A_1470 : vector<1x16xi32> to vector<16xi32>
      %broadcast_in_dim3A_1472 = arith.constant 128 : i32
      %broadcast_in_dim3A_1473 = vector.broadcast %broadcast_in_dim3A_1472 : i32 to vector<16xi32>
      %add3A_1474 = arith.addi %iota3A, %broadcast_in_dim3A_1473 : vector<16xi32>
      %add3A_1475 = vector.broadcast %arg1 : i32 to vector<16xi32>
      %add3A_1476 = arith.addi %add3A_1474, %add3A_1475 : vector<16xi32>
      %rem3A_1477 = arith.remsi %add3A_1476, %broadcast_in_dim3A_989 : vector<16xi32>
      %add3A_1478 = arith.constant 10000 : i32
      %add3A_1479 = vector.broadcast %add3A_1478 : i32 to vector<16xi32>
      %add3A_1480 = arith.addi %add3A_1479, %rem3A_1477 : vector<16xi32>
      %select_n3A_1481 = arith.select %and3A_1466, %get3A_1471, %add3A_1480 : vector<16xi1>, vector<16xi32>
      %swap3A_1482 = arith.constant 1 : i32
      %swap3A_1483 = arith.index_cast %swap3A_1482 : i32 to index
      %swap3A_1484 = arith.constant 0 : index
      %swap3A_1485 = tpu.vector_load %arg19[%swap3A_1483, %swap3A_1484] {strides = array<i32>} : memref<2x128xi32, #tpu.memory_space<vmem>>, vector<1x16xi32>,
      %swap3A_1486 = vector.shape_cast %swap3A_1485 : vector<1x16xi32> to vector<16xi32>
      %swap3A_1487 = vector.shape_cast %select_n3A_1481 : vector<16xi32> to vector<1x16xi32>
      tpu.vector_store %arg19[%swap3A_1483, %swap3A_1484], %swap3A_1487 {strides = array<i32>} : memref<2x128xi32, #tpu.memory_space<vmem>>, vector<1x16xi32>,
      %get3A_1488 = arith.constant 1 : i32
      %get3A_1489 = arith.index_cast %get3A_1488 : i32 to index
      %get3A_1490 = arith.constant 16 : index
      %get3A_1491 = tpu.vector_load %arg13[%get3A_1489, %get3A_1490] {strides = array<i32>} : memref<2x128xi32, #tpu.memory_space<vmem>>, vector<1x16xi32>,
      %get3A_1492 = vector.shape_cast %get3A_1491 : vector<1x16xi32> to vector<16xi32>
      %get3A_1493 = arith.constant 1 : i32
      %get3A_1494 = arith.index_cast %get3A_1493 : i32 to index
      %get3A_1495 = arith.constant 16 : index
      %get3A_1496 = tpu.vector_load %arg14[%get3A_1494, %get3A_1495] {strides = array<i32>} : memref<2x128xi32, #tpu.memory_space<vmem>>, vector<1x16xi32>,
      %get3A_1497 = vector.shape_cast %get3A_1496 : vector<1x16xi32> to vector<16xi32>
      %le3A_1498 = arith.cmpi sle, %get3A_1492, %get3A_1497 : vector<16xi32>
      %sub3A_1499 = arith.constant 500 : i32
      %sub3A_1500 = vector.broadcast %sub3A_1499 : i32 to vector<16xi32>
      %sub3A_1501 = arith.subi %get3A_1497, %sub3A_1500 : vector<16xi32>
      %gt3A_1502 = arith.cmpi sgt, %get3A_1492, %sub3A_1501 : vector<16xi32>
      %and3A_1503 = arith.andi %le3A_1498, %gt3A_1502 : vector<16xi1>
      %get3A_1504 = arith.constant 1 : i32
      %get3A_1505 = arith.index_cast %get3A_1504 : i32 to index
      %get3A_1506 = arith.constant 16 : index
      %get3A_1507 = tpu.vector_load %arg12[%get3A_1505, %get3A_1506] {strides = array<i32>} : memref<2x128xi32, #tpu.memory_space<vmem>>, vector<1x16xi32>,
      %get3A_1508 = vector.shape_cast %get3A_1507 : vector<1x16xi32> to vector<16xi32>
      %broadcast_in_dim3A_1509 = arith.constant 144 : i32
      %broadcast_in_dim3A_1510 = vector.broadcast %broadcast_in_dim3A_1509 : i32 to vector<16xi32>
      %add3A_1511 = arith.addi %iota3A, %broadcast_in_dim3A_1510 : vector<16xi32>
      %add3A_1512 = vector.broadcast %arg1 : i32 to vector<16xi32>
      %add3A_1513 = arith.addi %add3A_1511, %add3A_1512 : vector<16xi32>
      %rem3A_1514 = arith.remsi %add3A_1513, %broadcast_in_dim3A_989 : vector<16xi32>
      %add3A_1515 = arith.constant 10000 : i32
      %add3A_1516 = vector.broadcast %add3A_1515 : i32 to vector<16xi32>
      %add3A_1517 = arith.addi %add3A_1516, %rem3A_1514 : vector<16xi32>
      %select_n3A_1518 = arith.select %and3A_1503, %get3A_1508, %add3A_1517 : vector<16xi1>, vector<16xi32>
      %swap3A_1519 = arith.constant 1 : i32
      %swap3A_1520 = arith.index_cast %swap3A_1519 : i32 to index
      %swap3A_1521 = arith.constant 16 : index
      %swap3A_1522 = tpu.vector_load %arg19[%swap3A_1520, %swap3A_1521] {strides = array<i32>} : memref<2x128xi32, #tpu.memory_space<vmem>>, vector<1x16xi32>,
      %swap3A_1523 = vector.shape_cast %swap3A_1522 : vector<1x16xi32> to vector<16xi32>
      %swap3A_1524 = vector.shape_cast %select_n3A_1518 : vector<16xi32> to vector<1x16xi32>
      tpu.vector_store %arg19[%swap3A_1520, %swap3A_1521], %swap3A_1524 {strides = array<i32>} : memref<2x128xi32, #tpu.memory_space<vmem>>, vector<1x16xi32>,
      %get3A_1525 = arith.constant 1 : i32
      %get3A_1526 = arith.index_cast %get3A_1525 : i32 to index
      %get3A_1527 = arith.constant 32 : index
      %get3A_1528 = tpu.vector_load %arg13[%get3A_1526, %get3A_1527] {strides = array<i32>} : memref<2x128xi32, #tpu.memory_space<vmem>>, vector<1x16xi32>,
      %get3A_1529 = vector.shape_cast %get3A_1528 : vector<1x16xi32> to vector<16xi32>
      %get3A_1530 = arith.constant 1 : i32
      %get3A_1531 = arith.index_cast %get3A_1530 : i32 to index
      %get3A_1532 = arith.constant 32 : index
      %get3A_1533 = tpu.vector_load %arg14[%get3A_1531, %get3A_1532] {strides = array<i32>} : memref<2x128xi32, #tpu.memory_space<vmem>>, vector<1x16xi32>,
      %get3A_1534 = vector.shape_cast %get3A_1533 : vector<1x16xi32> to vector<16xi32>
      %le3A_1535 = arith.cmpi sle, %get3A_1529, %get3A_1534 : vector<16xi32>
      %sub3A_1536 = arith.constant 500 : i32
      %sub3A_1537 = vector.broadcast %sub3A_1536 : i32 to vector<16xi32>
      %sub3A_1538 = arith.subi %get3A_1534, %sub3A_1537 : vector<16xi32>
      %gt3A_1539 = arith.cmpi sgt, %get3A_1529, %sub3A_1538 : vector<16xi32>
      %and3A_1540 = arith.andi %le3A_1535, %gt3A_1539 : vector<16xi1>
      %get3A_1541 = arith.constant 1 : i32
      %get3A_1542 = arith.index_cast %get3A_1541 : i32 to index
      %get3A_1543 = arith.constant 32 : index
      %get3A_1544 = tpu.vector_load %arg12[%get3A_1542, %get3A_1543] {strides = array<i32>} : memref<2x128xi32, #tpu.memory_space<vmem>>, vector<1x16xi32>,
      %get3A_1545 = vector.shape_cast %get3A_1544 : vector<1x16xi32> to vector<16xi32>
      %broadcast_in_dim3A_1546 = arith.constant 160 : i32
      %broadcast_in_dim3A_1547 = vector.broadcast %broadcast_in_dim3A_1546 : i32 to vector<16xi32>
      %add3A_1548 = arith.addi %iota3A, %broadcast_in_dim3A_1547 : vector<16xi32>
      %add3A_1549 = vector.broadcast %arg1 : i32 to vector<16xi32>
      %add3A_1550 = arith.addi %add3A_1548, %add3A_1549 : vector<16xi32>
      %rem3A_1551 = arith.remsi %add3A_1550, %broadcast_in_dim3A_989 : vector<16xi32>
      %add3A_1552 = arith.constant 10000 : i32
      %add3A_1553 = vector.broadcast %add3A_1552 : i32 to vector<16xi32>
      %add3A_1554 = arith.addi %add3A_1553, %rem3A_1551 : vector<16xi32>
      %select_n3A_1555 = arith.select %and3A_1540, %get3A_1545, %add3A_1554 : vector<16xi1>, vector<16xi32>
      %swap3A_1556 = arith.constant 1 : i32
      %swap3A_1557 = arith.index_cast %swap3A_1556 : i32 to index
      %swap3A_1558 = arith.constant 32 : index
      %swap3A_1559 = tpu.vector_load %arg19[%swap3A_1557, %swap3A_1558] {strides = array<i32>} : memref<2x128xi32, #tpu.memory_space<vmem>>, vector<1x16xi32>,
      %swap3A_1560 = vector.shape_cast %swap3A_1559 : vector<1x16xi32> to vector<16xi32>
      %swap3A_1561 = vector.shape_cast %select_n3A_1555 : vector<16xi32> to vector<1x16xi32>
      tpu.vector_store %arg19[%swap3A_1557, %swap3A_1558], %swap3A_1561 {strides = array<i32>} : memref<2x128xi32, #tpu.memory_space<vmem>>, vector<1x16xi32>,
      %get3A_1562 = arith.constant 1 : i32
      %get3A_1563 = arith.index_cast %get3A_1562 : i32 to index
      %get3A_1564 = arith.constant 48 : index
      %get3A_1565 = tpu.vector_load %arg13[%get3A_1563, %get3A_1564] {strides = array<i32>} : memref<2x128xi32, #tpu.memory_space<vmem>>, vector<1x16xi32>,
      %get3A_1566 = vector.shape_cast %get3A_1565 : vector<1x16xi32> to vector<16xi32>
      %get3A_1567 = arith.constant 1 : i32
      %get3A_1568 = arith.index_cast %get3A_1567 : i32 to index
      %get3A_1569 = arith.constant 48 : index
      %get3A_1570 = tpu.vector_load %arg14[%get3A_1568, %get3A_1569] {strides = array<i32>} : memref<2x128xi32, #tpu.memory_space<vmem>>, vector<1x16xi32>,
      %get3A_1571 = vector.shape_cast %get3A_1570 : vector<1x16xi32> to vector<16xi32>
      %le3A_1572 = arith.cmpi sle, %get3A_1566, %get3A_1571 : vector<16xi32>
      %sub3A_1573 = arith.constant 500 : i32
      %sub3A_1574 = vector.broadcast %sub3A_1573 : i32 to vector<16xi32>
      %sub3A_1575 = arith.subi %get3A_1571, %sub3A_1574 : vector<16xi32>
      %gt3A_1576 = arith.cmpi sgt, %get3A_1566, %sub3A_1575 : vector<16xi32>
      %and3A_1577 = arith.andi %le3A_1572, %gt3A_1576 : vector<16xi1>
      %get3A_1578 = arith.constant 1 : i32
      %get3A_1579 = arith.index_cast %get3A_1578 : i32 to index
      %get3A_1580 = arith.constant 48 : index
      %get3A_1581 = tpu.vector_load %arg12[%get3A_1579, %get3A_1580] {strides = array<i32>} : memref<2x128xi32, #tpu.memory_space<vmem>>, vector<1x16xi32>,
      %get3A_1582 = vector.shape_cast %get3A_1581 : vector<1x16xi32> to vector<16xi32>
      %broadcast_in_dim3A_1583 = arith.constant 176 : i32
      %broadcast_in_dim3A_1584 = vector.broadcast %broadcast_in_dim3A_1583 : i32 to vector<16xi32>
      %add3A_1585 = arith.addi %iota3A, %broadcast_in_dim3A_1584 : vector<16xi32>
      %add3A_1586 = vector.broadcast %arg1 : i32 to vector<16xi32>
      %add3A_1587 = arith.addi %add3A_1585, %add3A_1586 : vector<16xi32>
      %rem3A_1588 = arith.remsi %add3A_1587, %broadcast_in_dim3A_989 : vector<16xi32>
      %add3A_1589 = arith.constant 10000 : i32
      %add3A_1590 = vector.broadcast %add3A_1589 : i32 to vector<16xi32>
      %add3A_1591 = arith.addi %add3A_1590, %rem3A_1588 : vector<16xi32>
      %select_n3A_1592 = arith.select %and3A_1577, %get3A_1582, %add3A_1591 : vector<16xi1>, vector<16xi32>
      %swap3A_1593 = arith.constant 1 : i32
      %swap3A_1594 = arith.index_cast %swap3A_1593 : i32 to index
      %swap3A_1595 = arith.constant 48 : index
      %swap3A_1596 = tpu.vector_load %arg19[%swap3A_1594, %swap3A_1595] {strides = array<i32>} : memref<2x128xi32, #tpu.memory_space<vmem>>, vector<1x16xi32>,
      %swap3A_1597 = vector.shape_cast %swap3A_1596 : vector<1x16xi32> to vector<16xi32>
      %swap3A_1598 = vector.shape_cast %select_n3A_1592 : vector<16xi32> to vector<1x16xi32>
      tpu.vector_store %arg19[%swap3A_1594, %swap3A_1595], %swap3A_1598 {strides = array<i32>} : memref<2x128xi32, #tpu.memory_space<vmem>>, vector<1x16xi32>,
      %get3A_1599 = arith.constant 1 : i32
      %get3A_1600 = arith.index_cast %get3A_1599 : i32 to index
      %get3A_1601 = arith.constant 64 : index
      %get3A_1602 = tpu.vector_load %arg13[%get3A_1600, %get3A_1601] {strides = array<i32>} : memref<2x128xi32, #tpu.memory_space<vmem>>, vector<1x16xi32>,
      %get3A_1603 = vector.shape_cast %get3A_1602 : vector<1x16xi32> to vector<16xi32>
      %get3A_1604 = arith.constant 1 : i32
      %get3A_1605 = arith.index_cast %get3A_1604 : i32 to index
      %get3A_1606 = arith.constant 64 : index
      %get3A_1607 = tpu.vector_load %arg14[%get3A_1605, %get3A_1606] {strides = array<i32>} : memref<2x128xi32, #tpu.memory_space<vmem>>, vector<1x16xi32>,
      %get3A_1608 = vector.shape_cast %get3A_1607 : vector<1x16xi32> to vector<16xi32>
      %le3A_1609 = arith.cmpi sle, %get3A_1603, %get3A_1608 : vector<16xi32>
      %sub3A_1610 = arith.constant 500 : i32
      %sub3A_1611 = vector.broadcast %sub3A_1610 : i32 to vector<16xi32>
      %sub3A_1612 = arith.subi %get3A_1608, %sub3A_1611 : vector<16xi32>
      %gt3A_1613 = arith.cmpi sgt, %get3A_1603, %sub3A_1612 : vector<16xi32>
      %and3A_1614 = arith.andi %le3A_1609, %gt3A_1613 : vector<16xi1>
      %get3A_1615 = arith.constant 1 : i32
      %get3A_1616 = arith.index_cast %get3A_1615 : i32 to index
      %get3A_1617 = arith.constant 64 : index
      %get3A_1618 = tpu.vector_load %arg12[%get3A_1616, %get3A_1617] {strides = array<i32>} : memref<2x128xi32, #tpu.memory_space<vmem>>, vector<1x16xi32>,
      %get3A_1619 = vector.shape_cast %get3A_1618 : vector<1x16xi32> to vector<16xi32>
      %broadcast_in_dim3A_1620 = arith.constant 192 : i32
      %broadcast_in_dim3A_1621 = vector.broadcast %broadcast_in_dim3A_1620 : i32 to vector<16xi32>
      %add3A_1622 = arith.addi %iota3A, %broadcast_in_dim3A_1621 : vector<16xi32>
      %add3A_1623 = vector.broadcast %arg1 : i32 to vector<16xi32>
      %add3A_1624 = arith.addi %add3A_1622, %add3A_1623 : vector<16xi32>
      %rem3A_1625 = arith.remsi %add3A_1624, %broadcast_in_dim3A_989 : vector<16xi32>
      %add3A_1626 = arith.constant 10000 : i32
      %add3A_1627 = vector.broadcast %add3A_1626 : i32 to vector<16xi32>
      %add3A_1628 = arith.addi %add3A_1627, %rem3A_1625 : vector<16xi32>
      %select_n3A_1629 = arith.select %and3A_1614, %get3A_1619, %add3A_1628 : vector<16xi1>, vector<16xi32>
      %swap3A_1630 = arith.constant 1 : i32
      %swap3A_1631 = arith.index_cast %swap3A_1630 : i32 to index
      %swap3A_1632 = arith.constant 64 : index
      %swap3A_1633 = tpu.vector_load %arg19[%swap3A_1631, %swap3A_1632] {strides = array<i32>} : memref<2x128xi32, #tpu.memory_space<vmem>>, vector<1x16xi32>,
      %swap3A_1634 = vector.shape_cast %swap3A_1633 : vector<1x16xi32> to vector<16xi32>
      %swap3A_1635 = vector.shape_cast %select_n3A_1629 : vector<16xi32> to vector<1x16xi32>
      tpu.vector_store %arg19[%swap3A_1631, %swap3A_1632], %swap3A_1635 {strides = array<i32>} : memref<2x128xi32, #tpu.memory_space<vmem>>, vector<1x16xi32>,
      %get3A_1636 = arith.constant 1 : i32
      %get3A_1637 = arith.index_cast %get3A_1636 : i32 to index
      %get3A_1638 = arith.constant 80 : index
      %get3A_1639 = tpu.vector_load %arg13[%get3A_1637, %get3A_1638] {strides = array<i32>} : memref<2x128xi32, #tpu.memory_space<vmem>>, vector<1x16xi32>,
      %get3A_1640 = vector.shape_cast %get3A_1639 : vector<1x16xi32> to vector<16xi32>
      %get3A_1641 = arith.constant 1 : i32
      %get3A_1642 = arith.index_cast %get3A_1641 : i32 to index
      %get3A_1643 = arith.constant 80 : index
      %get3A_1644 = tpu.vector_load %arg14[%get3A_1642, %get3A_1643] {strides = array<i32>} : memref<2x128xi32, #tpu.memory_space<vmem>>, vector<1x16xi32>,
      %get3A_1645 = vector.shape_cast %get3A_1644 : vector<1x16xi32> to vector<16xi32>
      %le3A_1646 = arith.cmpi sle, %get3A_1640, %get3A_1645 : vector<16xi32>
      %sub3A_1647 = arith.constant 500 : i32
      %sub3A_1648 = vector.broadcast %sub3A_1647 : i32 to vector<16xi32>
      %sub3A_1649 = arith.subi %get3A_1645, %sub3A_1648 : vector<16xi32>
      %gt3A_1650 = arith.cmpi sgt, %get3A_1640, %sub3A_1649 : vector<16xi32>
      %and3A_1651 = arith.andi %le3A_1646, %gt3A_1650 : vector<16xi1>
      %get3A_1652 = arith.constant 1 : i32
      %get3A_1653 = arith.index_cast %get3A_1652 : i32 to index
      %get3A_1654 = arith.constant 80 : index
      %get3A_1655 = tpu.vector_load %arg12[%get3A_1653, %get3A_1654] {strides = array<i32>} : memref<2x128xi32, #tpu.memory_space<vmem>>, vector<1x16xi32>,
      %get3A_1656 = vector.shape_cast %get3A_1655 : vector<1x16xi32> to vector<16xi32>
      %broadcast_in_dim3A_1657 = arith.constant 208 : i32
      %broadcast_in_dim3A_1658 = vector.broadcast %broadcast_in_dim3A_1657 : i32 to vector<16xi32>
      %add3A_1659 = arith.addi %iota3A, %broadcast_in_dim3A_1658 : vector<16xi32>
      %add3A_1660 = vector.broadcast %arg1 : i32 to vector<16xi32>
      %add3A_1661 = arith.addi %add3A_1659, %add3A_1660 : vector<16xi32>
      %rem3A_1662 = arith.remsi %add3A_1661, %broadcast_in_dim3A_989 : vector<16xi32>
      %add3A_1663 = arith.constant 10000 : i32
      %add3A_1664 = vector.broadcast %add3A_1663 : i32 to vector<16xi32>
      %add3A_1665 = arith.addi %add3A_1664, %rem3A_1662 : vector<16xi32>
      %select_n3A_1666 = arith.select %and3A_1651, %get3A_1656, %add3A_1665 : vector<16xi1>, vector<16xi32>
      %swap3A_1667 = arith.constant 1 : i32
      %swap3A_1668 = arith.index_cast %swap3A_1667 : i32 to index
      %swap3A_1669 = arith.constant 80 : index
      %swap3A_1670 = tpu.vector_load %arg19[%swap3A_1668, %swap3A_1669] {strides = array<i32>} : memref<2x128xi32, #tpu.memory_space<vmem>>, vector<1x16xi32>,
      %swap3A_1671 = vector.shape_cast %swap3A_1670 : vector<1x16xi32> to vector<16xi32>
      %swap3A_1672 = vector.shape_cast %select_n3A_1666 : vector<16xi32> to vector<1x16xi32>
      tpu.vector_store %arg19[%swap3A_1668, %swap3A_1669], %swap3A_1672 {strides = array<i32>} : memref<2x128xi32, #tpu.memory_space<vmem>>, vector<1x16xi32>,
      %get3A_1673 = arith.constant 1 : i32
      %get3A_1674 = arith.index_cast %get3A_1673 : i32 to index
      %get3A_1675 = arith.constant 96 : index
      %get3A_1676 = tpu.vector_load %arg13[%get3A_1674, %get3A_1675] {strides = array<i32>} : memref<2x128xi32, #tpu.memory_space<vmem>>, vector<1x16xi32>,
      %get3A_1677 = vector.shape_cast %get3A_1676 : vector<1x16xi32> to vector<16xi32>
      %get3A_1678 = arith.constant 1 : i32
      %get3A_1679 = arith.index_cast %get3A_1678 : i32 to index
      %get3A_1680 = arith.constant 96 : index
      %get3A_1681 = tpu.vector_load %arg14[%get3A_1679, %get3A_1680] {strides = array<i32>} : memref<2x128xi32, #tpu.memory_space<vmem>>, vector<1x16xi32>,
      %get3A_1682 = vector.shape_cast %get3A_1681 : vector<1x16xi32> to vector<16xi32>
      %le3A_1683 = arith.cmpi sle, %get3A_1677, %get3A_1682 : vector<16xi32>
      %sub3A_1684 = arith.constant 500 : i32
      %sub3A_1685 = vector.broadcast %sub3A_1684 : i32 to vector<16xi32>
      %sub3A_1686 = arith.subi %get3A_1682, %sub3A_1685 : vector<16xi32>
      %gt3A_1687 = arith.cmpi sgt, %get3A_1677, %sub3A_1686 : vector<16xi32>
      %and3A_1688 = arith.andi %le3A_1683, %gt3A_1687 : vector<16xi1>
      %get3A_1689 = arith.constant 1 : i32
      %get3A_1690 = arith.index_cast %get3A_1689 : i32 to index
      %get3A_1691 = arith.constant 96 : index
      %get3A_1692 = tpu.vector_load %arg12[%get3A_1690, %get3A_1691] {strides = array<i32>} : memref<2x128xi32, #tpu.memory_space<vmem>>, vector<1x16xi32>,
      %get3A_1693 = vector.shape_cast %get3A_1692 : vector<1x16xi32> to vector<16xi32>
      %broadcast_in_dim3A_1694 = arith.constant 224 : i32
      %broadcast_in_dim3A_1695 = vector.broadcast %broadcast_in_dim3A_1694 : i32 to vector<16xi32>
      %add3A_1696 = arith.addi %iota3A, %broadcast_in_dim3A_1695 : vector<16xi32>
      %add3A_1697 = vector.broadcast %arg1 : i32 to vector<16xi32>
      %add3A_1698 = arith.addi %add3A_1696, %add3A_1697 : vector<16xi32>
      %rem3A_1699 = arith.remsi %add3A_1698, %broadcast_in_dim3A_989 : vector<16xi32>
      %add3A_1700 = arith.constant 10000 : i32
      %add3A_1701 = vector.broadcast %add3A_1700 : i32 to vector<16xi32>
      %add3A_1702 = arith.addi %add3A_1701, %rem3A_1699 : vector<16xi32>
      %select_n3A_1703 = arith.select %and3A_1688, %get3A_1693, %add3A_1702 : vector<16xi1>, vector<16xi32>
      %swap3A_1704 = arith.constant 1 : i32
      %swap3A_1705 = arith.index_cast %swap3A_1704 : i32 to index
      %swap3A_1706 = arith.constant 96 : index
      %swap3A_1707 = tpu.vector_load %arg19[%swap3A_1705, %swap3A_1706] {strides = array<i32>} : memref<2x128xi32, #tpu.memory_space<vmem>>, vector<1x16xi32>,
      %swap3A_1708 = vector.shape_cast %swap3A_1707 : vector<1x16xi32> to vector<16xi32>
      %swap3A_1709 = vector.shape_cast %select_n3A_1703 : vector<16xi32> to vector<1x16xi32>
      tpu.vector_store %arg19[%swap3A_1705, %swap3A_1706], %swap3A_1709 {strides = array<i32>} : memref<2x128xi32, #tpu.memory_space<vmem>>, vector<1x16xi32>,
      %get3A_1710 = arith.constant 1 : i32
      %get3A_1711 = arith.index_cast %get3A_1710 : i32 to index
      %get3A_1712 = arith.constant 112 : index
      %get3A_1713 = tpu.vector_load %arg13[%get3A_1711, %get3A_1712] {strides = array<i32>} : memref<2x128xi32, #tpu.memory_space<vmem>>, vector<1x16xi32>,
      %get3A_1714 = vector.shape_cast %get3A_1713 : vector<1x16xi32> to vector<16xi32>
      %get3A_1715 = arith.constant 1 : i32
      %get3A_1716 = arith.index_cast %get3A_1715 : i32 to index
      %get3A_1717 = arith.constant 112 : index
      %get3A_1718 = tpu.vector_load %arg14[%get3A_1716, %get3A_1717] {strides = array<i32>} : memref<2x128xi32, #tpu.memory_space<vmem>>, vector<1x16xi32>,
      %get3A_1719 = vector.shape_cast %get3A_1718 : vector<1x16xi32> to vector<16xi32>
      %le3A_1720 = arith.cmpi sle, %get3A_1714, %get3A_1719 : vector<16xi32>
      %sub3A_1721 = arith.constant 500 : i32
      %sub3A_1722 = vector.broadcast %sub3A_1721 : i32 to vector<16xi32>
      %sub3A_1723 = arith.subi %get3A_1719, %sub3A_1722 : vector<16xi32>
      %gt3A_1724 = arith.cmpi sgt, %get3A_1714, %sub3A_1723 : vector<16xi32>
      %and3A_1725 = arith.andi %le3A_1720, %gt3A_1724 : vector<16xi1>
      %get3A_1726 = arith.constant 1 : i32
      %get3A_1727 = arith.index_cast %get3A_1726 : i32 to index
      %get3A_1728 = arith.constant 112 : index
      %get3A_1729 = tpu.vector_load %arg12[%get3A_1727, %get3A_1728] {strides = array<i32>} : memref<2x128xi32, #tpu.memory_space<vmem>>, vector<1x16xi32>,
      %get3A_1730 = vector.shape_cast %get3A_1729 : vector<1x16xi32> to vector<16xi32>
      %broadcast_in_dim3A_1731 = arith.constant 240 : i32
      %broadcast_in_dim3A_1732 = vector.broadcast %broadcast_in_dim3A_1731 : i32 to vector<16xi32>
      %add3A_1733 = arith.addi %iota3A, %broadcast_in_dim3A_1732 : vector<16xi32>
      %add3A_1734 = vector.broadcast %arg1 : i32 to vector<16xi32>
      %add3A_1735 = arith.addi %add3A_1733, %add3A_1734 : vector<16xi32>
      %rem3A_1736 = arith.remsi %add3A_1735, %broadcast_in_dim3A_989 : vector<16xi32>
      %add3A_1737 = arith.constant 10000 : i32
      %add3A_1738 = vector.broadcast %add3A_1737 : i32 to vector<16xi32>
      %add3A_1739 = arith.addi %add3A_1738, %rem3A_1736 : vector<16xi32>
      %select_n3A_1740 = arith.select %and3A_1725, %get3A_1730, %add3A_1739 : vector<16xi1>, vector<16xi32>
      %swap3A_1741 = arith.constant 1 : i32
      %swap3A_1742 = arith.index_cast %swap3A_1741 : i32 to index
      %swap3A_1743 = arith.constant 112 : index
      %swap3A_1744 = tpu.vector_load %arg19[%swap3A_1742, %swap3A_1743] {strides = array<i32>} : memref<2x128xi32, #tpu.memory_space<vmem>>, vector<1x16xi32>,
      %swap3A_1745 = vector.shape_cast %swap3A_1744 : vector<1x16xi32> to vector<16xi32>
      %swap3A_1746 = vector.shape_cast %select_n3A_1740 : vector<16xi32> to vector<1x16xi32>
      tpu.vector_store %arg19[%swap3A_1742, %swap3A_1743], %swap3A_1746 {strides = array<i32>} : memref<2x128xi32, #tpu.memory_space<vmem>>, vector<1x16xi32>,
      %run_scoped3A = arith.constant 0 : i32
      "tpu.region"() ({
        %run_scoped3A_2547 = tpu.sem_alloc : memref<!tpu.dma_semaphore, #tpu.memory_space<semaphore_mem>>
        %dma_start3A_2548 = arith.constant 0 : i32
        %dma_start3A_2549 = tpu.memref_slice %arg19[%run_scoped3A, %dma_start3A_2548] : memref<2x128xi32, #tpu.memory_space<vmem>> -> memref<1x128xi32, #tpu.memory_space<vmem>>
        %dma_start3A_2550 = tpu.memref_squeeze %dma_start3A_2549 : memref<1x128xi32, #tpu.memory_space<vmem>> -> memref<128xi32, #tpu.memory_space<vmem>>
        %dma_start3A_2551 = arith.constant 0 : i32
        %dma_start3A_2552 = tpu.memref_slice %arg10[%dma_start3A_2551] : memref<10240xf32, #tpu.memory_space<vmem_shared>> -> memref<10240xf32, #tpu.memory_space<vmem_shared>>
        tpu.enqueue_indirect_dma source(%arg21 : memref<128xf32, #tpu.memory_space<vmem>>) target(%dma_start3A_2552 : memref<10240xf32, #tpu.memory_space<vmem_shared>>) offsets(%dma_start3A_2550 : memref<128xi32, #tpu.memory_space<vmem>>) semaphore(%run_scoped3A_2547 : memref<!tpu.dma_semaphore, #tpu.memory_space<semaphore_mem>>) {add = true}
        %dma_wait3A_2553 = arith.constant 0 : i32
        %dma_wait3A_2554 = tpu.memref_slice %arg19[%run_scoped3A, %dma_wait3A_2553] : memref<2x128xi32, #tpu.memory_space<vmem>> -> memref<1x128xi32, #tpu.memory_space<vmem>>
        %dma_wait3A_2555 = tpu.memref_squeeze %dma_wait3A_2554 : memref<1x128xi32, #tpu.memory_space<vmem>> -> memref<128xi32, #tpu.memory_space<vmem>>
        %dma_wait3A_2556 = arith.constant 0 : i32
        %dma_wait3A_2557 = tpu.memref_slice %arg10[%dma_wait3A_2556] : memref<10240xf32, #tpu.memory_space<vmem_shared>> -> memref<10240xf32, #tpu.memory_space<vmem_shared>>
        tpu.wait_indirect_dma semaphore(%run_scoped3A_2547 : memref<!tpu.dma_semaphore, #tpu.memory_space<semaphore_mem>>) src(%arg21 : memref<128xf32, #tpu.memory_space<vmem>>) dst(%dma_wait3A_2557 : memref<10240xf32, #tpu.memory_space<vmem_shared>>)
        tpu.yield
      }) : () -> ()
      %run_scoped3A_1747 = arith.constant 1 : i32
      "tpu.region"() ({
        %run_scoped3A_2547 = tpu.sem_alloc : memref<!tpu.dma_semaphore, #tpu.memory_space<semaphore_mem>>
        %dma_start3A_2548 = arith.constant 0 : i32
        %dma_start3A_2549 = tpu.memref_slice %arg19[%run_scoped3A_1747, %dma_start3A_2548] : memref<2x128xi32, #tpu.memory_space<vmem>> -> memref<1x128xi32, #tpu.memory_space<vmem>>
        %dma_start3A_2550 = tpu.memref_squeeze %dma_start3A_2549 : memref<1x128xi32, #tpu.memory_space<vmem>> -> memref<128xi32, #tpu.memory_space<vmem>>
        %dma_start3A_2551 = arith.constant 0 : i32
        %dma_start3A_2552 = tpu.memref_slice %arg10[%dma_start3A_2551] : memref<10240xf32, #tpu.memory_space<vmem_shared>> -> memref<10240xf32, #tpu.memory_space<vmem_shared>>
        tpu.enqueue_indirect_dma source(%arg21 : memref<128xf32, #tpu.memory_space<vmem>>) target(%dma_start3A_2552 : memref<10240xf32, #tpu.memory_space<vmem_shared>>) offsets(%dma_start3A_2550 : memref<128xi32, #tpu.memory_space<vmem>>) semaphore(%run_scoped3A_2547 : memref<!tpu.dma_semaphore, #tpu.memory_space<semaphore_mem>>) {add = true}
        %dma_wait3A_2553 = arith.constant 0 : i32
        %dma_wait3A_2554 = tpu.memref_slice %arg19[%run_scoped3A_1747, %dma_wait3A_2553] : memref<2x128xi32, #tpu.memory_space<vmem>> -> memref<1x128xi32, #tpu.memory_space<vmem>>
        %dma_wait3A_2555 = tpu.memref_squeeze %dma_wait3A_2554 : memref<1x128xi32, #tpu.memory_space<vmem>> -> memref<128xi32, #tpu.memory_space<vmem>>
        %dma_wait3A_2556 = arith.constant 0 : i32
        %dma_wait3A_2557 = tpu.memref_slice %arg10[%dma_wait3A_2556] : memref<10240xf32, #tpu.memory_space<vmem_shared>> -> memref<10240xf32, #tpu.memory_space<vmem_shared>>
        tpu.wait_indirect_dma semaphore(%run_scoped3A_2547 : memref<!tpu.dma_semaphore, #tpu.memory_space<semaphore_mem>>) src(%arg21 : memref<128xf32, #tpu.memory_space<vmem>>) dst(%dma_wait3A_2557 : memref<10240xf32, #tpu.memory_space<vmem_shared>>)
        tpu.yield
      }) : () -> ()
      %add3A_1748 = arith.constant 1 : i32
      %add3A_1749 = arith.addi %mul3A_1122, %add3A_1748 : i32
      %mul3A_1750 = arith.constant 32 : i32
      %mul3A_1751 = arith.muli %add3A_1749, %mul3A_1750 : i32
      %add3A_1752 = arith.addi %mul3A_1751, %add3A : i32
      %mul3A_1753 = arith.constant 2 : i32
      %mul3A_1754 = arith.muli %add3A_1752, %mul3A_1753 : i32
      %dma_wait3A_1755 = arith.constant 0 : i32
      %dma_wait3A_1756 = tpu.memref_slice %arg3[%mul3A_1754, %dma_wait3A_1755] : memref<2624x128xi32, #tpu.memory_space<hbm>> -> memref<2x128xi32, #tpu.memory_space<hbm>>
      %dma_wait3A_1757 = arith.constant 0 : i32
      %dma_wait3A_1758 = tpu.memref_slice %arg3[%mul3A_1754, %dma_wait3A_1757] : memref<2624x128xi32, #tpu.memory_space<hbm>> -> memref<2x128xi32, #tpu.memory_space<hbm>>
      tpu.wait_dma2 semaphore(%arg26 : memref<!tpu.dma_semaphore, #tpu.memory_space<semaphore_mem>>) src(%dma_wait3A_1758 : memref<2x128xi32, #tpu.memory_space<hbm>>) dst(%arg15 : memref<2x128xi32, #tpu.memory_space<vmem>>)
      %dma_wait3A_1759 = arith.constant 0 : i32
      %dma_wait3A_1760 = tpu.memref_slice %arg4[%mul3A_1754, %dma_wait3A_1759] : memref<2624x128xi32, #tpu.memory_space<hbm>> -> memref<2x128xi32, #tpu.memory_space<hbm>>
      %dma_wait3A_1761 = arith.constant 0 : i32
      %dma_wait3A_1762 = tpu.memref_slice %arg4[%mul3A_1754, %dma_wait3A_1761] : memref<2624x128xi32, #tpu.memory_space<hbm>> -> memref<2x128xi32, #tpu.memory_space<hbm>>
      tpu.wait_dma2 semaphore(%arg26 : memref<!tpu.dma_semaphore, #tpu.memory_space<semaphore_mem>>) src(%dma_wait3A_1762 : memref<2x128xi32, #tpu.memory_space<hbm>>) dst(%arg16 : memref<2x128xi32, #tpu.memory_space<vmem>>)
      %dma_wait3A_1763 = arith.constant 0 : i32
      %dma_wait3A_1764 = tpu.memref_slice %arg5[%mul3A_1754, %dma_wait3A_1763] : memref<2624x128xi32, #tpu.memory_space<hbm>> -> memref<2x128xi32, #tpu.memory_space<hbm>>
      %dma_wait3A_1765 = arith.constant 0 : i32
      %dma_wait3A_1766 = tpu.memref_slice %arg5[%mul3A_1754, %dma_wait3A_1765] : memref<2624x128xi32, #tpu.memory_space<hbm>> -> memref<2x128xi32, #tpu.memory_space<hbm>>
      tpu.wait_dma2 semaphore(%arg26 : memref<!tpu.dma_semaphore, #tpu.memory_space<semaphore_mem>>) src(%dma_wait3A_1766 : memref<2x128xi32, #tpu.memory_space<hbm>>) dst(%arg17 : memref<2x128xi32, #tpu.memory_space<vmem>>)
      %dma_start3A_1767 = arith.constant 0 : i32
      %dma_start3A_1768 = arith.constant 0 : i32
      %dma_start3A_1769 = arith.constant 0 : i32
      %dma_start3A_1770 = tpu.memref_slice %arg18[%dma_start3A_1768, %dma_start3A_1769] : memref<2x128xi32, #tpu.memory_space<vmem>> -> memref<1x128xi32, #tpu.memory_space<vmem>>
      %dma_start3A_1771 = tpu.memref_squeeze %dma_start3A_1770 : memref<1x128xi32, #tpu.memory_space<vmem>> -> memref<128xi32, #tpu.memory_space<vmem>>
      %dma_start3A_1772 = arith.constant 0 : i32
      %dma_start3A_1773 = tpu.memref_slice %arg16[%dma_start3A_1767, %dma_start3A_1772] : memref<2x128xi32, #tpu.memory_space<vmem>> -> memref<1x128xi32, #tpu.memory_space<vmem>>
      %dma_start3A_1774 = tpu.memref_squeeze %dma_start3A_1773 : memref<1x128xi32, #tpu.memory_space<vmem>> -> memref<128xi32, #tpu.memory_space<vmem>>
      %dma_start3A_1775 = arith.constant 0 : i32
      %dma_start3A_1776 = tpu.memref_slice %arg6[%dma_start3A_1775] : memref<10000xi32, #tpu.memory_space<hbm>> -> memref<10000xi32, #tpu.memory_space<hbm>>
      tpu.enqueue_indirect_dma source(%dma_start3A_1776 : memref<10000xi32, #tpu.memory_space<hbm>>) target(%dma_start3A_1771 : memref<128xi32, #tpu.memory_space<vmem>>) offsets(%dma_start3A_1774 : memref<128xi32, #tpu.memory_space<vmem>>) semaphore(%arg27 : memref<!tpu.dma_semaphore, #tpu.memory_space<semaphore_mem>>)
      %dma_start3A_1777 = arith.constant 1 : i32
      %dma_start3A_1778 = arith.constant 1 : i32
      %dma_start3A_1779 = arith.constant 0 : i32
      %dma_start3A_1780 = tpu.memref_slice %arg18[%dma_start3A_1778, %dma_start3A_1779] : memref<2x128xi32, #tpu.memory_space<vmem>> -> memref<1x128xi32, #tpu.memory_space<vmem>>
      %dma_start3A_1781 = tpu.memref_squeeze %dma_start3A_1780 : memref<1x128xi32, #tpu.memory_space<vmem>> -> memref<128xi32, #tpu.memory_space<vmem>>
      %dma_start3A_1782 = arith.constant 0 : i32
      %dma_start3A_1783 = tpu.memref_slice %arg16[%dma_start3A_1777, %dma_start3A_1782] : memref<2x128xi32, #tpu.memory_space<vmem>> -> memref<1x128xi32, #tpu.memory_space<vmem>>
      %dma_start3A_1784 = tpu.memref_squeeze %dma_start3A_1783 : memref<1x128xi32, #tpu.memory_space<vmem>> -> memref<128xi32, #tpu.memory_space<vmem>>
      %dma_start3A_1785 = arith.constant 0 : i32
      %dma_start3A_1786 = tpu.memref_slice %arg6[%dma_start3A_1785] : memref<10000xi32, #tpu.memory_space<hbm>> -> memref<10000xi32, #tpu.memory_space<hbm>>
      tpu.enqueue_indirect_dma source(%dma_start3A_1786 : memref<10000xi32, #tpu.memory_space<hbm>>) target(%dma_start3A_1781 : memref<128xi32, #tpu.memory_space<vmem>>) offsets(%dma_start3A_1784 : memref<128xi32, #tpu.memory_space<vmem>>) semaphore(%arg27 : memref<!tpu.dma_semaphore, #tpu.memory_space<semaphore_mem>>)
      %dma_wait3A_1787 = arith.constant 0 : i32
      %dma_wait3A_1788 = arith.constant 0 : i32
      %dma_wait3A_1789 = arith.constant 0 : i32
      %dma_wait3A_1790 = tpu.memref_slice %arg20[%dma_wait3A_1788, %dma_wait3A_1789] : memref<256x128xf32, #tpu.memory_space<vmem>> -> memref<128x128xf32, #tpu.memory_space<vmem>>
      %dma_wait3A_1791 = arith.constant 0 : i32
      %dma_wait3A_1792 = tpu.memref_slice %arg11[%dma_wait3A_1787, %dma_wait3A_1791] : memref<2x128xi32, #tpu.memory_space<vmem>> -> memref<1x128xi32, #tpu.memory_space<vmem>>
      %dma_wait3A_1793 = tpu.memref_squeeze %dma_wait3A_1792 : memref<1x128xi32, #tpu.memory_space<vmem>> -> memref<128xi32, #tpu.memory_space<vmem>>
      %dma_wait3A_1794 = arith.constant 0 : i32
      %dma_wait3A_1795 = arith.constant 0 : i32
      %dma_wait3A_1796 = tpu.memref_slice %arg2[%dma_wait3A_1794, %dma_wait3A_1795] : memref<10000x128xf32, #tpu.memory_space<hbm>> -> memref<10000x128xf32, #tpu.memory_space<hbm>>
      tpu.wait_indirect_dma semaphore(%arg28 : memref<!tpu.dma_semaphore, #tpu.memory_space<semaphore_mem>>) src(%dma_wait3A_1796 : memref<10000x128xf32, #tpu.memory_space<hbm>>) dst(%dma_wait3A_1790 : memref<128x128xf32, #tpu.memory_space<vmem>>)
      %run_scoped3A_1797 = arith.constant 0 : i32
      "tpu.region"() ({
        %run_scoped3A_2547 = tpu.sem_alloc : memref<!tpu.dma_semaphore, #tpu.memory_space<semaphore_mem>>
        %dma_start3A_2548 = arith.constant 0 : i32
        %dma_start3A_2549 = arith.constant 0 : i32
        %dma_start3A_2550 = tpu.memref_slice %arg20[%dma_start3A_2548, %dma_start3A_2549] : memref<256x128xf32, #tpu.memory_space<vmem>> -> memref<128x128xf32, #tpu.memory_space<vmem>>
        %dma_start3A_2551 = arith.constant 0 : i32
        %dma_start3A_2552 = tpu.memref_slice %arg19[%run_scoped3A_1797, %dma_start3A_2551] : memref<2x128xi32, #tpu.memory_space<vmem>> -> memref<1x128xi32, #tpu.memory_space<vmem>>
        %dma_start3A_2553 = tpu.memref_squeeze %dma_start3A_2552 : memref<1x128xi32, #tpu.memory_space<vmem>> -> memref<128xi32, #tpu.memory_space<vmem>>
        %dma_start3A_2554 = arith.constant 0 : i32
        %dma_start3A_2555 = arith.constant 0 : i32
        %dma_start3A_2556 = tpu.memref_slice %arg9[%dma_start3A_2554, %dma_start3A_2555] : memref<10240x128xf32, #tpu.memory_space<vmem_shared>> -> memref<10240x128xf32, #tpu.memory_space<vmem_shared>>
        tpu.enqueue_indirect_dma source(%dma_start3A_2550 : memref<128x128xf32, #tpu.memory_space<vmem>>) target(%dma_start3A_2556 : memref<10240x128xf32, #tpu.memory_space<vmem_shared>>) offsets(%dma_start3A_2553 : memref<128xi32, #tpu.memory_space<vmem>>) semaphore(%run_scoped3A_2547 : memref<!tpu.dma_semaphore, #tpu.memory_space<semaphore_mem>>) {add = true}
        %dma_wait3A_2557 = arith.constant 0 : i32
        %dma_wait3A_2558 = arith.constant 0 : i32
        %dma_wait3A_2559 = tpu.memref_slice %arg20[%dma_wait3A_2557, %dma_wait3A_2558] : memref<256x128xf32, #tpu.memory_space<vmem>> -> memref<128x128xf32, #tpu.memory_space<vmem>>
        %dma_wait3A_2560 = arith.constant 0 : i32
        %dma_wait3A_2561 = tpu.memref_slice %arg19[%run_scoped3A_1797, %dma_wait3A_2560] : memref<2x128xi32, #tpu.memory_space<vmem>> -> memref<1x128xi32, #tpu.memory_space<vmem>>
        %dma_wait3A_2562 = tpu.memref_squeeze %dma_wait3A_2561 : memref<1x128xi32, #tpu.memory_space<vmem>> -> memref<128xi32, #tpu.memory_space<vmem>>
        %dma_wait3A_2563 = arith.constant 0 : i32
        %dma_wait3A_2564 = arith.constant 0 : i32
        %dma_wait3A_2565 = tpu.memref_slice %arg9[%dma_wait3A_2563, %dma_wait3A_2564] : memref<10240x128xf32, #tpu.memory_space<vmem_shared>> -> memref<10240x128xf32, #tpu.memory_space<vmem_shared>>
        tpu.wait_indirect_dma semaphore(%run_scoped3A_2547 : memref<!tpu.dma_semaphore, #tpu.memory_space<semaphore_mem>>) src(%dma_wait3A_2559 : memref<128x128xf32, #tpu.memory_space<vmem>>) dst(%dma_wait3A_2565 : memref<10240x128xf32, #tpu.memory_space<vmem_shared>>)
        tpu.yield
      }) : () -> ()
      %dma_start3A_1798 = arith.constant 0 : i32
      %dma_start3A_1799 = arith.constant 0 : i32
      %dma_start3A_1800 = arith.constant 0 : i32
      %dma_start3A_1801 = tpu.memref_slice %arg20[%dma_start3A_1799, %dma_start3A_1800] : memref<256x128xf32, #tpu.memory_space<vmem>> -> memref<128x128xf32, #tpu.memory_space<vmem>>
      %dma_start3A_1802 = arith.constant 0 : i32
      %dma_start3A_1803 = tpu.memref_slice %arg15[%dma_start3A_1798, %dma_start3A_1802] : memref<2x128xi32, #tpu.memory_space<vmem>> -> memref<1x128xi32, #tpu.memory_space<vmem>>
      %dma_start3A_1804 = tpu.memref_squeeze %dma_start3A_1803 : memref<1x128xi32, #tpu.memory_space<vmem>> -> memref<128xi32, #tpu.memory_space<vmem>>
      %dma_start3A_1805 = arith.constant 0 : i32
      %dma_start3A_1806 = arith.constant 0 : i32
      %dma_start3A_1807 = tpu.memref_slice %arg2[%dma_start3A_1805, %dma_start3A_1806] : memref<10000x128xf32, #tpu.memory_space<hbm>> -> memref<10000x128xf32, #tpu.memory_space<hbm>>
      tpu.enqueue_indirect_dma source(%dma_start3A_1807 : memref<10000x128xf32, #tpu.memory_space<hbm>>) target(%dma_start3A_1801 : memref<128x128xf32, #tpu.memory_space<vmem>>) offsets(%dma_start3A_1804 : memref<128xi32, #tpu.memory_space<vmem>>) semaphore(%arg28 : memref<!tpu.dma_semaphore, #tpu.memory_space<semaphore_mem>>)
      %dma_wait3A_1808 = arith.constant 1 : i32
      %dma_wait3A_1809 = arith.constant 128 : i32
      %dma_wait3A_1810 = arith.constant 0 : i32
      %dma_wait3A_1811 = tpu.memref_slice %arg20[%dma_wait3A_1809, %dma_wait3A_1810] : memref<256x128xf32, #tpu.memory_space<vmem>> -> memref<128x128xf32, #tpu.memory_space<vmem>>
      %dma_wait3A_1812 = arith.constant 0 : i32
      %dma_wait3A_1813 = tpu.memref_slice %arg11[%dma_wait3A_1808, %dma_wait3A_1812] : memref<2x128xi32, #tpu.memory_space<vmem>> -> memref<1x128xi32, #tpu.memory_space<vmem>>
      %dma_wait3A_1814 = tpu.memref_squeeze %dma_wait3A_1813 : memref<1x128xi32, #tpu.memory_space<vmem>> -> memref<128xi32, #tpu.memory_space<vmem>>
      %dma_wait3A_1815 = arith.constant 0 : i32
      %dma_wait3A_1816 = arith.constant 0 : i32
      %dma_wait3A_1817 = tpu.memref_slice %arg2[%dma_wait3A_1815, %dma_wait3A_1816] : memref<10000x128xf32, #tpu.memory_space<hbm>> -> memref<10000x128xf32, #tpu.memory_space<hbm>>
      tpu.wait_indirect_dma semaphore(%arg28 : memref<!tpu.dma_semaphore, #tpu.memory_space<semaphore_mem>>) src(%dma_wait3A_1817 : memref<10000x128xf32, #tpu.memory_space<hbm>>) dst(%dma_wait3A_1811 : memref<128x128xf32, #tpu.memory_space<vmem>>)
      %run_scoped3A_1818 = arith.constant 1 : i32
      "tpu.region"() ({
        %run_scoped3A_2547 = tpu.sem_alloc : memref<!tpu.dma_semaphore, #tpu.memory_space<semaphore_mem>>
        %dma_start3A_2548 = arith.constant 128 : i32
        %dma_start3A_2549 = arith.constant 0 : i32
        %dma_start3A_2550 = tpu.memref_slice %arg20[%dma_start3A_2548, %dma_start3A_2549] : memref<256x128xf32, #tpu.memory_space<vmem>> -> memref<128x128xf32, #tpu.memory_space<vmem>>
        %dma_start3A_2551 = arith.constant 0 : i32
        %dma_start3A_2552 = tpu.memref_slice %arg19[%run_scoped3A_1818, %dma_start3A_2551] : memref<2x128xi32, #tpu.memory_space<vmem>> -> memref<1x128xi32, #tpu.memory_space<vmem>>
        %dma_start3A_2553 = tpu.memref_squeeze %dma_start3A_2552 : memref<1x128xi32, #tpu.memory_space<vmem>> -> memref<128xi32, #tpu.memory_space<vmem>>
        %dma_start3A_2554 = arith.constant 0 : i32
        %dma_start3A_2555 = arith.constant 0 : i32
        %dma_start3A_2556 = tpu.memref_slice %arg9[%dma_start3A_2554, %dma_start3A_2555] : memref<10240x128xf32, #tpu.memory_space<vmem_shared>> -> memref<10240x128xf32, #tpu.memory_space<vmem_shared>>
        tpu.enqueue_indirect_dma source(%dma_start3A_2550 : memref<128x128xf32, #tpu.memory_space<vmem>>) target(%dma_start3A_2556 : memref<10240x128xf32, #tpu.memory_space<vmem_shared>>) offsets(%dma_start3A_2553 : memref<128xi32, #tpu.memory_space<vmem>>) semaphore(%run_scoped3A_2547 : memref<!tpu.dma_semaphore, #tpu.memory_space<semaphore_mem>>) {add = true}
        %dma_wait3A_2557 = arith.constant 128 : i32
        %dma_wait3A_2558 = arith.constant 0 : i32
        %dma_wait3A_2559 = tpu.memref_slice %arg20[%dma_wait3A_2557, %dma_wait3A_2558] : memref<256x128xf32, #tpu.memory_space<vmem>> -> memref<128x128xf32, #tpu.memory_space<vmem>>
        %dma_wait3A_2560 = arith.constant 0 : i32
        %dma_wait3A_2561 = tpu.memref_slice %arg19[%run_scoped3A_1818, %dma_wait3A_2560] : memref<2x128xi32, #tpu.memory_space<vmem>> -> memref<1x128xi32, #tpu.memory_space<vmem>>
        %dma_wait3A_2562 = tpu.memref_squeeze %dma_wait3A_2561 : memref<1x128xi32, #tpu.memory_space<vmem>> -> memref<128xi32, #tpu.memory_space<vmem>>
        %dma_wait3A_2563 = arith.constant 0 : i32
        %dma_wait3A_2564 = arith.constant 0 : i32
        %dma_wait3A_2565 = tpu.memref_slice %arg9[%dma_wait3A_2563, %dma_wait3A_2564] : memref<10240x128xf32, #tpu.memory_space<vmem_shared>> -> memref<10240x128xf32, #tpu.memory_space<vmem_shared>>
        tpu.wait_indirect_dma semaphore(%run_scoped3A_2547 : memref<!tpu.dma_semaphore, #tpu.memory_space<semaphore_mem>>) src(%dma_wait3A_2559 : memref<128x128xf32, #tpu.memory_space<vmem>>) dst(%dma_wait3A_2565 : memref<10240x128xf32, #tpu.memory_space<vmem_shared>>)
        tpu.yield
      }) : () -> ()
      %dma_start3A_1819 = arith.constant 1 : i32
      %dma_start3A_1820 = arith.constant 128 : i32
      %dma_start3A_1821 = arith.constant 0 : i32
      %dma_start3A_1822 = tpu.memref_slice %arg20[%dma_start3A_1820, %dma_start3A_1821] : memref<256x128xf32, #tpu.memory_space<vmem>> -> memref<128x128xf32, #tpu.memory_space<vmem>>
      %dma_start3A_1823 = arith.constant 0 : i32
      %dma_start3A_1824 = tpu.memref_slice %arg15[%dma_start3A_1819, %dma_start3A_1823] : memref<2x128xi32, #tpu.memory_space<vmem>> -> memref<1x128xi32, #tpu.memory_space<vmem>>
      %dma_start3A_1825 = tpu.memref_squeeze %dma_start3A_1824 : memref<1x128xi32, #tpu.memory_space<vmem>> -> memref<128xi32, #tpu.memory_space<vmem>>
      %dma_start3A_1826 = arith.constant 0 : i32
      %dma_start3A_1827 = arith.constant 0 : i32
      %dma_start3A_1828 = tpu.memref_slice %arg2[%dma_start3A_1826, %dma_start3A_1827] : memref<10000x128xf32, #tpu.memory_space<hbm>> -> memref<10000x128xf32, #tpu.memory_space<hbm>>
      tpu.enqueue_indirect_dma source(%dma_start3A_1828 : memref<10000x128xf32, #tpu.memory_space<hbm>>) target(%dma_start3A_1822 : memref<128x128xf32, #tpu.memory_space<vmem>>) offsets(%dma_start3A_1825 : memref<128xi32, #tpu.memory_space<vmem>>) semaphore(%arg28 : memref<!tpu.dma_semaphore, #tpu.memory_space<semaphore_mem>>)
      %mul3A_1829 = arith.constant 2 : i32
      %mul3A_1830 = arith.muli %mul3A_1829, %scan3A_1120 : i32
      %add3A_1831 = arith.constant 1 : i32
      %add3A_1832 = arith.addi %mul3A_1830, %add3A_1831 : i32
      %add3A_1833 = arith.constant 1 : i32
      %add3A_1834 = arith.addi %add3A_1832, %add3A_1833 : i32
      %mul3A_1835 = arith.constant 32 : i32
      %mul3A_1836 = arith.muli %add3A_1834, %mul3A_1835 : i32
      %add3A_1837 = arith.addi %mul3A_1836, %add3A : i32
      %mul3A_1838 = arith.constant 2 : i32
      %mul3A_1839 = arith.muli %add3A_1837, %mul3A_1838 : i32
      %dma_start3A_1840 = arith.constant 0 : i32
      %dma_start3A_1841 = tpu.memref_slice %arg3[%mul3A_1839, %dma_start3A_1840] : memref<2624x128xi32, #tpu.memory_space<hbm>> -> memref<2x128xi32, #tpu.memory_space<hbm>>
      %dma_start3A_1842 = arith.constant 0 : i32
      %dma_start3A_1843 = tpu.memref_slice %arg3[%mul3A_1839, %dma_start3A_1842] : memref<2624x128xi32, #tpu.memory_space<hbm>> -> memref<2x128xi32, #tpu.memory_space<hbm>>
      tpu.enqueue_dma source(%dma_start3A_1843 : memref<2x128xi32, #tpu.memory_space<hbm>>) target(%arg11 : memref<2x128xi32, #tpu.memory_space<vmem>>) target_semaphore(%arg24 : memref<!tpu.dma_semaphore, #tpu.memory_space<semaphore_mem>>)
      %dma_start3A_1844 = arith.constant 0 : i32
      %dma_start3A_1845 = tpu.memref_slice %arg4[%mul3A_1839, %dma_start3A_1844] : memref<2624x128xi32, #tpu.memory_space<hbm>> -> memref<2x128xi32, #tpu.memory_space<hbm>>
      %dma_start3A_1846 = arith.constant 0 : i32
      %dma_start3A_1847 = tpu.memref_slice %arg4[%mul3A_1839, %dma_start3A_1846] : memref<2624x128xi32, #tpu.memory_space<hbm>> -> memref<2x128xi32, #tpu.memory_space<hbm>>
      tpu.enqueue_dma source(%dma_start3A_1847 : memref<2x128xi32, #tpu.memory_space<hbm>>) target(%arg12 : memref<2x128xi32, #tpu.memory_space<vmem>>) target_semaphore(%arg24 : memref<!tpu.dma_semaphore, #tpu.memory_space<semaphore_mem>>)
      %dma_start3A_1848 = arith.constant 0 : i32
      %dma_start3A_1849 = tpu.memref_slice %arg5[%mul3A_1839, %dma_start3A_1848] : memref<2624x128xi32, #tpu.memory_space<hbm>> -> memref<2x128xi32, #tpu.memory_space<hbm>>
      %dma_start3A_1850 = arith.constant 0 : i32
      %dma_start3A_1851 = tpu.memref_slice %arg5[%mul3A_1839, %dma_start3A_1850] : memref<2624x128xi32, #tpu.memory_space<hbm>> -> memref<2x128xi32, #tpu.memory_space<hbm>>
      tpu.enqueue_dma source(%dma_start3A_1851 : memref<2x128xi32, #tpu.memory_space<hbm>>) target(%arg13 : memref<2x128xi32, #tpu.memory_space<vmem>>) target_semaphore(%arg24 : memref<!tpu.dma_semaphore, #tpu.memory_space<semaphore_mem>>)
      %dma_wait3A_1852 = arith.constant 0 : i32
      %dma_wait3A_1853 = arith.constant 0 : i32
      %dma_wait3A_1854 = arith.constant 0 : i32
      %dma_wait3A_1855 = tpu.memref_slice %arg18[%dma_wait3A_1853, %dma_wait3A_1854] : memref<2x128xi32, #tpu.memory_space<vmem>> -> memref<1x128xi32, #tpu.memory_space<vmem>>
      %dma_wait3A_1856 = tpu.memref_squeeze %dma_wait3A_1855 : memref<1x128xi32, #tpu.memory_space<vmem>> -> memref<128xi32, #tpu.memory_space<vmem>>
      %dma_wait3A_1857 = arith.constant 0 : i32
      %dma_wait3A_1858 = tpu.memref_slice %arg16[%dma_wait3A_1852, %dma_wait3A_1857] : memref<2x128xi32, #tpu.memory_space<vmem>> -> memref<1x128xi32, #tpu.memory_space<vmem>>
      %dma_wait3A_1859 = tpu.memref_squeeze %dma_wait3A_1858 : memref<1x128xi32, #tpu.memory_space<vmem>> -> memref<128xi32, #tpu.memory_space<vmem>>
      %dma_wait3A_1860 = arith.constant 0 : i32
      %dma_wait3A_1861 = tpu.memref_slice %arg6[%dma_wait3A_1860] : memref<10000xi32, #tpu.memory_space<hbm>> -> memref<10000xi32, #tpu.memory_space<hbm>>
      tpu.wait_indirect_dma semaphore(%arg27 : memref<!tpu.dma_semaphore, #tpu.memory_space<semaphore_mem>>) src(%dma_wait3A_1861 : memref<10000xi32, #tpu.memory_space<hbm>>) dst(%dma_wait3A_1856 : memref<128xi32, #tpu.memory_space<vmem>>)
      %dma_wait3A_1862 = arith.constant 1 : i32
      %dma_wait3A_1863 = arith.constant 1 : i32
      %dma_wait3A_1864 = arith.constant 0 : i32
      %dma_wait3A_1865 = tpu.memref_slice %arg18[%dma_wait3A_1863, %dma_wait3A_1864] : memref<2x128xi32, #tpu.memory_space<vmem>> -> memref<1x128xi32, #tpu.memory_space<vmem>>
      %dma_wait3A_1866 = tpu.memref_squeeze %dma_wait3A_1865 : memref<1x128xi32, #tpu.memory_space<vmem>> -> memref<128xi32, #tpu.memory_space<vmem>>
      %dma_wait3A_1867 = arith.constant 0 : i32
      %dma_wait3A_1868 = tpu.memref_slice %arg16[%dma_wait3A_1862, %dma_wait3A_1867] : memref<2x128xi32, #tpu.memory_space<vmem>> -> memref<1x128xi32, #tpu.memory_space<vmem>>
      %dma_wait3A_1869 = tpu.memref_squeeze %dma_wait3A_1868 : memref<1x128xi32, #tpu.memory_space<vmem>> -> memref<128xi32, #tpu.memory_space<vmem>>
      %dma_wait3A_1870 = arith.constant 0 : i32
      %dma_wait3A_1871 = tpu.memref_slice %arg6[%dma_wait3A_1870] : memref<10000xi32, #tpu.memory_space<hbm>> -> memref<10000xi32, #tpu.memory_space<hbm>>
      tpu.wait_indirect_dma semaphore(%arg27 : memref<!tpu.dma_semaphore, #tpu.memory_space<semaphore_mem>>) src(%dma_wait3A_1871 : memref<10000xi32, #tpu.memory_space<hbm>>) dst(%dma_wait3A_1866 : memref<128xi32, #tpu.memory_space<vmem>>)
      %get3A_1872 = arith.constant 0 : i32
      %get3A_1873 = arith.index_cast %get3A_1872 : i32 to index
      %get3A_1874 = arith.constant 0 : index
      %get3A_1875 = tpu.vector_load %arg17[%get3A_1873, %get3A_1874] {strides = array<i32>} : memref<2x128xi32, #tpu.memory_space<vmem>>, vector<1x16xi32>,
      %get3A_1876 = vector.shape_cast %get3A_1875 : vector<1x16xi32> to vector<16xi32>
      %get3A_1877 = arith.constant 0 : i32
      %get3A_1878 = arith.index_cast %get3A_1877 : i32 to index
      %get3A_1879 = arith.constant 0 : index
      %get3A_1880 = tpu.vector_load %arg18[%get3A_1878, %get3A_1879] {strides = array<i32>} : memref<2x128xi32, #tpu.memory_space<vmem>>, vector<1x16xi32>,
      %get3A_1881 = vector.shape_cast %get3A_1880 : vector<1x16xi32> to vector<16xi32>
      %le3A_1882 = arith.cmpi sle, %get3A_1876, %get3A_1881 : vector<16xi32>
      %sub3A_1883 = arith.constant 500 : i32
      %sub3A_1884 = vector.broadcast %sub3A_1883 : i32 to vector<16xi32>
      %sub3A_1885 = arith.subi %get3A_1881, %sub3A_1884 : vector<16xi32>
      %gt3A_1886 = arith.cmpi sgt, %get3A_1876, %sub3A_1885 : vector<16xi32>
      %and3A_1887 = arith.andi %le3A_1882, %gt3A_1886 : vector<16xi1>
      %get3A_1888 = arith.constant 0 : i32
      %get3A_1889 = arith.index_cast %get3A_1888 : i32 to index
      %get3A_1890 = arith.constant 0 : index
      %get3A_1891 = tpu.vector_load %arg16[%get3A_1889, %get3A_1890] {strides = array<i32>} : memref<2x128xi32, #tpu.memory_space<vmem>>, vector<1x16xi32>,
      %get3A_1892 = vector.shape_cast %get3A_1891 : vector<1x16xi32> to vector<16xi32>
      %broadcast_in_dim3A_1893 = arith.constant 0 : i32
      %broadcast_in_dim3A_1894 = vector.broadcast %broadcast_in_dim3A_1893 : i32 to vector<16xi32>
      %add3A_1895 = arith.addi %iota3A, %broadcast_in_dim3A_1894 : vector<16xi32>
      %add3A_1896 = vector.broadcast %arg1 : i32 to vector<16xi32>
      %add3A_1897 = arith.addi %add3A_1895, %add3A_1896 : vector<16xi32>
      %rem3A_1898 = arith.remsi %add3A_1897, %broadcast_in_dim3A_989 : vector<16xi32>
      %add3A_1899 = arith.constant 10000 : i32
      %add3A_1900 = vector.broadcast %add3A_1899 : i32 to vector<16xi32>
      %add3A_1901 = arith.addi %add3A_1900, %rem3A_1898 : vector<16xi32>
      %select_n3A_1902 = arith.select %and3A_1887, %get3A_1892, %add3A_1901 : vector<16xi1>, vector<16xi32>
      %swap3A_1903 = arith.constant 0 : i32
      %swap3A_1904 = arith.index_cast %swap3A_1903 : i32 to index
      %swap3A_1905 = arith.constant 0 : index
      %swap3A_1906 = tpu.vector_load %arg19[%swap3A_1904, %swap3A_1905] {strides = array<i32>} : memref<2x128xi32, #tpu.memory_space<vmem>>, vector<1x16xi32>,
      %swap3A_1907 = vector.shape_cast %swap3A_1906 : vector<1x16xi32> to vector<16xi32>
      %swap3A_1908 = vector.shape_cast %select_n3A_1902 : vector<16xi32> to vector<1x16xi32>
      tpu.vector_store %arg19[%swap3A_1904, %swap3A_1905], %swap3A_1908 {strides = array<i32>} : memref<2x128xi32, #tpu.memory_space<vmem>>, vector<1x16xi32>,
      %get3A_1909 = arith.constant 0 : i32
      %get3A_1910 = arith.index_cast %get3A_1909 : i32 to index
      %get3A_1911 = arith.constant 16 : index
      %get3A_1912 = tpu.vector_load %arg17[%get3A_1910, %get3A_1911] {strides = array<i32>} : memref<2x128xi32, #tpu.memory_space<vmem>>, vector<1x16xi32>,
      %get3A_1913 = vector.shape_cast %get3A_1912 : vector<1x16xi32> to vector<16xi32>
      %get3A_1914 = arith.constant 0 : i32
      %get3A_1915 = arith.index_cast %get3A_1914 : i32 to index
      %get3A_1916 = arith.constant 16 : index
      %get3A_1917 = tpu.vector_load %arg18[%get3A_1915, %get3A_1916] {strides = array<i32>} : memref<2x128xi32, #tpu.memory_space<vmem>>, vector<1x16xi32>,
      %get3A_1918 = vector.shape_cast %get3A_1917 : vector<1x16xi32> to vector<16xi32>
      %le3A_1919 = arith.cmpi sle, %get3A_1913, %get3A_1918 : vector<16xi32>
      %sub3A_1920 = arith.constant 500 : i32
      %sub3A_1921 = vector.broadcast %sub3A_1920 : i32 to vector<16xi32>
      %sub3A_1922 = arith.subi %get3A_1918, %sub3A_1921 : vector<16xi32>
      %gt3A_1923 = arith.cmpi sgt, %get3A_1913, %sub3A_1922 : vector<16xi32>
      %and3A_1924 = arith.andi %le3A_1919, %gt3A_1923 : vector<16xi1>
      %get3A_1925 = arith.constant 0 : i32
      %get3A_1926 = arith.index_cast %get3A_1925 : i32 to index
      %get3A_1927 = arith.constant 16 : index
      %get3A_1928 = tpu.vector_load %arg16[%get3A_1926, %get3A_1927] {strides = array<i32>} : memref<2x128xi32, #tpu.memory_space<vmem>>, vector<1x16xi32>,
      %get3A_1929 = vector.shape_cast %get3A_1928 : vector<1x16xi32> to vector<16xi32>
      %broadcast_in_dim3A_1930 = arith.constant 16 : i32
      %broadcast_in_dim3A_1931 = vector.broadcast %broadcast_in_dim3A_1930 : i32 to vector<16xi32>
      %add3A_1932 = arith.addi %iota3A, %broadcast_in_dim3A_1931 : vector<16xi32>
      %add3A_1933 = vector.broadcast %arg1 : i32 to vector<16xi32>
      %add3A_1934 = arith.addi %add3A_1932, %add3A_1933 : vector<16xi32>
      %rem3A_1935 = arith.remsi %add3A_1934, %broadcast_in_dim3A_989 : vector<16xi32>
      %add3A_1936 = arith.constant 10000 : i32
      %add3A_1937 = vector.broadcast %add3A_1936 : i32 to vector<16xi32>
      %add3A_1938 = arith.addi %add3A_1937, %rem3A_1935 : vector<16xi32>
      %select_n3A_1939 = arith.select %and3A_1924, %get3A_1929, %add3A_1938 : vector<16xi1>, vector<16xi32>
      %swap3A_1940 = arith.constant 0 : i32
      %swap3A_1941 = arith.index_cast %swap3A_1940 : i32 to index
      %swap3A_1942 = arith.constant 16 : index
      %swap3A_1943 = tpu.vector_load %arg19[%swap3A_1941, %swap3A_1942] {strides = array<i32>} : memref<2x128xi32, #tpu.memory_space<vmem>>, vector<1x16xi32>,
      %swap3A_1944 = vector.shape_cast %swap3A_1943 : vector<1x16xi32> to vector<16xi32>
      %swap3A_1945 = vector.shape_cast %select_n3A_1939 : vector<16xi32> to vector<1x16xi32>
      tpu.vector_store %arg19[%swap3A_1941, %swap3A_1942], %swap3A_1945 {strides = array<i32>} : memref<2x128xi32, #tpu.memory_space<vmem>>, vector<1x16xi32>,
      %get3A_1946 = arith.constant 0 : i32
      %get3A_1947 = arith.index_cast %get3A_1946 : i32 to index
      %get3A_1948 = arith.constant 32 : index
      %get3A_1949 = tpu.vector_load %arg17[%get3A_1947, %get3A_1948] {strides = array<i32>} : memref<2x128xi32, #tpu.memory_space<vmem>>, vector<1x16xi32>,
      %get3A_1950 = vector.shape_cast %get3A_1949 : vector<1x16xi32> to vector<16xi32>
      %get3A_1951 = arith.constant 0 : i32
      %get3A_1952 = arith.index_cast %get3A_1951 : i32 to index
      %get3A_1953 = arith.constant 32 : index
      %get3A_1954 = tpu.vector_load %arg18[%get3A_1952, %get3A_1953] {strides = array<i32>} : memref<2x128xi32, #tpu.memory_space<vmem>>, vector<1x16xi32>,
      %get3A_1955 = vector.shape_cast %get3A_1954 : vector<1x16xi32> to vector<16xi32>
      %le3A_1956 = arith.cmpi sle, %get3A_1950, %get3A_1955 : vector<16xi32>
      %sub3A_1957 = arith.constant 500 : i32
      %sub3A_1958 = vector.broadcast %sub3A_1957 : i32 to vector<16xi32>
      %sub3A_1959 = arith.subi %get3A_1955, %sub3A_1958 : vector<16xi32>
      %gt3A_1960 = arith.cmpi sgt, %get3A_1950, %sub3A_1959 : vector<16xi32>
      %and3A_1961 = arith.andi %le3A_1956, %gt3A_1960 : vector<16xi1>
      %get3A_1962 = arith.constant 0 : i32
      %get3A_1963 = arith.index_cast %get3A_1962 : i32 to index
      %get3A_1964 = arith.constant 32 : index
      %get3A_1965 = tpu.vector_load %arg16[%get3A_1963, %get3A_1964] {strides = array<i32>} : memref<2x128xi32, #tpu.memory_space<vmem>>, vector<1x16xi32>,
      %get3A_1966 = vector.shape_cast %get3A_1965 : vector<1x16xi32> to vector<16xi32>
      %broadcast_in_dim3A_1967 = arith.constant 32 : i32
      %broadcast_in_dim3A_1968 = vector.broadcast %broadcast_in_dim3A_1967 : i32 to vector<16xi32>
      %add3A_1969 = arith.addi %iota3A, %broadcast_in_dim3A_1968 : vector<16xi32>
      %add3A_1970 = vector.broadcast %arg1 : i32 to vector<16xi32>
      %add3A_1971 = arith.addi %add3A_1969, %add3A_1970 : vector<16xi32>
      %rem3A_1972 = arith.remsi %add3A_1971, %broadcast_in_dim3A_989 : vector<16xi32>
      %add3A_1973 = arith.constant 10000 : i32
      %add3A_1974 = vector.broadcast %add3A_1973 : i32 to vector<16xi32>
      %add3A_1975 = arith.addi %add3A_1974, %rem3A_1972 : vector<16xi32>
      %select_n3A_1976 = arith.select %and3A_1961, %get3A_1966, %add3A_1975 : vector<16xi1>, vector<16xi32>
      %swap3A_1977 = arith.constant 0 : i32
      %swap3A_1978 = arith.index_cast %swap3A_1977 : i32 to index
      %swap3A_1979 = arith.constant 32 : index
      %swap3A_1980 = tpu.vector_load %arg19[%swap3A_1978, %swap3A_1979] {strides = array<i32>} : memref<2x128xi32, #tpu.memory_space<vmem>>, vector<1x16xi32>,
      %swap3A_1981 = vector.shape_cast %swap3A_1980 : vector<1x16xi32> to vector<16xi32>
      %swap3A_1982 = vector.shape_cast %select_n3A_1976 : vector<16xi32> to vector<1x16xi32>
      tpu.vector_store %arg19[%swap3A_1978, %swap3A_1979], %swap3A_1982 {strides = array<i32>} : memref<2x128xi32, #tpu.memory_space<vmem>>, vector<1x16xi32>,
      %get3A_1983 = arith.constant 0 : i32
      %get3A_1984 = arith.index_cast %get3A_1983 : i32 to index
      %get3A_1985 = arith.constant 48 : index
      %get3A_1986 = tpu.vector_load %arg17[%get3A_1984, %get3A_1985] {strides = array<i32>} : memref<2x128xi32, #tpu.memory_space<vmem>>, vector<1x16xi32>,
      %get3A_1987 = vector.shape_cast %get3A_1986 : vector<1x16xi32> to vector<16xi32>
      %get3A_1988 = arith.constant 0 : i32
      %get3A_1989 = arith.index_cast %get3A_1988 : i32 to index
      %get3A_1990 = arith.constant 48 : index
      %get3A_1991 = tpu.vector_load %arg18[%get3A_1989, %get3A_1990] {strides = array<i32>} : memref<2x128xi32, #tpu.memory_space<vmem>>, vector<1x16xi32>,
      %get3A_1992 = vector.shape_cast %get3A_1991 : vector<1x16xi32> to vector<16xi32>
      %le3A_1993 = arith.cmpi sle, %get3A_1987, %get3A_1992 : vector<16xi32>
      %sub3A_1994 = arith.constant 500 : i32
      %sub3A_1995 = vector.broadcast %sub3A_1994 : i32 to vector<16xi32>
      %sub3A_1996 = arith.subi %get3A_1992, %sub3A_1995 : vector<16xi32>
      %gt3A_1997 = arith.cmpi sgt, %get3A_1987, %sub3A_1996 : vector<16xi32>
      %and3A_1998 = arith.andi %le3A_1993, %gt3A_1997 : vector<16xi1>
      %get3A_1999 = arith.constant 0 : i32
      %get3A_2000 = arith.index_cast %get3A_1999 : i32 to index
      %get3A_2001 = arith.constant 48 : index
      %get3A_2002 = tpu.vector_load %arg16[%get3A_2000, %get3A_2001] {strides = array<i32>} : memref<2x128xi32, #tpu.memory_space<vmem>>, vector<1x16xi32>,
      %get3A_2003 = vector.shape_cast %get3A_2002 : vector<1x16xi32> to vector<16xi32>
      %broadcast_in_dim3A_2004 = arith.constant 48 : i32
      %broadcast_in_dim3A_2005 = vector.broadcast %broadcast_in_dim3A_2004 : i32 to vector<16xi32>
      %add3A_2006 = arith.addi %iota3A, %broadcast_in_dim3A_2005 : vector<16xi32>
      %add3A_2007 = vector.broadcast %arg1 : i32 to vector<16xi32>
      %add3A_2008 = arith.addi %add3A_2006, %add3A_2007 : vector<16xi32>
      %rem3A_2009 = arith.remsi %add3A_2008, %broadcast_in_dim3A_989 : vector<16xi32>
      %add3A_2010 = arith.constant 10000 : i32
      %add3A_2011 = vector.broadcast %add3A_2010 : i32 to vector<16xi32>
      %add3A_2012 = arith.addi %add3A_2011, %rem3A_2009 : vector<16xi32>
      %select_n3A_2013 = arith.select %and3A_1998, %get3A_2003, %add3A_2012 : vector<16xi1>, vector<16xi32>
      %swap3A_2014 = arith.constant 0 : i32
      %swap3A_2015 = arith.index_cast %swap3A_2014 : i32 to index
      %swap3A_2016 = arith.constant 48 : index
      %swap3A_2017 = tpu.vector_load %arg19[%swap3A_2015, %swap3A_2016] {strides = array<i32>} : memref<2x128xi32, #tpu.memory_space<vmem>>, vector<1x16xi32>,
      %swap3A_2018 = vector.shape_cast %swap3A_2017 : vector<1x16xi32> to vector<16xi32>
      %swap3A_2019 = vector.shape_cast %select_n3A_2013 : vector<16xi32> to vector<1x16xi32>
      tpu.vector_store %arg19[%swap3A_2015, %swap3A_2016], %swap3A_2019 {strides = array<i32>} : memref<2x128xi32, #tpu.memory_space<vmem>>, vector<1x16xi32>,
      %get3A_2020 = arith.constant 0 : i32
      %get3A_2021 = arith.index_cast %get3A_2020 : i32 to index
      %get3A_2022 = arith.constant 64 : index
      %get3A_2023 = tpu.vector_load %arg17[%get3A_2021, %get3A_2022] {strides = array<i32>} : memref<2x128xi32, #tpu.memory_space<vmem>>, vector<1x16xi32>,
      %get3A_2024 = vector.shape_cast %get3A_2023 : vector<1x16xi32> to vector<16xi32>
      %get3A_2025 = arith.constant 0 : i32
      %get3A_2026 = arith.index_cast %get3A_2025 : i32 to index
      %get3A_2027 = arith.constant 64 : index
      %get3A_2028 = tpu.vector_load %arg18[%get3A_2026, %get3A_2027] {strides = array<i32>} : memref<2x128xi32, #tpu.memory_space<vmem>>, vector<1x16xi32>,
      %get3A_2029 = vector.shape_cast %get3A_2028 : vector<1x16xi32> to vector<16xi32>
      %le3A_2030 = arith.cmpi sle, %get3A_2024, %get3A_2029 : vector<16xi32>
      %sub3A_2031 = arith.constant 500 : i32
      %sub3A_2032 = vector.broadcast %sub3A_2031 : i32 to vector<16xi32>
      %sub3A_2033 = arith.subi %get3A_2029, %sub3A_2032 : vector<16xi32>
      %gt3A_2034 = arith.cmpi sgt, %get3A_2024, %sub3A_2033 : vector<16xi32>
      %and3A_2035 = arith.andi %le3A_2030, %gt3A_2034 : vector<16xi1>
      %get3A_2036 = arith.constant 0 : i32
      %get3A_2037 = arith.index_cast %get3A_2036 : i32 to index
      %get3A_2038 = arith.constant 64 : index
      %get3A_2039 = tpu.vector_load %arg16[%get3A_2037, %get3A_2038] {strides = array<i32>} : memref<2x128xi32, #tpu.memory_space<vmem>>, vector<1x16xi32>,
      %get3A_2040 = vector.shape_cast %get3A_2039 : vector<1x16xi32> to vector<16xi32>
      %broadcast_in_dim3A_2041 = arith.constant 64 : i32
      %broadcast_in_dim3A_2042 = vector.broadcast %broadcast_in_dim3A_2041 : i32 to vector<16xi32>
      %add3A_2043 = arith.addi %iota3A, %broadcast_in_dim3A_2042 : vector<16xi32>
      %add3A_2044 = vector.broadcast %arg1 : i32 to vector<16xi32>
      %add3A_2045 = arith.addi %add3A_2043, %add3A_2044 : vector<16xi32>
      %rem3A_2046 = arith.remsi %add3A_2045, %broadcast_in_dim3A_989 : vector<16xi32>
      %add3A_2047 = arith.constant 10000 : i32
      %add3A_2048 = vector.broadcast %add3A_2047 : i32 to vector<16xi32>
      %add3A_2049 = arith.addi %add3A_2048, %rem3A_2046 : vector<16xi32>
      %select_n3A_2050 = arith.select %and3A_2035, %get3A_2040, %add3A_2049 : vector<16xi1>, vector<16xi32>
      %swap3A_2051 = arith.constant 0 : i32
      %swap3A_2052 = arith.index_cast %swap3A_2051 : i32 to index
      %swap3A_2053 = arith.constant 64 : index
      %swap3A_2054 = tpu.vector_load %arg19[%swap3A_2052, %swap3A_2053] {strides = array<i32>} : memref<2x128xi32, #tpu.memory_space<vmem>>, vector<1x16xi32>,
      %swap3A_2055 = vector.shape_cast %swap3A_2054 : vector<1x16xi32> to vector<16xi32>
      %swap3A_2056 = vector.shape_cast %select_n3A_2050 : vector<16xi32> to vector<1x16xi32>
      tpu.vector_store %arg19[%swap3A_2052, %swap3A_2053], %swap3A_2056 {strides = array<i32>} : memref<2x128xi32, #tpu.memory_space<vmem>>, vector<1x16xi32>,
      %get3A_2057 = arith.constant 0 : i32
      %get3A_2058 = arith.index_cast %get3A_2057 : i32 to index
      %get3A_2059 = arith.constant 80 : index
      %get3A_2060 = tpu.vector_load %arg17[%get3A_2058, %get3A_2059] {strides = array<i32>} : memref<2x128xi32, #tpu.memory_space<vmem>>, vector<1x16xi32>,
      %get3A_2061 = vector.shape_cast %get3A_2060 : vector<1x16xi32> to vector<16xi32>
      %get3A_2062 = arith.constant 0 : i32
      %get3A_2063 = arith.index_cast %get3A_2062 : i32 to index
      %get3A_2064 = arith.constant 80 : index
      %get3A_2065 = tpu.vector_load %arg18[%get3A_2063, %get3A_2064] {strides = array<i32>} : memref<2x128xi32, #tpu.memory_space<vmem>>, vector<1x16xi32>,
      %get3A_2066 = vector.shape_cast %get3A_2065 : vector<1x16xi32> to vector<16xi32>
      %le3A_2067 = arith.cmpi sle, %get3A_2061, %get3A_2066 : vector<16xi32>
      %sub3A_2068 = arith.constant 500 : i32
      %sub3A_2069 = vector.broadcast %sub3A_2068 : i32 to vector<16xi32>
      %sub3A_2070 = arith.subi %get3A_2066, %sub3A_2069 : vector<16xi32>
      %gt3A_2071 = arith.cmpi sgt, %get3A_2061, %sub3A_2070 : vector<16xi32>
      %and3A_2072 = arith.andi %le3A_2067, %gt3A_2071 : vector<16xi1>
      %get3A_2073 = arith.constant 0 : i32
      %get3A_2074 = arith.index_cast %get3A_2073 : i32 to index
      %get3A_2075 = arith.constant 80 : index
      %get3A_2076 = tpu.vector_load %arg16[%get3A_2074, %get3A_2075] {strides = array<i32>} : memref<2x128xi32, #tpu.memory_space<vmem>>, vector<1x16xi32>,
      %get3A_2077 = vector.shape_cast %get3A_2076 : vector<1x16xi32> to vector<16xi32>
      %broadcast_in_dim3A_2078 = arith.constant 80 : i32
      %broadcast_in_dim3A_2079 = vector.broadcast %broadcast_in_dim3A_2078 : i32 to vector<16xi32>
      %add3A_2080 = arith.addi %iota3A, %broadcast_in_dim3A_2079 : vector<16xi32>
      %add3A_2081 = vector.broadcast %arg1 : i32 to vector<16xi32>
      %add3A_2082 = arith.addi %add3A_2080, %add3A_2081 : vector<16xi32>
      %rem3A_2083 = arith.remsi %add3A_2082, %broadcast_in_dim3A_989 : vector<16xi32>
      %add3A_2084 = arith.constant 10000 : i32
      %add3A_2085 = vector.broadcast %add3A_2084 : i32 to vector<16xi32>
      %add3A_2086 = arith.addi %add3A_2085, %rem3A_2083 : vector<16xi32>
      %select_n3A_2087 = arith.select %and3A_2072, %get3A_2077, %add3A_2086 : vector<16xi1>, vector<16xi32>
      %swap3A_2088 = arith.constant 0 : i32
      %swap3A_2089 = arith.index_cast %swap3A_2088 : i32 to index
      %swap3A_2090 = arith.constant 80 : index
      %swap3A_2091 = tpu.vector_load %arg19[%swap3A_2089, %swap3A_2090] {strides = array<i32>} : memref<2x128xi32, #tpu.memory_space<vmem>>, vector<1x16xi32>,
      %swap3A_2092 = vector.shape_cast %swap3A_2091 : vector<1x16xi32> to vector<16xi32>
      %swap3A_2093 = vector.shape_cast %select_n3A_2087 : vector<16xi32> to vector<1x16xi32>
      tpu.vector_store %arg19[%swap3A_2089, %swap3A_2090], %swap3A_2093 {strides = array<i32>} : memref<2x128xi32, #tpu.memory_space<vmem>>, vector<1x16xi32>,
      %get3A_2094 = arith.constant 0 : i32
      %get3A_2095 = arith.index_cast %get3A_2094 : i32 to index
      %get3A_2096 = arith.constant 96 : index
      %get3A_2097 = tpu.vector_load %arg17[%get3A_2095, %get3A_2096] {strides = array<i32>} : memref<2x128xi32, #tpu.memory_space<vmem>>, vector<1x16xi32>,
      %get3A_2098 = vector.shape_cast %get3A_2097 : vector<1x16xi32> to vector<16xi32>
      %get3A_2099 = arith.constant 0 : i32
      %get3A_2100 = arith.index_cast %get3A_2099 : i32 to index
      %get3A_2101 = arith.constant 96 : index
      %get3A_2102 = tpu.vector_load %arg18[%get3A_2100, %get3A_2101] {strides = array<i32>} : memref<2x128xi32, #tpu.memory_space<vmem>>, vector<1x16xi32>,
      %get3A_2103 = vector.shape_cast %get3A_2102 : vector<1x16xi32> to vector<16xi32>
      %le3A_2104 = arith.cmpi sle, %get3A_2098, %get3A_2103 : vector<16xi32>
      %sub3A_2105 = arith.constant 500 : i32
      %sub3A_2106 = vector.broadcast %sub3A_2105 : i32 to vector<16xi32>
      %sub3A_2107 = arith.subi %get3A_2103, %sub3A_2106 : vector<16xi32>
      %gt3A_2108 = arith.cmpi sgt, %get3A_2098, %sub3A_2107 : vector<16xi32>
      %and3A_2109 = arith.andi %le3A_2104, %gt3A_2108 : vector<16xi1>
      %get3A_2110 = arith.constant 0 : i32
      %get3A_2111 = arith.index_cast %get3A_2110 : i32 to index
      %get3A_2112 = arith.constant 96 : index
      %get3A_2113 = tpu.vector_load %arg16[%get3A_2111, %get3A_2112] {strides = array<i32>} : memref<2x128xi32, #tpu.memory_space<vmem>>, vector<1x16xi32>,
      %get3A_2114 = vector.shape_cast %get3A_2113 : vector<1x16xi32> to vector<16xi32>
      %broadcast_in_dim3A_2115 = arith.constant 96 : i32
      %broadcast_in_dim3A_2116 = vector.broadcast %broadcast_in_dim3A_2115 : i32 to vector<16xi32>
      %add3A_2117 = arith.addi %iota3A, %broadcast_in_dim3A_2116 : vector<16xi32>
      %add3A_2118 = vector.broadcast %arg1 : i32 to vector<16xi32>
      %add3A_2119 = arith.addi %add3A_2117, %add3A_2118 : vector<16xi32>
      %rem3A_2120 = arith.remsi %add3A_2119, %broadcast_in_dim3A_989 : vector<16xi32>
      %add3A_2121 = arith.constant 10000 : i32
      %add3A_2122 = vector.broadcast %add3A_2121 : i32 to vector<16xi32>
      %add3A_2123 = arith.addi %add3A_2122, %rem3A_2120 : vector<16xi32>
      %select_n3A_2124 = arith.select %and3A_2109, %get3A_2114, %add3A_2123 : vector<16xi1>, vector<16xi32>
      %swap3A_2125 = arith.constant 0 : i32
      %swap3A_2126 = arith.index_cast %swap3A_2125 : i32 to index
      %swap3A_2127 = arith.constant 96 : index
      %swap3A_2128 = tpu.vector_load %arg19[%swap3A_2126, %swap3A_2127] {strides = array<i32>} : memref<2x128xi32, #tpu.memory_space<vmem>>, vector<1x16xi32>,
      %swap3A_2129 = vector.shape_cast %swap3A_2128 : vector<1x16xi32> to vector<16xi32>
      %swap3A_2130 = vector.shape_cast %select_n3A_2124 : vector<16xi32> to vector<1x16xi32>
      tpu.vector_store %arg19[%swap3A_2126, %swap3A_2127], %swap3A_2130 {strides = array<i32>} : memref<2x128xi32, #tpu.memory_space<vmem>>, vector<1x16xi32>,
      %get3A_2131 = arith.constant 0 : i32
      %get3A_2132 = arith.index_cast %get3A_2131 : i32 to index
      %get3A_2133 = arith.constant 112 : index
      %get3A_2134 = tpu.vector_load %arg17[%get3A_2132, %get3A_2133] {strides = array<i32>} : memref<2x128xi32, #tpu.memory_space<vmem>>, vector<1x16xi32>,
      %get3A_2135 = vector.shape_cast %get3A_2134 : vector<1x16xi32> to vector<16xi32>
      %get3A_2136 = arith.constant 0 : i32
      %get3A_2137 = arith.index_cast %get3A_2136 : i32 to index
      %get3A_2138 = arith.constant 112 : index
      %get3A_2139 = tpu.vector_load %arg18[%get3A_2137, %get3A_2138] {strides = array<i32>} : memref<2x128xi32, #tpu.memory_space<vmem>>, vector<1x16xi32>,
      %get3A_2140 = vector.shape_cast %get3A_2139 : vector<1x16xi32> to vector<16xi32>
      %le3A_2141 = arith.cmpi sle, %get3A_2135, %get3A_2140 : vector<16xi32>
      %sub3A_2142 = arith.constant 500 : i32
      %sub3A_2143 = vector.broadcast %sub3A_2142 : i32 to vector<16xi32>
      %sub3A_2144 = arith.subi %get3A_2140, %sub3A_2143 : vector<16xi32>
      %gt3A_2145 = arith.cmpi sgt, %get3A_2135, %sub3A_2144 : vector<16xi32>
      %and3A_2146 = arith.andi %le3A_2141, %gt3A_2145 : vector<16xi1>
      %get3A_2147 = arith.constant 0 : i32
      %get3A_2148 = arith.index_cast %get3A_2147 : i32 to index
      %get3A_2149 = arith.constant 112 : index
      %get3A_2150 = tpu.vector_load %arg16[%get3A_2148, %get3A_2149] {strides = array<i32>} : memref<2x128xi32, #tpu.memory_space<vmem>>, vector<1x16xi32>,
      %get3A_2151 = vector.shape_cast %get3A_2150 : vector<1x16xi32> to vector<16xi32>
      %broadcast_in_dim3A_2152 = arith.constant 112 : i32
      %broadcast_in_dim3A_2153 = vector.broadcast %broadcast_in_dim3A_2152 : i32 to vector<16xi32>
      %add3A_2154 = arith.addi %iota3A, %broadcast_in_dim3A_2153 : vector<16xi32>
      %add3A_2155 = vector.broadcast %arg1 : i32 to vector<16xi32>
      %add3A_2156 = arith.addi %add3A_2154, %add3A_2155 : vector<16xi32>
      %rem3A_2157 = arith.remsi %add3A_2156, %broadcast_in_dim3A_989 : vector<16xi32>
      %add3A_2158 = arith.constant 10000 : i32
      %add3A_2159 = vector.broadcast %add3A_2158 : i32 to vector<16xi32>
      %add3A_2160 = arith.addi %add3A_2159, %rem3A_2157 : vector<16xi32>
      %select_n3A_2161 = arith.select %and3A_2146, %get3A_2151, %add3A_2160 : vector<16xi1>, vector<16xi32>
      %swap3A_2162 = arith.constant 0 : i32
      %swap3A_2163 = arith.index_cast %swap3A_2162 : i32 to index
      %swap3A_2164 = arith.constant 112 : index
      %swap3A_2165 = tpu.vector_load %arg19[%swap3A_2163, %swap3A_2164] {strides = array<i32>} : memref<2x128xi32, #tpu.memory_space<vmem>>, vector<1x16xi32>,
      %swap3A_2166 = vector.shape_cast %swap3A_2165 : vector<1x16xi32> to vector<16xi32>
      %swap3A_2167 = vector.shape_cast %select_n3A_2161 : vector<16xi32> to vector<1x16xi32>
      tpu.vector_store %arg19[%swap3A_2163, %swap3A_2164], %swap3A_2167 {strides = array<i32>} : memref<2x128xi32, #tpu.memory_space<vmem>>, vector<1x16xi32>,
      %get3A_2168 = arith.constant 1 : i32
      %get3A_2169 = arith.index_cast %get3A_2168 : i32 to index
      %get3A_2170 = arith.constant 0 : index
      %get3A_2171 = tpu.vector_load %arg17[%get3A_2169, %get3A_2170] {strides = array<i32>} : memref<2x128xi32, #tpu.memory_space<vmem>>, vector<1x16xi32>,
      %get3A_2172 = vector.shape_cast %get3A_2171 : vector<1x16xi32> to vector<16xi32>
      %get3A_2173 = arith.constant 1 : i32
      %get3A_2174 = arith.index_cast %get3A_2173 : i32 to index
      %get3A_2175 = arith.constant 0 : index
      %get3A_2176 = tpu.vector_load %arg18[%get3A_2174, %get3A_2175] {strides = array<i32>} : memref<2x128xi32, #tpu.memory_space<vmem>>, vector<1x16xi32>,
      %get3A_2177 = vector.shape_cast %get3A_2176 : vector<1x16xi32> to vector<16xi32>
      %le3A_2178 = arith.cmpi sle, %get3A_2172, %get3A_2177 : vector<16xi32>
      %sub3A_2179 = arith.constant 500 : i32
      %sub3A_2180 = vector.broadcast %sub3A_2179 : i32 to vector<16xi32>
      %sub3A_2181 = arith.subi %get3A_2177, %sub3A_2180 : vector<16xi32>
      %gt3A_2182 = arith.cmpi sgt, %get3A_2172, %sub3A_2181 : vector<16xi32>
      %and3A_2183 = arith.andi %le3A_2178, %gt3A_2182 : vector<16xi1>
      %get3A_2184 = arith.constant 1 : i32
      %get3A_2185 = arith.index_cast %get3A_2184 : i32 to index
      %get3A_2186 = arith.constant 0 : index
      %get3A_2187 = tpu.vector_load %arg16[%get3A_2185, %get3A_2186] {strides = array<i32>} : memref<2x128xi32, #tpu.memory_space<vmem>>, vector<1x16xi32>,
      %get3A_2188 = vector.shape_cast %get3A_2187 : vector<1x16xi32> to vector<16xi32>
      %broadcast_in_dim3A_2189 = arith.constant 128 : i32
      %broadcast_in_dim3A_2190 = vector.broadcast %broadcast_in_dim3A_2189 : i32 to vector<16xi32>
      %add3A_2191 = arith.addi %iota3A, %broadcast_in_dim3A_2190 : vector<16xi32>
      %add3A_2192 = vector.broadcast %arg1 : i32 to vector<16xi32>
      %add3A_2193 = arith.addi %add3A_2191, %add3A_2192 : vector<16xi32>
      %rem3A_2194 = arith.remsi %add3A_2193, %broadcast_in_dim3A_989 : vector<16xi32>
      %add3A_2195 = arith.constant 10000 : i32
      %add3A_2196 = vector.broadcast %add3A_2195 : i32 to vector<16xi32>
      %add3A_2197 = arith.addi %add3A_2196, %rem3A_2194 : vector<16xi32>
      %select_n3A_2198 = arith.select %and3A_2183, %get3A_2188, %add3A_2197 : vector<16xi1>, vector<16xi32>
      %swap3A_2199 = arith.constant 1 : i32
      %swap3A_2200 = arith.index_cast %swap3A_2199 : i32 to index
      %swap3A_2201 = arith.constant 0 : index
      %swap3A_2202 = tpu.vector_load %arg19[%swap3A_2200, %swap3A_2201] {strides = array<i32>} : memref<2x128xi32, #tpu.memory_space<vmem>>, vector<1x16xi32>,
      %swap3A_2203 = vector.shape_cast %swap3A_2202 : vector<1x16xi32> to vector<16xi32>
      %swap3A_2204 = vector.shape_cast %select_n3A_2198 : vector<16xi32> to vector<1x16xi32>
      tpu.vector_store %arg19[%swap3A_2200, %swap3A_2201], %swap3A_2204 {strides = array<i32>} : memref<2x128xi32, #tpu.memory_space<vmem>>, vector<1x16xi32>,
      %get3A_2205 = arith.constant 1 : i32
      %get3A_2206 = arith.index_cast %get3A_2205 : i32 to index
      %get3A_2207 = arith.constant 16 : index
      %get3A_2208 = tpu.vector_load %arg17[%get3A_2206, %get3A_2207] {strides = array<i32>} : memref<2x128xi32, #tpu.memory_space<vmem>>, vector<1x16xi32>,
      %get3A_2209 = vector.shape_cast %get3A_2208 : vector<1x16xi32> to vector<16xi32>
      %get3A_2210 = arith.constant 1 : i32
      %get3A_2211 = arith.index_cast %get3A_2210 : i32 to index
      %get3A_2212 = arith.constant 16 : index
      %get3A_2213 = tpu.vector_load %arg18[%get3A_2211, %get3A_2212] {strides = array<i32>} : memref<2x128xi32, #tpu.memory_space<vmem>>, vector<1x16xi32>,
      %get3A_2214 = vector.shape_cast %get3A_2213 : vector<1x16xi32> to vector<16xi32>
      %le3A_2215 = arith.cmpi sle, %get3A_2209, %get3A_2214 : vector<16xi32>
      %sub3A_2216 = arith.constant 500 : i32
      %sub3A_2217 = vector.broadcast %sub3A_2216 : i32 to vector<16xi32>
      %sub3A_2218 = arith.subi %get3A_2214, %sub3A_2217 : vector<16xi32>
      %gt3A_2219 = arith.cmpi sgt, %get3A_2209, %sub3A_2218 : vector<16xi32>
      %and3A_2220 = arith.andi %le3A_2215, %gt3A_2219 : vector<16xi1>
      %get3A_2221 = arith.constant 1 : i32
      %get3A_2222 = arith.index_cast %get3A_2221 : i32 to index
      %get3A_2223 = arith.constant 16 : index
      %get3A_2224 = tpu.vector_load %arg16[%get3A_2222, %get3A_2223] {strides = array<i32>} : memref<2x128xi32, #tpu.memory_space<vmem>>, vector<1x16xi32>,
      %get3A_2225 = vector.shape_cast %get3A_2224 : vector<1x16xi32> to vector<16xi32>
      %broadcast_in_dim3A_2226 = arith.constant 144 : i32
      %broadcast_in_dim3A_2227 = vector.broadcast %broadcast_in_dim3A_2226 : i32 to vector<16xi32>
      %add3A_2228 = arith.addi %iota3A, %broadcast_in_dim3A_2227 : vector<16xi32>
      %add3A_2229 = vector.broadcast %arg1 : i32 to vector<16xi32>
      %add3A_2230 = arith.addi %add3A_2228, %add3A_2229 : vector<16xi32>
      %rem3A_2231 = arith.remsi %add3A_2230, %broadcast_in_dim3A_989 : vector<16xi32>
      %add3A_2232 = arith.constant 10000 : i32
      %add3A_2233 = vector.broadcast %add3A_2232 : i32 to vector<16xi32>
      %add3A_2234 = arith.addi %add3A_2233, %rem3A_2231 : vector<16xi32>
      %select_n3A_2235 = arith.select %and3A_2220, %get3A_2225, %add3A_2234 : vector<16xi1>, vector<16xi32>
      %swap3A_2236 = arith.constant 1 : i32
      %swap3A_2237 = arith.index_cast %swap3A_2236 : i32 to index
      %swap3A_2238 = arith.constant 16 : index
      %swap3A_2239 = tpu.vector_load %arg19[%swap3A_2237, %swap3A_2238] {strides = array<i32>} : memref<2x128xi32, #tpu.memory_space<vmem>>, vector<1x16xi32>,
      %swap3A_2240 = vector.shape_cast %swap3A_2239 : vector<1x16xi32> to vector<16xi32>
      %swap3A_2241 = vector.shape_cast %select_n3A_2235 : vector<16xi32> to vector<1x16xi32>
      tpu.vector_store %arg19[%swap3A_2237, %swap3A_2238], %swap3A_2241 {strides = array<i32>} : memref<2x128xi32, #tpu.memory_space<vmem>>, vector<1x16xi32>,
      %get3A_2242 = arith.constant 1 : i32
      %get3A_2243 = arith.index_cast %get3A_2242 : i32 to index
      %get3A_2244 = arith.constant 32 : index
      %get3A_2245 = tpu.vector_load %arg17[%get3A_2243, %get3A_2244] {strides = array<i32>} : memref<2x128xi32, #tpu.memory_space<vmem>>, vector<1x16xi32>,
      %get3A_2246 = vector.shape_cast %get3A_2245 : vector<1x16xi32> to vector<16xi32>
      %get3A_2247 = arith.constant 1 : i32
      %get3A_2248 = arith.index_cast %get3A_2247 : i32 to index
      %get3A_2249 = arith.constant 32 : index
      %get3A_2250 = tpu.vector_load %arg18[%get3A_2248, %get3A_2249] {strides = array<i32>} : memref<2x128xi32, #tpu.memory_space<vmem>>, vector<1x16xi32>,
      %get3A_2251 = vector.shape_cast %get3A_2250 : vector<1x16xi32> to vector<16xi32>
      %le3A_2252 = arith.cmpi sle, %get3A_2246, %get3A_2251 : vector<16xi32>
      %sub3A_2253 = arith.constant 500 : i32
      %sub3A_2254 = vector.broadcast %sub3A_2253 : i32 to vector<16xi32>
      %sub3A_2255 = arith.subi %get3A_2251, %sub3A_2254 : vector<16xi32>
      %gt3A_2256 = arith.cmpi sgt, %get3A_2246, %sub3A_2255 : vector<16xi32>
      %and3A_2257 = arith.andi %le3A_2252, %gt3A_2256 : vector<16xi1>
      %get3A_2258 = arith.constant 1 : i32
      %get3A_2259 = arith.index_cast %get3A_2258 : i32 to index
      %get3A_2260 = arith.constant 32 : index
      %get3A_2261 = tpu.vector_load %arg16[%get3A_2259, %get3A_2260] {strides = array<i32>} : memref<2x128xi32, #tpu.memory_space<vmem>>, vector<1x16xi32>,
      %get3A_2262 = vector.shape_cast %get3A_2261 : vector<1x16xi32> to vector<16xi32>
      %broadcast_in_dim3A_2263 = arith.constant 160 : i32
      %broadcast_in_dim3A_2264 = vector.broadcast %broadcast_in_dim3A_2263 : i32 to vector<16xi32>
      %add3A_2265 = arith.addi %iota3A, %broadcast_in_dim3A_2264 : vector<16xi32>
      %add3A_2266 = vector.broadcast %arg1 : i32 to vector<16xi32>
      %add3A_2267 = arith.addi %add3A_2265, %add3A_2266 : vector<16xi32>
      %rem3A_2268 = arith.remsi %add3A_2267, %broadcast_in_dim3A_989 : vector<16xi32>
      %add3A_2269 = arith.constant 10000 : i32
      %add3A_2270 = vector.broadcast %add3A_2269 : i32 to vector<16xi32>
      %add3A_2271 = arith.addi %add3A_2270, %rem3A_2268 : vector<16xi32>
      %select_n3A_2272 = arith.select %and3A_2257, %get3A_2262, %add3A_2271 : vector<16xi1>, vector<16xi32>
      %swap3A_2273 = arith.constant 1 : i32
      %swap3A_2274 = arith.index_cast %swap3A_2273 : i32 to index
      %swap3A_2275 = arith.constant 32 : index
      %swap3A_2276 = tpu.vector_load %arg19[%swap3A_2274, %swap3A_2275] {strides = array<i32>} : memref<2x128xi32, #tpu.memory_space<vmem>>, vector<1x16xi32>,
      %swap3A_2277 = vector.shape_cast %swap3A_2276 : vector<1x16xi32> to vector<16xi32>
      %swap3A_2278 = vector.shape_cast %select_n3A_2272 : vector<16xi32> to vector<1x16xi32>
      tpu.vector_store %arg19[%swap3A_2274, %swap3A_2275], %swap3A_2278 {strides = array<i32>} : memref<2x128xi32, #tpu.memory_space<vmem>>, vector<1x16xi32>,
      %get3A_2279 = arith.constant 1 : i32
      %get3A_2280 = arith.index_cast %get3A_2279 : i32 to index
      %get3A_2281 = arith.constant 48 : index
      %get3A_2282 = tpu.vector_load %arg17[%get3A_2280, %get3A_2281] {strides = array<i32>} : memref<2x128xi32, #tpu.memory_space<vmem>>, vector<1x16xi32>,
      %get3A_2283 = vector.shape_cast %get3A_2282 : vector<1x16xi32> to vector<16xi32>
      %get3A_2284 = arith.constant 1 : i32
      %get3A_2285 = arith.index_cast %get3A_2284 : i32 to index
      %get3A_2286 = arith.constant 48 : index
      %get3A_2287 = tpu.vector_load %arg18[%get3A_2285, %get3A_2286] {strides = array<i32>} : memref<2x128xi32, #tpu.memory_space<vmem>>, vector<1x16xi32>,
      %get3A_2288 = vector.shape_cast %get3A_2287 : vector<1x16xi32> to vector<16xi32>
      %le3A_2289 = arith.cmpi sle, %get3A_2283, %get3A_2288 : vector<16xi32>
      %sub3A_2290 = arith.constant 500 : i32
      %sub3A_2291 = vector.broadcast %sub3A_2290 : i32 to vector<16xi32>
      %sub3A_2292 = arith.subi %get3A_2288, %sub3A_2291 : vector<16xi32>
      %gt3A_2293 = arith.cmpi sgt, %get3A_2283, %sub3A_2292 : vector<16xi32>
      %and3A_2294 = arith.andi %le3A_2289, %gt3A_2293 : vector<16xi1>
      %get3A_2295 = arith.constant 1 : i32
      %get3A_2296 = arith.index_cast %get3A_2295 : i32 to index
      %get3A_2297 = arith.constant 48 : index
      %get3A_2298 = tpu.vector_load %arg16[%get3A_2296, %get3A_2297] {strides = array<i32>} : memref<2x128xi32, #tpu.memory_space<vmem>>, vector<1x16xi32>,
      %get3A_2299 = vector.shape_cast %get3A_2298 : vector<1x16xi32> to vector<16xi32>
      %broadcast_in_dim3A_2300 = arith.constant 176 : i32
      %broadcast_in_dim3A_2301 = vector.broadcast %broadcast_in_dim3A_2300 : i32 to vector<16xi32>
      %add3A_2302 = arith.addi %iota3A, %broadcast_in_dim3A_2301 : vector<16xi32>
      %add3A_2303 = vector.broadcast %arg1 : i32 to vector<16xi32>
      %add3A_2304 = arith.addi %add3A_2302, %add3A_2303 : vector<16xi32>
      %rem3A_2305 = arith.remsi %add3A_2304, %broadcast_in_dim3A_989 : vector<16xi32>
      %add3A_2306 = arith.constant 10000 : i32
      %add3A_2307 = vector.broadcast %add3A_2306 : i32 to vector<16xi32>
      %add3A_2308 = arith.addi %add3A_2307, %rem3A_2305 : vector<16xi32>
      %select_n3A_2309 = arith.select %and3A_2294, %get3A_2299, %add3A_2308 : vector<16xi1>, vector<16xi32>
      %swap3A_2310 = arith.constant 1 : i32
      %swap3A_2311 = arith.index_cast %swap3A_2310 : i32 to index
      %swap3A_2312 = arith.constant 48 : index
      %swap3A_2313 = tpu.vector_load %arg19[%swap3A_2311, %swap3A_2312] {strides = array<i32>} : memref<2x128xi32, #tpu.memory_space<vmem>>, vector<1x16xi32>,
      %swap3A_2314 = vector.shape_cast %swap3A_2313 : vector<1x16xi32> to vector<16xi32>
      %swap3A_2315 = vector.shape_cast %select_n3A_2309 : vector<16xi32> to vector<1x16xi32>
      tpu.vector_store %arg19[%swap3A_2311, %swap3A_2312], %swap3A_2315 {strides = array<i32>} : memref<2x128xi32, #tpu.memory_space<vmem>>, vector<1x16xi32>,
      %get3A_2316 = arith.constant 1 : i32
      %get3A_2317 = arith.index_cast %get3A_2316 : i32 to index
      %get3A_2318 = arith.constant 64 : index
      %get3A_2319 = tpu.vector_load %arg17[%get3A_2317, %get3A_2318] {strides = array<i32>} : memref<2x128xi32, #tpu.memory_space<vmem>>, vector<1x16xi32>,
      %get3A_2320 = vector.shape_cast %get3A_2319 : vector<1x16xi32> to vector<16xi32>
      %get3A_2321 = arith.constant 1 : i32
      %get3A_2322 = arith.index_cast %get3A_2321 : i32 to index
      %get3A_2323 = arith.constant 64 : index
      %get3A_2324 = tpu.vector_load %arg18[%get3A_2322, %get3A_2323] {strides = array<i32>} : memref<2x128xi32, #tpu.memory_space<vmem>>, vector<1x16xi32>,
      %get3A_2325 = vector.shape_cast %get3A_2324 : vector<1x16xi32> to vector<16xi32>
      %le3A_2326 = arith.cmpi sle, %get3A_2320, %get3A_2325 : vector<16xi32>
      %sub3A_2327 = arith.constant 500 : i32
      %sub3A_2328 = vector.broadcast %sub3A_2327 : i32 to vector<16xi32>
      %sub3A_2329 = arith.subi %get3A_2325, %sub3A_2328 : vector<16xi32>
      %gt3A_2330 = arith.cmpi sgt, %get3A_2320, %sub3A_2329 : vector<16xi32>
      %and3A_2331 = arith.andi %le3A_2326, %gt3A_2330 : vector<16xi1>
      %get3A_2332 = arith.constant 1 : i32
      %get3A_2333 = arith.index_cast %get3A_2332 : i32 to index
      %get3A_2334 = arith.constant 64 : index
      %get3A_2335 = tpu.vector_load %arg16[%get3A_2333, %get3A_2334] {strides = array<i32>} : memref<2x128xi32, #tpu.memory_space<vmem>>, vector<1x16xi32>,
      %get3A_2336 = vector.shape_cast %get3A_2335 : vector<1x16xi32> to vector<16xi32>
      %broadcast_in_dim3A_2337 = arith.constant 192 : i32
      %broadcast_in_dim3A_2338 = vector.broadcast %broadcast_in_dim3A_2337 : i32 to vector<16xi32>
      %add3A_2339 = arith.addi %iota3A, %broadcast_in_dim3A_2338 : vector<16xi32>
      %add3A_2340 = vector.broadcast %arg1 : i32 to vector<16xi32>
      %add3A_2341 = arith.addi %add3A_2339, %add3A_2340 : vector<16xi32>
      %rem3A_2342 = arith.remsi %add3A_2341, %broadcast_in_dim3A_989 : vector<16xi32>
      %add3A_2343 = arith.constant 10000 : i32
      %add3A_2344 = vector.broadcast %add3A_2343 : i32 to vector<16xi32>
      %add3A_2345 = arith.addi %add3A_2344, %rem3A_2342 : vector<16xi32>
      %select_n3A_2346 = arith.select %and3A_2331, %get3A_2336, %add3A_2345 : vector<16xi1>, vector<16xi32>
      %swap3A_2347 = arith.constant 1 : i32
      %swap3A_2348 = arith.index_cast %swap3A_2347 : i32 to index
      %swap3A_2349 = arith.constant 64 : index
      %swap3A_2350 = tpu.vector_load %arg19[%swap3A_2348, %swap3A_2349] {strides = array<i32>} : memref<2x128xi32, #tpu.memory_space<vmem>>, vector<1x16xi32>,
      %swap3A_2351 = vector.shape_cast %swap3A_2350 : vector<1x16xi32> to vector<16xi32>
      %swap3A_2352 = vector.shape_cast %select_n3A_2346 : vector<16xi32> to vector<1x16xi32>
      tpu.vector_store %arg19[%swap3A_2348, %swap3A_2349], %swap3A_2352 {strides = array<i32>} : memref<2x128xi32, #tpu.memory_space<vmem>>, vector<1x16xi32>,
      %get3A_2353 = arith.constant 1 : i32
      %get3A_2354 = arith.index_cast %get3A_2353 : i32 to index
      %get3A_2355 = arith.constant 80 : index
      %get3A_2356 = tpu.vector_load %arg17[%get3A_2354, %get3A_2355] {strides = array<i32>} : memref<2x128xi32, #tpu.memory_space<vmem>>, vector<1x16xi32>,
      %get3A_2357 = vector.shape_cast %get3A_2356 : vector<1x16xi32> to vector<16xi32>
      %get3A_2358 = arith.constant 1 : i32
      %get3A_2359 = arith.index_cast %get3A_2358 : i32 to index
      %get3A_2360 = arith.constant 80 : index
      %get3A_2361 = tpu.vector_load %arg18[%get3A_2359, %get3A_2360] {strides = array<i32>} : memref<2x128xi32, #tpu.memory_space<vmem>>, vector<1x16xi32>,
      %get3A_2362 = vector.shape_cast %get3A_2361 : vector<1x16xi32> to vector<16xi32>
      %le3A_2363 = arith.cmpi sle, %get3A_2357, %get3A_2362 : vector<16xi32>
      %sub3A_2364 = arith.constant 500 : i32
      %sub3A_2365 = vector.broadcast %sub3A_2364 : i32 to vector<16xi32>
      %sub3A_2366 = arith.subi %get3A_2362, %sub3A_2365 : vector<16xi32>
      %gt3A_2367 = arith.cmpi sgt, %get3A_2357, %sub3A_2366 : vector<16xi32>
      %and3A_2368 = arith.andi %le3A_2363, %gt3A_2367 : vector<16xi1>
      %get3A_2369 = arith.constant 1 : i32
      %get3A_2370 = arith.index_cast %get3A_2369 : i32 to index
      %get3A_2371 = arith.constant 80 : index
      %get3A_2372 = tpu.vector_load %arg16[%get3A_2370, %get3A_2371] {strides = array<i32>} : memref<2x128xi32, #tpu.memory_space<vmem>>, vector<1x16xi32>,
      %get3A_2373 = vector.shape_cast %get3A_2372 : vector<1x16xi32> to vector<16xi32>
      %broadcast_in_dim3A_2374 = arith.constant 208 : i32
      %broadcast_in_dim3A_2375 = vector.broadcast %broadcast_in_dim3A_2374 : i32 to vector<16xi32>
      %add3A_2376 = arith.addi %iota3A, %broadcast_in_dim3A_2375 : vector<16xi32>
      %add3A_2377 = vector.broadcast %arg1 : i32 to vector<16xi32>
      %add3A_2378 = arith.addi %add3A_2376, %add3A_2377 : vector<16xi32>
      %rem3A_2379 = arith.remsi %add3A_2378, %broadcast_in_dim3A_989 : vector<16xi32>
      %add3A_2380 = arith.constant 10000 : i32
      %add3A_2381 = vector.broadcast %add3A_2380 : i32 to vector<16xi32>
      %add3A_2382 = arith.addi %add3A_2381, %rem3A_2379 : vector<16xi32>
      %select_n3A_2383 = arith.select %and3A_2368, %get3A_2373, %add3A_2382 : vector<16xi1>, vector<16xi32>
      %swap3A_2384 = arith.constant 1 : i32
      %swap3A_2385 = arith.index_cast %swap3A_2384 : i32 to index
      %swap3A_2386 = arith.constant 80 : index
      %swap3A_2387 = tpu.vector_load %arg19[%swap3A_2385, %swap3A_2386] {strides = array<i32>} : memref<2x128xi32, #tpu.memory_space<vmem>>, vector<1x16xi32>,
      %swap3A_2388 = vector.shape_cast %swap3A_2387 : vector<1x16xi32> to vector<16xi32>
      %swap3A_2389 = vector.shape_cast %select_n3A_2383 : vector<16xi32> to vector<1x16xi32>
      tpu.vector_store %arg19[%swap3A_2385, %swap3A_2386], %swap3A_2389 {strides = array<i32>} : memref<2x128xi32, #tpu.memory_space<vmem>>, vector<1x16xi32>,
      %get3A_2390 = arith.constant 1 : i32
      %get3A_2391 = arith.index_cast %get3A_2390 : i32 to index
      %get3A_2392 = arith.constant 96 : index
      %get3A_2393 = tpu.vector_load %arg17[%get3A_2391, %get3A_2392] {strides = array<i32>} : memref<2x128xi32, #tpu.memory_space<vmem>>, vector<1x16xi32>,
      %get3A_2394 = vector.shape_cast %get3A_2393 : vector<1x16xi32> to vector<16xi32>
      %get3A_2395 = arith.constant 1 : i32
      %get3A_2396 = arith.index_cast %get3A_2395 : i32 to index
      %get3A_2397 = arith.constant 96 : index
      %get3A_2398 = tpu.vector_load %arg18[%get3A_2396, %get3A_2397] {strides = array<i32>} : memref<2x128xi32, #tpu.memory_space<vmem>>, vector<1x16xi32>,
      %get3A_2399 = vector.shape_cast %get3A_2398 : vector<1x16xi32> to vector<16xi32>
      %le3A_2400 = arith.cmpi sle, %get3A_2394, %get3A_2399 : vector<16xi32>
      %sub3A_2401 = arith.constant 500 : i32
      %sub3A_2402 = vector.broadcast %sub3A_2401 : i32 to vector<16xi32>
      %sub3A_2403 = arith.subi %get3A_2399, %sub3A_2402 : vector<16xi32>
      %gt3A_2404 = arith.cmpi sgt, %get3A_2394, %sub3A_2403 : vector<16xi32>
      %and3A_2405 = arith.andi %le3A_2400, %gt3A_2404 : vector<16xi1>
      %get3A_2406 = arith.constant 1 : i32
      %get3A_2407 = arith.index_cast %get3A_2406 : i32 to index
      %get3A_2408 = arith.constant 96 : index
      %get3A_2409 = tpu.vector_load %arg16[%get3A_2407, %get3A_2408] {strides = array<i32>} : memref<2x128xi32, #tpu.memory_space<vmem>>, vector<1x16xi32>,
      %get3A_2410 = vector.shape_cast %get3A_2409 : vector<1x16xi32> to vector<16xi32>
      %broadcast_in_dim3A_2411 = arith.constant 224 : i32
      %broadcast_in_dim3A_2412 = vector.broadcast %broadcast_in_dim3A_2411 : i32 to vector<16xi32>
      %add3A_2413 = arith.addi %iota3A, %broadcast_in_dim3A_2412 : vector<16xi32>
      %add3A_2414 = vector.broadcast %arg1 : i32 to vector<16xi32>
      %add3A_2415 = arith.addi %add3A_2413, %add3A_2414 : vector<16xi32>
      %rem3A_2416 = arith.remsi %add3A_2415, %broadcast_in_dim3A_989 : vector<16xi32>
      %add3A_2417 = arith.constant 10000 : i32
      %add3A_2418 = vector.broadcast %add3A_2417 : i32 to vector<16xi32>
      %add3A_2419 = arith.addi %add3A_2418, %rem3A_2416 : vector<16xi32>
      %select_n3A_2420 = arith.select %and3A_2405, %get3A_2410, %add3A_2419 : vector<16xi1>, vector<16xi32>
      %swap3A_2421 = arith.constant 1 : i32
      %swap3A_2422 = arith.index_cast %swap3A_2421 : i32 to index
      %swap3A_2423 = arith.constant 96 : index
      %swap3A_2424 = tpu.vector_load %arg19[%swap3A_2422, %swap3A_2423] {strides = array<i32>} : memref<2x128xi32, #tpu.memory_space<vmem>>, vector<1x16xi32>,
      %swap3A_2425 = vector.shape_cast %swap3A_2424 : vector<1x16xi32> to vector<16xi32>
      %swap3A_2426 = vector.shape_cast %select_n3A_2420 : vector<16xi32> to vector<1x16xi32>
      tpu.vector_store %arg19[%swap3A_2422, %swap3A_2423], %swap3A_2426 {strides = array<i32>} : memref<2x128xi32, #tpu.memory_space<vmem>>, vector<1x16xi32>,
      %get3A_2427 = arith.constant 1 : i32
      %get3A_2428 = arith.index_cast %get3A_2427 : i32 to index
      %get3A_2429 = arith.constant 112 : index
      %get3A_2430 = tpu.vector_load %arg17[%get3A_2428, %get3A_2429] {strides = array<i32>} : memref<2x128xi32, #tpu.memory_space<vmem>>, vector<1x16xi32>,
      %get3A_2431 = vector.shape_cast %get3A_2430 : vector<1x16xi32> to vector<16xi32>
      %get3A_2432 = arith.constant 1 : i32
      %get3A_2433 = arith.index_cast %get3A_2432 : i32 to index
      %get3A_2434 = arith.constant 112 : index
      %get3A_2435 = tpu.vector_load %arg18[%get3A_2433, %get3A_2434] {strides = array<i32>} : memref<2x128xi32, #tpu.memory_space<vmem>>, vector<1x16xi32>,
      %get3A_2436 = vector.shape_cast %get3A_2435 : vector<1x16xi32> to vector<16xi32>
      %le3A_2437 = arith.cmpi sle, %get3A_2431, %get3A_2436 : vector<16xi32>
      %sub3A_2438 = arith.constant 500 : i32
      %sub3A_2439 = vector.broadcast %sub3A_2438 : i32 to vector<16xi32>
      %sub3A_2440 = arith.subi %get3A_2436, %sub3A_2439 : vector<16xi32>
      %gt3A_2441 = arith.cmpi sgt, %get3A_2431, %sub3A_2440 : vector<16xi32>
      %and3A_2442 = arith.andi %le3A_2437, %gt3A_2441 : vector<16xi1>
      %get3A_2443 = arith.constant 1 : i32
      %get3A_2444 = arith.index_cast %get3A_2443 : i32 to index
      %get3A_2445 = arith.constant 112 : index
      %get3A_2446 = tpu.vector_load %arg16[%get3A_2444, %get3A_2445] {strides = array<i32>} : memref<2x128xi32, #tpu.memory_space<vmem>>, vector<1x16xi32>,
      %get3A_2447 = vector.shape_cast %get3A_2446 : vector<1x16xi32> to vector<16xi32>
      %broadcast_in_dim3A_2448 = arith.constant 240 : i32
      %broadcast_in_dim3A_2449 = vector.broadcast %broadcast_in_dim3A_2448 : i32 to vector<16xi32>
      %add3A_2450 = arith.addi %iota3A, %broadcast_in_dim3A_2449 : vector<16xi32>
      %add3A_2451 = vector.broadcast %arg1 : i32 to vector<16xi32>
      %add3A_2452 = arith.addi %add3A_2450, %add3A_2451 : vector<16xi32>
      %rem3A_2453 = arith.remsi %add3A_2452, %broadcast_in_dim3A_989 : vector<16xi32>
      %add3A_2454 = arith.constant 10000 : i32
      %add3A_2455 = vector.broadcast %add3A_2454 : i32 to vector<16xi32>
      %add3A_2456 = arith.addi %add3A_2455, %rem3A_2453 : vector<16xi32>
      %select_n3A_2457 = arith.select %and3A_2442, %get3A_2447, %add3A_2456 : vector<16xi1>, vector<16xi32>
      %swap3A_2458 = arith.constant 1 : i32
      %swap3A_2459 = arith.index_cast %swap3A_2458 : i32 to index
      %swap3A_2460 = arith.constant 112 : index
      %swap3A_2461 = tpu.vector_load %arg19[%swap3A_2459, %swap3A_2460] {strides = array<i32>} : memref<2x128xi32, #tpu.memory_space<vmem>>, vector<1x16xi32>,
      %swap3A_2462 = vector.shape_cast %swap3A_2461 : vector<1x16xi32> to vector<16xi32>
      %swap3A_2463 = vector.shape_cast %select_n3A_2457 : vector<16xi32> to vector<1x16xi32>
      tpu.vector_store %arg19[%swap3A_2459, %swap3A_2460], %swap3A_2463 {strides = array<i32>} : memref<2x128xi32, #tpu.memory_space<vmem>>, vector<1x16xi32>,
      %run_scoped3A_2464 = arith.constant 0 : i32
      "tpu.region"() ({
        %run_scoped3A_2547 = tpu.sem_alloc : memref<!tpu.dma_semaphore, #tpu.memory_space<semaphore_mem>>
        %dma_start3A_2548 = arith.constant 0 : i32
        %dma_start3A_2549 = tpu.memref_slice %arg19[%run_scoped3A_2464, %dma_start3A_2548] : memref<2x128xi32, #tpu.memory_space<vmem>> -> memref<1x128xi32, #tpu.memory_space<vmem>>
        %dma_start3A_2550 = tpu.memref_squeeze %dma_start3A_2549 : memref<1x128xi32, #tpu.memory_space<vmem>> -> memref<128xi32, #tpu.memory_space<vmem>>
        %dma_start3A_2551 = arith.constant 0 : i32
        %dma_start3A_2552 = tpu.memref_slice %arg10[%dma_start3A_2551] : memref<10240xf32, #tpu.memory_space<vmem_shared>> -> memref<10240xf32, #tpu.memory_space<vmem_shared>>
        tpu.enqueue_indirect_dma source(%arg21 : memref<128xf32, #tpu.memory_space<vmem>>) target(%dma_start3A_2552 : memref<10240xf32, #tpu.memory_space<vmem_shared>>) offsets(%dma_start3A_2550 : memref<128xi32, #tpu.memory_space<vmem>>) semaphore(%run_scoped3A_2547 : memref<!tpu.dma_semaphore, #tpu.memory_space<semaphore_mem>>) {add = true}
        %dma_wait3A_2553 = arith.constant 0 : i32
        %dma_wait3A_2554 = tpu.memref_slice %arg19[%run_scoped3A_2464, %dma_wait3A_2553] : memref<2x128xi32, #tpu.memory_space<vmem>> -> memref<1x128xi32, #tpu.memory_space<vmem>>
        %dma_wait3A_2555 = tpu.memref_squeeze %dma_wait3A_2554 : memref<1x128xi32, #tpu.memory_space<vmem>> -> memref<128xi32, #tpu.memory_space<vmem>>
        %dma_wait3A_2556 = arith.constant 0 : i32
        %dma_wait3A_2557 = tpu.memref_slice %arg10[%dma_wait3A_2556] : memref<10240xf32, #tpu.memory_space<vmem_shared>> -> memref<10240xf32, #tpu.memory_space<vmem_shared>>
        tpu.wait_indirect_dma semaphore(%run_scoped3A_2547 : memref<!tpu.dma_semaphore, #tpu.memory_space<semaphore_mem>>) src(%arg21 : memref<128xf32, #tpu.memory_space<vmem>>) dst(%dma_wait3A_2557 : memref<10240xf32, #tpu.memory_space<vmem_shared>>)
        tpu.yield
      }) : () -> ()
      %run_scoped3A_2465 = arith.constant 1 : i32
      "tpu.region"() ({
        %run_scoped3A_2547 = tpu.sem_alloc : memref<!tpu.dma_semaphore, #tpu.memory_space<semaphore_mem>>
        %dma_start3A_2548 = arith.constant 0 : i32
        %dma_start3A_2549 = tpu.memref_slice %arg19[%run_scoped3A_2465, %dma_start3A_2548] : memref<2x128xi32, #tpu.memory_space<vmem>> -> memref<1x128xi32, #tpu.memory_space<vmem>>
        %dma_start3A_2550 = tpu.memref_squeeze %dma_start3A_2549 : memref<1x128xi32, #tpu.memory_space<vmem>> -> memref<128xi32, #tpu.memory_space<vmem>>
        %dma_start3A_2551 = arith.constant 0 : i32
        %dma_start3A_2552 = tpu.memref_slice %arg10[%dma_start3A_2551] : memref<10240xf32, #tpu.memory_space<vmem_shared>> -> memref<10240xf32, #tpu.memory_space<vmem_shared>>
        tpu.enqueue_indirect_dma source(%arg21 : memref<128xf32, #tpu.memory_space<vmem>>) target(%dma_start3A_2552 : memref<10240xf32, #tpu.memory_space<vmem_shared>>) offsets(%dma_start3A_2550 : memref<128xi32, #tpu.memory_space<vmem>>) semaphore(%run_scoped3A_2547 : memref<!tpu.dma_semaphore, #tpu.memory_space<semaphore_mem>>) {add = true}
        %dma_wait3A_2553 = arith.constant 0 : i32
        %dma_wait3A_2554 = tpu.memref_slice %arg19[%run_scoped3A_2465, %dma_wait3A_2553] : memref<2x128xi32, #tpu.memory_space<vmem>> -> memref<1x128xi32, #tpu.memory_space<vmem>>
        %dma_wait3A_2555 = tpu.memref_squeeze %dma_wait3A_2554 : memref<1x128xi32, #tpu.memory_space<vmem>> -> memref<128xi32, #tpu.memory_space<vmem>>
        %dma_wait3A_2556 = arith.constant 0 : i32
        %dma_wait3A_2557 = tpu.memref_slice %arg10[%dma_wait3A_2556] : memref<10240xf32, #tpu.memory_space<vmem_shared>> -> memref<10240xf32, #tpu.memory_space<vmem_shared>>
        tpu.wait_indirect_dma semaphore(%run_scoped3A_2547 : memref<!tpu.dma_semaphore, #tpu.memory_space<semaphore_mem>>) src(%arg21 : memref<128xf32, #tpu.memory_space<vmem>>) dst(%dma_wait3A_2557 : memref<10240xf32, #tpu.memory_space<vmem_shared>>)
        tpu.yield
      }) : () -> ()
      %add3A_2466 = arith.constant 1 : i32
      %add3A_2467 = arith.addi %add3A_1832, %add3A_2466 : i32
      %mul3A_2468 = arith.constant 32 : i32
      %mul3A_2469 = arith.muli %add3A_2467, %mul3A_2468 : i32
      %add3A_2470 = arith.addi %mul3A_2469, %add3A : i32
      %mul3A_2471 = arith.constant 2 : i32
      %mul3A_2472 = arith.muli %add3A_2470, %mul3A_2471 : i32
      %dma_wait3A_2473 = arith.constant 0 : i32
      %dma_wait3A_2474 = tpu.memref_slice %arg3[%mul3A_2472, %dma_wait3A_2473] : memref<2624x128xi32, #tpu.memory_space<hbm>> -> memref<2x128xi32, #tpu.memory_space<hbm>>
      %dma_wait3A_2475 = arith.constant 0 : i32
      %dma_wait3A_2476 = tpu.memref_slice %arg3[%mul3A_2472, %dma_wait3A_2475] : memref<2624x128xi32, #tpu.memory_space<hbm>> -> memref<2x128xi32, #tpu.memory_space<hbm>>
      tpu.wait_dma2 semaphore(%arg24 : memref<!tpu.dma_semaphore, #tpu.memory_space<semaphore_mem>>) src(%dma_wait3A_2476 : memref<2x128xi32, #tpu.memory_space<hbm>>) dst(%arg11 : memref<2x128xi32, #tpu.memory_space<vmem>>)
      %dma_wait3A_2477 = arith.constant 0 : i32
      %dma_wait3A_2478 = tpu.memref_slice %arg4[%mul3A_2472, %dma_wait3A_2477] : memref<2624x128xi32, #tpu.memory_space<hbm>> -> memref<2x128xi32, #tpu.memory_space<hbm>>
      %dma_wait3A_2479 = arith.constant 0 : i32
      %dma_wait3A_2480 = tpu.memref_slice %arg4[%mul3A_2472, %dma_wait3A_2479] : memref<2624x128xi32, #tpu.memory_space<hbm>> -> memref<2x128xi32, #tpu.memory_space<hbm>>
      tpu.wait_dma2 semaphore(%arg24 : memref<!tpu.dma_semaphore, #tpu.memory_space<semaphore_mem>>) src(%dma_wait3A_2480 : memref<2x128xi32, #tpu.memory_space<hbm>>) dst(%arg12 : memref<2x128xi32, #tpu.memory_space<vmem>>)
      %dma_wait3A_2481 = arith.constant 0 : i32
      %dma_wait3A_2482 = tpu.memref_slice %arg5[%mul3A_2472, %dma_wait3A_2481] : memref<2624x128xi32, #tpu.memory_space<hbm>> -> memref<2x128xi32, #tpu.memory_space<hbm>>
      %dma_wait3A_2483 = arith.constant 0 : i32
      %dma_wait3A_2484 = tpu.memref_slice %arg5[%mul3A_2472, %dma_wait3A_2483] : memref<2624x128xi32, #tpu.memory_space<hbm>> -> memref<2x128xi32, #tpu.memory_space<hbm>>
      tpu.wait_dma2 semaphore(%arg24 : memref<!tpu.dma_semaphore, #tpu.memory_space<semaphore_mem>>) src(%dma_wait3A_2484 : memref<2x128xi32, #tpu.memory_space<hbm>>) dst(%arg13 : memref<2x128xi32, #tpu.memory_space<vmem>>)
      %dma_start3A_2485 = arith.constant 0 : i32
      %dma_start3A_2486 = arith.constant 0 : i32
      %dma_start3A_2487 = arith.constant 0 : i32
      %dma_start3A_2488 = tpu.memref_slice %arg14[%dma_start3A_2486, %dma_start3A_2487] : memref<2x128xi32, #tpu.memory_space<vmem>> -> memref<1x128xi32, #tpu.memory_space<vmem>>
      %dma_start3A_2489 = tpu.memref_squeeze %dma_start3A_2488 : memref<1x128xi32, #tpu.memory_space<vmem>> -> memref<128xi32, #tpu.memory_space<vmem>>
      %dma_start3A_2490 = arith.constant 0 : i32
      %dma_start3A_2491 = tpu.memref_slice %arg12[%dma_start3A_2485, %dma_start3A_2490] : memref<2x128xi32, #tpu.memory_space<vmem>> -> memref<1x128xi32, #tpu.memory_space<vmem>>
      %dma_start3A_2492 = tpu.memref_squeeze %dma_start3A_2491 : memref<1x128xi32, #tpu.memory_space<vmem>> -> memref<128xi32, #tpu.memory_space<vmem>>
      %dma_start3A_2493 = arith.constant 0 : i32
      %dma_start3A_2494 = tpu.memref_slice %arg6[%dma_start3A_2493] : memref<10000xi32, #tpu.memory_space<hbm>> -> memref<10000xi32, #tpu.memory_space<hbm>>
      tpu.enqueue_indirect_dma source(%dma_start3A_2494 : memref<10000xi32, #tpu.memory_space<hbm>>) target(%dma_start3A_2489 : memref<128xi32, #tpu.memory_space<vmem>>) offsets(%dma_start3A_2492 : memref<128xi32, #tpu.memory_space<vmem>>) semaphore(%arg25 : memref<!tpu.dma_semaphore, #tpu.memory_space<semaphore_mem>>)
      %dma_start3A_2495 = arith.constant 1 : i32
      %dma_start3A_2496 = arith.constant 1 : i32
      %dma_start3A_2497 = arith.constant 0 : i32
      %dma_start3A_2498 = tpu.memref_slice %arg14[%dma_start3A_2496, %dma_start3A_2497] : memref<2x128xi32, #tpu.memory_space<vmem>> -> memref<1x128xi32, #tpu.memory_space<vmem>>
      %dma_start3A_2499 = tpu.memref_squeeze %dma_start3A_2498 : memref<1x128xi32, #tpu.memory_space<vmem>> -> memref<128xi32, #tpu.memory_space<vmem>>
      %dma_start3A_2500 = arith.constant 0 : i32
      %dma_start3A_2501 = tpu.memref_slice %arg12[%dma_start3A_2495, %dma_start3A_2500] : memref<2x128xi32, #tpu.memory_space<vmem>> -> memref<1x128xi32, #tpu.memory_space<vmem>>
      %dma_start3A_2502 = tpu.memref_squeeze %dma_start3A_2501 : memref<1x128xi32, #tpu.memory_space<vmem>> -> memref<128xi32, #tpu.memory_space<vmem>>
      %dma_start3A_2503 = arith.constant 0 : i32
      %dma_start3A_2504 = tpu.memref_slice %arg6[%dma_start3A_2503] : memref<10000xi32, #tpu.memory_space<hbm>> -> memref<10000xi32, #tpu.memory_space<hbm>>
      tpu.enqueue_indirect_dma source(%dma_start3A_2504 : memref<10000xi32, #tpu.memory_space<hbm>>) target(%dma_start3A_2499 : memref<128xi32, #tpu.memory_space<vmem>>) offsets(%dma_start3A_2502 : memref<128xi32, #tpu.memory_space<vmem>>) semaphore(%arg25 : memref<!tpu.dma_semaphore, #tpu.memory_space<semaphore_mem>>)
      %dma_wait3A_2505 = arith.constant 0 : i32
      %dma_wait3A_2506 = arith.constant 0 : i32
      %dma_wait3A_2507 = arith.constant 0 : i32
      %dma_wait3A_2508 = tpu.memref_slice %arg20[%dma_wait3A_2506, %dma_wait3A_2507] : memref<256x128xf32, #tpu.memory_space<vmem>> -> memref<128x128xf32, #tpu.memory_space<vmem>>
      %dma_wait3A_2509 = arith.constant 0 : i32
      %dma_wait3A_2510 = tpu.memref_slice %arg15[%dma_wait3A_2505, %dma_wait3A_2509] : memref<2x128xi32, #tpu.memory_space<vmem>> -> memref<1x128xi32, #tpu.memory_space<vmem>>
      %dma_wait3A_2511 = tpu.memref_squeeze %dma_wait3A_2510 : memref<1x128xi32, #tpu.memory_space<vmem>> -> memref<128xi32, #tpu.memory_space<vmem>>
      %dma_wait3A_2512 = arith.constant 0 : i32
      %dma_wait3A_2513 = arith.constant 0 : i32
      %dma_wait3A_2514 = tpu.memref_slice %arg2[%dma_wait3A_2512, %dma_wait3A_2513] : memref<10000x128xf32, #tpu.memory_space<hbm>> -> memref<10000x128xf32, #tpu.memory_space<hbm>>
      tpu.wait_indirect_dma semaphore(%arg28 : memref<!tpu.dma_semaphore, #tpu.memory_space<semaphore_mem>>) src(%dma_wait3A_2514 : memref<10000x128xf32, #tpu.memory_space<hbm>>) dst(%dma_wait3A_2508 : memref<128x128xf32, #tpu.memory_space<vmem>>)
      %run_scoped3A_2515 = arith.constant 0 : i32
      "tpu.region"() ({
        %run_scoped3A_2547 = tpu.sem_alloc : memref<!tpu.dma_semaphore, #tpu.memory_space<semaphore_mem>>
        %dma_start3A_2548 = arith.constant 0 : i32
        %dma_start3A_2549 = arith.constant 0 : i32
        %dma_start3A_2550 = tpu.memref_slice %arg20[%dma_start3A_2548, %dma_start3A_2549] : memref<256x128xf32, #tpu.memory_space<vmem>> -> memref<128x128xf32, #tpu.memory_space<vmem>>
        %dma_start3A_2551 = arith.constant 0 : i32
        %dma_start3A_2552 = tpu.memref_slice %arg19[%run_scoped3A_2515, %dma_start3A_2551] : memref<2x128xi32, #tpu.memory_space<vmem>> -> memref<1x128xi32, #tpu.memory_space<vmem>>
        %dma_start3A_2553 = tpu.memref_squeeze %dma_start3A_2552 : memref<1x128xi32, #tpu.memory_space<vmem>> -> memref<128xi32, #tpu.memory_space<vmem>>
        %dma_start3A_2554 = arith.constant 0 : i32
        %dma_start3A_2555 = arith.constant 0 : i32
        %dma_start3A_2556 = tpu.memref_slice %arg9[%dma_start3A_2554, %dma_start3A_2555] : memref<10240x128xf32, #tpu.memory_space<vmem_shared>> -> memref<10240x128xf32, #tpu.memory_space<vmem_shared>>
        tpu.enqueue_indirect_dma source(%dma_start3A_2550 : memref<128x128xf32, #tpu.memory_space<vmem>>) target(%dma_start3A_2556 : memref<10240x128xf32, #tpu.memory_space<vmem_shared>>) offsets(%dma_start3A_2553 : memref<128xi32, #tpu.memory_space<vmem>>) semaphore(%run_scoped3A_2547 : memref<!tpu.dma_semaphore, #tpu.memory_space<semaphore_mem>>) {add = true}
        %dma_wait3A_2557 = arith.constant 0 : i32
        %dma_wait3A_2558 = arith.constant 0 : i32
        %dma_wait3A_2559 = tpu.memref_slice %arg20[%dma_wait3A_2557, %dma_wait3A_2558] : memref<256x128xf32, #tpu.memory_space<vmem>> -> memref<128x128xf32, #tpu.memory_space<vmem>>
        %dma_wait3A_2560 = arith.constant 0 : i32
        %dma_wait3A_2561 = tpu.memref_slice %arg19[%run_scoped3A_2515, %dma_wait3A_2560] : memref<2x128xi32, #tpu.memory_space<vmem>> -> memref<1x128xi32, #tpu.memory_space<vmem>>
        %dma_wait3A_2562 = tpu.memref_squeeze %dma_wait3A_2561 : memref<1x128xi32, #tpu.memory_space<vmem>> -> memref<128xi32, #tpu.memory_space<vmem>>
        %dma_wait3A_2563 = arith.constant 0 : i32
        %dma_wait3A_2564 = arith.constant 0 : i32
        %dma_wait3A_2565 = tpu.memref_slice %arg9[%dma_wait3A_2563, %dma_wait3A_2564] : memref<10240x128xf32, #tpu.memory_space<vmem_shared>> -> memref<10240x128xf32, #tpu.memory_space<vmem_shared>>
        tpu.wait_indirect_dma semaphore(%run_scoped3A_2547 : memref<!tpu.dma_semaphore, #tpu.memory_space<semaphore_mem>>) src(%dma_wait3A_2559 : memref<128x128xf32, #tpu.memory_space<vmem>>) dst(%dma_wait3A_2565 : memref<10240x128xf32, #tpu.memory_space<vmem_shared>>)
        tpu.yield
      }) : () -> ()
      %dma_start3A_2516 = arith.constant 0 : i32
      %dma_start3A_2517 = arith.constant 0 : i32
      %dma_start3A_2518 = arith.constant 0 : i32
      %dma_start3A_2519 = tpu.memref_slice %arg20[%dma_start3A_2517, %dma_start3A_2518] : memref<256x128xf32, #tpu.memory_space<vmem>> -> memref<128x128xf32, #tpu.memory_space<vmem>>
      %dma_start3A_2520 = arith.constant 0 : i32
      %dma_start3A_2521 = tpu.memref_slice %arg11[%dma_start3A_2516, %dma_start3A_2520] : memref<2x128xi32, #tpu.memory_space<vmem>> -> memref<1x128xi32, #tpu.memory_space<vmem>>
      %dma_start3A_2522 = tpu.memref_squeeze %dma_start3A_2521 : memref<1x128xi32, #tpu.memory_space<vmem>> -> memref<128xi32, #tpu.memory_space<vmem>>
      %dma_start3A_2523 = arith.constant 0 : i32
      %dma_start3A_2524 = arith.constant 0 : i32
      %dma_start3A_2525 = tpu.memref_slice %arg2[%dma_start3A_2523, %dma_start3A_2524] : memref<10000x128xf32, #tpu.memory_space<hbm>> -> memref<10000x128xf32, #tpu.memory_space<hbm>>
      tpu.enqueue_indirect_dma source(%dma_start3A_2525 : memref<10000x128xf32, #tpu.memory_space<hbm>>) target(%dma_start3A_2519 : memref<128x128xf32, #tpu.memory_space<vmem>>) offsets(%dma_start3A_2522 : memref<128xi32, #tpu.memory_space<vmem>>) semaphore(%arg28 : memref<!tpu.dma_semaphore, #tpu.memory_space<semaphore_mem>>)
      %dma_wait3A_2526 = arith.constant 1 : i32
      %dma_wait3A_2527 = arith.constant 128 : i32
      %dma_wait3A_2528 = arith.constant 0 : i32
      %dma_wait3A_2529 = tpu.memref_slice %arg20[%dma_wait3A_2527, %dma_wait3A_2528] : memref<256x128xf32, #tpu.memory_space<vmem>> -> memref<128x128xf32, #tpu.memory_space<vmem>>
      %dma_wait3A_2530 = arith.constant 0 : i32
      %dma_wait3A_2531 = tpu.memref_slice %arg15[%dma_wait3A_2526, %dma_wait3A_2530] : memref<2x128xi32, #tpu.memory_space<vmem>> -> memref<1x128xi32, #tpu.memory_space<vmem>>
      %dma_wait3A_2532 = tpu.memref_squeeze %dma_wait3A_2531 : memref<1x128xi32, #tpu.memory_space<vmem>> -> memref<128xi32, #tpu.memory_space<vmem>>
      %dma_wait3A_2533 = arith.constant 0 : i32
      %dma_wait3A_2534 = arith.constant 0 : i32
      %dma_wait3A_2535 = tpu.memref_slice %arg2[%dma_wait3A_2533, %dma_wait3A_2534] : memref<10000x128xf32, #tpu.memory_space<hbm>> -> memref<10000x128xf32, #tpu.memory_space<hbm>>
      tpu.wait_indirect_dma semaphore(%arg28 : memref<!tpu.dma_semaphore, #tpu.memory_space<semaphore_mem>>) src(%dma_wait3A_2535 : memref<10000x128xf32, #tpu.memory_space<hbm>>) dst(%dma_wait3A_2529 : memref<128x128xf32, #tpu.memory_space<vmem>>)
      %run_scoped3A_2536 = arith.constant 1 : i32
      "tpu.region"() ({
        %run_scoped3A_2547 = tpu.sem_alloc : memref<!tpu.dma_semaphore, #tpu.memory_space<semaphore_mem>>
        %dma_start3A_2548 = arith.constant 128 : i32
        %dma_start3A_2549 = arith.constant 0 : i32
        %dma_start3A_2550 = tpu.memref_slice %arg20[%dma_start3A_2548, %dma_start3A_2549] : memref<256x128xf32, #tpu.memory_space<vmem>> -> memref<128x128xf32, #tpu.memory_space<vmem>>
        %dma_start3A_2551 = arith.constant 0 : i32
        %dma_start3A_2552 = tpu.memref_slice %arg19[%run_scoped3A_2536, %dma_start3A_2551] : memref<2x128xi32, #tpu.memory_space<vmem>> -> memref<1x128xi32, #tpu.memory_space<vmem>>
        %dma_start3A_2553 = tpu.memref_squeeze %dma_start3A_2552 : memref<1x128xi32, #tpu.memory_space<vmem>> -> memref<128xi32, #tpu.memory_space<vmem>>
        %dma_start3A_2554 = arith.constant 0 : i32
        %dma_start3A_2555 = arith.constant 0 : i32
        %dma_start3A_2556 = tpu.memref_slice %arg9[%dma_start3A_2554, %dma_start3A_2555] : memref<10240x128xf32, #tpu.memory_space<vmem_shared>> -> memref<10240x128xf32, #tpu.memory_space<vmem_shared>>
        tpu.enqueue_indirect_dma source(%dma_start3A_2550 : memref<128x128xf32, #tpu.memory_space<vmem>>) target(%dma_start3A_2556 : memref<10240x128xf32, #tpu.memory_space<vmem_shared>>) offsets(%dma_start3A_2553 : memref<128xi32, #tpu.memory_space<vmem>>) semaphore(%run_scoped3A_2547 : memref<!tpu.dma_semaphore, #tpu.memory_space<semaphore_mem>>) {add = true}
        %dma_wait3A_2557 = arith.constant 128 : i32
        %dma_wait3A_2558 = arith.constant 0 : i32
        %dma_wait3A_2559 = tpu.memref_slice %arg20[%dma_wait3A_2557, %dma_wait3A_2558] : memref<256x128xf32, #tpu.memory_space<vmem>> -> memref<128x128xf32, #tpu.memory_space<vmem>>
        %dma_wait3A_2560 = arith.constant 0 : i32
        %dma_wait3A_2561 = tpu.memref_slice %arg19[%run_scoped3A_2536, %dma_wait3A_2560] : memref<2x128xi32, #tpu.memory_space<vmem>> -> memref<1x128xi32, #tpu.memory_space<vmem>>
        %dma_wait3A_2562 = tpu.memref_squeeze %dma_wait3A_2561 : memref<1x128xi32, #tpu.memory_space<vmem>> -> memref<128xi32, #tpu.memory_space<vmem>>
        %dma_wait3A_2563 = arith.constant 0 : i32
        %dma_wait3A_2564 = arith.constant 0 : i32
        %dma_wait3A_2565 = tpu.memref_slice %arg9[%dma_wait3A_2563, %dma_wait3A_2564] : memref<10240x128xf32, #tpu.memory_space<vmem_shared>> -> memref<10240x128xf32, #tpu.memory_space<vmem_shared>>
        tpu.wait_indirect_dma semaphore(%run_scoped3A_2547 : memref<!tpu.dma_semaphore, #tpu.memory_space<semaphore_mem>>) src(%dma_wait3A_2559 : memref<128x128xf32, #tpu.memory_space<vmem>>) dst(%dma_wait3A_2565 : memref<10240x128xf32, #tpu.memory_space<vmem_shared>>)
        tpu.yield
      }) : () -> ()
      %dma_start3A_2537 = arith.constant 1 : i32
      %dma_start3A_2538 = arith.constant 128 : i32
      %dma_start3A_2539 = arith.constant 0 : i32
      %dma_start3A_2540 = tpu.memref_slice %arg20[%dma_start3A_2538, %dma_start3A_2539] : memref<256x128xf32, #tpu.memory_space<vmem>> -> memref<128x128xf32, #tpu.memory_space<vmem>>
      %dma_start3A_2541 = arith.constant 0 : i32
      %dma_start3A_2542 = tpu.memref_slice %arg11[%dma_start3A_2537, %dma_start3A_2541] : memref<2x128xi32, #tpu.memory_space<vmem>> -> memref<1x128xi32, #tpu.memory_space<vmem>>
      %dma_start3A_2543 = tpu.memref_squeeze %dma_start3A_2542 : memref<1x128xi32, #tpu.memory_space<vmem>> -> memref<128xi32, #tpu.memory_space<vmem>>
      %dma_start3A_2544 = arith.constant 0 : i32
      %dma_start3A_2545 = arith.constant 0 : i32
      %dma_start3A_2546 = tpu.memref_slice %arg2[%dma_start3A_2544, %dma_start3A_2545] : memref<10000x128xf32, #tpu.memory_space<hbm>> -> memref<10000x128xf32, #tpu.memory_space<hbm>>
      tpu.enqueue_indirect_dma source(%dma_start3A_2546 : memref<10000x128xf32, #tpu.memory_space<hbm>>) target(%dma_start3A_2540 : memref<128x128xf32, #tpu.memory_space<vmem>>) offsets(%dma_start3A_2543 : memref<128xi32, #tpu.memory_space<vmem>>) semaphore(%arg28 : memref<!tpu.dma_semaphore, #tpu.memory_space<semaphore_mem>>)
    }
    %scan3A_1064 = arith.constant 20 : i32
    %dma_wait3A_1065 = arith.constant 0 : i32
    %dma_wait3A_1066 = arith.constant 0 : i32
    %dma_wait3A_1067 = arith.constant 0 : i32
    %dma_wait3A_1068 = tpu.memref_slice %arg14[%dma_wait3A_1066, %dma_wait3A_1067] : memref<2x128xi32, #tpu.memory_space<vmem>> -> memref<1x128xi32, #tpu.memory_space<vmem>>
    %dma_wait3A_1069 = tpu.memref_squeeze %dma_wait3A_1068 : memref<1x128xi32, #tpu.memory_space<vmem>> -> memref<128xi32, #tpu.memory_space<vmem>>
    %dma_wait3A_1070 = arith.constant 0 : i32
    %dma_wait3A_1071 = tpu.memref_slice %arg12[%dma_wait3A_1065, %dma_wait3A_1070] : memref<2x128xi32, #tpu.memory_space<vmem>> -> memref<1x128xi32, #tpu.memory_space<vmem>>
    %dma_wait3A_1072 = tpu.memref_squeeze %dma_wait3A_1071 : memref<1x128xi32, #tpu.memory_space<vmem>> -> memref<128xi32, #tpu.memory_space<vmem>>
    %dma_wait3A_1073 = arith.constant 0 : i32
    %dma_wait3A_1074 = tpu.memref_slice %arg6[%dma_wait3A_1073] : memref<10000xi32, #tpu.memory_space<hbm>> -> memref<10000xi32, #tpu.memory_space<hbm>>
    tpu.wait_indirect_dma semaphore(%arg25 : memref<!tpu.dma_semaphore, #tpu.memory_space<semaphore_mem>>) src(%dma_wait3A_1074 : memref<10000xi32, #tpu.memory_space<hbm>>) dst(%dma_wait3A_1069 : memref<128xi32, #tpu.memory_space<vmem>>)
    %dma_wait3A_1075 = arith.constant 1 : i32
    %dma_wait3A_1076 = arith.constant 1 : i32
    %dma_wait3A_1077 = arith.constant 0 : i32
    %dma_wait3A_1078 = tpu.memref_slice %arg14[%dma_wait3A_1076, %dma_wait3A_1077] : memref<2x128xi32, #tpu.memory_space<vmem>> -> memref<1x128xi32, #tpu.memory_space<vmem>>
    %dma_wait3A_1079 = tpu.memref_squeeze %dma_wait3A_1078 : memref<1x128xi32, #tpu.memory_space<vmem>> -> memref<128xi32, #tpu.memory_space<vmem>>
    %dma_wait3A_1080 = arith.constant 0 : i32
    %dma_wait3A_1081 = tpu.memref_slice %arg12[%dma_wait3A_1075, %dma_wait3A_1080] : memref<2x128xi32, #tpu.memory_space<vmem>> -> memref<1x128xi32, #tpu.memory_space<vmem>>
    %dma_wait3A_1082 = tpu.memref_squeeze %dma_wait3A_1081 : memref<1x128xi32, #tpu.memory_space<vmem>> -> memref<128xi32, #tpu.memory_space<vmem>>
    %dma_wait3A_1083 = arith.constant 0 : i32
    %dma_wait3A_1084 = tpu.memref_slice %arg6[%dma_wait3A_1083] : memref<10000xi32, #tpu.memory_space<hbm>> -> memref<10000xi32, #tpu.memory_space<hbm>>
    tpu.wait_indirect_dma semaphore(%arg25 : memref<!tpu.dma_semaphore, #tpu.memory_space<semaphore_mem>>) src(%dma_wait3A_1084 : memref<10000xi32, #tpu.memory_space<hbm>>) dst(%dma_wait3A_1079 : memref<128xi32, #tpu.memory_space<vmem>>)
    %dma_wait3A_1085 = arith.constant 0 : i32
    %dma_wait3A_1086 = arith.constant 0 : i32
    %dma_wait3A_1087 = arith.constant 0 : i32
    %dma_wait3A_1088 = tpu.memref_slice %arg20[%dma_wait3A_1086, %dma_wait3A_1087] : memref<256x128xf32, #tpu.memory_space<vmem>> -> memref<128x128xf32, #tpu.memory_space<vmem>>
    %dma_wait3A_1089 = arith.constant 0 : i32
    %dma_wait3A_1090 = tpu.memref_slice %arg11[%dma_wait3A_1085, %dma_wait3A_1089] : memref<2x128xi32, #tpu.memory_space<vmem>> -> memref<1x128xi32, #tpu.memory_space<vmem>>
    %dma_wait3A_1091 = tpu.memref_squeeze %dma_wait3A_1090 : memref<1x128xi32, #tpu.memory_space<vmem>> -> memref<128xi32, #tpu.memory_space<vmem>>
    %dma_wait3A_1092 = arith.constant 0 : i32
    %dma_wait3A_1093 = arith.constant 0 : i32
    %dma_wait3A_1094 = tpu.memref_slice %arg2[%dma_wait3A_1092, %dma_wait3A_1093] : memref<10000x128xf32, #tpu.memory_space<hbm>> -> memref<10000x128xf32, #tpu.memory_space<hbm>>
    tpu.wait_indirect_dma semaphore(%arg28 : memref<!tpu.dma_semaphore, #tpu.memory_space<semaphore_mem>>) src(%dma_wait3A_1094 : memref<10000x128xf32, #tpu.memory_space<hbm>>) dst(%dma_wait3A_1088 : memref<128x128xf32, #tpu.memory_space<vmem>>)
    %dma_wait3A_1095 = arith.constant 1 : i32
    %dma_wait3A_1096 = arith.constant 128 : i32
    %dma_wait3A_1097 = arith.constant 0 : i32
    %dma_wait3A_1098 = tpu.memref_slice %arg20[%dma_wait3A_1096, %dma_wait3A_1097] : memref<256x128xf32, #tpu.memory_space<vmem>> -> memref<128x128xf32, #tpu.memory_space<vmem>>
    %dma_wait3A_1099 = arith.constant 0 : i32
    %dma_wait3A_1100 = tpu.memref_slice %arg11[%dma_wait3A_1095, %dma_wait3A_1099] : memref<2x128xi32, #tpu.memory_space<vmem>> -> memref<1x128xi32, #tpu.memory_space<vmem>>
    %dma_wait3A_1101 = tpu.memref_squeeze %dma_wait3A_1100 : memref<1x128xi32, #tpu.memory_space<vmem>> -> memref<128xi32, #tpu.memory_space<vmem>>
    %dma_wait3A_1102 = arith.constant 0 : i32
    %dma_wait3A_1103 = arith.constant 0 : i32
    %dma_wait3A_1104 = tpu.memref_slice %arg2[%dma_wait3A_1102, %dma_wait3A_1103] : memref<10000x128xf32, #tpu.memory_space<hbm>> -> memref<10000x128xf32, #tpu.memory_space<hbm>>
    tpu.wait_indirect_dma semaphore(%arg28 : memref<!tpu.dma_semaphore, #tpu.memory_space<semaphore_mem>>) src(%dma_wait3A_1104 : memref<10000x128xf32, #tpu.memory_space<hbm>>) dst(%dma_wait3A_1098 : memref<128x128xf32, #tpu.memory_space<vmem>>)
    %barrier3A_1105 = arith.constant 0 : index
    tpu.barrier barrier_id(%barrier3A_1105)
    %mul3A_1106 = arith.constant 640 : i32
    %mul3A_1107 = arith.muli %arg1, %mul3A_1106 : i32
    %mul3A_1108 = arith.constant 10240 : i32
    %mul3A_1109 = arith.muli %arg0, %mul3A_1108 : i32
    %mul3A_1110 = arith.constant 640 : i32
    %mul3A_1111 = arith.muli %arg1, %mul3A_1110 : i32
    %add3A_1112 = arith.addi %mul3A_1109, %mul3A_1111 : i32
    "tpu.region"() ({
      %run_scoped3A = tpu.sem_alloc : memref<!tpu.dma_semaphore, #tpu.memory_space<semaphore_mem>>
      %dma_start3A_1120 = arith.constant 0 : i32
      %dma_start3A_1121 = tpu.memref_slice %arg7[%add3A_1112, %dma_start3A_1120] : memref<20480x128xf32, #tpu.memory_space<hbm>> -> memref<640x128xf32, #tpu.memory_space<hbm>>
      %dma_start3A_1122 = arith.constant 0 : i32
      %dma_start3A_1123 = tpu.memref_slice %arg9[%mul3A_1107, %dma_start3A_1122] : memref<10240x128xf32, #tpu.memory_space<vmem_shared>> -> memref<640x128xf32, #tpu.memory_space<vmem_shared>>
      tpu.enqueue_dma source(%dma_start3A_1123 : memref<640x128xf32, #tpu.memory_space<vmem_shared>>) target(%dma_start3A_1121 : memref<640x128xf32, #tpu.memory_space<hbm>>) target_semaphore(%run_scoped3A : memref<!tpu.dma_semaphore, #tpu.memory_space<semaphore_mem>>)
      %dma_wait3A_1124 = arith.constant 0 : i32
      %dma_wait3A_1125 = tpu.memref_slice %arg7[%add3A_1112, %dma_wait3A_1124] : memref<20480x128xf32, #tpu.memory_space<hbm>> -> memref<640x128xf32, #tpu.memory_space<hbm>>
      %dma_wait3A_1126 = arith.constant 0 : i32
      %dma_wait3A_1127 = tpu.memref_slice %arg9[%mul3A_1107, %dma_wait3A_1126] : memref<10240x128xf32, #tpu.memory_space<vmem_shared>> -> memref<640x128xf32, #tpu.memory_space<vmem_shared>>
      tpu.wait_dma2 semaphore(%run_scoped3A : memref<!tpu.dma_semaphore, #tpu.memory_space<semaphore_mem>>) src(%dma_wait3A_1127 : memref<640x128xf32, #tpu.memory_space<vmem_shared>>) dst(%dma_wait3A_1125 : memref<640x128xf32, #tpu.memory_space<hbm>>)
      tpu.yield
    }) : () -> ()
    %mul3A_1113 = arith.constant 640 : i32
    %mul3A_1114 = arith.muli %arg1, %mul3A_1113 : i32
    %mul3A_1115 = arith.constant 10240 : i32
    %mul3A_1116 = arith.muli %arg0, %mul3A_1115 : i32
    %mul3A_1117 = arith.constant 640 : i32
    %mul3A_1118 = arith.muli %arg1, %mul3A_1117 : i32
    %add3A_1119 = arith.addi %mul3A_1116, %mul3A_1118 : i32
    "tpu.region"() ({
      %run_scoped3A = tpu.sem_alloc : memref<!tpu.dma_semaphore, #tpu.memory_space<semaphore_mem>>
      %dma_start3A_1120 = tpu.memref_slice %arg8[%add3A_1119] : memref<20480xf32, #tpu.memory_space<hbm>> -> memref<640xf32, #tpu.memory_space<hbm>>
      %dma_start3A_1121 = tpu.memref_slice %arg10[%mul3A_1114] : memref<10240xf32, #tpu.memory_space<vmem_shared>> -> memref<640xf32, #tpu.memory_space<vmem_shared>>
      tpu.enqueue_dma source(%dma_start3A_1121 : memref<640xf32, #tpu.memory_space<vmem_shared>>) target(%dma_start3A_1120 : memref<640xf32, #tpu.memory_space<hbm>>) target_semaphore(%run_scoped3A : memref<!tpu.dma_semaphore, #tpu.memory_space<semaphore_mem>>)
      %dma_wait3A_1122 = tpu.memref_slice %arg8[%add3A_1119] : memref<20480xf32, #tpu.memory_space<hbm>> -> memref<640xf32, #tpu.memory_space<hbm>>
      %dma_wait3A_1123 = tpu.memref_slice %arg10[%mul3A_1114] : memref<10240xf32, #tpu.memory_space<vmem_shared>> -> memref<640xf32, #tpu.memory_space<vmem_shared>>
      tpu.wait_dma2 semaphore(%run_scoped3A : memref<!tpu.dma_semaphore, #tpu.memory_space<semaphore_mem>>) src(%dma_wait3A_1123 : memref<640xf32, #tpu.memory_space<vmem_shared>>) dst(%dma_wait3A_1122 : memref<640xf32, #tpu.memory_space<hbm>>)
      tpu.yield
    }) : () -> ()
    return
  }
}

module attributes {stable_mosaic.version = 14 : i64} {
  func.func @_combine_body(%arg0: i32, %arg1: memref<1000x128xf32, #tpu.memory_space<vmem>>, %arg2: memref<1000x128xf32, #tpu.memory_space<vmem>>, %arg3: memref<1000x128xf32, #tpu.memory_space<vmem>>, %arg4: memref<1x1x1000xf32, #tpu.memory_space<vmem>>, %arg5: memref<1x1x1000xf32, #tpu.memory_space<vmem>>, %arg6: memref<1000x128xf32, #tpu.memory_space<vmem>>) attributes {dimension_semantics = [#tpu.dimension_semantics<arbitrary>], iteration_bounds = array<i64: 10>, scalar_prefetch = 0 : i64, scratch_operands = 0 : i64, tpu.core_type = #tpu.core_type<tc>, window_params = [{transform_indices = @transform_0, window_bounds = array<i64: 1000, 128>}, {transform_indices = @transform_1, window_bounds = array<i64: 1000, 128>}, {transform_indices = @transform_2, window_bounds = array<i64: 1000, 128>}, {transform_indices = @transform_3, window_bounds = array<i64: 1, 1, 1000>}, {transform_indices = @transform_4, window_bounds = array<i64: 1, 1, 1000>}, {transform_indices = @transform_5, window_bounds = array<i64: 1000, 128>}]} {
    %get3A = arith.constant 0 : index
    %get3A_0 = arith.constant 0 : index
    %get3A_1 = arith.constant 0 : index
    %get3A_2 = vector.load %arg4[%get3A, %get3A_0, %get3A_1] : memref<1x1x1000xf32, #tpu.memory_space<vmem>>, vector<1x1x1000xf32>
    %get3A_3 = vector.shape_cast %get3A_2 : vector<1x1x1000xf32> to vector<1000xf32>
    %get3A_4 = arith.constant 0 : index
    %get3A_5 = arith.constant 0 : index
    %get3A_6 = arith.constant 0 : index
    %get3A_7 = vector.load %arg5[%get3A_4, %get3A_5, %get3A_6] : memref<1x1x1000xf32, #tpu.memory_space<vmem>>, vector<1x1x1000xf32>
    %get3A_8 = vector.shape_cast %get3A_7 : vector<1x1x1000xf32> to vector<1000xf32>
    %add3A = arith.addf %get3A_3, %get3A_8 : vector<1000xf32>
    %get3A_9 = arith.constant 0 : index
    %get3A_10 = arith.constant 0 : index
    %get3A_11 = vector.load %arg2[%get3A_9, %get3A_10] : memref<1000x128xf32, #tpu.memory_space<vmem>>, vector<1000x128xf32>
    %get3A_12 = arith.constant 0 : index
    %get3A_13 = arith.constant 0 : index
    %get3A_14 = vector.load %arg3[%get3A_12, %get3A_13] : memref<1000x128xf32, #tpu.memory_space<vmem>>, vector<1000x128xf32>
    %add3A_15 = arith.addf %get3A_11, %get3A_14 : vector<1000x128xf32>
    %get3A_16 = arith.constant 0 : index
    %get3A_17 = arith.constant 0 : index
    %get3A_18 = vector.load %arg1[%get3A_16, %get3A_17] : memref<1000x128xf32, #tpu.memory_space<vmem>>, vector<1000x128xf32>
    %jit3A = arith.constant 1.000000e+00 : f32
    %max3A = vector.broadcast %jit3A : f32 to vector<1000xf32>
    %max3A_19 = arith.maximumf %max3A, %add3A : vector<1000xf32>
    %broadcast_in_dim3A = vector.shape_cast %max3A_19 : vector<1000xf32> to vector<1000x1xf32>
    %div3A = vector.broadcast %broadcast_in_dim3A : vector<1000x1xf32> to vector<1000x128xf32>
    %div3A_20 = arith.divf %add3A_15, %div3A : vector<1000x128xf32>
    %add3A_21 = arith.addf %get3A_18, %div3A_20 : vector<1000x128xf32>
    %swap3A = arith.constant 0 : index
    %swap3A_22 = arith.constant 0 : index
    %swap3A_23 = vector.load %arg6[%swap3A, %swap3A_22] : memref<1000x128xf32, #tpu.memory_space<vmem>>, vector<1000x128xf32>
    tpu.vector_store %arg6[%swap3A, %swap3A_22], %add3A_21 {strides = array<i32>} : memref<1000x128xf32, #tpu.memory_space<vmem>>, vector<1000x128xf32>,
    return
  }
  func.func @transform_0(%arg0: i32) -> (i32, i32) {
    %c0_i32 = arith.constant 0 : i32
    %c0_i32_0 = arith.constant 0 : i32
    return %arg0, %c0_i32 : i32, i32
  }
  func.func @transform_1(%arg0: i32) -> (i32, i32) {
    %c0_i32 = arith.constant 0 : i32
    %c0_i32_0 = arith.constant 0 : i32
    return %arg0, %c0_i32 : i32, i32
  }
  func.func @transform_2(%arg0: i32) -> (i32, i32) {
    %c0_i32 = arith.constant 0 : i32
    %c0_i32_0 = arith.constant 0 : i32
    return %arg0, %c0_i32 : i32, i32
  }
  func.func @transform_3(%arg0: i32) -> (i32, i32, i32) {
    %c0_i32 = arith.constant 0 : i32
    %c0_i32_0 = arith.constant 0 : i32
    %c0_i32_1 = arith.constant 0 : i32
    return %arg0, %c0_i32, %c0_i32_0 : i32, i32, i32
  }
  func.func @transform_4(%arg0: i32) -> (i32, i32, i32) {
    %c0_i32 = arith.constant 0 : i32
    %c0_i32_0 = arith.constant 0 : i32
    %c0_i32_1 = arith.constant 0 : i32
    return %arg0, %c0_i32, %c0_i32_0 : i32, i32, i32
  }
  func.func @transform_5(%arg0: i32) -> (i32, i32) {
    %c0_i32 = arith.constant 0 : i32
    %c0_i32_0 = arith.constant 0 : i32
    return %arg0, %c0_i32 : i32, i32
  }
}

</mosaic_0001>

<sc_bundles>
// kernel: kernel.4.cloned.1.call-start
scs
__scs_entry_jumppad:
0x0: {  	(pc) =	sbr.rel $0x88, $3  }
0x1: {  	(tag) =	ssettag $0x0;
	lr =	simm.s32 $0x1  }
0x2: {  	[smem:$0x3F9D] =	sst lr;
	_ =	strace $0xD0000000  }
0x3: {  	_ = 	snop  }
0x4: {  	_ = 	snop  }
0x5: {  	_ = 	snop  }
0x6: {  	_ = 	snop  }
0x7: {  	_ = 	snop  }
__scs_overlays_trampoline_lowered:
0x8: {  	[smem:$0x3FAC] =	sst s0  }
0x9: {  	[smem:$0x3FAD] =	sst s1  }
0xa: {  	[smem:$0x3FAE] =	sst s2  }
0xb: {  	[smem:$0x3FAF] =	sst s3  }
0xc: {  	[smem:$0x3FB0] =	sst s4  }
0xd: {  	[smem:$0x3FB1] =	sst s5  }
0xe: {  	[smem:$0x3FB2] =	sst s6  }
0xf: {  	[smem:$0x3FB3] =	sst s7  }
0x10: {  	[smem:$0x3FB4] =	sst s8  }
0x11: {  	[smem:$0x3FB5] =	sst s9;
	s0 =	simm.s32 @!p0 $0x0  }
0x12: {  	s1 =	sld [smem:$0x3F9B];
	s0 =	simm.s32 @p0 $0x1  }
0x13: {  	[smem:$0x3FB6] =	sst s0;
	s0 =	simm.s32 @!p1 $0x0  }
0x14: {  	s2 =	sld [smem:$0x3F9A];
	s0 =	simm.s32 @p1 $0x1  }
0x15: {  	[smem:$0x3FB7] =	sst s0;
	s0 =	simm.s32 @!p2 $0x0  }
0x16: {  	s3 =	sld [smem:$0x3FDB];
	s0 =	simm.s32 @p2 $0x1  }
0x17: {  	s4 =	simm.s32 $0x1BF5;
	[smem:$0x3FB9] =	sst s0  }
0x18: {  	s0 =	sld [smem:$0x3F9C];
	_ =	swait.ge [sflag:s4], $0x0  }
0x19: {  	s7 =	sld [smem:$0x3F9D]  }
0x1a: {  	s8 =	sadd.s32 $0xFFFFE003, lr  }
0x1b: {  	s9 =	sadd.s32 $0xFFFFFEF7, lr;
	s5 =	simm.s32 $0xFFFFFFFF;
	p2 =	slt.u32 s8, $0xFFFFF086  }
0x1c: {  	p1 =	slt.u32 s9, $0xF7A;
	s5 =	simm.s32 @!p2 $0x0  }
0x1d: {  	s5 =	simm.s32 @p1 $0x1;
	p0 =	seq.s32 s7, s2  }
0x1e: {  	s7 =	smul.u32 @!p0 $0xF7A, s2;
	p2 =	seq.s32 @!p0 s5, $0x0  }
0x1f: {  	s9 =	smul.u32 $0xF7A, s1;
	s8 =	simm.s32 @!p0 $0x1BF5;
	p2 =	por !p2, p0  }
0x20: {  	[sflag:s8] =	ssyncset.s32 @!p0 $0xFFFFF086;
	s6 =	sadd.s32 @!p0 s3, s7;
	s7 =	simm.s32 @!p0 $0x108  }
0x21: {  	s3 =	sadd.s32 s3, s9;
	s6 =	sadd.s32 @!p0 $0x88, s6;
	s7 =	simm.s32 @p2 $0x1082  }
0x22: {  	[simem:s7], [sflag:s8] =	dma.local @!p0 [hbm:s6], $0xF7A  }
0x23: {  	s9 =	sor.u32 $0xD0000000, s2;
	s6 =	simm.s32 $0x108;
	_ =	swait.ge @!p0 [sflag:s8], $0x0  }
0x24: {  	s3 =	sadd.s32 $0x88, s3;
	s6 =	simm.s32 @!p1 $0x1082;
	[sflag:s4] =	ssyncset.s32 $0xFFFFF086  }
0x25: {  	[simem:s6], [sflag:s4] =	dma.local [hbm:s3], $0xF7A  }
0x26: {  	[smem:$0x3F9D] =	sst s1;
	(tag) =	ssettag s2;
	_ =	strace s9  }
0x27: {  	s1 =	sld [smem:$0x3FAD]  }
0x28: {  	s2 =	sld [smem:$0x3FAE]  }
0x29: {  	s4 =	sld [smem:$0x3FB0]  }
0x2a: {  	p0 =	seq.s32 s5, $0x0;
	s5 =	sld [smem:$0x3FB1]  }
0x2b: {  	s6 =	sld [smem:$0x3FB2]  }
0x2c: {  	s7 =	sld [smem:$0x3FB3]  }
0x2d: {  	s3 =	simm.s32 $0x108;
	s8 =	sld [smem:$0x3FB4]  }
0x2e: {  	s3 =	simm.s32 @!p0 $0x1082;
	s9 =	sld [smem:$0x3FB5]  }
0x2f: {  	lr =	sadd.s32 s0, s3;
	s0 =	sld [smem:$0x3FAC]  }
0x30: {  	s3 =	sld [smem:$0x3FAF]  }
0x31: {  	[smem:$0x3FB8] =	sst s10  }
0x32: {  	s10 =	sld [smem:$0x3FB6];
	_ =	sdelay $0x3  }
0x33: {  	p0 =	seq.s32 s10, $0x1;
	s10 =	sld [smem:$0x3FB8];
	_ =	sdelay $0x3  }
0x34: {  	[smem:$0x3FB8] =	sst s10  }
0x35: {  	s10 =	sld [smem:$0x3FB7];
	_ =	sdelay $0x3  }
0x36: {  	p1 =	seq.s32 s10, $0x1;
	s10 =	sld [smem:$0x3FB8];
	_ =	sdelay $0x3  }
0x37: {  	[smem:$0x3FB8] =	sst s10  }
0x38: {  	s10 =	sld [smem:$0x3FB9]  }
0x39: {  	_ = 	snop;
	(pc) =	sbr.ind lr, $3  }
0x3a: {  	_ = 	snop  }
0x3b: {  	_ = 	snop  }
0x3c: {  	p2 =	seq.s32 s10, $0x1;
	s10 =	sld [smem:$0x3FB8]  }
0x3d: {  	_ =	shalt  }
0x3e: {  	_ =	shalt  }
0x3f: {  	_ =	shalt  }
0x40: {  	_ =	shalt  }
0x41: {  	_ =	shalt  }
0x42: {  	_ =	shalt  }
0x43: {  	_ =	shalt  }
0x44: {  	_ =	shalt  }
0x45: {  	_ =	shalt  }
0x46: {  	_ =	shalt  }
0x47: {  	_ =	shalt  }
0x48: {  	_ =	shalt  }
0x49: {  	_ =	shalt  }
0x4a: {  	_ =	shalt  }
0x4b: {  	_ =	shalt  }
0x4c: {  	_ =	shalt  }
0x4d: {  	_ =	shalt  }
0x4e: {  	_ =	shalt  }
0x4f: {  	_ =	shalt  }
0x50: {  	_ =	shalt  }
0x51: {  	_ =	shalt  }
0x52: {  	_ =	shalt  }
0x53: {  	_ =	shalt  }
0x54: {  	_ =	shalt  }
0x55: {  	_ =	shalt  }
0x56: {  	_ =	shalt  }
0x57: {  	_ =	shalt  }
0x58: {  	_ =	shalt  }
0x59: {  	_ =	shalt  }
0x5a: {  	_ =	shalt  }
0x5b: {  	_ =	shalt  }
0x5c: {  	_ =	shalt  }
0x5d: {  	_ =	shalt  }
0x5e: {  	_ =	shalt  }
0x5f: {  	_ =	shalt  }
0x60: {  	_ =	shalt  }
0x61: {  	_ =	shalt  }
0x62: {  	_ =	shalt  }
0x63: {  	_ =	shalt  }
0x64: {  	_ =	shalt  }
0x65: {  	_ =	shalt  }
0x66: {  	_ =	shalt  }
0x67: {  	_ =	shalt  }
0x68: {  	_ =	shalt  }
0x69: {  	_ =	shalt  }
0x6a: {  	_ =	shalt  }
0x6b: {  	_ =	shalt  }
0x6c: {  	_ =	shalt  }
0x6d: {  	_ =	shalt  }
0x6e: {  	_ =	shalt  }
0x6f: {  	_ =	shalt  }
0x70: {  	_ =	shalt  }
0x71: {  	_ =	shalt  }
0x72: {  	_ =	shalt  }
0x73: {  	_ =	shalt  }
0x74: {  	_ =	shalt  }
0x75: {  	_ =	shalt  }
0x76: {  	_ =	shalt  }
0x77: {  	_ =	shalt  }
0x78: {  	_ =	shalt  }
0x79: {  	_ =	shalt  }
0x7a: {  	_ =	shalt  }
0x7b: {  	_ =	shalt  }
0x7c: {  	_ =	shalt  }
0x7d: {  	_ =	shalt  }
0x7e: {  	_ =	shalt  }
0x7f: {  	_ =	shalt  }
0x80: {  	_ =	shalt  }
0x81: {  	_ =	shalt  }
0x82: {  	_ =	shalt  }
0x83: {  	_ =	shalt  }
0x84: {  	_ =	shalt  }
0x85: {  	_ =	shalt  }
0x86: {  	_ =	shalt  }
0x87: {  	_ =	shalt  }
.Lfunc_end0:
.L_simem_size_0:
called_computation_lowered:
.L_overlay_start_0:
0x88: {  	s2 =	sld [smem:$0x3FD9]  }
0x89: {  	s3 =	sld [smem:$0x3FFE];
	_ =	sdelay $0x1  }
0x8a: {  	s1 =	srdreg.scid  }
0x8b: {  	s0 =	sand.u32 $0x1, s1  }
0x8c: {  	s17 =	sshll.u32 s0, $0xA;
	s2 =	sadd.s32 s3, s2  }
0x8d: {  	s2 =	sadd.s32 s2, s17  }
0x8e: {  	[smem:$0x3FC4] =	sst s2  }
0x8f: {  	_ = 	snop  }
0x90: {  	s2 =	sld [smem:$0x3FC9]  }
0x91: {  	s18 =	sld [smem:$0x3FC6]  }
0x92: {  	s4 =	sld [smem:$0x3FD0];
	(tm) =	ssettm $0x1  }
0x93: {  	s5 =	sld [smem:$0x3FFB];
	_ =	sdelay $0x3  }
0x94: {  	_ =	strace s5  }
0x95: {  	s5 =	sld [smem:$0x3FFC];
	_ =	sdelay $0x3  }
0x96: {  	_ =	strace s5  }
0x97: {  	s5 =	sld [smem:$0x3FFD];
	_ =	sdelay $0x3  }
0x98: {  	_ =	strace s5  }
0x99: {  	_ =	strace $0x8FFFFFFF  }
0x9a: {  	s19 =	sld [smem:$0x3FDB];
	_ =	sdelay $0x1  }
0x9b: {  	s6 =	simm.s32 $_scs_section_size  }
0x9c: {  	s7 =	simm.s32 $_size__tile_overlayer_lowered;
	s8 =	simm.s32 $_tile_overlayer_lowered  }
0x9d: {  	s22 =	simm.s32 $0x1BFF;
	s21 =	sshll.u32 s8, $0x1;
	s5 =	sadd.s32 s6, s19  }
0x9e: {  	s9 =	simm.s32 $0x0;
	s20 =	sshll.u32 s7, $0x1;
	s7 =	sadd.s32 s21, s5  }
0x9f: {  	[timem:s9], [sflag:s22] =	dma.local [hbm:s7], s20  }
0xa0: {  	_ =	swait.ge [sflag:s22], s20  }
0xa1: {  	s6 =	ssub.s32 $0x0, s20;
	[sflag:s22] =	ssyncset.done $0x0  }
0xa2: {  	[sflag:s22] =	ssyncadd.s32 s6;
	_ =	sdelay $0x1  }
0xa3: {  	s23 =	simm.s32 $0x1B8B  }
0xa4: {  	_ =	swait.ge [sflag:s23], $0x1  }
0xa5: {  	[sflag:s23] =	ssyncset.done $0x0  }
0xa6: {  	s25 =	simm.s32 $0x1B8E;
	s24 =	sld [smem:$0x3FFE];
	[sflag:s23] =	ssyncadd.s32 $0xFFFFFFFF  }
0xa7: {  	s26 =	simm.s32 $execute0_lowered;
	[smem:$0x3FD2] =	sst s25  }
0xa8: {  	s7 =	sshll.u32 s26, $0x1;
	_ =	strace $0x80000046;
	[dreg:$0x1] =	wrdreg $0xFFFFFFFF  }
0xa9: {  	s28 =	simm.s32 $_size_execute0_lowered;
	s5 =	sadd.s32 s5, s7;
	[dreg:$0x0] =	wrdreg $0x0  }
0xaa: {  	s7 =	sshll.u32 s28, $0x1;
	[dreg:$0x2] =	wrdreg s5  }
0xab: {  	[dreg:$0x3] =	wrdreg s7  }
0xac: {  	[dreg:$0x4] =	wrdreg $0xC0  }
0xad: {  	_ =	task [dreg:s9], $0x5FFFF  }
0xae: {  	[dreg:$0x1] =	wrdreg $0xFFFFFFFF  }
0xaf: {  	[dreg:$0x0] =	wrdreg $0x60  }
0xb0: {  	[dreg:$0x2] =	wrdreg s2  }
0xb1: {  	[dreg:$0x3] =	wrdreg s24  }
0xb2: {  	[dreg:$0x4] =	wrdreg s4  }
0xb3: {  	[dreg:$0x5] =	wrdreg s18  }
0xb4: {  	[dreg:$0x6] =	wrdreg $0x0  }
0xb5: {  	[dreg:$0x7] =	wrdreg $0x140000  }
0xb6: {  	[dreg:$0x8] =	wrdreg $0x9  }
0xb7: {  	_ =	task.clear_ibuf [dreg:s9], $0x9FFFF;
	_ =	strace $0x90000046  }
0xb8: {  	s29 =	simm.s32 $0x9;
	_ =	strace $0x80000048  }
0xb9: {  	_ =	swait.ge [sflag:s29], $0x1  }
0xba: {  	[sflag:s29] =	ssyncadd.s32 $0xFFFFFFFF  }
0xbb: {  	_ =	strace $0x90000048  }
0xbc: {  	_ =	sfence  }
0xbd: {  	s30 =	sld [smem:$0x0];
	_ =	sdelay $0x2  }
0xbe: {  	s31 =	sshll.u32 s1, $0xD;
	s1 =	sshrl.u32 s1, $0x2  }
0xbf: {  	s3 =	sand.u32 $0x4000, s31;
	s1 =	sadd.s32 s1, s30  }
0xc0: {  	s0 =	sor.u32 s3, s0;
	s1 =	sshll.u32 s1, $0x11  }
0xc1: {  	s0 =	sor.u32 s1, s0  }
0xc2: {  	s0 =	sadd.s32 $0x8F2B, s0  }
0xc3: {  	[sflag:s0] =	ssyncadd.remote.s32 $0x1  }
0xc4: {  	_ =	sfence.sel $0xFFFF  }
0xc5: {  	[dreg:$0x0] =	wrdreg $0xFFFFFFFF;
	(pc) =	sbr.abs _section_cstart, $3  }
0xc6: {  	[dreg:$0x1] =	wrdreg $0xFFFFFFFF  }
0xc7: {  	_ =	task.clear_ibuf [dreg:s9], $0x2FFFF;
	_ =	strace $0x9FFFFFFF  }
0xc8: {  	(tm) =	ssettm $0x7FFFFFFF  }
0xc9: {  	_ =	shalt  }
tec
execute0_lowered:
.L_overlay_start_1:
0x0: {  	(tag) =	ssettag $0x1  }
0x1: {  	s1 =	rddreg [dreg:$0x0]  }
0x2: {  	s0 =	rddreg [dreg:$0x1]  }
0x3: {  	s3 =	rddreg [dreg:$0x2]  }
0x4: {  	s2 =	rddreg [dreg:$0x3]  }
0x5: {  	s4 =	rddreg [dreg:$0x4]  }
0x6: {  	s5 =	rddreg [dreg:$0x5];
	s7 =	srdreg.scid  }
0x7: {  	s22 =	stileid.u32;
	s6 =	simm.s32 $0x0;
	s8 =	sand.u32 $0x1, s7  }
0x8: {  	s9 =	smul.u32 $0x280, s22;
	[smem:$0x7FF] =	sst s6;
	s10 =	sadd.s32 $0x1200, s0  }
0x9: {  	s11 =	sadd.s32 $0xB600, s0;
	s14 =	smul.u32 $0x50000, s22;
	s21 =	sshll.u32 s22, $0x6  }
0xa: {  	s7 =	smul.u32 $0x2800, s8;
	_ =	strace $0x80000047;
	s13 =	ssub.s32 $0x2, s8  }
0xb: {  	s8 =	sshll.u32 s8, $0x5;
	[dreg:$0x13] =	wrdreg s21;
	s23 =	sor.u32 $0x800, s21  }
0xc: {  	s20 =	sshrl.u32 s14, $0x2;
	s31 =	sadd.s32 s9, s5;
	s8 =	sor.u32 s8, s21  }
0xd: {  	s14 =	sand.u32 $0xB80, s23;
	s26 =	sadd.s32 s11, s8;
	[dreg:$0x14] =	wrdreg s31  }
0xe: {  	s7 =	sadd.s32 s9, s7;
	s25 =	sadd.s32 s3, s8;
	[dreg:$0x17] =	wrdreg s26  }
0xf: {  	s24 =	sadd.s32 s10, s8;
	s10 =	sadd.s32 s14, s10;
	[dreg:$0x16] =	wrdreg s25  }
0x10: {  	s3 =	sadd.s32 s14, s3;
	s9 =	simm.s32 $0x14800;
	[dreg:$0x15] =	wrdreg s24  }
0x11: {  	s14 =	sadd.s32 s14, s11;
	s11 =	simm.s32 $0x14A00;
	[dreg:$0xf] =	wrdreg s9  }
0x12: {  	s30 =	sadd.s32 s20, s4;
	s8 =	sand.u32 $0x60, s8;
	[dreg:$0x10] =	wrdreg s11  }
0x13: {  	s15 =	sshrl.u32 s13, $0x1;
	s10 =	sadd.s32 s8, s10;
	[dreg:$0x12] =	wrdreg s30  }
0x14: {  	s13 =	ssub.s32 s13, s15;
	s3 =	sadd.s32 s8, s3;
	[dreg:$0x7] =	wrdreg s10  }
0x15: {  	s17 =	smax.u32 s13, $0x1;
	[dreg:$0x8] =	wrdreg s3  }
0x16: {  	s16 =	sadd.s32 s8, s14;
	[dreg:$0x1a] =	wrdreg s17  }
0x17: {  	s19 =	sadd.s32 $0x800, s30;
	[dreg:$0x9] =	wrdreg s16  }
0x18: {  	s18 =	sadd.s32 $0x400, s26;
	[dreg:$0x1b] =	wrdreg s19  }
0x19: {  	s21 =	sadd.s32 $0x1000, s30;
	[dreg:$0xa] =	wrdreg s18  }
0x1a: {  	s20 =	sadd.s32 $0x400, s25;
	[dreg:$0x1c] =	wrdreg s21  }
0x1b: {  	s23 =	sadd.s32 $0x400, s24;
	s24 =	sadd.s32 $0x1800, s30;
	[dreg:$0xb] =	wrdreg s20  }
0x1c: {  	[dreg:$0x1d] =	wrdreg s24  }
0x1d: {  	s26 =	sadd.s32 $0x2000, s30;
	[dreg:$0xc] =	wrdreg s23  }
0x1e: {  	s25 =	simm.s32 $0x14880;
	[dreg:$0x1e] =	wrdreg s26  }
0x1f: {  	s8 =	sadd.s32 $0x2800, s30;
	[dreg:$0xd] =	wrdreg s25  }
0x20: {  	s14 =	sadd.s32 $0x4000, s30;
	[dreg:$0x1f] =	wrdreg s8  }
0x21: {  	s15 =	sadd.s32 $0x4800, s30;
	[smem:$0x7DE] =	sst s14  }
0x22: {  	s12 =	sshll.u32 s7, $0x4;
	s13 =	simm.s32 $0x14700;
	[smem:$0x7DF] =	sst s15  }
0x23: {  	s7 =	sshrl.u32 s7, $0x3;
	s9 =	sadd.s32 $0xB800, s30;
	[dreg:$0x11] =	wrdreg s13  }
0x24: {  	s11 =	sadd.s32 $0xC800, s30;
	s12 =	sadd.s32 s12, s0;
	[smem:$0x7ED] =	sst s9  }
0x25: {  	s0 =	sadd.s32 s7, s0;
	s7 =	simm.s32 $0x14980;
	[smem:$0x7EF] =	sst s11  }
0x26: {  	s10 =	sadd.s32 $0x3000, s30;
	[dreg:$0xe] =	wrdreg s7  }
0x27: {  	s16 =	sadd.s32 $0x5000, s30;
	[smem:$0x7DC] =	sst s10  }
0x28: {  	s17 =	sadd.s32 $0x5800, s30;
	[smem:$0x7E0] =	sst s16  }
0x29: {  	s18 =	sadd.s32 $0x6000, s30;
	[smem:$0x7E1] =	sst s17  }
0x2a: {  	s19 =	sadd.s32 $0x6800, s30;
	[smem:$0x7E2] =	sst s18  }
0x2b: {  	s20 =	sadd.s32 $0x7000, s30;
	[smem:$0x7E3] =	sst s19  }
0x2c: {  	s21 =	sadd.s32 $0x7800, s30;
	[smem:$0x7E4] =	sst s20  }
0x2d: {  	s23 =	sadd.s32 $0x8000, s30;
	[smem:$0x7E5] =	sst s21  }
0x2e: {  	s24 =	sadd.s32 $0x8800, s30;
	[smem:$0x7E6] =	sst s23  }
0x2f: {  	s25 =	sadd.s32 $0x9000, s30;
	[smem:$0x7E7] =	sst s24  }
0x30: {  	s26 =	sadd.s32 $0x9800, s30;
	[smem:$0x7E8] =	sst s25  }
0x31: {  	s3 =	sadd.s32 $0xA000, s30;
	[smem:$0x7E9] =	sst s26  }
0x32: {  	s8 =	sadd.s32 $0xB000, s30;
	[smem:$0x7EA] =	sst s3  }
0x33: {  	s13 =	sadd.s32 $0xD800, s30;
	[smem:$0x7EC] =	sst s8  }
0x34: {  	s14 =	sadd.s32 $0xE000, s30;
	[smem:$0x7F1] =	sst s13  }
0x35: {  	s15 =	sadd.s32 $0xE800, s30;
	[smem:$0x7F2] =	sst s14  }
0x36: {  	s12 =	sadd.s32 $0x15A00, s12;
	[smem:$0x7F3] =	sst s15  }
0x37: {  	v11 =	vlaneseq.u32;
	s0 =	sadd.s32 $0x65A00, s0;
	[dreg:$0x18] =	wrdreg s12  }
0x38: {  	v0 =	vor.u32 $0x2710, v11;
	v1 =	vor.u32 $0x70, v11;
	v2 =	vor.u32 $0x2720, v11;
	s7 =	sadd.s32 $0xA800, s30;
	[dreg:$0x19] =	wrdreg s0  }
0x39: {  	v3 =	vor.u32 $0x2730, v11;
	v4 =	vor.u32 $0x2740, v11;
	v7 =	vor.u32 $0x2760, v11;
	s10 =	sadd.s32 $0xC000, s30;
	[smem:$0x7EB] =	sst s7  }
0x3a: {  	s28 =	simm.s32 $0x5;
	v9 =	vor.u32 $0xB0, v11;
	v14 =	vor.u32 $0x27A0, v11;
	v6 =	vadd.s32 s22, v1;
	s16 =	sadd.s32 $0xF000, s30;
	[smem:$0x7EE] =	sst s10  }
0x3b: {  	s29 =	simm.s32 $0x4;
	v15 =	vor.u32 $0xE0, v11;
	v10 =	vadd.s32 s22, v9;
	v5 =	vmulhi.u32 $0x1111112, v6;
	s17 =	sadd.s32 $0xF800, s30;
	[smem:$0x7F4] =	sst s16  }
0x3c: {  	v0 =	vadd.s32 s22, v0;
	v15 =	vadd.s32 s22, v15;
	v9 =	vmulhi.u32 $0x1111112, v10;
	s11 =	simm.s32 $0x14600;
	s18 =	sadd.s32 $0x10000, s30;
	[smem:$0x7F5] =	sst s17  }
0x3d: {  	v1 =	vadd.s32 s22, v2;
	v2 =	vadd.s32 s22, v3;
	v17 =	vmulhi.u32 $0x1111112, v15;
	s9 =	simm.s32 $0x0;
	s19 =	sadd.s32 $0x10800, s30;
	[smem:$0x7F6] =	sst s18  }
0x3e: {  	v3 =	vadd.s32 s22, v4;
	v4 =	vor.u32 $0x2750, v11;
	v8 =	vmul.u32 $0xF0, v5;
	s20 =	sadd.s32 $0x11000, s30;
	s21 =	sadd.s32 $0x11800, s30;
	[smem:$0x7F7] =	sst s19  }
0x3f: {  	v4 =	vadd.s32 s22, v4;
	v5 =	vadd.s32 s22, v7;
	v7 =	vor.u32 $0x2770, v11;
	s23 =	sadd.s32 $0x12000, s30;
	s24 =	sadd.s32 $0x12800, s30;
	[smem:$0x7F8] =	sst s20  }
0x40: {  	v16 =	vmul.u32 $0xF0, v9;
	v6 =	vsub.s32 v6, v8;
	v8 =	vor.u32 $0xD0, v11;
	s25 =	sadd.s32 $0x13000, s30;
	s26 =	sadd.s32 $0x13800, s30;
	[smem:$0x7F9] =	sst s21  }
0x41: {  	v9 =	vor.u32 $0xF0, v11;
	v17 =	vmul.u32 $0xF0, v17;
	s3 =	simm.s32 $0x6;
	s13 =	simm.s32 $0x1;
	v12 =	vadd.s32 s22, v8;
	[smem:$0x7FA] =	sst s23  }
0x42: {  	v7 =	vadd.s32 s22, v7;
	v18 =	vadd.s32 s22, v9;
	s14 =	simm.s32 $0x14280;
	s15 =	simm.s32 $0x14380;
	[smem:$0x7FB] =	sst s24;
	v13 =	vmulhi.u32 $0x1111112, v12  }
0x43: {  	v9 =	vadd.s32 s22, v14;
	v14 =	vsub.s32 v10, v16;
	v16 =	vmulhi.u32 $0x1111112, v18;
	s8 =	simm.s32 $0x1CB80;
	s12 =	sadd.s32 $0x3800, s30;
	[smem:$0x7FC] =	sst s25  }
0x44: {  	v10 =	vor.u32 $0x27B0, v11;
	v6 =	vadd.s32 $0x2710, v6;
	[smem:$0x7FD] =	sst s26;
	s0 =	simm.s32 $0x1CC00;
	s16 =	simm.s32 $0x14480;
	v13 =	vmul.u32 $0xF0, v13  }
0x45: {  	v8 =	vor.u32 $0x2790, v11;
	s17 =	simm.s32 $0x80;
	s18 =	simm.s32 $0x14580;
	s10 =	simm.s32 $0x14400;
	v10 =	vadd.s32 s22, v10;
	v16 =	vmul.u32 $0xF0, v16  }
0x46: {  	s19 =	simm.s32 $0x14B80;
	s20 =	simm.s32 $0x18B80;
	s21 =	simm.s32 $0x14680;
	v8 =	vadd.s32 s22, v8;
	v13 =	vsub.s32 v12, v13;
	v12 =	vor.u32 $0x27D0, v11  }
0x47: {  	s23 =	simm.s32 $0x2;
	s24 =	simm.s32 $0x14A80;
	s25 =	simm.s32 $0x14B00;
	v11 =	vadd.s32 $0x2710, v14;
	v14 =	vsub.s32 v15, v17;
	v15 =	vsub.s32 v18, v16  }
0x48: {  	s26 =	simm.s32 $0x3;
	[smem:$0x7DD] =	sst s12;
	s12 =	sadd.s32 $0xD000, s30;
	v16 =	vimm.f32 $0.0e+00;
	v17 =	vimm.f32 $1.000000000e+00;
	v12 =	vadd.s32 s22, v12  }
0x49: {  	[smem:$0x7F0] =	sst s12;
	s12 =	simm.s32 $0x14300;
	s22 =	simm.s32 $0x14780;
	v13 =	vadd.s32 $0x2710, v13;
	v14 =	vadd.s32 $0x2710, v14;
	v15 =	vadd.s32 $0x2710, v15  }
.LBB2_1:
0x4a: {  	[tilespmem:$0x1CC00] =	vst v16  }
0x4b: {  	[tilespmem:$0x1CC10] =	vst v16  }
0x4c: {  	[tilespmem:$0x1CC20] =	vst v16  }
0x4d: {  	[tilespmem:$0x1CC30] =	vst v16  }
0x4e: {  	[tilespmem:$0x1CC40] =	vst v16  }
0x4f: {  	[tilespmem:$0x1CC50] =	vst v16  }
0x50: {  	[tilespmem:$0x1CC60] =	vst v16  }
0x51: {  	[tilespmem:$0x1CC70] =	vst v16  }
0x52: {  	[tilespmem:$0x1CC80] =	vst v16  }
0x53: {  	[tilespmem:$0x1CC90] =	vst v16  }
0x54: {  	[tilespmem:$0x1CCA0] =	vst v16  }
0x55: {  	[tilespmem:$0x1CCB0] =	vst v16  }
0x56: {  	[tilespmem:$0x1CCC0] =	vst v16  }
0x57: {  	[tilespmem:$0x1CCD0] =	vst v16  }
0x58: {  	[tilespmem:$0x1CCE0] =	vst v16  }
0x59: {  	[tilespmem:$0x1CCF0] =	vst v16  }
0x5a: {  	[tilespmem:$0x1CD00] =	vst v16  }
0x5b: {  	[tilespmem:$0x1CD10] =	vst v16  }
0x5c: {  	[tilespmem:$0x1CD20] =	vst v16  }
0x5d: {  	[tilespmem:$0x1CD30] =	vst v16  }
0x5e: {  	[tilespmem:$0x1CD40] =	vst v16  }
0x5f: {  	[tilespmem:$0x1CD50] =	vst v16  }
0x60: {  	[tilespmem:$0x1CD60] =	vst v16  }
0x61: {  	[tilespmem:$0x1CD70] =	vst v16  }
0x62: {  	[tilespmem:$0x1CD80] =	vst v16  }
0x63: {  	[tilespmem:$0x1CD90] =	vst v16  }
0x64: {  	[tilespmem:$0x1CDA0] =	vst v16  }
0x65: {  	[tilespmem:$0x1CDB0] =	vst v16  }
0x66: {  	[tilespmem:$0x1CDC0] =	vst v16  }
0x67: {  	[tilespmem:$0x1CDD0] =	vst v16  }
0x68: {  	[tilespmem:$0x1CDE0] =	vst v16  }
0x69: {  	[tilespmem:$0x1CDF0] =	vst v16  }
0x6a: {  	[tilespmem:$0x1CE00] =	vst v16  }
0x6b: {  	[tilespmem:$0x1CE10] =	vst v16  }
0x6c: {  	[tilespmem:$0x1CE20] =	vst v16  }
0x6d: {  	[tilespmem:$0x1CE30] =	vst v16  }
0x6e: {  	[tilespmem:$0x1CE40] =	vst v16  }
0x6f: {  	[tilespmem:$0x1CE50] =	vst v16  }
0x70: {  	[tilespmem:$0x1CE60] =	vst v16  }
0x71: {  	[tilespmem:$0x1CE70] =	vst v16  }
0x72: {  	[tilespmem:$0x1CE80] =	vst v16  }
0x73: {  	[tilespmem:$0x1CE90] =	vst v16  }
0x74: {  	[tilespmem:$0x1CEA0] =	vst v16  }
0x75: {  	[tilespmem:$0x1CEB0] =	vst v16  }
0x76: {  	[tilespmem:$0x1CEC0] =	vst v16  }
0x77: {  	[tilespmem:$0x1CED0] =	vst v16  }
0x78: {  	[tilespmem:$0x1CEE0] =	vst v16  }
0x79: {  	[tilespmem:$0x1CEF0] =	vst v16  }
0x7a: {  	[tilespmem:$0x1CF00] =	vst v16  }
0x7b: {  	[tilespmem:$0x1CF10] =	vst v16  }
0x7c: {  	[tilespmem:$0x1CF20] =	vst v16  }
0x7d: {  	[tilespmem:$0x1CF30] =	vst v16  }
0x7e: {  	[tilespmem:$0x1CF40] =	vst v16  }
0x7f: {  	[tilespmem:$0x1CF50] =	vst v16  }
0x80: {  	[tilespmem:$0x1CF60] =	vst v16  }
0x81: {  	[tilespmem:$0x1CF70] =	vst v16  }
0x82: {  	[tilespmem:$0x1CF80] =	vst v16  }
0x83: {  	[tilespmem:$0x1CF90] =	vst v16  }
0x84: {  	[tilespmem:$0x1CFA0] =	vst v16  }
0x85: {  	[tilespmem:$0x1CFB0] =	vst v16  }
0x86: {  	[tilespmem:$0x1CFC0] =	vst v16  }
0x87: {  	[tilespmem:$0x1CFD0] =	vst v16  }
0x88: {  	[tilespmem:$0x1CFE0] =	vst v16  }
0x89: {  	[tilespmem:$0x1CFF0] =	vst v16  }
0x8a: {  	[tilespmem:$0x1D000] =	vst v16  }
0x8b: {  	[tilespmem:$0x1D010] =	vst v16  }
0x8c: {  	[tilespmem:$0x1D020] =	vst v16  }
0x8d: {  	[tilespmem:$0x1D030] =	vst v16  }
0x8e: {  	[tilespmem:$0x1D040] =	vst v16  }
0x8f: {  	[tilespmem:$0x1D050] =	vst v16  }
0x90: {  	[tilespmem:$0x1D060] =	vst v16  }
0x91: {  	[tilespmem:$0x1D070] =	vst v16  }
0x92: {  	[tilespmem:$0x1D080] =	vst v16  }
0x93: {  	[tilespmem:$0x1D090] =	vst v16  }
0x94: {  	[tilespmem:$0x1D0A0] =	vst v16  }
0x95: {  	[tilespmem:$0x1D0B0] =	vst v16  }
0x96: {  	[tilespmem:$0x1D0C0] =	vst v16  }
0x97: {  	[tilespmem:$0x1D0D0] =	vst v16  }
0x98: {  	[tilespmem:$0x1D0E0] =	vst v16  }
0x99: {  	[tilespmem:$0x1D0F0] =	vst v16  }
0x9a: {  	[tilespmem:$0x1D100] =	vst v16  }
0x9b: {  	[tilespmem:$0x1D110] =	vst v16  }
0x9c: {  	[tilespmem:$0x1D120] =	vst v16  }
0x9d: {  	[tilespmem:$0x1D130] =	vst v16  }
0x9e: {  	[tilespmem:$0x1D140] =	vst v16  }
0x9f: {  	[tilespmem:$0x1D150] =	vst v16  }
0xa0: {  	[tilespmem:$0x1D160] =	vst v16  }
0xa1: {  	[tilespmem:$0x1D170] =	vst v16  }
0xa2: {  	[tilespmem:$0x1D180] =	vst v16  }
0xa3: {  	[tilespmem:$0x1D190] =	vst v16  }
0xa4: {  	[tilespmem:$0x1D1A0] =	vst v16  }
0xa5: {  	[tilespmem:$0x1D1B0] =	vst v16  }
0xa6: {  	[tilespmem:$0x1D1C0] =	vst v16  }
0xa7: {  	[tilespmem:$0x1D1D0] =	vst v16  }
0xa8: {  	[tilespmem:$0x1D1E0] =	vst v16  }
0xa9: {  	[tilespmem:$0x1D1F0] =	vst v16  }
0xaa: {  	[tilespmem:$0x1D200] =	vst v16  }
0xab: {  	[tilespmem:$0x1D210] =	vst v16  }
0xac: {  	[tilespmem:$0x1D220] =	vst v16  }
0xad: {  	[tilespmem:$0x1D230] =	vst v16  }
0xae: {  	[tilespmem:$0x1D240] =	vst v16  }
0xaf: {  	[tilespmem:$0x1D250] =	vst v16  }
0xb0: {  	[tilespmem:$0x1D260] =	vst v16  }
0xb1: {  	[tilespmem:$0x1D270] =	vst v16  }
0xb2: {  	[tilespmem:$0x1D280] =	vst v16  }
0xb3: {  	[tilespmem:$0x1D290] =	vst v16  }
0xb4: {  	[tilespmem:$0x1D2A0] =	vst v16  }
0xb5: {  	[tilespmem:$0x1D2B0] =	vst v16  }
0xb6: {  	[tilespmem:$0x1D2C0] =	vst v16  }
0xb7: {  	[tilespmem:$0x1D2D0] =	vst v16  }
0xb8: {  	[tilespmem:$0x1D2E0] =	vst v16  }
0xb9: {  	[tilespmem:$0x1D2F0] =	vst v16  }
0xba: {  	[tilespmem:$0x1D300] =	vst v16  }
0xbb: {  	[tilespmem:$0x1D310] =	vst v16  }
0xbc: {  	[tilespmem:$0x1D320] =	vst v16  }
0xbd: {  	[tilespmem:$0x1D330] =	vst v16  }
0xbe: {  	[tilespmem:$0x1D340] =	vst v16  }
0xbf: {  	[tilespmem:$0x1D350] =	vst v16  }
0xc0: {  	[tilespmem:$0x1D360] =	vst v16  }
0xc1: {  	[tilespmem:$0x1D370] =	vst v16  }
0xc2: {  	[tilespmem:$0x1D380] =	vst v16  }
0xc3: {  	[tilespmem:$0x1D390] =	vst v16  }
0xc4: {  	[tilespmem:$0x1D3A0] =	vst v16  }
0xc5: {  	[tilespmem:$0x1D3B0] =	vst v16  }
0xc6: {  	[tilespmem:$0x1D3C0] =	vst v16  }
0xc7: {  	[tilespmem:$0x1D3D0] =	vst v16  }
0xc8: {  	[tilespmem:$0x1D3E0] =	vst v16  }
0xc9: {  	[tilespmem:$0x1D3F0] =	vst v16  }
0xca: {  	[tilespmem:$0x1D400] =	vst v16  }
0xcb: {  	[tilespmem:$0x1D410] =	vst v16  }
0xcc: {  	[tilespmem:$0x1D420] =	vst v16  }
0xcd: {  	[tilespmem:$0x1D430] =	vst v16  }
0xce: {  	[tilespmem:$0x1D440] =	vst v16  }
0xcf: {  	[tilespmem:$0x1D450] =	vst v16  }
0xd0: {  	[tilespmem:$0x1D460] =	vst v16  }
0xd1: {  	[tilespmem:$0x1D470] =	vst v16  }
0xd2: {  	[tilespmem:$0x1D480] =	vst v16  }
0xd3: {  	[tilespmem:$0x1D490] =	vst v16  }
0xd4: {  	[tilespmem:$0x1D4A0] =	vst v16  }
0xd5: {  	[tilespmem:$0x1D4B0] =	vst v16  }
0xd6: {  	[tilespmem:$0x1D4C0] =	vst v16  }
0xd7: {  	[tilespmem:$0x1D4D0] =	vst v16  }
0xd8: {  	[tilespmem:$0x1D4E0] =	vst v16  }
0xd9: {  	[tilespmem:$0x1D4F0] =	vst v16  }
0xda: {  	[tilespmem:$0x1D500] =	vst v16  }
0xdb: {  	[tilespmem:$0x1D510] =	vst v16  }
0xdc: {  	[tilespmem:$0x1D520] =	vst v16  }
0xdd: {  	[tilespmem:$0x1D530] =	vst v16  }
0xde: {  	[tilespmem:$0x1D540] =	vst v16  }
0xdf: {  	[tilespmem:$0x1D550] =	vst v16  }
0xe0: {  	[tilespmem:$0x1D560] =	vst v16  }
0xe1: {  	[tilespmem:$0x1D570] =	vst v16  }
0xe2: {  	[tilespmem:$0x1D580] =	vst v16  }
0xe3: {  	[tilespmem:$0x1D590] =	vst v16  }
0xe4: {  	[tilespmem:$0x1D5A0] =	vst v16  }
0xe5: {  	[tilespmem:$0x1D5B0] =	vst v16  }
0xe6: {  	[tilespmem:$0x1D5C0] =	vst v16  }
0xe7: {  	[tilespmem:$0x1D5D0] =	vst v16  }
0xe8: {  	[tilespmem:$0x1D5E0] =	vst v16  }
0xe9: {  	[tilespmem:$0x1D5F0] =	vst v16  }
0xea: {  	[tilespmem:$0x1D600] =	vst v16  }
0xeb: {  	[tilespmem:$0x1D610] =	vst v16  }
0xec: {  	[tilespmem:$0x1D620] =	vst v16  }
0xed: {  	[tilespmem:$0x1D630] =	vst v16  }
0xee: {  	[tilespmem:$0x1D640] =	vst v16  }
0xef: {  	[tilespmem:$0x1D650] =	vst v16  }
0xf0: {  	[tilespmem:$0x1D660] =	vst v16  }
0xf1: {  	[tilespmem:$0x1D670] =	vst v16  }
0xf2: {  	[tilespmem:$0x1CB80] =	vst v17  }
0xf3: {  	[tilespmem:$0x1CB90] =	vst v17  }
0xf4: {  	[tilespmem:$0x1CBA0] =	vst v17  }
0xf5: {  	[tilespmem:$0x1CBB0] =	vst v17  }
0xf6: {  	[tilespmem:$0x1CBC0] =	vst v17  }
0xf7: {  	[tilespmem:$0x1CBD0] =	vst v17  }
0xf8: {  	[tilespmem:$0x1CBE0] =	vst v17  }
0xf9: {  	[tilespmem:$0x1CBF0] =	vst v17  }
0xfa: {  	[spmem:s30] =	stream.linear.scatter [tilespmem:s0], [sflag:$0x1], $0x800, $0x38;
	[tilespmem:$0x1D680] =	vst v63  }
0xfb: {  	s7 =	rddreg [dreg:$0x1b]  }
0xfc: {  	[spmem:s7] =	stream.linear.scatter [tilespmem:s0], [sflag:$0x1], $0x800, $0x38;
	[tilespmem:$0x1D680] =	vst v63  }
0xfd: {  	s30 =	rddreg [dreg:$0x1c]  }
0xfe: {  	[spmem:s30] =	stream.linear.scatter [tilespmem:s0], [sflag:$0x1], $0x800, $0x38;
	[tilespmem:$0x1D680] =	vst v63  }
0xff: {  	s30 =	rddreg [dreg:$0x1d]  }
0x100: {  	[spmem:s30] =	stream.linear.scatter [tilespmem:s0], [sflag:$0x1], $0x800, $0x38;
	[tilespmem:$0x1D680] =	vst v63  }
0x101: {  	s30 =	rddreg [dreg:$0x1e]  }
0x102: {  	[spmem:s30] =	stream.linear.scatter [tilespmem:s0], [sflag:$0x1], $0x800, $0x38;
	[tilespmem:$0x1D680] =	vst v63  }
0x103: {  	s30 =	rddreg [dreg:$0x1f]  }
0x104: {  	[spmem:s30] =	stream.linear.scatter [tilespmem:s0], [sflag:$0x1], $0x800, $0x38;
	[tilespmem:$0x1D680] =	vst v63  }
0x105: {  	s30 =	sld [smem:$0x7DC];
	_ =	sdelay $0x2  }
0x106: {  	[spmem:s30] =	stream.linear.scatter [tilespmem:s0], [sflag:$0x1], $0x800, $0x38;
	[tilespmem:$0x1D680] =	vst v63  }
0x107: {  	s30 =	sld [smem:$0x7DD];
	_ =	sdelay $0x2  }
0x108: {  	[spmem:s30] =	stream.linear.scatter [tilespmem:s0], [sflag:$0x1], $0x800, $0x38;
	[tilespmem:$0x1D680] =	vst v63  }
0x109: {  	s30 =	sld [smem:$0x7DE];
	_ =	sdelay $0x2  }
0x10a: {  	[spmem:s30] =	stream.linear.scatter [tilespmem:s0], [sflag:$0x1], $0x800, $0x38;
	[tilespmem:$0x1D680] =	vst v63  }
0x10b: {  	s30 =	sld [smem:$0x7DF];
	_ =	sdelay $0x2  }
0x10c: {  	[spmem:s30] =	stream.linear.scatter [tilespmem:s0], [sflag:$0x1], $0x800, $0x38;
	[tilespmem:$0x1D680] =	vst v63  }
0x10d: {  	s30 =	sld [smem:$0x7E0];
	_ =	sdelay $0x2  }
0x10e: {  	[spmem:s30] =	stream.linear.scatter [tilespmem:s0], [sflag:$0x1], $0x800, $0x38;
	[tilespmem:$0x1D680] =	vst v63  }
0x10f: {  	s30 =	sld [smem:$0x7E1];
	_ =	sdelay $0x2  }
0x110: {  	[spmem:s30] =	stream.linear.scatter [tilespmem:s0], [sflag:$0x1], $0x800, $0x38;
	[tilespmem:$0x1D680] =	vst v63  }
0x111: {  	s30 =	sld [smem:$0x7E2];
	_ =	sdelay $0x2  }
0x112: {  	[spmem:s30] =	stream.linear.scatter [tilespmem:s0], [sflag:$0x1], $0x800, $0x38;
	[tilespmem:$0x1D680] =	vst v63  }
0x113: {  	s30 =	sld [smem:$0x7E3];
	_ =	sdelay $0x2  }
0x114: {  	[spmem:s30] =	stream.linear.scatter [tilespmem:s0], [sflag:$0x1], $0x800, $0x38;
	[tilespmem:$0x1D680] =	vst v63  }
0x115: {  	s30 =	sld [smem:$0x7E4];
	_ =	sdelay $0x2  }
0x116: {  	[spmem:s30] =	stream.linear.scatter [tilespmem:s0], [sflag:$0x1], $0x800, $0x38;
	[tilespmem:$0x1D680] =	vst v63  }
0x117: {  	s30 =	sld [smem:$0x7E5];
	_ =	sdelay $0x2  }
0x118: {  	[spmem:s30] =	stream.linear.scatter [tilespmem:s0], [sflag:$0x1], $0x800, $0x38;
	[tilespmem:$0x1D680] =	vst v63  }
0x119: {  	s30 =	sld [smem:$0x7E6];
	_ =	sdelay $0x2  }
0x11a: {  	[spmem:s30] =	stream.linear.scatter [tilespmem:s0], [sflag:$0x1], $0x800, $0x38;
	[tilespmem:$0x1D680] =	vst v63  }
0x11b: {  	s30 =	sld [smem:$0x7E7];
	_ =	sdelay $0x2  }
0x11c: {  	[spmem:s30] =	stream.linear.scatter [tilespmem:s0], [sflag:$0x1], $0x800, $0x38;
	[tilespmem:$0x1D680] =	vst v63  }
0x11d: {  	s30 =	sld [smem:$0x7E8];
	_ =	sdelay $0x2  }
0x11e: {  	[spmem:s30] =	stream.linear.scatter [tilespmem:s0], [sflag:$0x1], $0x800, $0x38;
	[tilespmem:$0x1D680] =	vst v63  }
0x11f: {  	s30 =	sld [smem:$0x7E9];
	_ =	sdelay $0x2  }
0x120: {  	[spmem:s30] =	stream.linear.scatter [tilespmem:s0], [sflag:$0x1], $0x800, $0x38;
	[tilespmem:$0x1D680] =	vst v63  }
0x121: {  	s30 =	sld [smem:$0x7EA];
	_ =	sdelay $0x2  }
0x122: {  	[spmem:s30] =	stream.linear.scatter [tilespmem:s0], [sflag:$0x1], $0x800, $0x38;
	[tilespmem:$0x1D680] =	vst v63  }
0x123: {  	s30 =	sld [smem:$0x7EB];
	_ =	sdelay $0x2  }
0x124: {  	[spmem:s30] =	stream.linear.scatter [tilespmem:s0], [sflag:$0x1], $0x800, $0x38;
	[tilespmem:$0x1D680] =	vst v63  }
0x125: {  	s30 =	sld [smem:$0x7EC];
	_ =	sdelay $0x2  }
0x126: {  	[spmem:s30] =	stream.linear.scatter [tilespmem:s0], [sflag:$0x1], $0x800, $0x38;
	[tilespmem:$0x1D680] =	vst v63  }
0x127: {  	s30 =	sld [smem:$0x7ED];
	_ =	sdelay $0x2  }
0x128: {  	[spmem:s30] =	stream.linear.scatter [tilespmem:s0], [sflag:$0x1], $0x800, $0x38;
	[tilespmem:$0x1D680] =	vst v63  }
0x129: {  	s30 =	sld [smem:$0x7EE];
	_ =	sdelay $0x2  }
0x12a: {  	[spmem:s30] =	stream.linear.scatter [tilespmem:s0], [sflag:$0x1], $0x800, $0x38;
	[tilespmem:$0x1D680] =	vst v63  }
0x12b: {  	s30 =	sld [smem:$0x7EF];
	_ =	sdelay $0x2  }
0x12c: {  	[spmem:s30] =	stream.linear.scatter [tilespmem:s0], [sflag:$0x1], $0x800, $0x38;
	[tilespmem:$0x1D680] =	vst v63  }
0x12d: {  	s30 =	sld [smem:$0x7F0];
	_ =	sdelay $0x2  }
0x12e: {  	[spmem:s30] =	stream.linear.scatter [tilespmem:s0], [sflag:$0x1], $0x800, $0x38;
	[tilespmem:$0x1D680] =	vst v63  }
0x12f: {  	s30 =	sld [smem:$0x7F1];
	_ =	sdelay $0x2  }
0x130: {  	[spmem:s30] =	stream.linear.scatter [tilespmem:s0], [sflag:$0x1], $0x800, $0x38;
	[tilespmem:$0x1D680] =	vst v63  }
0x131: {  	s30 =	sld [smem:$0x7F2];
	_ =	sdelay $0x2  }
0x132: {  	[spmem:s30] =	stream.linear.scatter [tilespmem:s0], [sflag:$0x1], $0x800, $0x38;
	[tilespmem:$0x1D680] =	vst v63  }
0x133: {  	s30 =	sld [smem:$0x7F3];
	_ =	sdelay $0x2  }
0x134: {  	[spmem:s30] =	stream.linear.scatter [tilespmem:s0], [sflag:$0x1], $0x800, $0x38;
	[tilespmem:$0x1D680] =	vst v63  }
0x135: {  	s30 =	sld [smem:$0x7F4];
	_ =	sdelay $0x2  }
0x136: {  	[spmem:s30] =	stream.linear.scatter [tilespmem:s0], [sflag:$0x1], $0x800, $0x38;
	[tilespmem:$0x1D680] =	vst v63  }
0x137: {  	s30 =	sld [smem:$0x7F5];
	_ =	sdelay $0x2  }
0x138: {  	[spmem:s30] =	stream.linear.scatter [tilespmem:s0], [sflag:$0x1], $0x800, $0x38;
	[tilespmem:$0x1D680] =	vst v63  }
0x139: {  	s30 =	sld [smem:$0x7F6];
	_ =	sdelay $0x2  }
0x13a: {  	[spmem:s30] =	stream.linear.scatter [tilespmem:s0], [sflag:$0x1], $0x800, $0x38;
	[tilespmem:$0x1D680] =	vst v63  }
0x13b: {  	s30 =	sld [smem:$0x7F7];
	_ =	sdelay $0x2  }
0x13c: {  	[spmem:s30] =	stream.linear.scatter [tilespmem:s0], [sflag:$0x1], $0x800, $0x38;
	[tilespmem:$0x1D680] =	vst v63  }
0x13d: {  	s30 =	sld [smem:$0x7F8];
	_ =	sdelay $0x2  }
0x13e: {  	[spmem:s30] =	stream.linear.scatter [tilespmem:s0], [sflag:$0x1], $0x800, $0x38;
	[tilespmem:$0x1D680] =	vst v63  }
0x13f: {  	s30 =	sld [smem:$0x7F9];
	_ =	sdelay $0x2  }
0x140: {  	[spmem:s30] =	stream.linear.scatter [tilespmem:s0], [sflag:$0x1], $0x800, $0x38;
	[tilespmem:$0x1D680] =	vst v63  }
0x141: {  	s30 =	sld [smem:$0x7FA];
	_ =	sdelay $0x2  }
0x142: {  	[spmem:s30] =	stream.linear.scatter [tilespmem:s0], [sflag:$0x1], $0x800, $0x38;
	[tilespmem:$0x1D680] =	vst v63  }
0x143: {  	s30 =	sld [smem:$0x7FB];
	_ =	sdelay $0x2  }
0x144: {  	[spmem:s30] =	stream.linear.scatter [tilespmem:s0], [sflag:$0x1], $0x800, $0x38;
	[tilespmem:$0x1D680] =	vst v63  }
0x145: {  	s30 =	sld [smem:$0x7FC];
	_ =	sdelay $0x2  }
0x146: {  	[spmem:s30] =	stream.linear.scatter [tilespmem:s0], [sflag:$0x1], $0x800, $0x38;
	[tilespmem:$0x1D680] =	vst v63  }
0x147: {  	s30 =	sld [smem:$0x7FD];
	_ =	sdelay $0x2  }
0x148: {  	[spmem:s30] =	stream.linear.scatter [tilespmem:s0], [sflag:$0x1], $0x800, $0x38;
	[tilespmem:$0x1D680] =	vst v63  }
0x149: {  	s30 =	simm.s32 $0x1D400  }
0x14a: {  	[spmem:s31] =	stream.linear.scatter [tilespmem:s30], [sflag:$0x6], $0x280, $0x38;
	[tilespmem:$0x1D680] =	vst v63  }
0x14b: {  	_ =	swait.ge [sflag:s3], $0x280  }
0x14c: {  	[sflag:s3] =	ssyncset.done $0x0  }
0x14d: {  	[sflag:s3] =	ssyncadd.s32 $0xFFFFFD80  }
0x14e: {  	_ =	swait.ge [sflag:s13], $0x800  }
0x14f: {  	s31 =	simm.s32 $0x27;
	[sflag:s13] =	ssyncset.done $0x0  }
.LBB2_2:
0x150: {  	p0 =	sne.s32 s31, $0x1;
	s31 =	sadd.s32 $0xFFFFFFFF, s31;
	[sflag:s13] =	ssyncadd.s32 $0xFFFFF800  }
.Ltmp0:
0x151: {  	(pc) =	sbr.rel @p0 .LBB2_2-.Ltmp0, $3  }
0x152: {  	_ =	sdelay $0x1  }
0x153: {  	_ =	swait.ge [sflag:s13], $0x800  }
0x154: {  	[sflag:s13] =	ssyncset.done $0x0  }
0x155: {  	[smem:$0x7DB] =	sst s9;
	[sflag:s13] =	ssyncadd.s32 $0xFFFFF800  }
0x156: {  	[bflag:$0x0] =	sbarrier.arrive $0xFFFF  }
0x157: {  	s31 =	simm.s32 $0x0;
	s7 =	rddreg [dreg:$0x15]  }
0x158: {  	[tilespmem:s14], [sflag:$0x1] =	stream.linear.gather [hbm4b:s7+s31], $0x100, $0x38;
	[tilespmem:$0x1D680] =	vst v63  }
0x159: {  	s9 =	rddreg [dreg:$0x16]  }
0x15a: {  	[tilespmem:s15], [sflag:$0x1] =	stream.linear.gather [hbm4b:s9+s31], $0x100, $0x38;
	[tilespmem:$0x1D680] =	vst v63  }
0x15b: {  	s30 =	rddreg [dreg:$0x17]  }
0x15c: {  	[tilespmem:s16], [sflag:$0x1] =	stream.linear.gather [hbm4b:s30+s31], $0x100, $0x38;
	[tilespmem:$0x1D680] =	vst v63  }
0x15d: {  	_ =	swait.ge [sflag:s13], $0x100  }
0x15e: {  	[sflag:s13] =	ssyncset.done $0x0  }
0x15f: {  	[sflag:s13] =	ssyncadd.s32 $0xFFFFFF00  }
0x160: {  	_ =	swait.ge [sflag:s13], $0x100  }
0x161: {  	[sflag:s13] =	ssyncset.done $0x0  }
0x162: {  	[sflag:s13] =	ssyncadd.s32 $0xFFFFFF00  }
0x163: {  	_ =	swait.ge [sflag:s13], $0x100  }
0x164: {  	[sflag:s13] =	ssyncset.done $0x0  }
0x165: {  	[sflag:s13] =	ssyncadd.s32 $0xFFFFFF00  }
0x166: {  	[tilespmem:s18], [sflag:$0x2] =	stream.indirect.gather [hbm4b:s2+s17], $0x1, s15, s17, $0xb8;
	[tilespmem:$0x1D680] =	vst v63  }
0x167: {  	_ = 	snop  }
0x168: {  	[tilespmem:s11], [sflag:$0x2] =	stream.indirect.gather [hbm4b:s2+s17], $0x1, s10, s17, $0xb8;
	[tilespmem:$0x1D680] =	vst v63  }
0x169: {  	_ = 	snop  }
0x16a: {  	[tilespmem:s19], [sflag:$0x5] =	stream.indirect.gather [hbm4b:s1+s17], $0x80, s14, s17, $0xb8;
	[tilespmem:$0x1D680] =	vst v63  }
0x16b: {  	_ = 	snop  }
0x16c: {  	[tilespmem:s20], [sflag:$0x5] =	stream.indirect.gather [hbm4b:s1+s17], $0x80, s12, s17, $0xb8;
	[tilespmem:$0x1D680] =	vst v63  }
.LBB2_4:
0x16d: {  	s9 =	rddreg [dreg:$0xc]  }
0x16e: {  	s7 =	rddreg [dreg:$0xb];
	s9 =	sadd.s32 s31, s9  }
0x16f: {  	[tilespmem:s21], [sflag:$0x3] =	stream.linear.gather [hbm4b:s9+s6], $0x100, $0x38;
	[tilespmem:$0x1D680] =	vst v63  }
0x170: {  	s7 =	sadd.s32 s31, s7;
	s9 =	rddreg [dreg:$0xa]  }
0x171: {  	[tilespmem:s22], [sflag:$0x3] =	stream.linear.gather [hbm4b:s7+s6], $0x100, $0x38;
	[tilespmem:$0x1D680] =	vst v63  }
0x172: {  	s30 =	rddreg [dreg:$0xd];
	s9 =	sadd.s32 s31, s9  }
0x173: {  	[tilespmem:s30], [sflag:$0x3] =	stream.linear.gather [hbm4b:s9+s6], $0x100, $0x38;
	[tilespmem:$0x1D680] =	vst v63  }
0x174: {  	_ =	swait.ge [sflag:s23], $0x80  }
0x175: {  	[sflag:s23] =	ssyncset.done $0x0  }
0x176: {  	[sflag:s23] =	ssyncadd.s32 $0xFFFFFF80  }
0x177: {  	_ =	swait.ge [sflag:s23], $0x80  }
0x178: {  	[sflag:s23] =	ssyncset.done $0x0  }
0x179: {  	[sflag:s23] =	ssyncadd.s32 $0xFFFFFF80  }
0x17a: {  	v18 =	vld [tilespmem:$0x14480]  }
0x17b: {  	v19 =	vld [tilespmem:$0x14580]  }
0x17c: {  	v20 =	vld [tilespmem:$0x14380]  }
0x17d: {  	v21 =	vld [tilespmem:$0x14490]  }
0x17e: {  	v22 =	vld [tilespmem:$0x14590]  }
0x17f: {  	v23 =	vld [tilespmem:$0x14390]  }
0x180: {  	v24 =	vld [tilespmem:$0x144A0]  }
0x181: {  	v25 =	vld [tilespmem:$0x145A0]  }
0x182: {  	v26 =	vld [tilespmem:$0x143A0]  }
0x183: {  	v27 =	vld [tilespmem:$0x144B0]  }
0x184: {  	v28 =	vld [tilespmem:$0x145B0]  }
0x185: {  	v29 =	vld [tilespmem:$0x143B0]  }
0x186: {  	v30 =	vld [tilespmem:$0x144C0]  }
0x187: {  	v31 =	vld [tilespmem:$0x145C0]  }
0x188: {  	v32 =	vld [tilespmem:$0x143C0]  }
0x189: {  	v33 =	vld [tilespmem:$0x144D0]  }
0x18a: {  	v34 =	vld [tilespmem:$0x145D0]  }
0x18b: {  	v35 =	vld [tilespmem:$0x143D0]  }
0x18c: {  	v36 =	vld [tilespmem:$0x144E0]  }
0x18d: {  	v37 =	vld [tilespmem:$0x145E0]  }
0x18e: {  	v38 =	vld [tilespmem:$0x143E0]  }
0x18f: {  	v39 =	vld [tilespmem:$0x144F0]  }
0x190: {  	v40 =	vld [tilespmem:$0x145F0]  }
0x191: {  	v41 =	vld [tilespmem:$0x143F0]  }
0x192: {  	v42 =	vld [tilespmem:$0x14500]  }
0x193: {  	v44 =	vld [tilespmem:$0x14600];
	vm0 =	vle.s32 v18, v19;
	v19 =	vadd.s32 $0xFFFFFE0C, v19  }
0x194: {  	v46 =	vld [tilespmem:$0x14420];
	v43 =	vadd.s32 $0xFFFFFE0C, v22;
	vm2 =	vle.s32 v21, v22;
	v60 =	vadd.s32 $0xFFFFFE0C, v25  }
0x195: {  	v49 =	vld [tilespmem:$0x14630];
	vm4 =	vle.s32 v24, v25;
	v61 =	vadd.s32 $0xFFFFFE0C, v28;
	vm6 =	vle.s32 v27, v28  }
0x196: {  	v47 =	vld [tilespmem:$0x14530];
	v63 =	vadd.s32 $0xFFFFFE0C, v31;
	vm9 =	vle.s32 v30, v31;
	v45 =	vadd.s32 $0xFFFFFE0C, v34  }
0x197: {  	v52 =	vld [tilespmem:$0x14430];
	vm11 =	vle.s32 v33, v34;
	vm14 =	vle.s32 v36, v37;
	v50 =	vadd.s32 $0xFFFFFE0C, v37  }
0x198: {  	v53 =	vld [tilespmem:$0x14540];
	v51 =	vadd.s32 $0xFFFFFE0C, v40;
	v58 =	vadd.s32 $0xFFFFFE0C, v44;
	vm1 =	vgt.s32 v18, v19  }
0x199: {  	v55 =	vld [tilespmem:$0x14640];
	vm3 =	vgt.s32 v21, v43;
	vm5 =	vgt.s32 v24, v60;
	vm7 =	vgt.s32 v27, v61  }
0x19a: {  	v59 =	vld [tilespmem:$0x14440];
	vm10 =	vgt.s32 v30, v63;
	vm12 =	vgt.s32 v33, v45;
	v30 =	vadd.s32 $0xFFFFFE0C, v49  }
0x19b: {  	v22 =	vld [tilespmem:$0x14520];
	vm0 =	vmand vm0, vm1;
	vm15 =	vmand vm2, vm3;
	vm8 =	vmand vm6, vm7  }
0x19c: {  	v18 =	vld [tilespmem:$0x14400];
	vm1 =	vmand vm9, vm10;
	vm13 =	vmand vm11, vm12;
	vm11 =	vle.s32 v42, v44  }
0x19d: {  	v19 =	vld [tilespmem:$0x14510];
	vm12 =	vgt.s32 v42, v58;
	vm6 =	vle.s32 v47, v49;
	vm7 =	vgt.s32 v47, v30  }
0x19e: {  	v43 =	vld [tilespmem:$0x14620];
	v44 =	vadd.s32 $0xFFFFFE0C, v55;
	v20 =	vsel vm0, v20, v0;
	v21 =	vsel vm15, v23, v1  }
0x19f: {  	v23 =	vld [tilespmem:$0x14610];
	vm0 =	vmand vm4, vm5;
	v29 =	vsel vm8, v29, v3;
	v48 =	vsel vm1, v32, v4  }
0x1a0: {  	v24 =	vld [tilespmem:$0x14410];
	vm15 =	vgt.s32 v36, v50;
	vm8 =	vle.s32 v39, v40;
	vm4 =	vgt.s32 v39, v51;
	[tilespmem:$0x14A80] =	vst v20  }
0x1a1: {  	v54 =	vsel vm13, v35, v5;
	v40 =	vld [tilespmem:$0x14660];
	v62 =	vsel vm0, v26, v2;
	vm9 =	vmand vm14, vm15;
	[tilespmem:$0x14A90] =	vst v21  }
0x1a2: {  	v39 =	vld [tilespmem:$0x14560];
	vm10 =	vmand vm8, vm4;
	vm0 =	vmand vm11, vm12;
	[tilespmem:$0x14AB0] =	vst v29;
	v56 =	vsel vm9, v38, v7  }
0x1a3: {  	v61 =	vld [tilespmem:$0x14550];
	[tilespmem:$0x14AC0] =	vst v48;
	v57 =	vsel vm10, v41, v6;
	vm9 =	vle.s32 v53, v55;
	v18 =	vsel vm0, v18, v8  }
0x1a4: {  	[tilespmem:$0x14AA0] =	vst v62;
	v62 =	vadd.s32 $0xFFFFFE0C, v43;
	vm4 =	vle.s32 v22, v43;
	v43 =	vld [tilespmem:$0x14670];
	v60 =	vadd.s32 $0xFFFFFE0C, v23  }
0x1a5: {  	[tilespmem:$0x14AD0] =	vst v54;
	vm5 =	vgt.s32 v22, v62;
	vm13 =	vle.s32 v19, v23;
	vm14 =	vgt.s32 v19, v60;
	v19 =	vld [tilespmem:$0x14650]  }
0x1a6: {  	vm10 =	vgt.s32 v53, v44;
	[tilespmem:$0x14B00] =	vst v18;
	v18 =	vld [tilespmem:$0x14460];
	vm1 =	vmand vm4, vm5;
	v49 =	vadd.s32 $0xFFFFFE0C, v40  }
0x1a7: {  	[tilespmem:$0x14AE0] =	vst v56;
	v42 =	vsel vm1, v46, v10;
	v46 =	vld [tilespmem:$0x14570];
	vm4 =	vgt.s32 v39, v49;
	vm15 =	vmand vm13, vm14  }
0x1a8: {  	v63 =	vld [tilespmem:$0x14450];
	[tilespmem:$0x14AF0] =	vst v57;
	vm13 =	vmand vm9, vm10;
	v41 =	vsel vm15, v24, v9;
	vm15 =	vle.s32 v39, v40  }
0x1a9: {  	v47 =	vld [tilespmem:$0x14470];
	vm8 =	vmand vm6, vm7;
	[tilespmem:$0x14B20] =	vst v42;
	v48 =	vsel vm13, v59, v12;
	vm0 =	vmand vm15, vm4  }
0x1aa: {  	[tilespmem:$0x14B10] =	vst v41;
	v45 =	vadd.s32 $0xFFFFFE0C, v19;
	vm11 =	vle.s32 v61, v19;
	v19 =	vsel vm8, v52, v11  }
0x1ab: {  	v18 =	vsel vm0, v18, v14;
	vm12 =	vgt.s32 v61, v45;
	[tilespmem:$0x14B30] =	vst v19;
	v19 =	vadd.s32 $0xFFFFFE0C, v43  }
0x1ac: {  	[tilespmem:$0x14B40] =	vst v48;
	vm5 =	vle.s32 v46, v43;
	vm14 =	vmand vm11, vm12;
	vm6 =	vgt.s32 v46, v19  }
0x1ad: {  	[tilespmem:$0x14B60] =	vst v18;
	v23 =	vsel vm14, v63, v13;
	vm7 =	vmand vm5, vm6  }
0x1ae: {  	[tilespmem:$0x14B50] =	vst v23;
	v18 =	vsel vm7, v47, v15  }
0x1af: {  	[tilespmem:$0x14B70] =	vst v18  }
0x1b0: {  	[spmem:s5] =	stream.indirect.scatter.add.f32 [tilespmem:s8], [sflag:$0x6], $0x1, s24, s17, $0xb8;
	[tilespmem:$0x1D680] =	vst v63  }
0x1b1: {  	_ =	swait.ge [sflag:s3], $0x80  }
0x1b2: {  	[sflag:s3] =	ssyncset.done $0x0  }
0x1b3: {  	[sflag:s3] =	ssyncadd.s32 $0xFFFFFF80  }
0x1b4: {  	[spmem:s5] =	stream.indirect.scatter.add.f32 [tilespmem:s8], [sflag:$0x6], $0x1, s25, s17, $0xb8;
	[tilespmem:$0x1D680] =	vst v63  }
0x1b5: {  	_ =	swait.ge [sflag:s3], $0x80  }
0x1b6: {  	[sflag:s3] =	ssyncset.done $0x0  }
0x1b7: {  	[sflag:s3] =	ssyncadd.s32 $0xFFFFFF80  }
0x1b8: {  	_ =	swait.ge [sflag:s26], $0x100  }
0x1b9: {  	[sflag:s26] =	ssyncset.done $0x0  }
0x1ba: {  	[sflag:s26] =	ssyncadd.s32 $0xFFFFFF00  }
0x1bb: {  	_ =	swait.ge [sflag:s26], $0x100  }
0x1bc: {  	[sflag:s26] =	ssyncset.done $0x0  }
0x1bd: {  	[sflag:s26] =	ssyncadd.s32 $0xFFFFFF00  }
0x1be: {  	_ =	swait.ge [sflag:s26], $0x100  }
0x1bf: {  	s7 =	rddreg [dreg:$0xe];
	[sflag:s26] =	ssyncset.done $0x0  }
0x1c0: {  	s9 =	rddreg [dreg:$0xf];
	[sflag:s26] =	ssyncadd.s32 $0xFFFFFF00  }
0x1c1: {  	[tilespmem:s7], [sflag:$0x4] =	stream.indirect.gather [hbm4b:s2+s17], $0x1, s22, s17, $0xb8;
	[tilespmem:$0x1D680] =	vst v63  }
0x1c2: {  	s30 =	rddreg [dreg:$0x10]  }
0x1c3: {  	[tilespmem:s30], [sflag:$0x4] =	stream.indirect.gather [hbm4b:s2+s17], $0x1, s9, s17, $0xb8;
	[tilespmem:$0x1D680] =	vst v63  }
0x1c4: {  	_ =	swait.ge [sflag:s28], $0x4000  }
0x1c5: {  	[sflag:s28] =	ssyncset.done $0x0  }
0x1c6: {  	[sflag:s28] =	ssyncadd.s32 $0xFFFFC000  }
0x1c7: {  	[spmem:s4] =	stream.indirect.scatter.add.f32 [tilespmem:s19], [sflag:$0x6], $0x80, s24, s17, $0xb8;
	[tilespmem:$0x1D680] =	vst v63  }
0x1c8: {  	_ =	swait.ge [sflag:s3], $0x4000  }
0x1c9: {  	[sflag:s3] =	ssyncset.done $0x0  }
0x1ca: {  	[sflag:s3] =	ssyncadd.s32 $0xFFFFC000  }
0x1cb: {  	[tilespmem:s19], [sflag:$0x5] =	stream.indirect.gather [hbm4b:s1+s17], $0x80, s21, s17, $0xb8;
	[tilespmem:$0x1D680] =	vst v63  }
0x1cc: {  	_ =	swait.ge [sflag:s28], $0x4000  }
0x1cd: {  	[sflag:s28] =	ssyncset.done $0x0  }
0x1ce: {  	[sflag:s28] =	ssyncadd.s32 $0xFFFFC000  }
0x1cf: {  	[spmem:s4] =	stream.indirect.scatter.add.f32 [tilespmem:s20], [sflag:$0x6], $0x80, s25, s17, $0xb8;
	[tilespmem:$0x1D680] =	vst v63  }
0x1d0: {  	_ =	swait.ge [sflag:s3], $0x4000  }
0x1d1: {  	s9 =	rddreg [dreg:$0x11];
	[sflag:s3] =	ssyncset.done $0x0  }
0x1d2: {  	s30 =	rddreg [dreg:$0x7];
	[sflag:s3] =	ssyncadd.s32 $0xFFFFC000  }
0x1d3: {  	[tilespmem:s20], [sflag:$0x5] =	stream.indirect.gather [hbm4b:s1+s17], $0x80, s9, s17, $0xb8;
	[tilespmem:$0x1D680] =	vst v63  }
0x1d4: {  	s30 =	sadd.s32 s31, s30;
	s9 =	rddreg [dreg:$0x8]  }
0x1d5: {  	[tilespmem:s14], [sflag:$0x1] =	stream.linear.gather [hbm4b:s30+s6], $0x100, $0x38;
	[tilespmem:$0x1D680] =	vst v63  }
0x1d6: {  	s9 =	sadd.s32 s31, s9;
	s30 =	rddreg [dreg:$0x9]  }
0x1d7: {  	[tilespmem:s15], [sflag:$0x1] =	stream.linear.gather [hbm4b:s9+s6], $0x100, $0x38;
	[tilespmem:$0x1D680] =	vst v63  }
0x1d8: {  	s7 =	sadd.s32 s31, s30  }
0x1d9: {  	[tilespmem:s16], [sflag:$0x1] =	stream.linear.gather [hbm4b:s7+s6], $0x100, $0x38;
	[tilespmem:$0x1D680] =	vst v63  }
0x1da: {  	_ =	swait.ge [sflag:s29], $0x80  }
0x1db: {  	[sflag:s29] =	ssyncset.done $0x0  }
0x1dc: {  	[sflag:s29] =	ssyncadd.s32 $0xFFFFFF80  }
0x1dd: {  	_ =	swait.ge [sflag:s29], $0x80  }
0x1de: {  	[sflag:s29] =	ssyncset.done $0x0  }
0x1df: {  	[sflag:s29] =	ssyncadd.s32 $0xFFFFFF80  }
0x1e0: {  	v18 =	vld [tilespmem:$0x14880]  }
0x1e1: {  	v19 =	vld [tilespmem:$0x14980]  }
0x1e2: {  	v20 =	vld [tilespmem:$0x14780]  }
0x1e3: {  	v50 =	vld [tilespmem:$0x14890]  }
0x1e4: {  	v51 =	vld [tilespmem:$0x14990]  }
0x1e5: {  	v52 =	vld [tilespmem:$0x14790]  }
0x1e6: {  	v53 =	vld [tilespmem:$0x148A0]  }
0x1e7: {  	v54 =	vld [tilespmem:$0x149A0]  }
0x1e8: {  	v26 =	vld [tilespmem:$0x147A0]  }
0x1e9: {  	v55 =	vld [tilespmem:$0x148B0]  }
0x1ea: {  	v56 =	vld [tilespmem:$0x149B0]  }
0x1eb: {  	v57 =	vld [tilespmem:$0x147B0]  }
0x1ec: {  	v58 =	vld [tilespmem:$0x148C0]  }
0x1ed: {  	v59 =	vld [tilespmem:$0x149C0]  }
0x1ee: {  	v60 =	vld [tilespmem:$0x147C0]  }
0x1ef: {  	v61 =	vld [tilespmem:$0x148D0]  }
0x1f0: {  	v62 =	vld [tilespmem:$0x149D0]  }
0x1f1: {  	v35 =	vld [tilespmem:$0x147D0]  }
0x1f2: {  	v63 =	vld [tilespmem:$0x148E0]  }
0x1f3: {  	v45 =	vld [tilespmem:$0x149E0]  }
0x1f4: {  	v46 =	vld [tilespmem:$0x147E0]  }
0x1f5: {  	v47 =	vld [tilespmem:$0x148F0]  }
0x1f6: {  	v48 =	vld [tilespmem:$0x149F0]  }
0x1f7: {  	v41 =	vld [tilespmem:$0x147F0]  }
0x1f8: {  	v43 =	vld [tilespmem:$0x14900]  }
0x1f9: {  	v42 =	vld [tilespmem:$0x14800];
	v49 =	vadd.s32 $0xFFFFFE0C, v19;
	vm8 =	vle.s32 v18, v19  }
0x1fa: {  	v24 =	vld [tilespmem:$0x14810];
	v19 =	vadd.s32 $0xFFFFFE0C, v51;
	vm10 =	vle.s32 v50, v51;
	vm12 =	vle.s32 v53, v54  }
0x1fb: {  	v51 =	vld [tilespmem:$0x14A10];
	vm14 =	vle.s32 v55, v56;
	vm4 =	vle.s32 v58, v59;
	vm6 =	vle.s32 v61, v62  }
0x1fc: {  	v44 =	vadd.s32 $0xFFFFFE0C, v48;
	vm9 =	vgt.s32 v18, v49;
	v18 =	vld [tilespmem:$0x14A00];
	vm11 =	vgt.s32 v50, v19  }
0x1fd: {  	v19 =	vld [tilespmem:$0x14910];
	v50 =	vadd.s32 $0xFFFFFE0C, v54;
	v54 =	vadd.s32 $0xFFFFFE0C, v59;
	vm0 =	vmand vm8, vm9  }
0x1fe: {  	v59 =	vld [tilespmem:$0x14930];
	vm13 =	vgt.s32 v53, v50;
	vm5 =	vgt.s32 v58, v54;
	v58 =	vadd.s32 $0xFFFFFE0C, v62  }
0x1ff: {  	v53 =	vld [tilespmem:$0x14920];
	vm8 =	vle.s32 v63, v45;
	v20 =	vsel vm0, v20, v0;
	vm0 =	vmand vm10, vm11  }
0x200: {  	v62 =	vld [tilespmem:$0x14A30];
	vm7 =	vgt.s32 v61, v58;
	v61 =	vadd.s32 $0xFFFFFE0C, v45;
	vm10 =	vle.s32 v47, v48  }
0x201: {  	v50 =	vld [tilespmem:$0x14950];
	vm11 =	vgt.s32 v47, v44;
	v23 =	vsel vm0, v52, v1;
	v52 =	vadd.s32 $0xFFFFFE0C, v56  }
0x202: {  	v45 =	vld [tilespmem:$0x14940];
	vm0 =	vmand vm12, vm13;
	vm9 =	vgt.s32 v63, v61;
	vm15 =	vgt.s32 v55, v52  }
0x203: {  	v47 =	vld [tilespmem:$0x14A40];
	v26 =	vsel vm0, v26, v2;
	vm0 =	vmand vm4, vm5;
	vm1 =	vmand vm14, vm15  }
0x204: {  	v55 =	vld [tilespmem:$0x14A20];
	v60 =	vsel vm0, v60, v4;
	vm0 =	vmand vm6, vm7;
	vm12 =	vle.s32 v43, v18  }
0x205: {  	v48 =	vld [tilespmem:$0x14840];
	v18 =	vadd.s32 $0xFFFFFE0C, v18;
	vm14 =	vle.s32 v19, v51;
	v56 =	vsel vm1, v57, v3  }
0x206: {  	v63 =	vld [tilespmem:$0x14830];
	[tilespmem:$0x14A80] =	vst v20;
	vm1 =	vmand vm8, vm9;
	v35 =	vsel vm0, v35, v5;
	vm0 =	vmand vm10, vm11  }
0x207: {  	[tilespmem:$0x14A90] =	vst v23;
	v57 =	vld [tilespmem:$0x14820];
	vm13 =	vgt.s32 v43, v18;
	v18 =	vadd.s32 $0xFFFFFE0C, v51;
	vm6 =	vle.s32 v59, v62  }
0x208: {  	[tilespmem:$0x14AA0] =	vst v26;
	v51 =	vld [tilespmem:$0x14850];
	v54 =	vadd.s32 $0xFFFFFE0C, v62;
	v46 =	vsel vm1, v46, v7;
	v49 =	vsel vm0, v41, v6  }
0x209: {  	[tilespmem:$0x14AC0] =	vst v60;
	vm0 =	vmand vm12, vm13;
	vm15 =	vgt.s32 v19, v18;
	v18 =	vld [tilespmem:$0x14A50];
	v19 =	vadd.s32 $0xFFFFFE0C, v55  }
0x20a: {  	[tilespmem:$0x14AB0] =	vst v56;
	v56 =	vadd.s32 $0xFFFFFE0C, v47;
	vm4 =	vle.s32 v53, v55;
	v55 =	vld [tilespmem:$0x14A60];
	vm5 =	vgt.s32 v53, v19  }
0x20b: {  	[tilespmem:$0x14AD0] =	vst v35;
	vm8 =	vle.s32 v45, v47;
	v52 =	vsel vm0, v42, v8;
	v53 =	vld [tilespmem:$0x14960];
	vm0 =	vmand vm4, vm5  }
0x20c: {  	vm1 =	vmand vm14, vm15;
	[tilespmem:$0x14AE0] =	vst v46;
	vm9 =	vgt.s32 v45, v56;
	v25 =	vsel vm0, v57, v10;
	v57 =	vld [tilespmem:$0x14A70]  }
0x20d: {  	v58 =	vld [tilespmem:$0x14970];
	vm7 =	vgt.s32 v59, v54;
	[tilespmem:$0x14AF0] =	vst v49;
	v19 =	vsel vm1, v24, v9;
	vm1 =	vmand vm8, vm9  }
0x20e: {  	v59 =	vld [tilespmem:$0x14860];
	[tilespmem:$0x14B00] =	vst v52;
	vm0 =	vmand vm6, vm7;
	vm10 =	vle.s32 v50, v18;
	v18 =	vadd.s32 $0xFFFFFE0C, v18  }
0x20f: {  	[tilespmem:$0x14B10] =	vst v19;
	v19 =	vld [tilespmem:$0x14870];
	v60 =	vsel vm0, v63, v11;
	vm11 =	vgt.s32 v50, v18;
	v18 =	vsel vm1, v48, v12  }
0x210: {  	[tilespmem:$0x14B20] =	vst v25;
	vm0 =	vmand vm10, vm11;
	v61 =	vadd.s32 $0xFFFFFE0C, v55;
	vm12 =	vle.s32 v53, v55  }
0x211: {  	[tilespmem:$0x14B30] =	vst v60;
	vm13 =	vgt.s32 v53, v61;
	v62 =	vsel vm0, v51, v13;
	v63 =	vadd.s32 $0xFFFFFE0C, v57  }
0x212: {  	[tilespmem:$0x14B40] =	vst v18;
	vm1 =	vmand vm12, vm13;
	vm14 =	vle.s32 v58, v57;
	vm15 =	vgt.s32 v58, v63  }
0x213: {  	[tilespmem:$0x14B50] =	vst v62;
	v18 =	vsel vm1, v59, v14;
	vm0 =	vmand vm14, vm15  }
0x214: {  	[tilespmem:$0x14B60] =	vst v18;
	v18 =	vsel vm0, v19, v15  }
0x215: {  	[tilespmem:$0x14B70] =	vst v18  }
0x216: {  	[spmem:s5] =	stream.indirect.scatter.add.f32 [tilespmem:s8], [sflag:$0x6], $0x1, s24, s17, $0xb8;
	[tilespmem:$0x1D680] =	vst v63  }
0x217: {  	_ =	swait.ge [sflag:s3], $0x80  }
0x218: {  	[sflag:s3] =	ssyncset.done $0x0  }
0x219: {  	[sflag:s3] =	ssyncadd.s32 $0xFFFFFF80  }
0x21a: {  	[spmem:s5] =	stream.indirect.scatter.add.f32 [tilespmem:s8], [sflag:$0x6], $0x1, s25, s17, $0xb8;
	[tilespmem:$0x1D680] =	vst v63  }
0x21b: {  	_ =	swait.ge [sflag:s3], $0x80  }
0x21c: {  	[sflag:s3] =	ssyncset.done $0x0  }
0x21d: {  	[sflag:s3] =	ssyncadd.s32 $0xFFFFFF80  }
0x21e: {  	_ =	swait.ge [sflag:s13], $0x100  }
0x21f: {  	[sflag:s13] =	ssyncset.done $0x0  }
0x220: {  	[sflag:s13] =	ssyncadd.s32 $0xFFFFFF00  }
0x221: {  	_ =	swait.ge [sflag:s13], $0x100  }
0x222: {  	[sflag:s13] =	ssyncset.done $0x0  }
0x223: {  	[sflag:s13] =	ssyncadd.s32 $0xFFFFFF00  }
0x224: {  	_ =	swait.ge [sflag:s13], $0x100  }
0x225: {  	[sflag:s13] =	ssyncset.done $0x0  }
0x226: {  	[sflag:s13] =	ssyncadd.s32 $0xFFFFFF00  }
0x227: {  	[tilespmem:s18], [sflag:$0x2] =	stream.indirect.gather [hbm4b:s2+s17], $0x1, s15, s17, $0xb8;
	[tilespmem:$0x1D680] =	vst v63  }
0x228: {  	_ = 	snop  }
0x229: {  	[tilespmem:s11], [sflag:$0x2] =	stream.indirect.gather [hbm4b:s2+s17], $0x1, s10, s17, $0xb8;
	[tilespmem:$0x1D680] =	vst v63  }
0x22a: {  	_ =	swait.ge [sflag:s28], $0x4000  }
0x22b: {  	[sflag:s28] =	ssyncset.done $0x0  }
0x22c: {  	[sflag:s28] =	ssyncadd.s32 $0xFFFFC000  }
0x22d: {  	[spmem:s4] =	stream.indirect.scatter.add.f32 [tilespmem:s19], [sflag:$0x6], $0x80, s24, s17, $0xb8;
	[tilespmem:$0x1D680] =	vst v63  }
0x22e: {  	_ =	swait.ge [sflag:s3], $0x4000  }
0x22f: {  	[sflag:s3] =	ssyncset.done $0x0  }
0x230: {  	[sflag:s3] =	ssyncadd.s32 $0xFFFFC000  }
0x231: {  	[tilespmem:s19], [sflag:$0x5] =	stream.indirect.gather [hbm4b:s1+s17], $0x80, s14, s17, $0xb8;
	[tilespmem:$0x1D680] =	vst v63  }
0x232: {  	_ =	swait.ge [sflag:s28], $0x4000  }
0x233: {  	[sflag:s28] =	ssyncset.done $0x0  }
0x234: {  	p0 =	sne.s32 s31, $0x9800;
	[sflag:s28] =	ssyncadd.s32 $0xFFFFC000  }
0x235: {  	[spmem:s4] =	stream.indirect.scatter.add.f32 [tilespmem:s20], [sflag:$0x6], $0x80, s25, s17, $0xb8;
	[tilespmem:$0x1D680] =	vst v63  }
.Ltmp1:
0x236: {  	_ = 	snop;
	(pc) =	sbr.rel @p0 .LBB2_4-.Ltmp1, $4  }
0x237: {  	_ =	swait.ge [sflag:s3], $0x4000  }
0x238: {  	[sflag:s3] =	ssyncset.done $0x0  }
0x239: {  	s31 =	sadd.s32 $0x800, s31;
	[sflag:s3] =	ssyncadd.s32 $0xFFFFC000  }
0x23a: {  	[tilespmem:s20], [sflag:$0x5] =	stream.indirect.gather [hbm4b:s1+s17], $0x80, s12, s17, $0xb8;
	[tilespmem:$0x1D680] =	vst v63  }
0x23b: {  	_ =	swait.ge [sflag:s23], $0x80  }
0x23c: {  	[sflag:s23] =	ssyncset.done $0x0  }
0x23d: {  	[sflag:s23] =	ssyncadd.s32 $0xFFFFFF80  }
0x23e: {  	_ =	swait.ge [sflag:s23], $0x80  }
0x23f: {  	[sflag:s23] =	ssyncset.done $0x0  }
0x240: {  	[sflag:s23] =	ssyncadd.s32 $0xFFFFFF80  }
0x241: {  	_ =	swait.ge [sflag:s28], $0x4000  }
0x242: {  	[sflag:s28] =	ssyncset.done $0x0  }
0x243: {  	[sflag:s28] =	ssyncadd.s32 $0xFFFFC000  }
0x244: {  	_ =	swait.ge [sflag:s28], $0x4000  }
0x245: {  	[sflag:s28] =	ssyncset.done $0x0  }
0x246: {  	[sflag:s28] =	ssyncadd.s32 $0xFFFFC000  }
0x247: {  	[bflag:$0x0] =	sbarrier.arrive $0xFFFF  }
0x248: {  	s7 =	rddreg [dreg:$0x13]  }
0x249: {  	s16 =	rddreg [dreg:$0x12]  }
0x24a: {  	s31 =	rddreg [dreg:$0x18];
	s7 =	sor.u32 $0x1C06, s7;
	s9 =	sshrl.u32 s16, $0x3  }
0x24b: {  	[hbm:s31], [sflag:s7] =	dma.local [spmem:s9], $0x2800  }
0x24c: {  	_ =	swait.ge [sflag:s3], $0x2800  }
0x24d: {  	[sflag:s3] =	ssyncset.done $0x0;
	s30 =	rddreg [dreg:$0x14]  }
0x24e: {  	s31 =	rddreg [dreg:$0x19];
	[sflag:s3] =	ssyncadd.s32 $0xFFFFD800;
	s9 =	sshrl.u32 s30, $0x3  }
0x24f: {  	[hbm:s31], [sflag:s7] =	dma.local [spmem:s9], $0x50  }
0x250: {  	_ =	swait.ge [sflag:s3], $0x50  }
0x251: {  	s7 =	sld [smem:$0x7DB];
	_ =	sdelay $0x2  }
0x252: {  	s9 =	sadd.s32 $0x1, s7;
	s7 =	rddreg [dreg:$0x1a]  }
0x253: {  	p0 =	sne.s32 s9, s7  }
.Ltmp2:
0x254: {  	_ = 	snop;
	(pc) =	sbr.rel @p0 .LBB2_1-.Ltmp2, $3  }
0x255: {  	_ =	sdelay $0x1  }
0x256: {  	s31 =	smov.u32 s30;
	[sflag:s3] =	ssyncset.done $0x0  }
0x257: {  	s30 =	smov.u32 s16;
	s16 =	simm.s32 $0x14480;
	[sflag:s3] =	ssyncadd.s32 $0xFFFFFFB0  }
0x258: {  	_ =	sfence.sel $0x180000  }
0x259: {  	[bflag:$0x0] =	sbarrier.arrive $0xFFFF  }
0x25a: {  	_ =	strace $0x90000047  }
0x25b: {  	s0 =	stileid.u32;
	[bflag:$0x2] =	sbarrier.arrive $0xFFFF  }
0x25c: {  	p0 =	sne.s32 s0, $0x0;
	s0 =	rddreg [dreg:$0x6]  }
0x25d: {  	s0 =	sadd.s32 @!p0 $0x100000, s0  }
0x25e: {  	[sflag:s0] =	ssyncadd.tile.s32 @!p0 $0x1;
	_ =	shalt  }
.Lfunc_end2:
_tile_overlayer_lowered:
.L_overlay_start_2:
0x25f: {  	(tag) =	ssettag $0x2  }
0x260: {  	s0 =	rddreg [dreg:$0x0];
	s2 =	stileid.u32  }
0x261: {  	s1 =	rddreg [dreg:$0x1];
	p0 =	sne.s32 s2, $0x0  }
0x262: {  	s3 =	rddreg [dreg:$0x2];
	[bflag:$0x3] =	sbarrier.arrive $0xFFFF;
	s2 =	simm.s32 @!p0 $0x1C06  }
0x263: {  	[timem:s3], [sflag:s2] =	dma.local @!p0 [hbm:s0], s1  }
0x264: {  	s0 =	simm.s32 @!p0 $0x6  }
0x265: {  	_ =	swait.ge @!p0 [sflag:s0], s1  }
0x266: {  	s1 =	ssub.s32 @!p0 $0x0, s1;
	[sflag:s0] =	ssyncset.done @!p0 $0x0  }
0x267: {  	[sflag:s0] =	ssyncadd.s32 @!p0 s1  }
0x268: {  	[bflag:$0x3] =	sbarrier.arrive $0xFFFF  }
0x269: {  	_ =	shalt  }

</sc_bundles>
